<compile_context>
chip_gen: v7x
topology: tpu7x:2x2x1
jax: 0.10.2.dev20260603
libtpu: 0.0.44.dev20260713+nightly
codegen_flags: <defaults>
</compile_context>

<pallas_src>
import functools

import jax
import jax.numpy as jnp
from jax import lax
from jax.experimental import pallas as pl
from jax.experimental.pallas import tpu as pltpu
from jax.experimental.pallas import tpu_sc as plsc

_N_POINTS = 100000
_N_DIM = 64
_B = 262144
_NC = 2
_NS = 16
_L = 16
_NW = _NC * _NS
_CHUNK = _B // _NW
_G = 256
_NSUB = _CHUNK // _G
_NG = _G // _L

_LN2 = 0.6931471805599453
_EPS = 1e-12


def _ln(x):
    bits = lax.bitcast_convert_type(x, jnp.int32)
    e = ((bits >> 23) & 0xFF) - 127
    m = lax.bitcast_convert_type((bits & 0x007FFFFF) | 0x3F800000,
                                 jnp.float32)
    big = m > 1.4142135
    m = jnp.where(big, m * 0.5, m)
    ef = e.astype(jnp.float32) + jnp.where(big, 1.0, 0.0)
    s = (m - 1.0) / (m + 1.0)
    s2 = s * s
    t = 1.0 / 7.0 + s2 * (1.0 / 9.0)
    t = 1.0 / 5.0 + s2 * t
    t = 1.0 / 3.0 + s2 * t
    return ef * _LN2 + 2.0 * s * (1.0 + s2 * t)


@functools.cache
def _build_sc_partials():
    mesh = plsc.VectorSubcoreMesh(core_axis_name="c", subcore_axis_name="s")
    return pl.kernel(
        _sc_partials_body,
        mesh=mesh,
        compiler_params=pltpu.CompilerParams(use_tc_tiling_on_sc=False),
        out_type=jax.ShapeDtypeStruct((_NW, 4, _L), jnp.float32),
        scratch_types=[
            pltpu.VMEM((_CHUNK,), jnp.int32),
            pltpu.VMEM((_CHUNK,), jnp.int32),
            pltpu.VMEM((_CHUNK,), jnp.float32),
            pltpu.VMEM((_G, _N_DIM), jnp.float32),
            pltpu.VMEM((_G, _N_DIM), jnp.float32),
            pltpu.VMEM((_G, _N_DIM), jnp.float32),
            pltpu.VMEM((_G, _N_DIM), jnp.float32),
            pltpu.VMEM((_G,), jnp.float32),
            pltpu.VMEM((4, _L), jnp.float32),
            pltpu.SemaphoreType.DMA,
            pltpu.SemaphoreType.DMA,
            pltpu.SemaphoreType.DMA,
            pltpu.SemaphoreType.DMA,
        ],
    )


def _sc_partials_body(pij_hbm, i_hbm, j_hbm, z_hbm, out_hbm,
                      ii_v, jj_v, p_v, zi0_v, zi1_v, zj0_v, zj1_v, d_v,
                      acc_v, si0, si1, sj0, sj1):
    wid = lax.axis_index("s") * _NC + lax.axis_index("c")
    base = wid * _CHUNK
    lanes = lax.iota(jnp.int32, _L)
    zero = jnp.zeros((_L,), jnp.float32)
    zbufs = ((zi0_v, zj0_v, si0, sj0), (zi1_v, zj1_v, si1, sj1))

    pltpu.sync_copy(i_hbm.at[pl.ds(base, _CHUNK)], ii_v)
    pltpu.sync_copy(j_hbm.at[pl.ds(base, _CHUNK)], jj_v)
    pltpu.sync_copy(pij_hbm.at[pl.ds(base, _CHUNK)], p_v)

    def copies(t, buf):
        zi, zj, szi, szj = zbufs[buf]
        ci = pltpu.make_async_copy(
            z_hbm.at[ii_v.at[pl.ds(t * _G, _G)]], zi, szi)
        cj = pltpu.make_async_copy(
            z_hbm.at[jj_v.at[pl.ds(t * _G, _G)]], zj, szj)
        return ci, cj

    ci0, cj0 = copies(0, 0)
    ci0.start()
    cj0.start()

    def merge(a, b, k):
        perm = lanes ^ k
        mask = (lanes & k) == 0
        a2 = a.at[perm].get(mode="promise_in_bounds")
        b2 = b.at[perm].get(mode="promise_in_bounds")
        return jnp.where(mask, a, b2) + jnp.where(mask, a2, b)

    def process(t, buf, carry):
        zi, zj, _, _ = zbufs[buf]

        def dist_group(g, c0):
            def leaf(p16):
                p = g * _L + p16
                df = zi[p, pl.ds(0, _L)] - zj[p, pl.ds(0, _L)]
                acc = df * df
                for c in range(1, _N_DIM // _L):
                    df = zi[p, pl.ds(c * _L, _L)] - zj[p, pl.ds(c * _L, _L)]
                    acc = acc + df * df
                return acc

            def tree(lo, hi):
                if hi - lo == 1:
                    return leaf(lo)
                mid = (lo + hi) // 2
                return merge(tree(lo, mid), tree(mid, hi), mid - lo)

            d_v[pl.ds(g * _L, _L)] = tree(0, _L)
            return c0

        lax.fori_loop(0, _NG, dist_group, 0)

        def acc_group(g, carry2):
            qm1a, spqa, sppa, spa = carry2
            d = d_v[pl.ds(g * _L, _L)]
            q = 1.0 / (1.0 + d)
            p = p_v[pl.ds(t * _G + g * _L, _L)]
            return (qm1a + (-d) * q,
                    spqa + p * _ln(q),
                    sppa + p * _ln(p + _EPS),
                    spa + p)

        return lax.fori_loop(0, _NG, acc_group, carry)

    def outer(tt, carry):
        for b in (0, 1):
            t = 2 * tt + b
            ci, cj = copies(t, b)
            ci.wait()
            cj.wait()

            @pl.when(t + 1 < _NSUB)
            def _():
                cin, cjn = copies(t + 1, 1 - b)
                cin.start()
                cjn.start()

            carry = process(t, b, carry)
        return carry

    qm1a, spqa, sppa, spa = lax.fori_loop(
        0, _NSUB // 2, outer, (zero, zero, zero, zero))
    acc_v[0] = qm1a
    acc_v[1] = spqa
    acc_v[2] = sppa
    acc_v[3] = spa
    pltpu.sync_copy(acc_v, out_hbm.at[wid])


def kernel(pij, i, j, z):
    parts = _build_sc_partials()(pij, i.astype(jnp.int32),
                                 j.astype(jnp.int32), z)
    qm1 = jnp.sum(parts[:, 0, :])
    spq = jnp.sum(parts[:, 1, :])
    spp = jnp.sum(parts[:, 2, :])
    sp = jnp.sum(parts[:, 3, :])
    s_total = jnp.float32(_B) + qm1
    return spp - spq + jnp.log(s_total) * sp

# --- scband reference (transcript-rebuilt; emitter-appended) ---
"""Pipeline reference for scband-tsne-11192684773551 (READ-ONLY COPY).

The authoritative reference and input builder live on the scoring server;
editing this copy changes nothing except your own understanding.
"""

import jax, jax.numpy as jnp
import numpy as np

N_POINTS = 100000
N_DIM = 64
B = 262144


def setup_inputs(seed: int = 0) -> dict:
    key = jax.random.key(seed)
    k1, k2, k3, k4 = jax.random.split(key, 4)
    pij = jax.random.uniform(k1, (B,), dtype=jnp.float32)
    i = jax.random.randint(k2, (B,), 0, N_POINTS, dtype=jnp.int64 if jax.config.jax_enable_x64 else jnp.int32)
    j = jax.random.randint(k3, (B,), 0, N_POINTS, dtype=jnp.int64 if jax.config.jax_enable_x64 else jnp.int32)
    # embedding weight initialized normal(0, 0.0001) like the torch module
    z = jax.random.normal(k4, (N_POINTS, N_DIM), dtype=jnp.float32) * 0.0001
    return {"pij": pij, "i": i, "j": j, "z": z}


def reference(pij, i, j, z):
    z_i = jnp.take(z, i, axis=0)
    z_j = jnp.take(z, j, axis=0)
    distances = jnp.sum((z_i - z_j) ** 2, axis=1)
    eps = 1e-12
    q = 1.0 / (1.0 + distances)
    q = q / jnp.sum(q)
    loss = jnp.sum(pij * (jnp.log(pij + eps) - jnp.log(q + eps)))
    return loss

if __name__ == "__main__":
    import jax
    _d = setup_inputs()
    print(jax.jit(kernel)(*tuple(_d.values())))

</pallas_src>

<mosaic_0001>
#map = affine_map<(d0, d1) -> (0)>
#map1 = affine_map<(d0, d1) -> (0, 0)>
#map2 = affine_map<(d0, d1) -> (0, 0, 0)>
module attributes {stable_mosaic.version = 14 : i64} {
  func.func @_sc_partials_body(%arg0: i32, %arg1: i32, %arg2: memref<262144xf32, #tpu.memory_space<hbm>>, %arg3: memref<262144xi32, #tpu.memory_space<hbm>>, %arg4: memref<262144xi32, #tpu.memory_space<hbm>>, %arg5: memref<100000x64xf32, #tpu.memory_space<hbm>>, %arg6: memref<32x4x16xf32, #tpu.memory_space<hbm>>, %arg7: memref<8192xi32, #tpu.memory_space<vmem>>, %arg8: memref<8192xi32, #tpu.memory_space<vmem>>, %arg9: memref<8192xf32, #tpu.memory_space<vmem>>, %arg10: memref<256x64xf32, #tpu.memory_space<vmem>>, %arg11: memref<256x64xf32, #tpu.memory_space<vmem>>, %arg12: memref<256x64xf32, #tpu.memory_space<vmem>>, %arg13: memref<256x64xf32, #tpu.memory_space<vmem>>, %arg14: memref<256xf32, #tpu.memory_space<vmem>>, %arg15: memref<4x16xf32, #tpu.memory_space<vmem>>, %arg16: memref<!tpu.dma_semaphore, #tpu.memory_space<semaphore_mem>>, %arg17: memref<!tpu.dma_semaphore, #tpu.memory_space<semaphore_mem>>, %arg18: memref<!tpu.dma_semaphore, #tpu.memory_space<semaphore_mem>>, %arg19: memref<!tpu.dma_semaphore, #tpu.memory_space<semaphore_mem>>) attributes {dimension_semantics = [#tpu.dimension_semantics<core_parallel>, #tpu.dimension_semantics<subcore_parallel>], iteration_bounds = array<i64: 2, 16>, scalar_prefetch = 0 : i64, scratch_operands = 13 : i64, tpu.core_type = #tpu.core_type<sc_vector_subcore>, window_params = [{transform_indices = #map}, {transform_indices = #map}, {transform_indices = #map}, {transform_indices = #map1}, {transform_indices = #map2}]} {
    %mul3A = arith.constant 2 : i32
    %mul3A_0 = arith.muli %arg1, %mul3A : i32
    %add3A = arith.addi %mul3A_0, %arg0 : i32
    %mul3A_1 = arith.constant 8192 : i32
    %mul3A_2 = arith.muli %add3A, %mul3A_1 : i32
    %iota3A = tpu.iota {dimensions = array<i32: 0>} : vector<16xi32>
    %broadcast_in_dim3A = arith.constant 0.000000e+00 : f32
    %broadcast_in_dim3A_3 = vector.broadcast %broadcast_in_dim3A : f32 to vector<16xf32>
    "tpu.region"() ({
      %run_scoped3A = tpu.sem_alloc : memref<!tpu.dma_semaphore, #tpu.memory_space<semaphore_mem>>
      %dma_start3A_41 = tpu.memref_slice %arg3[%mul3A_2] : memref<262144xi32, #tpu.memory_space<hbm>> -> memref<8192xi32, #tpu.memory_space<hbm>>
      %dma_start3A_42 = tpu.memref_slice %arg3[%mul3A_2] : memref<262144xi32, #tpu.memory_space<hbm>> -> memref<8192xi32, #tpu.memory_space<hbm>>
      tpu.enqueue_dma source(%dma_start3A_42 : memref<8192xi32, #tpu.memory_space<hbm>>) target(%arg7 : memref<8192xi32, #tpu.memory_space<vmem>>) target_semaphore(%run_scoped3A : memref<!tpu.dma_semaphore, #tpu.memory_space<semaphore_mem>>)
      %dma_wait3A = tpu.memref_slice %arg3[%mul3A_2] : memref<262144xi32, #tpu.memory_space<hbm>> -> memref<8192xi32, #tpu.memory_space<hbm>>
      %dma_wait3A_43 = tpu.memref_slice %arg3[%mul3A_2] : memref<262144xi32, #tpu.memory_space<hbm>> -> memref<8192xi32, #tpu.memory_space<hbm>>
      tpu.wait_dma2 semaphore(%run_scoped3A : memref<!tpu.dma_semaphore, #tpu.memory_space<semaphore_mem>>) src(%dma_wait3A_43 : memref<8192xi32, #tpu.memory_space<hbm>>) dst(%arg7 : memref<8192xi32, #tpu.memory_space<vmem>>)
      tpu.yield
    }) : () -> ()
    "tpu.region"() ({
      %run_scoped3A = tpu.sem_alloc : memref<!tpu.dma_semaphore, #tpu.memory_space<semaphore_mem>>
      %dma_start3A_41 = tpu.memref_slice %arg4[%mul3A_2] : memref<262144xi32, #tpu.memory_space<hbm>> -> memref<8192xi32, #tpu.memory_space<hbm>>
      %dma_start3A_42 = tpu.memref_slice %arg4[%mul3A_2] : memref<262144xi32, #tpu.memory_space<hbm>> -> memref<8192xi32, #tpu.memory_space<hbm>>
      tpu.enqueue_dma source(%dma_start3A_42 : memref<8192xi32, #tpu.memory_space<hbm>>) target(%arg8 : memref<8192xi32, #tpu.memory_space<vmem>>) target_semaphore(%run_scoped3A : memref<!tpu.dma_semaphore, #tpu.memory_space<semaphore_mem>>)
      %dma_wait3A = tpu.memref_slice %arg4[%mul3A_2] : memref<262144xi32, #tpu.memory_space<hbm>> -> memref<8192xi32, #tpu.memory_space<hbm>>
      %dma_wait3A_43 = tpu.memref_slice %arg4[%mul3A_2] : memref<262144xi32, #tpu.memory_space<hbm>> -> memref<8192xi32, #tpu.memory_space<hbm>>
      tpu.wait_dma2 semaphore(%run_scoped3A : memref<!tpu.dma_semaphore, #tpu.memory_space<semaphore_mem>>) src(%dma_wait3A_43 : memref<8192xi32, #tpu.memory_space<hbm>>) dst(%arg8 : memref<8192xi32, #tpu.memory_space<vmem>>)
      tpu.yield
    }) : () -> ()
    "tpu.region"() ({
      %run_scoped3A = tpu.sem_alloc : memref<!tpu.dma_semaphore, #tpu.memory_space<semaphore_mem>>
      %dma_start3A_41 = tpu.memref_slice %arg2[%mul3A_2] : memref<262144xf32, #tpu.memory_space<hbm>> -> memref<8192xf32, #tpu.memory_space<hbm>>
      %dma_start3A_42 = tpu.memref_slice %arg2[%mul3A_2] : memref<262144xf32, #tpu.memory_space<hbm>> -> memref<8192xf32, #tpu.memory_space<hbm>>
      tpu.enqueue_dma source(%dma_start3A_42 : memref<8192xf32, #tpu.memory_space<hbm>>) target(%arg9 : memref<8192xf32, #tpu.memory_space<vmem>>) target_semaphore(%run_scoped3A : memref<!tpu.dma_semaphore, #tpu.memory_space<semaphore_mem>>)
      %dma_wait3A = tpu.memref_slice %arg2[%mul3A_2] : memref<262144xf32, #tpu.memory_space<hbm>> -> memref<8192xf32, #tpu.memory_space<hbm>>
      %dma_wait3A_43 = tpu.memref_slice %arg2[%mul3A_2] : memref<262144xf32, #tpu.memory_space<hbm>> -> memref<8192xf32, #tpu.memory_space<hbm>>
      tpu.wait_dma2 semaphore(%run_scoped3A : memref<!tpu.dma_semaphore, #tpu.memory_space<semaphore_mem>>) src(%dma_wait3A_43 : memref<8192xf32, #tpu.memory_space<hbm>>) dst(%arg9 : memref<8192xf32, #tpu.memory_space<vmem>>)
      tpu.yield
    }) : () -> ()
    %dma_start3A = arith.constant 0 : i32
    %dma_start3A_4 = tpu.memref_slice %arg7[%dma_start3A] : memref<8192xi32, #tpu.memory_space<vmem>> -> memref<256xi32, #tpu.memory_space<vmem>>
    %dma_start3A_5 = arith.constant 0 : i32
    %dma_start3A_6 = arith.constant 0 : i32
    %dma_start3A_7 = tpu.memref_slice %arg5[%dma_start3A_5, %dma_start3A_6] : memref<100000x64xf32, #tpu.memory_space<hbm>> -> memref<100000x64xf32, #tpu.memory_space<hbm>>
    tpu.enqueue_indirect_dma source(%dma_start3A_7 : memref<100000x64xf32, #tpu.memory_space<hbm>>) target(%arg10 : memref<256x64xf32, #tpu.memory_space<vmem>>) offsets(%dma_start3A_4 : memref<256xi32, #tpu.memory_space<vmem>>) semaphore(%arg16 : memref<!tpu.dma_semaphore, #tpu.memory_space<semaphore_mem>>)
    %dma_start3A_8 = arith.constant 0 : i32
    %dma_start3A_9 = tpu.memref_slice %arg8[%dma_start3A_8] : memref<8192xi32, #tpu.memory_space<vmem>> -> memref<256xi32, #tpu.memory_space<vmem>>
    %dma_start3A_10 = arith.constant 0 : i32
    %dma_start3A_11 = arith.constant 0 : i32
    %dma_start3A_12 = tpu.memref_slice %arg5[%dma_start3A_10, %dma_start3A_11] : memref<100000x64xf32, #tpu.memory_space<hbm>> -> memref<100000x64xf32, #tpu.memory_space<hbm>>
    tpu.enqueue_indirect_dma source(%dma_start3A_12 : memref<100000x64xf32, #tpu.memory_space<hbm>>) target(%arg12 : memref<256x64xf32, #tpu.memory_space<vmem>>) offsets(%dma_start3A_9 : memref<256xi32, #tpu.memory_space<vmem>>) semaphore(%arg18 : memref<!tpu.dma_semaphore, #tpu.memory_space<semaphore_mem>>)
    %scan3A = arith.constant 0 : i32
    %scan3A_13 = arith.constant 16 : i32
    %scan3A_14 = arith.addi %scan3A, %scan3A_13 : i32
    %scan3A_15 = arith.constant 1 : i32
    %scan3A_16:4 = scf.for %scan3A_41 = %scan3A to %scan3A_14 step %scan3A_15 iter_args(%scan3A_42 = %broadcast_in_dim3A_3, %scan3A_43 = %broadcast_in_dim3A_3, %scan3A_44 = %broadcast_in_dim3A_3, %scan3A_45 = %broadcast_in_dim3A_3) -> (vector<16xf32>, vector<16xf32>, vector<16xf32>, vector<16xf32>)  : i32 {
      %mul3A_46 = arith.constant 2 : i32
      %mul3A_47 = arith.muli %mul3A_46, %scan3A_41 : i32
      %add3A_48 = arith.constant 0 : i32
      %add3A_49 = arith.addi %mul3A_47, %add3A_48 : i32
      %mul3A_50 = arith.constant 256 : i32
      %mul3A_51 = arith.muli %add3A_49, %mul3A_50 : i32
      %mul3A_52 = arith.constant 256 : i32
      %mul3A_53 = arith.muli %add3A_49, %mul3A_52 : i32
      %dma_wait3A = tpu.memref_slice %arg7[%mul3A_51] : memref<8192xi32, #tpu.memory_space<vmem>> -> memref<256xi32, #tpu.memory_space<vmem>>
      %dma_wait3A_54 = arith.constant 0 : i32
      %dma_wait3A_55 = arith.constant 0 : i32
      %dma_wait3A_56 = tpu.memref_slice %arg5[%dma_wait3A_54, %dma_wait3A_55] : memref<100000x64xf32, #tpu.memory_space<hbm>> -> memref<100000x64xf32, #tpu.memory_space<hbm>>
      tpu.wait_indirect_dma semaphore(%arg16 : memref<!tpu.dma_semaphore, #tpu.memory_space<semaphore_mem>>) src(%dma_wait3A_56 : memref<100000x64xf32, #tpu.memory_space<hbm>>) dst(%arg10 : memref<256x64xf32, #tpu.memory_space<vmem>>)
      %dma_wait3A_57 = tpu.memref_slice %arg8[%mul3A_53] : memref<8192xi32, #tpu.memory_space<vmem>> -> memref<256xi32, #tpu.memory_space<vmem>>
      %dma_wait3A_58 = arith.constant 0 : i32
      %dma_wait3A_59 = arith.constant 0 : i32
      %dma_wait3A_60 = tpu.memref_slice %arg5[%dma_wait3A_58, %dma_wait3A_59] : memref<100000x64xf32, #tpu.memory_space<hbm>> -> memref<100000x64xf32, #tpu.memory_space<hbm>>
      tpu.wait_indirect_dma semaphore(%arg18 : memref<!tpu.dma_semaphore, #tpu.memory_space<semaphore_mem>>) src(%dma_wait3A_60 : memref<100000x64xf32, #tpu.memory_space<hbm>>) dst(%arg12 : memref<256x64xf32, #tpu.memory_space<vmem>>)
      %add3A_61 = arith.constant 1 : i32
      %add3A_62 = arith.addi %add3A_49, %add3A_61 : i32
      %lt3A = arith.constant 32 : i32
      %lt3A_63 = arith.cmpi slt, %add3A_62, %lt3A : i32
      %convert_element_type3A = arith.extui %lt3A_63 : i1 to i32
      %cond3A = arith.constant 0 : i32
      %cond3A_64 = arith.cmpi ne, %convert_element_type3A, %cond3A : i32
      scf.if %cond3A_64 {
        %add3A_112 = arith.constant 1 : i32
        %add3A_113 = arith.addi %add3A_49, %add3A_112 : i32
        %mul3A_114 = arith.constant 256 : i32
        %mul3A_115 = arith.muli %add3A_113, %mul3A_114 : i32
        %mul3A_116 = arith.constant 256 : i32
        %mul3A_117 = arith.muli %add3A_113, %mul3A_116 : i32
        %dma_start3A_118 = tpu.memref_slice %arg7[%mul3A_115] : memref<8192xi32, #tpu.memory_space<vmem>> -> memref<256xi32, #tpu.memory_space<vmem>>
        %dma_start3A_119 = arith.constant 0 : i32
        %dma_start3A_120 = arith.constant 0 : i32
        %dma_start3A_121 = tpu.memref_slice %arg5[%dma_start3A_119, %dma_start3A_120] : memref<100000x64xf32, #tpu.memory_space<hbm>> -> memref<100000x64xf32, #tpu.memory_space<hbm>>
        tpu.enqueue_indirect_dma source(%dma_start3A_121 : memref<100000x64xf32, #tpu.memory_space<hbm>>) target(%arg11 : memref<256x64xf32, #tpu.memory_space<vmem>>) offsets(%dma_start3A_118 : memref<256xi32, #tpu.memory_space<vmem>>) semaphore(%arg17 : memref<!tpu.dma_semaphore, #tpu.memory_space<semaphore_mem>>)
        %dma_start3A_122 = tpu.memref_slice %arg8[%mul3A_117] : memref<8192xi32, #tpu.memory_space<vmem>> -> memref<256xi32, #tpu.memory_space<vmem>>
        %dma_start3A_123 = arith.constant 0 : i32
        %dma_start3A_124 = arith.constant 0 : i32
        %dma_start3A_125 = tpu.memref_slice %arg5[%dma_start3A_123, %dma_start3A_124] : memref<100000x64xf32, #tpu.memory_space<hbm>> -> memref<100000x64xf32, #tpu.memory_space<hbm>>
        tpu.enqueue_indirect_dma source(%dma_start3A_125 : memref<100000x64xf32, #tpu.memory_space<hbm>>) target(%arg13 : memref<256x64xf32, #tpu.memory_space<vmem>>) offsets(%dma_start3A_122 : memref<256xi32, #tpu.memory_space<vmem>>) semaphore(%arg19 : memref<!tpu.dma_semaphore, #tpu.memory_space<semaphore_mem>>)
      } else {
      }
      %scan3A_65 = arith.constant 0 : i32
      %scan3A_66 = arith.constant 0 : i32
      %scan3A_67 = arith.constant 16 : i32
      %scan3A_68 = arith.addi %scan3A_66, %scan3A_67 : i32
      %scan3A_69 = arith.constant 1 : i32
      scf.for %scan3A_112 = %scan3A_66 to %scan3A_68 step %scan3A_69  : i32 {
        %mul3A_113 = arith.constant 16 : i32
        %mul3A_114 = arith.muli %scan3A_112, %mul3A_113 : i32
        %add3A_115 = arith.constant 0 : i32
        %add3A_116 = arith.addi %mul3A_114, %add3A_115 : i32
        %get3A = arith.index_cast %add3A_116 : i32 to index
        %get3A_117 = arith.constant 0 : index
        %get3A_118 = tpu.vector_load %arg10[%get3A, %get3A_117] {strides = array<i32>} : memref<256x64xf32, #tpu.memory_space<vmem>>, vector<1x16xf32>,
        %get3A_119 = vector.shape_cast %get3A_118 : vector<1x16xf32> to vector<16xf32>
        %get3A_120 = arith.index_cast %add3A_116 : i32 to index
        %get3A_121 = arith.constant 0 : index
        %get3A_122 = tpu.vector_load %arg12[%get3A_120, %get3A_121] {strides = array<i32>} : memref<256x64xf32, #tpu.memory_space<vmem>>, vector<1x16xf32>,
        %get3A_123 = vector.shape_cast %get3A_122 : vector<1x16xf32> to vector<16xf32>
        %sub3A = arith.subf %get3A_119, %get3A_123 : vector<16xf32>
        %mul3A_124 = arith.mulf %sub3A, %sub3A : vector<16xf32>
        %get3A_125 = arith.index_cast %add3A_116 : i32 to index
        %get3A_126 = arith.constant 16 : index
        %get3A_127 = tpu.vector_load %arg10[%get3A_125, %get3A_126] {strides = array<i32>} : memref<256x64xf32, #tpu.memory_space<vmem>>, vector<1x16xf32>,
        %get3A_128 = vector.shape_cast %get3A_127 : vector<1x16xf32> to vector<16xf32>
        %get3A_129 = arith.index_cast %add3A_116 : i32 to index
        %get3A_130 = arith.constant 16 : index
        %get3A_131 = tpu.vector_load %arg12[%get3A_129, %get3A_130] {strides = array<i32>} : memref<256x64xf32, #tpu.memory_space<vmem>>, vector<1x16xf32>,
        %get3A_132 = vector.shape_cast %get3A_131 : vector<1x16xf32> to vector<16xf32>
        %sub3A_133 = arith.subf %get3A_128, %get3A_132 : vector<16xf32>
        %mul3A_134 = arith.mulf %sub3A_133, %sub3A_133 : vector<16xf32>
        %add3A_135 = arith.addf %mul3A_124, %mul3A_134 : vector<16xf32>
        %get3A_136 = arith.index_cast %add3A_116 : i32 to index
        %get3A_137 = arith.constant 32 : index
        %get3A_138 = tpu.vector_load %arg10[%get3A_136, %get3A_137] {strides = array<i32>} : memref<256x64xf32, #tpu.memory_space<vmem>>, vector<1x16xf32>,
        %get3A_139 = vector.shape_cast %get3A_138 : vector<1x16xf32> to vector<16xf32>
        %get3A_140 = arith.index_cast %add3A_116 : i32 to index
        %get3A_141 = arith.constant 32 : index
        %get3A_142 = tpu.vector_load %arg12[%get3A_140, %get3A_141] {strides = array<i32>} : memref<256x64xf32, #tpu.memory_space<vmem>>, vector<1x16xf32>,
        %get3A_143 = vector.shape_cast %get3A_142 : vector<1x16xf32> to vector<16xf32>
        %sub3A_144 = arith.subf %get3A_139, %get3A_143 : vector<16xf32>
        %mul3A_145 = arith.mulf %sub3A_144, %sub3A_144 : vector<16xf32>
        %add3A_146 = arith.addf %add3A_135, %mul3A_145 : vector<16xf32>
        %get3A_147 = arith.index_cast %add3A_116 : i32 to index
        %get3A_148 = arith.constant 48 : index
        %get3A_149 = tpu.vector_load %arg10[%get3A_147, %get3A_148] {strides = array<i32>} : memref<256x64xf32, #tpu.memory_space<vmem>>, vector<1x16xf32>,
        %get3A_150 = vector.shape_cast %get3A_149 : vector<1x16xf32> to vector<16xf32>
        %get3A_151 = arith.index_cast %add3A_116 : i32 to index
        %get3A_152 = arith.constant 48 : index
        %get3A_153 = tpu.vector_load %arg12[%get3A_151, %get3A_152] {strides = array<i32>} : memref<256x64xf32, #tpu.memory_space<vmem>>, vector<1x16xf32>,
        %get3A_154 = vector.shape_cast %get3A_153 : vector<1x16xf32> to vector<16xf32>
        %sub3A_155 = arith.subf %get3A_150, %get3A_154 : vector<16xf32>
        %mul3A_156 = arith.mulf %sub3A_155, %sub3A_155 : vector<16xf32>
        %add3A_157 = arith.addf %add3A_146, %mul3A_156 : vector<16xf32>
        %mul3A_158 = arith.constant 16 : i32
        %mul3A_159 = arith.muli %scan3A_112, %mul3A_158 : i32
        %add3A_160 = arith.constant 1 : i32
        %add3A_161 = arith.addi %mul3A_159, %add3A_160 : i32
        %get3A_162 = arith.index_cast %add3A_161 : i32 to index
        %get3A_163 = arith.constant 0 : index
        %get3A_164 = tpu.vector_load %arg10[%get3A_162, %get3A_163] {strides = array<i32>} : memref<256x64xf32, #tpu.memory_space<vmem>>, vector<1x16xf32>,
        %get3A_165 = vector.shape_cast %get3A_164 : vector<1x16xf32> to vector<16xf32>
        %get3A_166 = arith.index_cast %add3A_161 : i32 to index
        %get3A_167 = arith.constant 0 : index
        %get3A_168 = tpu.vector_load %arg12[%get3A_166, %get3A_167] {strides = array<i32>} : memref<256x64xf32, #tpu.memory_space<vmem>>, vector<1x16xf32>,
        %get3A_169 = vector.shape_cast %get3A_168 : vector<1x16xf32> to vector<16xf32>
        %sub3A_170 = arith.subf %get3A_165, %get3A_169 : vector<16xf32>
        %mul3A_171 = arith.mulf %sub3A_170, %sub3A_170 : vector<16xf32>
        %get3A_172 = arith.index_cast %add3A_161 : i32 to index
        %get3A_173 = arith.constant 16 : index
        %get3A_174 = tpu.vector_load %arg10[%get3A_172, %get3A_173] {strides = array<i32>} : memref<256x64xf32, #tpu.memory_space<vmem>>, vector<1x16xf32>,
        %get3A_175 = vector.shape_cast %get3A_174 : vector<1x16xf32> to vector<16xf32>
        %get3A_176 = arith.index_cast %add3A_161 : i32 to index
        %get3A_177 = arith.constant 16 : index
        %get3A_178 = tpu.vector_load %arg12[%get3A_176, %get3A_177] {strides = array<i32>} : memref<256x64xf32, #tpu.memory_space<vmem>>, vector<1x16xf32>,
        %get3A_179 = vector.shape_cast %get3A_178 : vector<1x16xf32> to vector<16xf32>
        %sub3A_180 = arith.subf %get3A_175, %get3A_179 : vector<16xf32>
        %mul3A_181 = arith.mulf %sub3A_180, %sub3A_180 : vector<16xf32>
        %add3A_182 = arith.addf %mul3A_171, %mul3A_181 : vector<16xf32>
        %get3A_183 = arith.index_cast %add3A_161 : i32 to index
        %get3A_184 = arith.constant 32 : index
        %get3A_185 = tpu.vector_load %arg10[%get3A_183, %get3A_184] {strides = array<i32>} : memref<256x64xf32, #tpu.memory_space<vmem>>, vector<1x16xf32>,
        %get3A_186 = vector.shape_cast %get3A_185 : vector<1x16xf32> to vector<16xf32>
        %get3A_187 = arith.index_cast %add3A_161 : i32 to index
        %get3A_188 = arith.constant 32 : index
        %get3A_189 = tpu.vector_load %arg12[%get3A_187, %get3A_188] {strides = array<i32>} : memref<256x64xf32, #tpu.memory_space<vmem>>, vector<1x16xf32>,
        %get3A_190 = vector.shape_cast %get3A_189 : vector<1x16xf32> to vector<16xf32>
        %sub3A_191 = arith.subf %get3A_186, %get3A_190 : vector<16xf32>
        %mul3A_192 = arith.mulf %sub3A_191, %sub3A_191 : vector<16xf32>
        %add3A_193 = arith.addf %add3A_182, %mul3A_192 : vector<16xf32>
        %get3A_194 = arith.index_cast %add3A_161 : i32 to index
        %get3A_195 = arith.constant 48 : index
        %get3A_196 = tpu.vector_load %arg10[%get3A_194, %get3A_195] {strides = array<i32>} : memref<256x64xf32, #tpu.memory_space<vmem>>, vector<1x16xf32>,
        %get3A_197 = vector.shape_cast %get3A_196 : vector<1x16xf32> to vector<16xf32>
        %get3A_198 = arith.index_cast %add3A_161 : i32 to index
        %get3A_199 = arith.constant 48 : index
        %get3A_200 = tpu.vector_load %arg12[%get3A_198, %get3A_199] {strides = array<i32>} : memref<256x64xf32, #tpu.memory_space<vmem>>, vector<1x16xf32>,
        %get3A_201 = vector.shape_cast %get3A_200 : vector<1x16xf32> to vector<16xf32>
        %sub3A_202 = arith.subf %get3A_197, %get3A_201 : vector<16xf32>
        %mul3A_203 = arith.mulf %sub3A_202, %sub3A_202 : vector<16xf32>
        %add3A_204 = arith.addf %add3A_193, %mul3A_203 : vector<16xf32>
        %xor3A = arith.constant 1 : i32
        %xor3A_205 = vector.broadcast %xor3A : i32 to vector<16xi32>
        %xor3A_206 = arith.xori %iota3A, %xor3A_205 : vector<16xi32>
        %and3A = arith.constant 1 : i32
        %and3A_207 = vector.broadcast %and3A : i32 to vector<16xi32>
        %and3A_208 = arith.andi %iota3A, %and3A_207 : vector<16xi32>
        %eq3A = arith.constant 0 : i32
        %eq3A_209 = vector.broadcast %eq3A : i32 to vector<16xi32>
        %eq3A_210 = arith.cmpi eq, %and3A_208, %eq3A_209 : vector<16xi32>
        %lt3A_211 = arith.constant 0 : i32
        %lt3A_212 = vector.broadcast %lt3A_211 : i32 to vector<16xi32>
        %lt3A_213 = arith.cmpi slt, %xor3A_206, %lt3A_212 : vector<16xi32>
        %add3A_214 = arith.constant 16 : i32
        %add3A_215 = vector.broadcast %add3A_214 : i32 to vector<16xi32>
        %add3A_216 = arith.addi %xor3A_206, %add3A_215 : vector<16xi32>
        %select_n3A = arith.select %lt3A_213, %add3A_216, %xor3A_206 : vector<16xi1>, vector<16xi32>
        %broadcast_in_dim3A_217 = vector.shape_cast %select_n3A : vector<16xi32> to vector<16x1xi32>
        %gather3A = vector.shape_cast %broadcast_in_dim3A_217 : vector<16x1xi32> to vector<16xi32>
        %gather3A_218 = tpu.dynamic_gather %add3A_157[%gather3A] in [0] : vector<16xf32>, vector<16xi32> -> vector<16xf32>
        %lt3A_219 = arith.constant 0 : i32
        %lt3A_220 = vector.broadcast %lt3A_219 : i32 to vector<16xi32>
        %lt3A_221 = arith.cmpi slt, %xor3A_206, %lt3A_220 : vector<16xi32>
        %add3A_222 = arith.constant 16 : i32
        %add3A_223 = vector.broadcast %add3A_222 : i32 to vector<16xi32>
        %add3A_224 = arith.addi %xor3A_206, %add3A_223 : vector<16xi32>
        %select_n3A_225 = arith.select %lt3A_221, %add3A_224, %xor3A_206 : vector<16xi1>, vector<16xi32>
        %broadcast_in_dim3A_226 = vector.shape_cast %select_n3A_225 : vector<16xi32> to vector<16x1xi32>
        %gather3A_227 = vector.shape_cast %broadcast_in_dim3A_226 : vector<16x1xi32> to vector<16xi32>
        %gather3A_228 = tpu.dynamic_gather %add3A_204[%gather3A_227] in [0] : vector<16xf32>, vector<16xi32> -> vector<16xf32>
        %select_n3A_229 = arith.select %eq3A_210, %add3A_157, %gather3A_228 : vector<16xi1>, vector<16xf32>
        %select_n3A_230 = arith.select %eq3A_210, %gather3A_218, %add3A_204 : vector<16xi1>, vector<16xf32>
        %add3A_231 = arith.addf %select_n3A_229, %select_n3A_230 : vector<16xf32>
        %mul3A_232 = arith.constant 16 : i32
        %mul3A_233 = arith.muli %scan3A_112, %mul3A_232 : i32
        %add3A_234 = arith.constant 2 : i32
        %add3A_235 = arith.addi %mul3A_233, %add3A_234 : i32
        %get3A_236 = arith.index_cast %add3A_235 : i32 to index
        %get3A_237 = arith.constant 0 : index
        %get3A_238 = tpu.vector_load %arg10[%get3A_236, %get3A_237] {strides = array<i32>} : memref<256x64xf32, #tpu.memory_space<vmem>>, vector<1x16xf32>,
        %get3A_239 = vector.shape_cast %get3A_238 : vector<1x16xf32> to vector<16xf32>
        %get3A_240 = arith.index_cast %add3A_235 : i32 to index
        %get3A_241 = arith.constant 0 : index
        %get3A_242 = tpu.vector_load %arg12[%get3A_240, %get3A_241] {strides = array<i32>} : memref<256x64xf32, #tpu.memory_space<vmem>>, vector<1x16xf32>,
        %get3A_243 = vector.shape_cast %get3A_242 : vector<1x16xf32> to vector<16xf32>
        %sub3A_244 = arith.subf %get3A_239, %get3A_243 : vector<16xf32>
        %mul3A_245 = arith.mulf %sub3A_244, %sub3A_244 : vector<16xf32>
        %get3A_246 = arith.index_cast %add3A_235 : i32 to index
        %get3A_247 = arith.constant 16 : index
        %get3A_248 = tpu.vector_load %arg10[%get3A_246, %get3A_247] {strides = array<i32>} : memref<256x64xf32, #tpu.memory_space<vmem>>, vector<1x16xf32>,
        %get3A_249 = vector.shape_cast %get3A_248 : vector<1x16xf32> to vector<16xf32>
        %get3A_250 = arith.index_cast %add3A_235 : i32 to index
        %get3A_251 = arith.constant 16 : index
        %get3A_252 = tpu.vector_load %arg12[%get3A_250, %get3A_251] {strides = array<i32>} : memref<256x64xf32, #tpu.memory_space<vmem>>, vector<1x16xf32>,
        %get3A_253 = vector.shape_cast %get3A_252 : vector<1x16xf32> to vector<16xf32>
        %sub3A_254 = arith.subf %get3A_249, %get3A_253 : vector<16xf32>
        %mul3A_255 = arith.mulf %sub3A_254, %sub3A_254 : vector<16xf32>
        %add3A_256 = arith.addf %mul3A_245, %mul3A_255 : vector<16xf32>
        %get3A_257 = arith.index_cast %add3A_235 : i32 to index
        %get3A_258 = arith.constant 32 : index
        %get3A_259 = tpu.vector_load %arg10[%get3A_257, %get3A_258] {strides = array<i32>} : memref<256x64xf32, #tpu.memory_space<vmem>>, vector<1x16xf32>,
        %get3A_260 = vector.shape_cast %get3A_259 : vector<1x16xf32> to vector<16xf32>
        %get3A_261 = arith.index_cast %add3A_235 : i32 to index
        %get3A_262 = arith.constant 32 : index
        %get3A_263 = tpu.vector_load %arg12[%get3A_261, %get3A_262] {strides = array<i32>} : memref<256x64xf32, #tpu.memory_space<vmem>>, vector<1x16xf32>,
        %get3A_264 = vector.shape_cast %get3A_263 : vector<1x16xf32> to vector<16xf32>
        %sub3A_265 = arith.subf %get3A_260, %get3A_264 : vector<16xf32>
        %mul3A_266 = arith.mulf %sub3A_265, %sub3A_265 : vector<16xf32>
        %add3A_267 = arith.addf %add3A_256, %mul3A_266 : vector<16xf32>
        %get3A_268 = arith.index_cast %add3A_235 : i32 to index
        %get3A_269 = arith.constant 48 : index
        %get3A_270 = tpu.vector_load %arg10[%get3A_268, %get3A_269] {strides = array<i32>} : memref<256x64xf32, #tpu.memory_space<vmem>>, vector<1x16xf32>,
        %get3A_271 = vector.shape_cast %get3A_270 : vector<1x16xf32> to vector<16xf32>
        %get3A_272 = arith.index_cast %add3A_235 : i32 to index
        %get3A_273 = arith.constant 48 : index
        %get3A_274 = tpu.vector_load %arg12[%get3A_272, %get3A_273] {strides = array<i32>} : memref<256x64xf32, #tpu.memory_space<vmem>>, vector<1x16xf32>,
        %get3A_275 = vector.shape_cast %get3A_274 : vector<1x16xf32> to vector<16xf32>
        %sub3A_276 = arith.subf %get3A_271, %get3A_275 : vector<16xf32>
        %mul3A_277 = arith.mulf %sub3A_276, %sub3A_276 : vector<16xf32>
        %add3A_278 = arith.addf %add3A_267, %mul3A_277 : vector<16xf32>
        %mul3A_279 = arith.constant 16 : i32
        %mul3A_280 = arith.muli %scan3A_112, %mul3A_279 : i32
        %add3A_281 = arith.constant 3 : i32
        %add3A_282 = arith.addi %mul3A_280, %add3A_281 : i32
        %get3A_283 = arith.index_cast %add3A_282 : i32 to index
        %get3A_284 = arith.constant 0 : index
        %get3A_285 = tpu.vector_load %arg10[%get3A_283, %get3A_284] {strides = array<i32>} : memref<256x64xf32, #tpu.memory_space<vmem>>, vector<1x16xf32>,
        %get3A_286 = vector.shape_cast %get3A_285 : vector<1x16xf32> to vector<16xf32>
        %get3A_287 = arith.index_cast %add3A_282 : i32 to index
        %get3A_288 = arith.constant 0 : index
        %get3A_289 = tpu.vector_load %arg12[%get3A_287, %get3A_288] {strides = array<i32>} : memref<256x64xf32, #tpu.memory_space<vmem>>, vector<1x16xf32>,
        %get3A_290 = vector.shape_cast %get3A_289 : vector<1x16xf32> to vector<16xf32>
        %sub3A_291 = arith.subf %get3A_286, %get3A_290 : vector<16xf32>
        %mul3A_292 = arith.mulf %sub3A_291, %sub3A_291 : vector<16xf32>
        %get3A_293 = arith.index_cast %add3A_282 : i32 to index
        %get3A_294 = arith.constant 16 : index
        %get3A_295 = tpu.vector_load %arg10[%get3A_293, %get3A_294] {strides = array<i32>} : memref<256x64xf32, #tpu.memory_space<vmem>>, vector<1x16xf32>,
        %get3A_296 = vector.shape_cast %get3A_295 : vector<1x16xf32> to vector<16xf32>
        %get3A_297 = arith.index_cast %add3A_282 : i32 to index
        %get3A_298 = arith.constant 16 : index
        %get3A_299 = tpu.vector_load %arg12[%get3A_297, %get3A_298] {strides = array<i32>} : memref<256x64xf32, #tpu.memory_space<vmem>>, vector<1x16xf32>,
        %get3A_300 = vector.shape_cast %get3A_299 : vector<1x16xf32> to vector<16xf32>
        %sub3A_301 = arith.subf %get3A_296, %get3A_300 : vector<16xf32>
        %mul3A_302 = arith.mulf %sub3A_301, %sub3A_301 : vector<16xf32>
        %add3A_303 = arith.addf %mul3A_292, %mul3A_302 : vector<16xf32>
        %get3A_304 = arith.index_cast %add3A_282 : i32 to index
        %get3A_305 = arith.constant 32 : index
        %get3A_306 = tpu.vector_load %arg10[%get3A_304, %get3A_305] {strides = array<i32>} : memref<256x64xf32, #tpu.memory_space<vmem>>, vector<1x16xf32>,
        %get3A_307 = vector.shape_cast %get3A_306 : vector<1x16xf32> to vector<16xf32>
        %get3A_308 = arith.index_cast %add3A_282 : i32 to index
        %get3A_309 = arith.constant 32 : index
        %get3A_310 = tpu.vector_load %arg12[%get3A_308, %get3A_309] {strides = array<i32>} : memref<256x64xf32, #tpu.memory_space<vmem>>, vector<1x16xf32>,
        %get3A_311 = vector.shape_cast %get3A_310 : vector<1x16xf32> to vector<16xf32>
        %sub3A_312 = arith.subf %get3A_307, %get3A_311 : vector<16xf32>
        %mul3A_313 = arith.mulf %sub3A_312, %sub3A_312 : vector<16xf32>
        %add3A_314 = arith.addf %add3A_303, %mul3A_313 : vector<16xf32>
        %get3A_315 = arith.index_cast %add3A_282 : i32 to index
        %get3A_316 = arith.constant 48 : index
        %get3A_317 = tpu.vector_load %arg10[%get3A_315, %get3A_316] {strides = array<i32>} : memref<256x64xf32, #tpu.memory_space<vmem>>, vector<1x16xf32>,
        %get3A_318 = vector.shape_cast %get3A_317 : vector<1x16xf32> to vector<16xf32>
        %get3A_319 = arith.index_cast %add3A_282 : i32 to index
        %get3A_320 = arith.constant 48 : index
        %get3A_321 = tpu.vector_load %arg12[%get3A_319, %get3A_320] {strides = array<i32>} : memref<256x64xf32, #tpu.memory_space<vmem>>, vector<1x16xf32>,
        %get3A_322 = vector.shape_cast %get3A_321 : vector<1x16xf32> to vector<16xf32>
        %sub3A_323 = arith.subf %get3A_318, %get3A_322 : vector<16xf32>
        %mul3A_324 = arith.mulf %sub3A_323, %sub3A_323 : vector<16xf32>
        %add3A_325 = arith.addf %add3A_314, %mul3A_324 : vector<16xf32>
        %xor3A_326 = arith.constant 1 : i32
        %xor3A_327 = vector.broadcast %xor3A_326 : i32 to vector<16xi32>
        %xor3A_328 = arith.xori %iota3A, %xor3A_327 : vector<16xi32>
        %and3A_329 = arith.constant 1 : i32
        %and3A_330 = vector.broadcast %and3A_329 : i32 to vector<16xi32>
        %and3A_331 = arith.andi %iota3A, %and3A_330 : vector<16xi32>
        %eq3A_332 = arith.constant 0 : i32
        %eq3A_333 = vector.broadcast %eq3A_332 : i32 to vector<16xi32>
        %eq3A_334 = arith.cmpi eq, %and3A_331, %eq3A_333 : vector<16xi32>
        %lt3A_335 = arith.constant 0 : i32
        %lt3A_336 = vector.broadcast %lt3A_335 : i32 to vector<16xi32>
        %lt3A_337 = arith.cmpi slt, %xor3A_328, %lt3A_336 : vector<16xi32>
        %add3A_338 = arith.constant 16 : i32
        %add3A_339 = vector.broadcast %add3A_338 : i32 to vector<16xi32>
        %add3A_340 = arith.addi %xor3A_328, %add3A_339 : vector<16xi32>
        %select_n3A_341 = arith.select %lt3A_337, %add3A_340, %xor3A_328 : vector<16xi1>, vector<16xi32>
        %broadcast_in_dim3A_342 = vector.shape_cast %select_n3A_341 : vector<16xi32> to vector<16x1xi32>
        %gather3A_343 = vector.shape_cast %broadcast_in_dim3A_342 : vector<16x1xi32> to vector<16xi32>
        %gather3A_344 = tpu.dynamic_gather %add3A_278[%gather3A_343] in [0] : vector<16xf32>, vector<16xi32> -> vector<16xf32>
        %lt3A_345 = arith.constant 0 : i32
        %lt3A_346 = vector.broadcast %lt3A_345 : i32 to vector<16xi32>
        %lt3A_347 = arith.cmpi slt, %xor3A_328, %lt3A_346 : vector<16xi32>
        %add3A_348 = arith.constant 16 : i32
        %add3A_349 = vector.broadcast %add3A_348 : i32 to vector<16xi32>
        %add3A_350 = arith.addi %xor3A_328, %add3A_349 : vector<16xi32>
        %select_n3A_351 = arith.select %lt3A_347, %add3A_350, %xor3A_328 : vector<16xi1>, vector<16xi32>
        %broadcast_in_dim3A_352 = vector.shape_cast %select_n3A_351 : vector<16xi32> to vector<16x1xi32>
        %gather3A_353 = vector.shape_cast %broadcast_in_dim3A_352 : vector<16x1xi32> to vector<16xi32>
        %gather3A_354 = tpu.dynamic_gather %add3A_325[%gather3A_353] in [0] : vector<16xf32>, vector<16xi32> -> vector<16xf32>
        %select_n3A_355 = arith.select %eq3A_334, %add3A_278, %gather3A_354 : vector<16xi1>, vector<16xf32>
        %select_n3A_356 = arith.select %eq3A_334, %gather3A_344, %add3A_325 : vector<16xi1>, vector<16xf32>
        %add3A_357 = arith.addf %select_n3A_355, %select_n3A_356 : vector<16xf32>
        %xor3A_358 = arith.constant 2 : i32
        %xor3A_359 = vector.broadcast %xor3A_358 : i32 to vector<16xi32>
        %xor3A_360 = arith.xori %iota3A, %xor3A_359 : vector<16xi32>
        %and3A_361 = arith.constant 2 : i32
        %and3A_362 = vector.broadcast %and3A_361 : i32 to vector<16xi32>
        %and3A_363 = arith.andi %iota3A, %and3A_362 : vector<16xi32>
        %eq3A_364 = arith.constant 0 : i32
        %eq3A_365 = vector.broadcast %eq3A_364 : i32 to vector<16xi32>
        %eq3A_366 = arith.cmpi eq, %and3A_363, %eq3A_365 : vector<16xi32>
        %lt3A_367 = arith.constant 0 : i32
        %lt3A_368 = vector.broadcast %lt3A_367 : i32 to vector<16xi32>
        %lt3A_369 = arith.cmpi slt, %xor3A_360, %lt3A_368 : vector<16xi32>
        %add3A_370 = arith.constant 16 : i32
        %add3A_371 = vector.broadcast %add3A_370 : i32 to vector<16xi32>
        %add3A_372 = arith.addi %xor3A_360, %add3A_371 : vector<16xi32>
        %select_n3A_373 = arith.select %lt3A_369, %add3A_372, %xor3A_360 : vector<16xi1>, vector<16xi32>
        %broadcast_in_dim3A_374 = vector.shape_cast %select_n3A_373 : vector<16xi32> to vector<16x1xi32>
        %gather3A_375 = vector.shape_cast %broadcast_in_dim3A_374 : vector<16x1xi32> to vector<16xi32>
        %gather3A_376 = tpu.dynamic_gather %add3A_231[%gather3A_375] in [0] : vector<16xf32>, vector<16xi32> -> vector<16xf32>
        %lt3A_377 = arith.constant 0 : i32
        %lt3A_378 = vector.broadcast %lt3A_377 : i32 to vector<16xi32>
        %lt3A_379 = arith.cmpi slt, %xor3A_360, %lt3A_378 : vector<16xi32>
        %add3A_380 = arith.constant 16 : i32
        %add3A_381 = vector.broadcast %add3A_380 : i32 to vector<16xi32>
        %add3A_382 = arith.addi %xor3A_360, %add3A_381 : vector<16xi32>
        %select_n3A_383 = arith.select %lt3A_379, %add3A_382, %xor3A_360 : vector<16xi1>, vector<16xi32>
        %broadcast_in_dim3A_384 = vector.shape_cast %select_n3A_383 : vector<16xi32> to vector<16x1xi32>
        %gather3A_385 = vector.shape_cast %broadcast_in_dim3A_384 : vector<16x1xi32> to vector<16xi32>
        %gather3A_386 = tpu.dynamic_gather %add3A_357[%gather3A_385] in [0] : vector<16xf32>, vector<16xi32> -> vector<16xf32>
        %select_n3A_387 = arith.select %eq3A_366, %add3A_231, %gather3A_386 : vector<16xi1>, vector<16xf32>
        %select_n3A_388 = arith.select %eq3A_366, %gather3A_376, %add3A_357 : vector<16xi1>, vector<16xf32>
        %add3A_389 = arith.addf %select_n3A_387, %select_n3A_388 : vector<16xf32>
        %mul3A_390 = arith.constant 16 : i32
        %mul3A_391 = arith.muli %scan3A_112, %mul3A_390 : i32
        %add3A_392 = arith.constant 4 : i32
        %add3A_393 = arith.addi %mul3A_391, %add3A_392 : i32
        %get3A_394 = arith.index_cast %add3A_393 : i32 to index
        %get3A_395 = arith.constant 0 : index
        %get3A_396 = tpu.vector_load %arg10[%get3A_394, %get3A_395] {strides = array<i32>} : memref<256x64xf32, #tpu.memory_space<vmem>>, vector<1x16xf32>,
        %get3A_397 = vector.shape_cast %get3A_396 : vector<1x16xf32> to vector<16xf32>
        %get3A_398 = arith.index_cast %add3A_393 : i32 to index
        %get3A_399 = arith.constant 0 : index
        %get3A_400 = tpu.vector_load %arg12[%get3A_398, %get3A_399] {strides = array<i32>} : memref<256x64xf32, #tpu.memory_space<vmem>>, vector<1x16xf32>,
        %get3A_401 = vector.shape_cast %get3A_400 : vector<1x16xf32> to vector<16xf32>
        %sub3A_402 = arith.subf %get3A_397, %get3A_401 : vector<16xf32>
        %mul3A_403 = arith.mulf %sub3A_402, %sub3A_402 : vector<16xf32>
        %get3A_404 = arith.index_cast %add3A_393 : i32 to index
        %get3A_405 = arith.constant 16 : index
        %get3A_406 = tpu.vector_load %arg10[%get3A_404, %get3A_405] {strides = array<i32>} : memref<256x64xf32, #tpu.memory_space<vmem>>, vector<1x16xf32>,
        %get3A_407 = vector.shape_cast %get3A_406 : vector<1x16xf32> to vector<16xf32>
        %get3A_408 = arith.index_cast %add3A_393 : i32 to index
        %get3A_409 = arith.constant 16 : index
        %get3A_410 = tpu.vector_load %arg12[%get3A_408, %get3A_409] {strides = array<i32>} : memref<256x64xf32, #tpu.memory_space<vmem>>, vector<1x16xf32>,
        %get3A_411 = vector.shape_cast %get3A_410 : vector<1x16xf32> to vector<16xf32>
        %sub3A_412 = arith.subf %get3A_407, %get3A_411 : vector<16xf32>
        %mul3A_413 = arith.mulf %sub3A_412, %sub3A_412 : vector<16xf32>
        %add3A_414 = arith.addf %mul3A_403, %mul3A_413 : vector<16xf32>
        %get3A_415 = arith.index_cast %add3A_393 : i32 to index
        %get3A_416 = arith.constant 32 : index
        %get3A_417 = tpu.vector_load %arg10[%get3A_415, %get3A_416] {strides = array<i32>} : memref<256x64xf32, #tpu.memory_space<vmem>>, vector<1x16xf32>,
        %get3A_418 = vector.shape_cast %get3A_417 : vector<1x16xf32> to vector<16xf32>
        %get3A_419 = arith.index_cast %add3A_393 : i32 to index
        %get3A_420 = arith.constant 32 : index
        %get3A_421 = tpu.vector_load %arg12[%get3A_419, %get3A_420] {strides = array<i32>} : memref<256x64xf32, #tpu.memory_space<vmem>>, vector<1x16xf32>,
        %get3A_422 = vector.shape_cast %get3A_421 : vector<1x16xf32> to vector<16xf32>
        %sub3A_423 = arith.subf %get3A_418, %get3A_422 : vector<16xf32>
        %mul3A_424 = arith.mulf %sub3A_423, %sub3A_423 : vector<16xf32>
        %add3A_425 = arith.addf %add3A_414, %mul3A_424 : vector<16xf32>
        %get3A_426 = arith.index_cast %add3A_393 : i32 to index
        %get3A_427 = arith.constant 48 : index
        %get3A_428 = tpu.vector_load %arg10[%get3A_426, %get3A_427] {strides = array<i32>} : memref<256x64xf32, #tpu.memory_space<vmem>>, vector<1x16xf32>,
        %get3A_429 = vector.shape_cast %get3A_428 : vector<1x16xf32> to vector<16xf32>
        %get3A_430 = arith.index_cast %add3A_393 : i32 to index
        %get3A_431 = arith.constant 48 : index
        %get3A_432 = tpu.vector_load %arg12[%get3A_430, %get3A_431] {strides = array<i32>} : memref<256x64xf32, #tpu.memory_space<vmem>>, vector<1x16xf32>,
        %get3A_433 = vector.shape_cast %get3A_432 : vector<1x16xf32> to vector<16xf32>
        %sub3A_434 = arith.subf %get3A_429, %get3A_433 : vector<16xf32>
        %mul3A_435 = arith.mulf %sub3A_434, %sub3A_434 : vector<16xf32>
        %add3A_436 = arith.addf %add3A_425, %mul3A_435 : vector<16xf32>
        %mul3A_437 = arith.constant 16 : i32
        %mul3A_438 = arith.muli %scan3A_112, %mul3A_437 : i32
        %add3A_439 = arith.constant 5 : i32
        %add3A_440 = arith.addi %mul3A_438, %add3A_439 : i32
        %get3A_441 = arith.index_cast %add3A_440 : i32 to index
        %get3A_442 = arith.constant 0 : index
        %get3A_443 = tpu.vector_load %arg10[%get3A_441, %get3A_442] {strides = array<i32>} : memref<256x64xf32, #tpu.memory_space<vmem>>, vector<1x16xf32>,
        %get3A_444 = vector.shape_cast %get3A_443 : vector<1x16xf32> to vector<16xf32>
        %get3A_445 = arith.index_cast %add3A_440 : i32 to index
        %get3A_446 = arith.constant 0 : index
        %get3A_447 = tpu.vector_load %arg12[%get3A_445, %get3A_446] {strides = array<i32>} : memref<256x64xf32, #tpu.memory_space<vmem>>, vector<1x16xf32>,
        %get3A_448 = vector.shape_cast %get3A_447 : vector<1x16xf32> to vector<16xf32>
        %sub3A_449 = arith.subf %get3A_444, %get3A_448 : vector<16xf32>
        %mul3A_450 = arith.mulf %sub3A_449, %sub3A_449 : vector<16xf32>
        %get3A_451 = arith.index_cast %add3A_440 : i32 to index
        %get3A_452 = arith.constant 16 : index
        %get3A_453 = tpu.vector_load %arg10[%get3A_451, %get3A_452] {strides = array<i32>} : memref<256x64xf32, #tpu.memory_space<vmem>>, vector<1x16xf32>,
        %get3A_454 = vector.shape_cast %get3A_453 : vector<1x16xf32> to vector<16xf32>
        %get3A_455 = arith.index_cast %add3A_440 : i32 to index
        %get3A_456 = arith.constant 16 : index
        %get3A_457 = tpu.vector_load %arg12[%get3A_455, %get3A_456] {strides = array<i32>} : memref<256x64xf32, #tpu.memory_space<vmem>>, vector<1x16xf32>,
        %get3A_458 = vector.shape_cast %get3A_457 : vector<1x16xf32> to vector<16xf32>
        %sub3A_459 = arith.subf %get3A_454, %get3A_458 : vector<16xf32>
        %mul3A_460 = arith.mulf %sub3A_459, %sub3A_459 : vector<16xf32>
        %add3A_461 = arith.addf %mul3A_450, %mul3A_460 : vector<16xf32>
        %get3A_462 = arith.index_cast %add3A_440 : i32 to index
        %get3A_463 = arith.constant 32 : index
        %get3A_464 = tpu.vector_load %arg10[%get3A_462, %get3A_463] {strides = array<i32>} : memref<256x64xf32, #tpu.memory_space<vmem>>, vector<1x16xf32>,
        %get3A_465 = vector.shape_cast %get3A_464 : vector<1x16xf32> to vector<16xf32>
        %get3A_466 = arith.index_cast %add3A_440 : i32 to index
        %get3A_467 = arith.constant 32 : index
        %get3A_468 = tpu.vector_load %arg12[%get3A_466, %get3A_467] {strides = array<i32>} : memref<256x64xf32, #tpu.memory_space<vmem>>, vector<1x16xf32>,
        %get3A_469 = vector.shape_cast %get3A_468 : vector<1x16xf32> to vector<16xf32>
        %sub3A_470 = arith.subf %get3A_465, %get3A_469 : vector<16xf32>
        %mul3A_471 = arith.mulf %sub3A_470, %sub3A_470 : vector<16xf32>
        %add3A_472 = arith.addf %add3A_461, %mul3A_471 : vector<16xf32>
        %get3A_473 = arith.index_cast %add3A_440 : i32 to index
        %get3A_474 = arith.constant 48 : index
        %get3A_475 = tpu.vector_load %arg10[%get3A_473, %get3A_474] {strides = array<i32>} : memref<256x64xf32, #tpu.memory_space<vmem>>, vector<1x16xf32>,
        %get3A_476 = vector.shape_cast %get3A_475 : vector<1x16xf32> to vector<16xf32>
        %get3A_477 = arith.index_cast %add3A_440 : i32 to index
        %get3A_478 = arith.constant 48 : index
        %get3A_479 = tpu.vector_load %arg12[%get3A_477, %get3A_478] {strides = array<i32>} : memref<256x64xf32, #tpu.memory_space<vmem>>, vector<1x16xf32>,
        %get3A_480 = vector.shape_cast %get3A_479 : vector<1x16xf32> to vector<16xf32>
        %sub3A_481 = arith.subf %get3A_476, %get3A_480 : vector<16xf32>
        %mul3A_482 = arith.mulf %sub3A_481, %sub3A_481 : vector<16xf32>
        %add3A_483 = arith.addf %add3A_472, %mul3A_482 : vector<16xf32>
        %xor3A_484 = arith.constant 1 : i32
        %xor3A_485 = vector.broadcast %xor3A_484 : i32 to vector<16xi32>
        %xor3A_486 = arith.xori %iota3A, %xor3A_485 : vector<16xi32>
        %and3A_487 = arith.constant 1 : i32
        %and3A_488 = vector.broadcast %and3A_487 : i32 to vector<16xi32>
        %and3A_489 = arith.andi %iota3A, %and3A_488 : vector<16xi32>
        %eq3A_490 = arith.constant 0 : i32
        %eq3A_491 = vector.broadcast %eq3A_490 : i32 to vector<16xi32>
        %eq3A_492 = arith.cmpi eq, %and3A_489, %eq3A_491 : vector<16xi32>
        %lt3A_493 = arith.constant 0 : i32
        %lt3A_494 = vector.broadcast %lt3A_493 : i32 to vector<16xi32>
        %lt3A_495 = arith.cmpi slt, %xor3A_486, %lt3A_494 : vector<16xi32>
        %add3A_496 = arith.constant 16 : i32
        %add3A_497 = vector.broadcast %add3A_496 : i32 to vector<16xi32>
        %add3A_498 = arith.addi %xor3A_486, %add3A_497 : vector<16xi32>
        %select_n3A_499 = arith.select %lt3A_495, %add3A_498, %xor3A_486 : vector<16xi1>, vector<16xi32>
        %broadcast_in_dim3A_500 = vector.shape_cast %select_n3A_499 : vector<16xi32> to vector<16x1xi32>
        %gather3A_501 = vector.shape_cast %broadcast_in_dim3A_500 : vector<16x1xi32> to vector<16xi32>
        %gather3A_502 = tpu.dynamic_gather %add3A_436[%gather3A_501] in [0] : vector<16xf32>, vector<16xi32> -> vector<16xf32>
        %lt3A_503 = arith.constant 0 : i32
        %lt3A_504 = vector.broadcast %lt3A_503 : i32 to vector<16xi32>
        %lt3A_505 = arith.cmpi slt, %xor3A_486, %lt3A_504 : vector<16xi32>
        %add3A_506 = arith.constant 16 : i32
        %add3A_507 = vector.broadcast %add3A_506 : i32 to vector<16xi32>
        %add3A_508 = arith.addi %xor3A_486, %add3A_507 : vector<16xi32>
        %select_n3A_509 = arith.select %lt3A_505, %add3A_508, %xor3A_486 : vector<16xi1>, vector<16xi32>
        %broadcast_in_dim3A_510 = vector.shape_cast %select_n3A_509 : vector<16xi32> to vector<16x1xi32>
        %gather3A_511 = vector.shape_cast %broadcast_in_dim3A_510 : vector<16x1xi32> to vector<16xi32>
        %gather3A_512 = tpu.dynamic_gather %add3A_483[%gather3A_511] in [0] : vector<16xf32>, vector<16xi32> -> vector<16xf32>
        %select_n3A_513 = arith.select %eq3A_492, %add3A_436, %gather3A_512 : vector<16xi1>, vector<16xf32>
        %select_n3A_514 = arith.select %eq3A_492, %gather3A_502, %add3A_483 : vector<16xi1>, vector<16xf32>
        %add3A_515 = arith.addf %select_n3A_513, %select_n3A_514 : vector<16xf32>
        %mul3A_516 = arith.constant 16 : i32
        %mul3A_517 = arith.muli %scan3A_112, %mul3A_516 : i32
        %add3A_518 = arith.constant 6 : i32
        %add3A_519 = arith.addi %mul3A_517, %add3A_518 : i32
        %get3A_520 = arith.index_cast %add3A_519 : i32 to index
        %get3A_521 = arith.constant 0 : index
        %get3A_522 = tpu.vector_load %arg10[%get3A_520, %get3A_521] {strides = array<i32>} : memref<256x64xf32, #tpu.memory_space<vmem>>, vector<1x16xf32>,
        %get3A_523 = vector.shape_cast %get3A_522 : vector<1x16xf32> to vector<16xf32>
        %get3A_524 = arith.index_cast %add3A_519 : i32 to index
        %get3A_525 = arith.constant 0 : index
        %get3A_526 = tpu.vector_load %arg12[%get3A_524, %get3A_525] {strides = array<i32>} : memref<256x64xf32, #tpu.memory_space<vmem>>, vector<1x16xf32>,
        %get3A_527 = vector.shape_cast %get3A_526 : vector<1x16xf32> to vector<16xf32>
        %sub3A_528 = arith.subf %get3A_523, %get3A_527 : vector<16xf32>
        %mul3A_529 = arith.mulf %sub3A_528, %sub3A_528 : vector<16xf32>
        %get3A_530 = arith.index_cast %add3A_519 : i32 to index
        %get3A_531 = arith.constant 16 : index
        %get3A_532 = tpu.vector_load %arg10[%get3A_530, %get3A_531] {strides = array<i32>} : memref<256x64xf32, #tpu.memory_space<vmem>>, vector<1x16xf32>,
        %get3A_533 = vector.shape_cast %get3A_532 : vector<1x16xf32> to vector<16xf32>
        %get3A_534 = arith.index_cast %add3A_519 : i32 to index
        %get3A_535 = arith.constant 16 : index
        %get3A_536 = tpu.vector_load %arg12[%get3A_534, %get3A_535] {strides = array<i32>} : memref<256x64xf32, #tpu.memory_space<vmem>>, vector<1x16xf32>,
        %get3A_537 = vector.shape_cast %get3A_536 : vector<1x16xf32> to vector<16xf32>
        %sub3A_538 = arith.subf %get3A_533, %get3A_537 : vector<16xf32>
        %mul3A_539 = arith.mulf %sub3A_538, %sub3A_538 : vector<16xf32>
        %add3A_540 = arith.addf %mul3A_529, %mul3A_539 : vector<16xf32>
        %get3A_541 = arith.index_cast %add3A_519 : i32 to index
        %get3A_542 = arith.constant 32 : index
        %get3A_543 = tpu.vector_load %arg10[%get3A_541, %get3A_542] {strides = array<i32>} : memref<256x64xf32, #tpu.memory_space<vmem>>, vector<1x16xf32>,
        %get3A_544 = vector.shape_cast %get3A_543 : vector<1x16xf32> to vector<16xf32>
        %get3A_545 = arith.index_cast %add3A_519 : i32 to index
        %get3A_546 = arith.constant 32 : index
        %get3A_547 = tpu.vector_load %arg12[%get3A_545, %get3A_546] {strides = array<i32>} : memref<256x64xf32, #tpu.memory_space<vmem>>, vector<1x16xf32>,
        %get3A_548 = vector.shape_cast %get3A_547 : vector<1x16xf32> to vector<16xf32>
        %sub3A_549 = arith.subf %get3A_544, %get3A_548 : vector<16xf32>
        %mul3A_550 = arith.mulf %sub3A_549, %sub3A_549 : vector<16xf32>
        %add3A_551 = arith.addf %add3A_540, %mul3A_550 : vector<16xf32>
        %get3A_552 = arith.index_cast %add3A_519 : i32 to index
        %get3A_553 = arith.constant 48 : index
        %get3A_554 = tpu.vector_load %arg10[%get3A_552, %get3A_553] {strides = array<i32>} : memref<256x64xf32, #tpu.memory_space<vmem>>, vector<1x16xf32>,
        %get3A_555 = vector.shape_cast %get3A_554 : vector<1x16xf32> to vector<16xf32>
        %get3A_556 = arith.index_cast %add3A_519 : i32 to index
        %get3A_557 = arith.constant 48 : index
        %get3A_558 = tpu.vector_load %arg12[%get3A_556, %get3A_557] {strides = array<i32>} : memref<256x64xf32, #tpu.memory_space<vmem>>, vector<1x16xf32>,
        %get3A_559 = vector.shape_cast %get3A_558 : vector<1x16xf32> to vector<16xf32>
        %sub3A_560 = arith.subf %get3A_555, %get3A_559 : vector<16xf32>
        %mul3A_561 = arith.mulf %sub3A_560, %sub3A_560 : vector<16xf32>
        %add3A_562 = arith.addf %add3A_551, %mul3A_561 : vector<16xf32>
        %mul3A_563 = arith.constant 16 : i32
        %mul3A_564 = arith.muli %scan3A_112, %mul3A_563 : i32
        %add3A_565 = arith.constant 7 : i32
        %add3A_566 = arith.addi %mul3A_564, %add3A_565 : i32
        %get3A_567 = arith.index_cast %add3A_566 : i32 to index
        %get3A_568 = arith.constant 0 : index
        %get3A_569 = tpu.vector_load %arg10[%get3A_567, %get3A_568] {strides = array<i32>} : memref<256x64xf32, #tpu.memory_space<vmem>>, vector<1x16xf32>,
        %get3A_570 = vector.shape_cast %get3A_569 : vector<1x16xf32> to vector<16xf32>
        %get3A_571 = arith.index_cast %add3A_566 : i32 to index
        %get3A_572 = arith.constant 0 : index
        %get3A_573 = tpu.vector_load %arg12[%get3A_571, %get3A_572] {strides = array<i32>} : memref<256x64xf32, #tpu.memory_space<vmem>>, vector<1x16xf32>,
        %get3A_574 = vector.shape_cast %get3A_573 : vector<1x16xf32> to vector<16xf32>
        %sub3A_575 = arith.subf %get3A_570, %get3A_574 : vector<16xf32>
        %mul3A_576 = arith.mulf %sub3A_575, %sub3A_575 : vector<16xf32>
        %get3A_577 = arith.index_cast %add3A_566 : i32 to index
        %get3A_578 = arith.constant 16 : index
        %get3A_579 = tpu.vector_load %arg10[%get3A_577, %get3A_578] {strides = array<i32>} : memref<256x64xf32, #tpu.memory_space<vmem>>, vector<1x16xf32>,
        %get3A_580 = vector.shape_cast %get3A_579 : vector<1x16xf32> to vector<16xf32>
        %get3A_581 = arith.index_cast %add3A_566 : i32 to index
        %get3A_582 = arith.constant 16 : index
        %get3A_583 = tpu.vector_load %arg12[%get3A_581, %get3A_582] {strides = array<i32>} : memref<256x64xf32, #tpu.memory_space<vmem>>, vector<1x16xf32>,
        %get3A_584 = vector.shape_cast %get3A_583 : vector<1x16xf32> to vector<16xf32>
        %sub3A_585 = arith.subf %get3A_580, %get3A_584 : vector<16xf32>
        %mul3A_586 = arith.mulf %sub3A_585, %sub3A_585 : vector<16xf32>
        %add3A_587 = arith.addf %mul3A_576, %mul3A_586 : vector<16xf32>
        %get3A_588 = arith.index_cast %add3A_566 : i32 to index
        %get3A_589 = arith.constant 32 : index
        %get3A_590 = tpu.vector_load %arg10[%get3A_588, %get3A_589] {strides = array<i32>} : memref<256x64xf32, #tpu.memory_space<vmem>>, vector<1x16xf32>,
        %get3A_591 = vector.shape_cast %get3A_590 : vector<1x16xf32> to vector<16xf32>
        %get3A_592 = arith.index_cast %add3A_566 : i32 to index
        %get3A_593 = arith.constant 32 : index
        %get3A_594 = tpu.vector_load %arg12[%get3A_592, %get3A_593] {strides = array<i32>} : memref<256x64xf32, #tpu.memory_space<vmem>>, vector<1x16xf32>,
        %get3A_595 = vector.shape_cast %get3A_594 : vector<1x16xf32> to vector<16xf32>
        %sub3A_596 = arith.subf %get3A_591, %get3A_595 : vector<16xf32>
        %mul3A_597 = arith.mulf %sub3A_596, %sub3A_596 : vector<16xf32>
        %add3A_598 = arith.addf %add3A_587, %mul3A_597 : vector<16xf32>
        %get3A_599 = arith.index_cast %add3A_566 : i32 to index
        %get3A_600 = arith.constant 48 : index
        %get3A_601 = tpu.vector_load %arg10[%get3A_599, %get3A_600] {strides = array<i32>} : memref<256x64xf32, #tpu.memory_space<vmem>>, vector<1x16xf32>,
        %get3A_602 = vector.shape_cast %get3A_601 : vector<1x16xf32> to vector<16xf32>
        %get3A_603 = arith.index_cast %add3A_566 : i32 to index
        %get3A_604 = arith.constant 48 : index
        %get3A_605 = tpu.vector_load %arg12[%get3A_603, %get3A_604] {strides = array<i32>} : memref<256x64xf32, #tpu.memory_space<vmem>>, vector<1x16xf32>,
        %get3A_606 = vector.shape_cast %get3A_605 : vector<1x16xf32> to vector<16xf32>
        %sub3A_607 = arith.subf %get3A_602, %get3A_606 : vector<16xf32>
        %mul3A_608 = arith.mulf %sub3A_607, %sub3A_607 : vector<16xf32>
        %add3A_609 = arith.addf %add3A_598, %mul3A_608 : vector<16xf32>
        %xor3A_610 = arith.constant 1 : i32
        %xor3A_611 = vector.broadcast %xor3A_610 : i32 to vector<16xi32>
        %xor3A_612 = arith.xori %iota3A, %xor3A_611 : vector<16xi32>
        %and3A_613 = arith.constant 1 : i32
        %and3A_614 = vector.broadcast %and3A_613 : i32 to vector<16xi32>
        %and3A_615 = arith.andi %iota3A, %and3A_614 : vector<16xi32>
        %eq3A_616 = arith.constant 0 : i32
        %eq3A_617 = vector.broadcast %eq3A_616 : i32 to vector<16xi32>
        %eq3A_618 = arith.cmpi eq, %and3A_615, %eq3A_617 : vector<16xi32>
        %lt3A_619 = arith.constant 0 : i32
        %lt3A_620 = vector.broadcast %lt3A_619 : i32 to vector<16xi32>
        %lt3A_621 = arith.cmpi slt, %xor3A_612, %lt3A_620 : vector<16xi32>
        %add3A_622 = arith.constant 16 : i32
        %add3A_623 = vector.broadcast %add3A_622 : i32 to vector<16xi32>
        %add3A_624 = arith.addi %xor3A_612, %add3A_623 : vector<16xi32>
        %select_n3A_625 = arith.select %lt3A_621, %add3A_624, %xor3A_612 : vector<16xi1>, vector<16xi32>
        %broadcast_in_dim3A_626 = vector.shape_cast %select_n3A_625 : vector<16xi32> to vector<16x1xi32>
        %gather3A_627 = vector.shape_cast %broadcast_in_dim3A_626 : vector<16x1xi32> to vector<16xi32>
        %gather3A_628 = tpu.dynamic_gather %add3A_562[%gather3A_627] in [0] : vector<16xf32>, vector<16xi32> -> vector<16xf32>
        %lt3A_629 = arith.constant 0 : i32
        %lt3A_630 = vector.broadcast %lt3A_629 : i32 to vector<16xi32>
        %lt3A_631 = arith.cmpi slt, %xor3A_612, %lt3A_630 : vector<16xi32>
        %add3A_632 = arith.constant 16 : i32
        %add3A_633 = vector.broadcast %add3A_632 : i32 to vector<16xi32>
        %add3A_634 = arith.addi %xor3A_612, %add3A_633 : vector<16xi32>
        %select_n3A_635 = arith.select %lt3A_631, %add3A_634, %xor3A_612 : vector<16xi1>, vector<16xi32>
        %broadcast_in_dim3A_636 = vector.shape_cast %select_n3A_635 : vector<16xi32> to vector<16x1xi32>
        %gather3A_637 = vector.shape_cast %broadcast_in_dim3A_636 : vector<16x1xi32> to vector<16xi32>
        %gather3A_638 = tpu.dynamic_gather %add3A_609[%gather3A_637] in [0] : vector<16xf32>, vector<16xi32> -> vector<16xf32>
        %select_n3A_639 = arith.select %eq3A_618, %add3A_562, %gather3A_638 : vector<16xi1>, vector<16xf32>
        %select_n3A_640 = arith.select %eq3A_618, %gather3A_628, %add3A_609 : vector<16xi1>, vector<16xf32>
        %add3A_641 = arith.addf %select_n3A_639, %select_n3A_640 : vector<16xf32>
        %xor3A_642 = arith.constant 2 : i32
        %xor3A_643 = vector.broadcast %xor3A_642 : i32 to vector<16xi32>
        %xor3A_644 = arith.xori %iota3A, %xor3A_643 : vector<16xi32>
        %and3A_645 = arith.constant 2 : i32
        %and3A_646 = vector.broadcast %and3A_645 : i32 to vector<16xi32>
        %and3A_647 = arith.andi %iota3A, %and3A_646 : vector<16xi32>
        %eq3A_648 = arith.constant 0 : i32
        %eq3A_649 = vector.broadcast %eq3A_648 : i32 to vector<16xi32>
        %eq3A_650 = arith.cmpi eq, %and3A_647, %eq3A_649 : vector<16xi32>
        %lt3A_651 = arith.constant 0 : i32
        %lt3A_652 = vector.broadcast %lt3A_651 : i32 to vector<16xi32>
        %lt3A_653 = arith.cmpi slt, %xor3A_644, %lt3A_652 : vector<16xi32>
        %add3A_654 = arith.constant 16 : i32
        %add3A_655 = vector.broadcast %add3A_654 : i32 to vector<16xi32>
        %add3A_656 = arith.addi %xor3A_644, %add3A_655 : vector<16xi32>
        %select_n3A_657 = arith.select %lt3A_653, %add3A_656, %xor3A_644 : vector<16xi1>, vector<16xi32>
        %broadcast_in_dim3A_658 = vector.shape_cast %select_n3A_657 : vector<16xi32> to vector<16x1xi32>
        %gather3A_659 = vector.shape_cast %broadcast_in_dim3A_658 : vector<16x1xi32> to vector<16xi32>
        %gather3A_660 = tpu.dynamic_gather %add3A_515[%gather3A_659] in [0] : vector<16xf32>, vector<16xi32> -> vector<16xf32>
        %lt3A_661 = arith.constant 0 : i32
        %lt3A_662 = vector.broadcast %lt3A_661 : i32 to vector<16xi32>
        %lt3A_663 = arith.cmpi slt, %xor3A_644, %lt3A_662 : vector<16xi32>
        %add3A_664 = arith.constant 16 : i32
        %add3A_665 = vector.broadcast %add3A_664 : i32 to vector<16xi32>
        %add3A_666 = arith.addi %xor3A_644, %add3A_665 : vector<16xi32>
        %select_n3A_667 = arith.select %lt3A_663, %add3A_666, %xor3A_644 : vector<16xi1>, vector<16xi32>
        %broadcast_in_dim3A_668 = vector.shape_cast %select_n3A_667 : vector<16xi32> to vector<16x1xi32>
        %gather3A_669 = vector.shape_cast %broadcast_in_dim3A_668 : vector<16x1xi32> to vector<16xi32>
        %gather3A_670 = tpu.dynamic_gather %add3A_641[%gather3A_669] in [0] : vector<16xf32>, vector<16xi32> -> vector<16xf32>
        %select_n3A_671 = arith.select %eq3A_650, %add3A_515, %gather3A_670 : vector<16xi1>, vector<16xf32>
        %select_n3A_672 = arith.select %eq3A_650, %gather3A_660, %add3A_641 : vector<16xi1>, vector<16xf32>
        %add3A_673 = arith.addf %select_n3A_671, %select_n3A_672 : vector<16xf32>
        %xor3A_674 = arith.constant 4 : i32
        %xor3A_675 = vector.broadcast %xor3A_674 : i32 to vector<16xi32>
        %xor3A_676 = arith.xori %iota3A, %xor3A_675 : vector<16xi32>
        %and3A_677 = arith.constant 4 : i32
        %and3A_678 = vector.broadcast %and3A_677 : i32 to vector<16xi32>
        %and3A_679 = arith.andi %iota3A, %and3A_678 : vector<16xi32>
        %eq3A_680 = arith.constant 0 : i32
        %eq3A_681 = vector.broadcast %eq3A_680 : i32 to vector<16xi32>
        %eq3A_682 = arith.cmpi eq, %and3A_679, %eq3A_681 : vector<16xi32>
        %lt3A_683 = arith.constant 0 : i32
        %lt3A_684 = vector.broadcast %lt3A_683 : i32 to vector<16xi32>
        %lt3A_685 = arith.cmpi slt, %xor3A_676, %lt3A_684 : vector<16xi32>
        %add3A_686 = arith.constant 16 : i32
        %add3A_687 = vector.broadcast %add3A_686 : i32 to vector<16xi32>
        %add3A_688 = arith.addi %xor3A_676, %add3A_687 : vector<16xi32>
        %select_n3A_689 = arith.select %lt3A_685, %add3A_688, %xor3A_676 : vector<16xi1>, vector<16xi32>
        %broadcast_in_dim3A_690 = vector.shape_cast %select_n3A_689 : vector<16xi32> to vector<16x1xi32>
        %gather3A_691 = vector.shape_cast %broadcast_in_dim3A_690 : vector<16x1xi32> to vector<16xi32>
        %gather3A_692 = tpu.dynamic_gather %add3A_389[%gather3A_691] in [0] : vector<16xf32>, vector<16xi32> -> vector<16xf32>
        %lt3A_693 = arith.constant 0 : i32
        %lt3A_694 = vector.broadcast %lt3A_693 : i32 to vector<16xi32>
        %lt3A_695 = arith.cmpi slt, %xor3A_676, %lt3A_694 : vector<16xi32>
        %add3A_696 = arith.constant 16 : i32
        %add3A_697 = vector.broadcast %add3A_696 : i32 to vector<16xi32>
        %add3A_698 = arith.addi %xor3A_676, %add3A_697 : vector<16xi32>
        %select_n3A_699 = arith.select %lt3A_695, %add3A_698, %xor3A_676 : vector<16xi1>, vector<16xi32>
        %broadcast_in_dim3A_700 = vector.shape_cast %select_n3A_699 : vector<16xi32> to vector<16x1xi32>
        %gather3A_701 = vector.shape_cast %broadcast_in_dim3A_700 : vector<16x1xi32> to vector<16xi32>
        %gather3A_702 = tpu.dynamic_gather %add3A_673[%gather3A_701] in [0] : vector<16xf32>, vector<16xi32> -> vector<16xf32>
        %select_n3A_703 = arith.select %eq3A_682, %add3A_389, %gather3A_702 : vector<16xi1>, vector<16xf32>
        %select_n3A_704 = arith.select %eq3A_682, %gather3A_692, %add3A_673 : vector<16xi1>, vector<16xf32>
        %add3A_705 = arith.addf %select_n3A_703, %select_n3A_704 : vector<16xf32>
        %mul3A_706 = arith.constant 16 : i32
        %mul3A_707 = arith.muli %scan3A_112, %mul3A_706 : i32
        %add3A_708 = arith.constant 8 : i32
        %add3A_709 = arith.addi %mul3A_707, %add3A_708 : i32
        %get3A_710 = arith.index_cast %add3A_709 : i32 to index
        %get3A_711 = arith.constant 0 : index
        %get3A_712 = tpu.vector_load %arg10[%get3A_710, %get3A_711] {strides = array<i32>} : memref<256x64xf32, #tpu.memory_space<vmem>>, vector<1x16xf32>,
        %get3A_713 = vector.shape_cast %get3A_712 : vector<1x16xf32> to vector<16xf32>
        %get3A_714 = arith.index_cast %add3A_709 : i32 to index
        %get3A_715 = arith.constant 0 : index
        %get3A_716 = tpu.vector_load %arg12[%get3A_714, %get3A_715] {strides = array<i32>} : memref<256x64xf32, #tpu.memory_space<vmem>>, vector<1x16xf32>,
        %get3A_717 = vector.shape_cast %get3A_716 : vector<1x16xf32> to vector<16xf32>
        %sub3A_718 = arith.subf %get3A_713, %get3A_717 : vector<16xf32>
        %mul3A_719 = arith.mulf %sub3A_718, %sub3A_718 : vector<16xf32>
        %get3A_720 = arith.index_cast %add3A_709 : i32 to index
        %get3A_721 = arith.constant 16 : index
        %get3A_722 = tpu.vector_load %arg10[%get3A_720, %get3A_721] {strides = array<i32>} : memref<256x64xf32, #tpu.memory_space<vmem>>, vector<1x16xf32>,
        %get3A_723 = vector.shape_cast %get3A_722 : vector<1x16xf32> to vector<16xf32>
        %get3A_724 = arith.index_cast %add3A_709 : i32 to index
        %get3A_725 = arith.constant 16 : index
        %get3A_726 = tpu.vector_load %arg12[%get3A_724, %get3A_725] {strides = array<i32>} : memref<256x64xf32, #tpu.memory_space<vmem>>, vector<1x16xf32>,
        %get3A_727 = vector.shape_cast %get3A_726 : vector<1x16xf32> to vector<16xf32>
        %sub3A_728 = arith.subf %get3A_723, %get3A_727 : vector<16xf32>
        %mul3A_729 = arith.mulf %sub3A_728, %sub3A_728 : vector<16xf32>
        %add3A_730 = arith.addf %mul3A_719, %mul3A_729 : vector<16xf32>
        %get3A_731 = arith.index_cast %add3A_709 : i32 to index
        %get3A_732 = arith.constant 32 : index
        %get3A_733 = tpu.vector_load %arg10[%get3A_731, %get3A_732] {strides = array<i32>} : memref<256x64xf32, #tpu.memory_space<vmem>>, vector<1x16xf32>,
        %get3A_734 = vector.shape_cast %get3A_733 : vector<1x16xf32> to vector<16xf32>
        %get3A_735 = arith.index_cast %add3A_709 : i32 to index
        %get3A_736 = arith.constant 32 : index
        %get3A_737 = tpu.vector_load %arg12[%get3A_735, %get3A_736] {strides = array<i32>} : memref<256x64xf32, #tpu.memory_space<vmem>>, vector<1x16xf32>,
        %get3A_738 = vector.shape_cast %get3A_737 : vector<1x16xf32> to vector<16xf32>
        %sub3A_739 = arith.subf %get3A_734, %get3A_738 : vector<16xf32>
        %mul3A_740 = arith.mulf %sub3A_739, %sub3A_739 : vector<16xf32>
        %add3A_741 = arith.addf %add3A_730, %mul3A_740 : vector<16xf32>
        %get3A_742 = arith.index_cast %add3A_709 : i32 to index
        %get3A_743 = arith.constant 48 : index
        %get3A_744 = tpu.vector_load %arg10[%get3A_742, %get3A_743] {strides = array<i32>} : memref<256x64xf32, #tpu.memory_space<vmem>>, vector<1x16xf32>,
        %get3A_745 = vector.shape_cast %get3A_744 : vector<1x16xf32> to vector<16xf32>
        %get3A_746 = arith.index_cast %add3A_709 : i32 to index
        %get3A_747 = arith.constant 48 : index
        %get3A_748 = tpu.vector_load %arg12[%get3A_746, %get3A_747] {strides = array<i32>} : memref<256x64xf32, #tpu.memory_space<vmem>>, vector<1x16xf32>,
        %get3A_749 = vector.shape_cast %get3A_748 : vector<1x16xf32> to vector<16xf32>
        %sub3A_750 = arith.subf %get3A_745, %get3A_749 : vector<16xf32>
        %mul3A_751 = arith.mulf %sub3A_750, %sub3A_750 : vector<16xf32>
        %add3A_752 = arith.addf %add3A_741, %mul3A_751 : vector<16xf32>
        %mul3A_753 = arith.constant 16 : i32
        %mul3A_754 = arith.muli %scan3A_112, %mul3A_753 : i32
        %add3A_755 = arith.constant 9 : i32
        %add3A_756 = arith.addi %mul3A_754, %add3A_755 : i32
        %get3A_757 = arith.index_cast %add3A_756 : i32 to index
        %get3A_758 = arith.constant 0 : index
        %get3A_759 = tpu.vector_load %arg10[%get3A_757, %get3A_758] {strides = array<i32>} : memref<256x64xf32, #tpu.memory_space<vmem>>, vector<1x16xf32>,
        %get3A_760 = vector.shape_cast %get3A_759 : vector<1x16xf32> to vector<16xf32>
        %get3A_761 = arith.index_cast %add3A_756 : i32 to index
        %get3A_762 = arith.constant 0 : index
        %get3A_763 = tpu.vector_load %arg12[%get3A_761, %get3A_762] {strides = array<i32>} : memref<256x64xf32, #tpu.memory_space<vmem>>, vector<1x16xf32>,
        %get3A_764 = vector.shape_cast %get3A_763 : vector<1x16xf32> to vector<16xf32>
        %sub3A_765 = arith.subf %get3A_760, %get3A_764 : vector<16xf32>
        %mul3A_766 = arith.mulf %sub3A_765, %sub3A_765 : vector<16xf32>
        %get3A_767 = arith.index_cast %add3A_756 : i32 to index
        %get3A_768 = arith.constant 16 : index
        %get3A_769 = tpu.vector_load %arg10[%get3A_767, %get3A_768] {strides = array<i32>} : memref<256x64xf32, #tpu.memory_space<vmem>>, vector<1x16xf32>,
        %get3A_770 = vector.shape_cast %get3A_769 : vector<1x16xf32> to vector<16xf32>
        %get3A_771 = arith.index_cast %add3A_756 : i32 to index
        %get3A_772 = arith.constant 16 : index
        %get3A_773 = tpu.vector_load %arg12[%get3A_771, %get3A_772] {strides = array<i32>} : memref<256x64xf32, #tpu.memory_space<vmem>>, vector<1x16xf32>,
        %get3A_774 = vector.shape_cast %get3A_773 : vector<1x16xf32> to vector<16xf32>
        %sub3A_775 = arith.subf %get3A_770, %get3A_774 : vector<16xf32>
        %mul3A_776 = arith.mulf %sub3A_775, %sub3A_775 : vector<16xf32>
        %add3A_777 = arith.addf %mul3A_766, %mul3A_776 : vector<16xf32>
        %get3A_778 = arith.index_cast %add3A_756 : i32 to index
        %get3A_779 = arith.constant 32 : index
        %get3A_780 = tpu.vector_load %arg10[%get3A_778, %get3A_779] {strides = array<i32>} : memref<256x64xf32, #tpu.memory_space<vmem>>, vector<1x16xf32>,
        %get3A_781 = vector.shape_cast %get3A_780 : vector<1x16xf32> to vector<16xf32>
        %get3A_782 = arith.index_cast %add3A_756 : i32 to index
        %get3A_783 = arith.constant 32 : index
        %get3A_784 = tpu.vector_load %arg12[%get3A_782, %get3A_783] {strides = array<i32>} : memref<256x64xf32, #tpu.memory_space<vmem>>, vector<1x16xf32>,
        %get3A_785 = vector.shape_cast %get3A_784 : vector<1x16xf32> to vector<16xf32>
        %sub3A_786 = arith.subf %get3A_781, %get3A_785 : vector<16xf32>
        %mul3A_787 = arith.mulf %sub3A_786, %sub3A_786 : vector<16xf32>
        %add3A_788 = arith.addf %add3A_777, %mul3A_787 : vector<16xf32>
        %get3A_789 = arith.index_cast %add3A_756 : i32 to index
        %get3A_790 = arith.constant 48 : index
        %get3A_791 = tpu.vector_load %arg10[%get3A_789, %get3A_790] {strides = array<i32>} : memref<256x64xf32, #tpu.memory_space<vmem>>, vector<1x16xf32>,
        %get3A_792 = vector.shape_cast %get3A_791 : vector<1x16xf32> to vector<16xf32>
        %get3A_793 = arith.index_cast %add3A_756 : i32 to index
        %get3A_794 = arith.constant 48 : index
        %get3A_795 = tpu.vector_load %arg12[%get3A_793, %get3A_794] {strides = array<i32>} : memref<256x64xf32, #tpu.memory_space<vmem>>, vector<1x16xf32>,
        %get3A_796 = vector.shape_cast %get3A_795 : vector<1x16xf32> to vector<16xf32>
        %sub3A_797 = arith.subf %get3A_792, %get3A_796 : vector<16xf32>
        %mul3A_798 = arith.mulf %sub3A_797, %sub3A_797 : vector<16xf32>
        %add3A_799 = arith.addf %add3A_788, %mul3A_798 : vector<16xf32>
        %xor3A_800 = arith.constant 1 : i32
        %xor3A_801 = vector.broadcast %xor3A_800 : i32 to vector<16xi32>
        %xor3A_802 = arith.xori %iota3A, %xor3A_801 : vector<16xi32>
        %and3A_803 = arith.constant 1 : i32
        %and3A_804 = vector.broadcast %and3A_803 : i32 to vector<16xi32>
        %and3A_805 = arith.andi %iota3A, %and3A_804 : vector<16xi32>
        %eq3A_806 = arith.constant 0 : i32
        %eq3A_807 = vector.broadcast %eq3A_806 : i32 to vector<16xi32>
        %eq3A_808 = arith.cmpi eq, %and3A_805, %eq3A_807 : vector<16xi32>
        %lt3A_809 = arith.constant 0 : i32
        %lt3A_810 = vector.broadcast %lt3A_809 : i32 to vector<16xi32>
        %lt3A_811 = arith.cmpi slt, %xor3A_802, %lt3A_810 : vector<16xi32>
        %add3A_812 = arith.constant 16 : i32
        %add3A_813 = vector.broadcast %add3A_812 : i32 to vector<16xi32>
        %add3A_814 = arith.addi %xor3A_802, %add3A_813 : vector<16xi32>
        %select_n3A_815 = arith.select %lt3A_811, %add3A_814, %xor3A_802 : vector<16xi1>, vector<16xi32>
        %broadcast_in_dim3A_816 = vector.shape_cast %select_n3A_815 : vector<16xi32> to vector<16x1xi32>
        %gather3A_817 = vector.shape_cast %broadcast_in_dim3A_816 : vector<16x1xi32> to vector<16xi32>
        %gather3A_818 = tpu.dynamic_gather %add3A_752[%gather3A_817] in [0] : vector<16xf32>, vector<16xi32> -> vector<16xf32>
        %lt3A_819 = arith.constant 0 : i32
        %lt3A_820 = vector.broadcast %lt3A_819 : i32 to vector<16xi32>
        %lt3A_821 = arith.cmpi slt, %xor3A_802, %lt3A_820 : vector<16xi32>
        %add3A_822 = arith.constant 16 : i32
        %add3A_823 = vector.broadcast %add3A_822 : i32 to vector<16xi32>
        %add3A_824 = arith.addi %xor3A_802, %add3A_823 : vector<16xi32>
        %select_n3A_825 = arith.select %lt3A_821, %add3A_824, %xor3A_802 : vector<16xi1>, vector<16xi32>
        %broadcast_in_dim3A_826 = vector.shape_cast %select_n3A_825 : vector<16xi32> to vector<16x1xi32>
        %gather3A_827 = vector.shape_cast %broadcast_in_dim3A_826 : vector<16x1xi32> to vector<16xi32>
        %gather3A_828 = tpu.dynamic_gather %add3A_799[%gather3A_827] in [0] : vector<16xf32>, vector<16xi32> -> vector<16xf32>
        %select_n3A_829 = arith.select %eq3A_808, %add3A_752, %gather3A_828 : vector<16xi1>, vector<16xf32>
        %select_n3A_830 = arith.select %eq3A_808, %gather3A_818, %add3A_799 : vector<16xi1>, vector<16xf32>
        %add3A_831 = arith.addf %select_n3A_829, %select_n3A_830 : vector<16xf32>
        %mul3A_832 = arith.constant 16 : i32
        %mul3A_833 = arith.muli %scan3A_112, %mul3A_832 : i32
        %add3A_834 = arith.constant 10 : i32
        %add3A_835 = arith.addi %mul3A_833, %add3A_834 : i32
        %get3A_836 = arith.index_cast %add3A_835 : i32 to index
        %get3A_837 = arith.constant 0 : index
        %get3A_838 = tpu.vector_load %arg10[%get3A_836, %get3A_837] {strides = array<i32>} : memref<256x64xf32, #tpu.memory_space<vmem>>, vector<1x16xf32>,
        %get3A_839 = vector.shape_cast %get3A_838 : vector<1x16xf32> to vector<16xf32>
        %get3A_840 = arith.index_cast %add3A_835 : i32 to index
        %get3A_841 = arith.constant 0 : index
        %get3A_842 = tpu.vector_load %arg12[%get3A_840, %get3A_841] {strides = array<i32>} : memref<256x64xf32, #tpu.memory_space<vmem>>, vector<1x16xf32>,
        %get3A_843 = vector.shape_cast %get3A_842 : vector<1x16xf32> to vector<16xf32>
        %sub3A_844 = arith.subf %get3A_839, %get3A_843 : vector<16xf32>
        %mul3A_845 = arith.mulf %sub3A_844, %sub3A_844 : vector<16xf32>
        %get3A_846 = arith.index_cast %add3A_835 : i32 to index
        %get3A_847 = arith.constant 16 : index
        %get3A_848 = tpu.vector_load %arg10[%get3A_846, %get3A_847] {strides = array<i32>} : memref<256x64xf32, #tpu.memory_space<vmem>>, vector<1x16xf32>,
        %get3A_849 = vector.shape_cast %get3A_848 : vector<1x16xf32> to vector<16xf32>
        %get3A_850 = arith.index_cast %add3A_835 : i32 to index
        %get3A_851 = arith.constant 16 : index
        %get3A_852 = tpu.vector_load %arg12[%get3A_850, %get3A_851] {strides = array<i32>} : memref<256x64xf32, #tpu.memory_space<vmem>>, vector<1x16xf32>,
        %get3A_853 = vector.shape_cast %get3A_852 : vector<1x16xf32> to vector<16xf32>
        %sub3A_854 = arith.subf %get3A_849, %get3A_853 : vector<16xf32>
        %mul3A_855 = arith.mulf %sub3A_854, %sub3A_854 : vector<16xf32>
        %add3A_856 = arith.addf %mul3A_845, %mul3A_855 : vector<16xf32>
        %get3A_857 = arith.index_cast %add3A_835 : i32 to index
        %get3A_858 = arith.constant 32 : index
        %get3A_859 = tpu.vector_load %arg10[%get3A_857, %get3A_858] {strides = array<i32>} : memref<256x64xf32, #tpu.memory_space<vmem>>, vector<1x16xf32>,
        %get3A_860 = vector.shape_cast %get3A_859 : vector<1x16xf32> to vector<16xf32>
        %get3A_861 = arith.index_cast %add3A_835 : i32 to index
        %get3A_862 = arith.constant 32 : index
        %get3A_863 = tpu.vector_load %arg12[%get3A_861, %get3A_862] {strides = array<i32>} : memref<256x64xf32, #tpu.memory_space<vmem>>, vector<1x16xf32>,
        %get3A_864 = vector.shape_cast %get3A_863 : vector<1x16xf32> to vector<16xf32>
        %sub3A_865 = arith.subf %get3A_860, %get3A_864 : vector<16xf32>
        %mul3A_866 = arith.mulf %sub3A_865, %sub3A_865 : vector<16xf32>
        %add3A_867 = arith.addf %add3A_856, %mul3A_866 : vector<16xf32>
        %get3A_868 = arith.index_cast %add3A_835 : i32 to index
        %get3A_869 = arith.constant 48 : index
        %get3A_870 = tpu.vector_load %arg10[%get3A_868, %get3A_869] {strides = array<i32>} : memref<256x64xf32, #tpu.memory_space<vmem>>, vector<1x16xf32>,
        %get3A_871 = vector.shape_cast %get3A_870 : vector<1x16xf32> to vector<16xf32>
        %get3A_872 = arith.index_cast %add3A_835 : i32 to index
        %get3A_873 = arith.constant 48 : index
        %get3A_874 = tpu.vector_load %arg12[%get3A_872, %get3A_873] {strides = array<i32>} : memref<256x64xf32, #tpu.memory_space<vmem>>, vector<1x16xf32>,
        %get3A_875 = vector.shape_cast %get3A_874 : vector<1x16xf32> to vector<16xf32>
        %sub3A_876 = arith.subf %get3A_871, %get3A_875 : vector<16xf32>
        %mul3A_877 = arith.mulf %sub3A_876, %sub3A_876 : vector<16xf32>
        %add3A_878 = arith.addf %add3A_867, %mul3A_877 : vector<16xf32>
        %mul3A_879 = arith.constant 16 : i32
        %mul3A_880 = arith.muli %scan3A_112, %mul3A_879 : i32
        %add3A_881 = arith.constant 11 : i32
        %add3A_882 = arith.addi %mul3A_880, %add3A_881 : i32
        %get3A_883 = arith.index_cast %add3A_882 : i32 to index
        %get3A_884 = arith.constant 0 : index
        %get3A_885 = tpu.vector_load %arg10[%get3A_883, %get3A_884] {strides = array<i32>} : memref<256x64xf32, #tpu.memory_space<vmem>>, vector<1x16xf32>,
        %get3A_886 = vector.shape_cast %get3A_885 : vector<1x16xf32> to vector<16xf32>
        %get3A_887 = arith.index_cast %add3A_882 : i32 to index
        %get3A_888 = arith.constant 0 : index
        %get3A_889 = tpu.vector_load %arg12[%get3A_887, %get3A_888] {strides = array<i32>} : memref<256x64xf32, #tpu.memory_space<vmem>>, vector<1x16xf32>,
        %get3A_890 = vector.shape_cast %get3A_889 : vector<1x16xf32> to vector<16xf32>
        %sub3A_891 = arith.subf %get3A_886, %get3A_890 : vector<16xf32>
        %mul3A_892 = arith.mulf %sub3A_891, %sub3A_891 : vector<16xf32>
        %get3A_893 = arith.index_cast %add3A_882 : i32 to index
        %get3A_894 = arith.constant 16 : index
        %get3A_895 = tpu.vector_load %arg10[%get3A_893, %get3A_894] {strides = array<i32>} : memref<256x64xf32, #tpu.memory_space<vmem>>, vector<1x16xf32>,
        %get3A_896 = vector.shape_cast %get3A_895 : vector<1x16xf32> to vector<16xf32>
        %get3A_897 = arith.index_cast %add3A_882 : i32 to index
        %get3A_898 = arith.constant 16 : index
        %get3A_899 = tpu.vector_load %arg12[%get3A_897, %get3A_898] {strides = array<i32>} : memref<256x64xf32, #tpu.memory_space<vmem>>, vector<1x16xf32>,
        %get3A_900 = vector.shape_cast %get3A_899 : vector<1x16xf32> to vector<16xf32>
        %sub3A_901 = arith.subf %get3A_896, %get3A_900 : vector<16xf32>
        %mul3A_902 = arith.mulf %sub3A_901, %sub3A_901 : vector<16xf32>
        %add3A_903 = arith.addf %mul3A_892, %mul3A_902 : vector<16xf32>
        %get3A_904 = arith.index_cast %add3A_882 : i32 to index
        %get3A_905 = arith.constant 32 : index
        %get3A_906 = tpu.vector_load %arg10[%get3A_904, %get3A_905] {strides = array<i32>} : memref<256x64xf32, #tpu.memory_space<vmem>>, vector<1x16xf32>,
        %get3A_907 = vector.shape_cast %get3A_906 : vector<1x16xf32> to vector<16xf32>
        %get3A_908 = arith.index_cast %add3A_882 : i32 to index
        %get3A_909 = arith.constant 32 : index
        %get3A_910 = tpu.vector_load %arg12[%get3A_908, %get3A_909] {strides = array<i32>} : memref<256x64xf32, #tpu.memory_space<vmem>>, vector<1x16xf32>,
        %get3A_911 = vector.shape_cast %get3A_910 : vector<1x16xf32> to vector<16xf32>
        %sub3A_912 = arith.subf %get3A_907, %get3A_911 : vector<16xf32>
        %mul3A_913 = arith.mulf %sub3A_912, %sub3A_912 : vector<16xf32>
        %add3A_914 = arith.addf %add3A_903, %mul3A_913 : vector<16xf32>
        %get3A_915 = arith.index_cast %add3A_882 : i32 to index
        %get3A_916 = arith.constant 48 : index
        %get3A_917 = tpu.vector_load %arg10[%get3A_915, %get3A_916] {strides = array<i32>} : memref<256x64xf32, #tpu.memory_space<vmem>>, vector<1x16xf32>,
        %get3A_918 = vector.shape_cast %get3A_917 : vector<1x16xf32> to vector<16xf32>
        %get3A_919 = arith.index_cast %add3A_882 : i32 to index
        %get3A_920 = arith.constant 48 : index
        %get3A_921 = tpu.vector_load %arg12[%get3A_919, %get3A_920] {strides = array<i32>} : memref<256x64xf32, #tpu.memory_space<vmem>>, vector<1x16xf32>,
        %get3A_922 = vector.shape_cast %get3A_921 : vector<1x16xf32> to vector<16xf32>
        %sub3A_923 = arith.subf %get3A_918, %get3A_922 : vector<16xf32>
        %mul3A_924 = arith.mulf %sub3A_923, %sub3A_923 : vector<16xf32>
        %add3A_925 = arith.addf %add3A_914, %mul3A_924 : vector<16xf32>
        %xor3A_926 = arith.constant 1 : i32
        %xor3A_927 = vector.broadcast %xor3A_926 : i32 to vector<16xi32>
        %xor3A_928 = arith.xori %iota3A, %xor3A_927 : vector<16xi32>
        %and3A_929 = arith.constant 1 : i32
        %and3A_930 = vector.broadcast %and3A_929 : i32 to vector<16xi32>
        %and3A_931 = arith.andi %iota3A, %and3A_930 : vector<16xi32>
        %eq3A_932 = arith.constant 0 : i32
        %eq3A_933 = vector.broadcast %eq3A_932 : i32 to vector<16xi32>
        %eq3A_934 = arith.cmpi eq, %and3A_931, %eq3A_933 : vector<16xi32>
        %lt3A_935 = arith.constant 0 : i32
        %lt3A_936 = vector.broadcast %lt3A_935 : i32 to vector<16xi32>
        %lt3A_937 = arith.cmpi slt, %xor3A_928, %lt3A_936 : vector<16xi32>
        %add3A_938 = arith.constant 16 : i32
        %add3A_939 = vector.broadcast %add3A_938 : i32 to vector<16xi32>
        %add3A_940 = arith.addi %xor3A_928, %add3A_939 : vector<16xi32>
        %select_n3A_941 = arith.select %lt3A_937, %add3A_940, %xor3A_928 : vector<16xi1>, vector<16xi32>
        %broadcast_in_dim3A_942 = vector.shape_cast %select_n3A_941 : vector<16xi32> to vector<16x1xi32>
        %gather3A_943 = vector.shape_cast %broadcast_in_dim3A_942 : vector<16x1xi32> to vector<16xi32>
        %gather3A_944 = tpu.dynamic_gather %add3A_878[%gather3A_943] in [0] : vector<16xf32>, vector<16xi32> -> vector<16xf32>
        %lt3A_945 = arith.constant 0 : i32
        %lt3A_946 = vector.broadcast %lt3A_945 : i32 to vector<16xi32>
        %lt3A_947 = arith.cmpi slt, %xor3A_928, %lt3A_946 : vector<16xi32>
        %add3A_948 = arith.constant 16 : i32
        %add3A_949 = vector.broadcast %add3A_948 : i32 to vector<16xi32>
        %add3A_950 = arith.addi %xor3A_928, %add3A_949 : vector<16xi32>
        %select_n3A_951 = arith.select %lt3A_947, %add3A_950, %xor3A_928 : vector<16xi1>, vector<16xi32>
        %broadcast_in_dim3A_952 = vector.shape_cast %select_n3A_951 : vector<16xi32> to vector<16x1xi32>
        %gather3A_953 = vector.shape_cast %broadcast_in_dim3A_952 : vector<16x1xi32> to vector<16xi32>
        %gather3A_954 = tpu.dynamic_gather %add3A_925[%gather3A_953] in [0] : vector<16xf32>, vector<16xi32> -> vector<16xf32>
        %select_n3A_955 = arith.select %eq3A_934, %add3A_878, %gather3A_954 : vector<16xi1>, vector<16xf32>
        %select_n3A_956 = arith.select %eq3A_934, %gather3A_944, %add3A_925 : vector<16xi1>, vector<16xf32>
        %add3A_957 = arith.addf %select_n3A_955, %select_n3A_956 : vector<16xf32>
        %xor3A_958 = arith.constant 2 : i32
        %xor3A_959 = vector.broadcast %xor3A_958 : i32 to vector<16xi32>
        %xor3A_960 = arith.xori %iota3A, %xor3A_959 : vector<16xi32>
        %and3A_961 = arith.constant 2 : i32
        %and3A_962 = vector.broadcast %and3A_961 : i32 to vector<16xi32>
        %and3A_963 = arith.andi %iota3A, %and3A_962 : vector<16xi32>
        %eq3A_964 = arith.constant 0 : i32
        %eq3A_965 = vector.broadcast %eq3A_964 : i32 to vector<16xi32>
        %eq3A_966 = arith.cmpi eq, %and3A_963, %eq3A_965 : vector<16xi32>
        %lt3A_967 = arith.constant 0 : i32
        %lt3A_968 = vector.broadcast %lt3A_967 : i32 to vector<16xi32>
        %lt3A_969 = arith.cmpi slt, %xor3A_960, %lt3A_968 : vector<16xi32>
        %add3A_970 = arith.constant 16 : i32
        %add3A_971 = vector.broadcast %add3A_970 : i32 to vector<16xi32>
        %add3A_972 = arith.addi %xor3A_960, %add3A_971 : vector<16xi32>
        %select_n3A_973 = arith.select %lt3A_969, %add3A_972, %xor3A_960 : vector<16xi1>, vector<16xi32>
        %broadcast_in_dim3A_974 = vector.shape_cast %select_n3A_973 : vector<16xi32> to vector<16x1xi32>
        %gather3A_975 = vector.shape_cast %broadcast_in_dim3A_974 : vector<16x1xi32> to vector<16xi32>
        %gather3A_976 = tpu.dynamic_gather %add3A_831[%gather3A_975] in [0] : vector<16xf32>, vector<16xi32> -> vector<16xf32>
        %lt3A_977 = arith.constant 0 : i32
        %lt3A_978 = vector.broadcast %lt3A_977 : i32 to vector<16xi32>
        %lt3A_979 = arith.cmpi slt, %xor3A_960, %lt3A_978 : vector<16xi32>
        %add3A_980 = arith.constant 16 : i32
        %add3A_981 = vector.broadcast %add3A_980 : i32 to vector<16xi32>
        %add3A_982 = arith.addi %xor3A_960, %add3A_981 : vector<16xi32>
        %select_n3A_983 = arith.select %lt3A_979, %add3A_982, %xor3A_960 : vector<16xi1>, vector<16xi32>
        %broadcast_in_dim3A_984 = vector.shape_cast %select_n3A_983 : vector<16xi32> to vector<16x1xi32>
        %gather3A_985 = vector.shape_cast %broadcast_in_dim3A_984 : vector<16x1xi32> to vector<16xi32>
        %gather3A_986 = tpu.dynamic_gather %add3A_957[%gather3A_985] in [0] : vector<16xf32>, vector<16xi32> -> vector<16xf32>
        %select_n3A_987 = arith.select %eq3A_966, %add3A_831, %gather3A_986 : vector<16xi1>, vector<16xf32>
        %select_n3A_988 = arith.select %eq3A_966, %gather3A_976, %add3A_957 : vector<16xi1>, vector<16xf32>
        %add3A_989 = arith.addf %select_n3A_987, %select_n3A_988 : vector<16xf32>
        %mul3A_990 = arith.constant 16 : i32
        %mul3A_991 = arith.muli %scan3A_112, %mul3A_990 : i32
        %add3A_992 = arith.constant 12 : i32
        %add3A_993 = arith.addi %mul3A_991, %add3A_992 : i32
        %get3A_994 = arith.index_cast %add3A_993 : i32 to index
        %get3A_995 = arith.constant 0 : index
        %get3A_996 = tpu.vector_load %arg10[%get3A_994, %get3A_995] {strides = array<i32>} : memref<256x64xf32, #tpu.memory_space<vmem>>, vector<1x16xf32>,
        %get3A_997 = vector.shape_cast %get3A_996 : vector<1x16xf32> to vector<16xf32>
        %get3A_998 = arith.index_cast %add3A_993 : i32 to index
        %get3A_999 = arith.constant 0 : index
        %get3A_1000 = tpu.vector_load %arg12[%get3A_998, %get3A_999] {strides = array<i32>} : memref<256x64xf32, #tpu.memory_space<vmem>>, vector<1x16xf32>,
        %get3A_1001 = vector.shape_cast %get3A_1000 : vector<1x16xf32> to vector<16xf32>
        %sub3A_1002 = arith.subf %get3A_997, %get3A_1001 : vector<16xf32>
        %mul3A_1003 = arith.mulf %sub3A_1002, %sub3A_1002 : vector<16xf32>
        %get3A_1004 = arith.index_cast %add3A_993 : i32 to index
        %get3A_1005 = arith.constant 16 : index
        %get3A_1006 = tpu.vector_load %arg10[%get3A_1004, %get3A_1005] {strides = array<i32>} : memref<256x64xf32, #tpu.memory_space<vmem>>, vector<1x16xf32>,
        %get3A_1007 = vector.shape_cast %get3A_1006 : vector<1x16xf32> to vector<16xf32>
        %get3A_1008 = arith.index_cast %add3A_993 : i32 to index
        %get3A_1009 = arith.constant 16 : index
        %get3A_1010 = tpu.vector_load %arg12[%get3A_1008, %get3A_1009] {strides = array<i32>} : memref<256x64xf32, #tpu.memory_space<vmem>>, vector<1x16xf32>,
        %get3A_1011 = vector.shape_cast %get3A_1010 : vector<1x16xf32> to vector<16xf32>
        %sub3A_1012 = arith.subf %get3A_1007, %get3A_1011 : vector<16xf32>
        %mul3A_1013 = arith.mulf %sub3A_1012, %sub3A_1012 : vector<16xf32>
        %add3A_1014 = arith.addf %mul3A_1003, %mul3A_1013 : vector<16xf32>
        %get3A_1015 = arith.index_cast %add3A_993 : i32 to index
        %get3A_1016 = arith.constant 32 : index
        %get3A_1017 = tpu.vector_load %arg10[%get3A_1015, %get3A_1016] {strides = array<i32>} : memref<256x64xf32, #tpu.memory_space<vmem>>, vector<1x16xf32>,
        %get3A_1018 = vector.shape_cast %get3A_1017 : vector<1x16xf32> to vector<16xf32>
        %get3A_1019 = arith.index_cast %add3A_993 : i32 to index
        %get3A_1020 = arith.constant 32 : index
        %get3A_1021 = tpu.vector_load %arg12[%get3A_1019, %get3A_1020] {strides = array<i32>} : memref<256x64xf32, #tpu.memory_space<vmem>>, vector<1x16xf32>,
        %get3A_1022 = vector.shape_cast %get3A_1021 : vector<1x16xf32> to vector<16xf32>
        %sub3A_1023 = arith.subf %get3A_1018, %get3A_1022 : vector<16xf32>
        %mul3A_1024 = arith.mulf %sub3A_1023, %sub3A_1023 : vector<16xf32>
        %add3A_1025 = arith.addf %add3A_1014, %mul3A_1024 : vector<16xf32>
        %get3A_1026 = arith.index_cast %add3A_993 : i32 to index
        %get3A_1027 = arith.constant 48 : index
        %get3A_1028 = tpu.vector_load %arg10[%get3A_1026, %get3A_1027] {strides = array<i32>} : memref<256x64xf32, #tpu.memory_space<vmem>>, vector<1x16xf32>,
        %get3A_1029 = vector.shape_cast %get3A_1028 : vector<1x16xf32> to vector<16xf32>
        %get3A_1030 = arith.index_cast %add3A_993 : i32 to index
        %get3A_1031 = arith.constant 48 : index
        %get3A_1032 = tpu.vector_load %arg12[%get3A_1030, %get3A_1031] {strides = array<i32>} : memref<256x64xf32, #tpu.memory_space<vmem>>, vector<1x16xf32>,
        %get3A_1033 = vector.shape_cast %get3A_1032 : vector<1x16xf32> to vector<16xf32>
        %sub3A_1034 = arith.subf %get3A_1029, %get3A_1033 : vector<16xf32>
        %mul3A_1035 = arith.mulf %sub3A_1034, %sub3A_1034 : vector<16xf32>
        %add3A_1036 = arith.addf %add3A_1025, %mul3A_1035 : vector<16xf32>
        %mul3A_1037 = arith.constant 16 : i32
        %mul3A_1038 = arith.muli %scan3A_112, %mul3A_1037 : i32
        %add3A_1039 = arith.constant 13 : i32
        %add3A_1040 = arith.addi %mul3A_1038, %add3A_1039 : i32
        %get3A_1041 = arith.index_cast %add3A_1040 : i32 to index
        %get3A_1042 = arith.constant 0 : index
        %get3A_1043 = tpu.vector_load %arg10[%get3A_1041, %get3A_1042] {strides = array<i32>} : memref<256x64xf32, #tpu.memory_space<vmem>>, vector<1x16xf32>,
        %get3A_1044 = vector.shape_cast %get3A_1043 : vector<1x16xf32> to vector<16xf32>
        %get3A_1045 = arith.index_cast %add3A_1040 : i32 to index
        %get3A_1046 = arith.constant 0 : index
        %get3A_1047 = tpu.vector_load %arg12[%get3A_1045, %get3A_1046] {strides = array<i32>} : memref<256x64xf32, #tpu.memory_space<vmem>>, vector<1x16xf32>,
        %get3A_1048 = vector.shape_cast %get3A_1047 : vector<1x16xf32> to vector<16xf32>
        %sub3A_1049 = arith.subf %get3A_1044, %get3A_1048 : vector<16xf32>
        %mul3A_1050 = arith.mulf %sub3A_1049, %sub3A_1049 : vector<16xf32>
        %get3A_1051 = arith.index_cast %add3A_1040 : i32 to index
        %get3A_1052 = arith.constant 16 : index
        %get3A_1053 = tpu.vector_load %arg10[%get3A_1051, %get3A_1052] {strides = array<i32>} : memref<256x64xf32, #tpu.memory_space<vmem>>, vector<1x16xf32>,
        %get3A_1054 = vector.shape_cast %get3A_1053 : vector<1x16xf32> to vector<16xf32>
        %get3A_1055 = arith.index_cast %add3A_1040 : i32 to index
        %get3A_1056 = arith.constant 16 : index
        %get3A_1057 = tpu.vector_load %arg12[%get3A_1055, %get3A_1056] {strides = array<i32>} : memref<256x64xf32, #tpu.memory_space<vmem>>, vector<1x16xf32>,
        %get3A_1058 = vector.shape_cast %get3A_1057 : vector<1x16xf32> to vector<16xf32>
        %sub3A_1059 = arith.subf %get3A_1054, %get3A_1058 : vector<16xf32>
        %mul3A_1060 = arith.mulf %sub3A_1059, %sub3A_1059 : vector<16xf32>
        %add3A_1061 = arith.addf %mul3A_1050, %mul3A_1060 : vector<16xf32>
        %get3A_1062 = arith.index_cast %add3A_1040 : i32 to index
        %get3A_1063 = arith.constant 32 : index
        %get3A_1064 = tpu.vector_load %arg10[%get3A_1062, %get3A_1063] {strides = array<i32>} : memref<256x64xf32, #tpu.memory_space<vmem>>, vector<1x16xf32>,
        %get3A_1065 = vector.shape_cast %get3A_1064 : vector<1x16xf32> to vector<16xf32>
        %get3A_1066 = arith.index_cast %add3A_1040 : i32 to index
        %get3A_1067 = arith.constant 32 : index
        %get3A_1068 = tpu.vector_load %arg12[%get3A_1066, %get3A_1067] {strides = array<i32>} : memref<256x64xf32, #tpu.memory_space<vmem>>, vector<1x16xf32>,
        %get3A_1069 = vector.shape_cast %get3A_1068 : vector<1x16xf32> to vector<16xf32>
        %sub3A_1070 = arith.subf %get3A_1065, %get3A_1069 : vector<16xf32>
        %mul3A_1071 = arith.mulf %sub3A_1070, %sub3A_1070 : vector<16xf32>
        %add3A_1072 = arith.addf %add3A_1061, %mul3A_1071 : vector<16xf32>
        %get3A_1073 = arith.index_cast %add3A_1040 : i32 to index
        %get3A_1074 = arith.constant 48 : index
        %get3A_1075 = tpu.vector_load %arg10[%get3A_1073, %get3A_1074] {strides = array<i32>} : memref<256x64xf32, #tpu.memory_space<vmem>>, vector<1x16xf32>,
        %get3A_1076 = vector.shape_cast %get3A_1075 : vector<1x16xf32> to vector<16xf32>
        %get3A_1077 = arith.index_cast %add3A_1040 : i32 to index
        %get3A_1078 = arith.constant 48 : index
        %get3A_1079 = tpu.vector_load %arg12[%get3A_1077, %get3A_1078] {strides = array<i32>} : memref<256x64xf32, #tpu.memory_space<vmem>>, vector<1x16xf32>,
        %get3A_1080 = vector.shape_cast %get3A_1079 : vector<1x16xf32> to vector<16xf32>
        %sub3A_1081 = arith.subf %get3A_1076, %get3A_1080 : vector<16xf32>
        %mul3A_1082 = arith.mulf %sub3A_1081, %sub3A_1081 : vector<16xf32>
        %add3A_1083 = arith.addf %add3A_1072, %mul3A_1082 : vector<16xf32>
        %xor3A_1084 = arith.constant 1 : i32
        %xor3A_1085 = vector.broadcast %xor3A_1084 : i32 to vector<16xi32>
        %xor3A_1086 = arith.xori %iota3A, %xor3A_1085 : vector<16xi32>
        %and3A_1087 = arith.constant 1 : i32
        %and3A_1088 = vector.broadcast %and3A_1087 : i32 to vector<16xi32>
        %and3A_1089 = arith.andi %iota3A, %and3A_1088 : vector<16xi32>
        %eq3A_1090 = arith.constant 0 : i32
        %eq3A_1091 = vector.broadcast %eq3A_1090 : i32 to vector<16xi32>
        %eq3A_1092 = arith.cmpi eq, %and3A_1089, %eq3A_1091 : vector<16xi32>
        %lt3A_1093 = arith.constant 0 : i32
        %lt3A_1094 = vector.broadcast %lt3A_1093 : i32 to vector<16xi32>
        %lt3A_1095 = arith.cmpi slt, %xor3A_1086, %lt3A_1094 : vector<16xi32>
        %add3A_1096 = arith.constant 16 : i32
        %add3A_1097 = vector.broadcast %add3A_1096 : i32 to vector<16xi32>
        %add3A_1098 = arith.addi %xor3A_1086, %add3A_1097 : vector<16xi32>
        %select_n3A_1099 = arith.select %lt3A_1095, %add3A_1098, %xor3A_1086 : vector<16xi1>, vector<16xi32>
        %broadcast_in_dim3A_1100 = vector.shape_cast %select_n3A_1099 : vector<16xi32> to vector<16x1xi32>
        %gather3A_1101 = vector.shape_cast %broadcast_in_dim3A_1100 : vector<16x1xi32> to vector<16xi32>
        %gather3A_1102 = tpu.dynamic_gather %add3A_1036[%gather3A_1101] in [0] : vector<16xf32>, vector<16xi32> -> vector<16xf32>
        %lt3A_1103 = arith.constant 0 : i32
        %lt3A_1104 = vector.broadcast %lt3A_1103 : i32 to vector<16xi32>
        %lt3A_1105 = arith.cmpi slt, %xor3A_1086, %lt3A_1104 : vector<16xi32>
        %add3A_1106 = arith.constant 16 : i32
        %add3A_1107 = vector.broadcast %add3A_1106 : i32 to vector<16xi32>
        %add3A_1108 = arith.addi %xor3A_1086, %add3A_1107 : vector<16xi32>
        %select_n3A_1109 = arith.select %lt3A_1105, %add3A_1108, %xor3A_1086 : vector<16xi1>, vector<16xi32>
        %broadcast_in_dim3A_1110 = vector.shape_cast %select_n3A_1109 : vector<16xi32> to vector<16x1xi32>
        %gather3A_1111 = vector.shape_cast %broadcast_in_dim3A_1110 : vector<16x1xi32> to vector<16xi32>
        %gather3A_1112 = tpu.dynamic_gather %add3A_1083[%gather3A_1111] in [0] : vector<16xf32>, vector<16xi32> -> vector<16xf32>
        %select_n3A_1113 = arith.select %eq3A_1092, %add3A_1036, %gather3A_1112 : vector<16xi1>, vector<16xf32>
        %select_n3A_1114 = arith.select %eq3A_1092, %gather3A_1102, %add3A_1083 : vector<16xi1>, vector<16xf32>
        %add3A_1115 = arith.addf %select_n3A_1113, %select_n3A_1114 : vector<16xf32>
        %mul3A_1116 = arith.constant 16 : i32
        %mul3A_1117 = arith.muli %scan3A_112, %mul3A_1116 : i32
        %add3A_1118 = arith.constant 14 : i32
        %add3A_1119 = arith.addi %mul3A_1117, %add3A_1118 : i32
        %get3A_1120 = arith.index_cast %add3A_1119 : i32 to index
        %get3A_1121 = arith.constant 0 : index
        %get3A_1122 = tpu.vector_load %arg10[%get3A_1120, %get3A_1121] {strides = array<i32>} : memref<256x64xf32, #tpu.memory_space<vmem>>, vector<1x16xf32>,
        %get3A_1123 = vector.shape_cast %get3A_1122 : vector<1x16xf32> to vector<16xf32>
        %get3A_1124 = arith.index_cast %add3A_1119 : i32 to index
        %get3A_1125 = arith.constant 0 : index
        %get3A_1126 = tpu.vector_load %arg12[%get3A_1124, %get3A_1125] {strides = array<i32>} : memref<256x64xf32, #tpu.memory_space<vmem>>, vector<1x16xf32>,
        %get3A_1127 = vector.shape_cast %get3A_1126 : vector<1x16xf32> to vector<16xf32>
        %sub3A_1128 = arith.subf %get3A_1123, %get3A_1127 : vector<16xf32>
        %mul3A_1129 = arith.mulf %sub3A_1128, %sub3A_1128 : vector<16xf32>
        %get3A_1130 = arith.index_cast %add3A_1119 : i32 to index
        %get3A_1131 = arith.constant 16 : index
        %get3A_1132 = tpu.vector_load %arg10[%get3A_1130, %get3A_1131] {strides = array<i32>} : memref<256x64xf32, #tpu.memory_space<vmem>>, vector<1x16xf32>,
        %get3A_1133 = vector.shape_cast %get3A_1132 : vector<1x16xf32> to vector<16xf32>
        %get3A_1134 = arith.index_cast %add3A_1119 : i32 to index
        %get3A_1135 = arith.constant 16 : index
        %get3A_1136 = tpu.vector_load %arg12[%get3A_1134, %get3A_1135] {strides = array<i32>} : memref<256x64xf32, #tpu.memory_space<vmem>>, vector<1x16xf32>,
        %get3A_1137 = vector.shape_cast %get3A_1136 : vector<1x16xf32> to vector<16xf32>
        %sub3A_1138 = arith.subf %get3A_1133, %get3A_1137 : vector<16xf32>
        %mul3A_1139 = arith.mulf %sub3A_1138, %sub3A_1138 : vector<16xf32>
        %add3A_1140 = arith.addf %mul3A_1129, %mul3A_1139 : vector<16xf32>
        %get3A_1141 = arith.index_cast %add3A_1119 : i32 to index
        %get3A_1142 = arith.constant 32 : index
        %get3A_1143 = tpu.vector_load %arg10[%get3A_1141, %get3A_1142] {strides = array<i32>} : memref<256x64xf32, #tpu.memory_space<vmem>>, vector<1x16xf32>,
        %get3A_1144 = vector.shape_cast %get3A_1143 : vector<1x16xf32> to vector<16xf32>
        %get3A_1145 = arith.index_cast %add3A_1119 : i32 to index
        %get3A_1146 = arith.constant 32 : index
        %get3A_1147 = tpu.vector_load %arg12[%get3A_1145, %get3A_1146] {strides = array<i32>} : memref<256x64xf32, #tpu.memory_space<vmem>>, vector<1x16xf32>,
        %get3A_1148 = vector.shape_cast %get3A_1147 : vector<1x16xf32> to vector<16xf32>
        %sub3A_1149 = arith.subf %get3A_1144, %get3A_1148 : vector<16xf32>
        %mul3A_1150 = arith.mulf %sub3A_1149, %sub3A_1149 : vector<16xf32>
        %add3A_1151 = arith.addf %add3A_1140, %mul3A_1150 : vector<16xf32>
        %get3A_1152 = arith.index_cast %add3A_1119 : i32 to index
        %get3A_1153 = arith.constant 48 : index
        %get3A_1154 = tpu.vector_load %arg10[%get3A_1152, %get3A_1153] {strides = array<i32>} : memref<256x64xf32, #tpu.memory_space<vmem>>, vector<1x16xf32>,
        %get3A_1155 = vector.shape_cast %get3A_1154 : vector<1x16xf32> to vector<16xf32>
        %get3A_1156 = arith.index_cast %add3A_1119 : i32 to index
        %get3A_1157 = arith.constant 48 : index
        %get3A_1158 = tpu.vector_load %arg12[%get3A_1156, %get3A_1157] {strides = array<i32>} : memref<256x64xf32, #tpu.memory_space<vmem>>, vector<1x16xf32>,
        %get3A_1159 = vector.shape_cast %get3A_1158 : vector<1x16xf32> to vector<16xf32>
        %sub3A_1160 = arith.subf %get3A_1155, %get3A_1159 : vector<16xf32>
        %mul3A_1161 = arith.mulf %sub3A_1160, %sub3A_1160 : vector<16xf32>
        %add3A_1162 = arith.addf %add3A_1151, %mul3A_1161 : vector<16xf32>
        %mul3A_1163 = arith.constant 16 : i32
        %mul3A_1164 = arith.muli %scan3A_112, %mul3A_1163 : i32
        %add3A_1165 = arith.constant 15 : i32
        %add3A_1166 = arith.addi %mul3A_1164, %add3A_1165 : i32
        %get3A_1167 = arith.index_cast %add3A_1166 : i32 to index
        %get3A_1168 = arith.constant 0 : index
        %get3A_1169 = tpu.vector_load %arg10[%get3A_1167, %get3A_1168] {strides = array<i32>} : memref<256x64xf32, #tpu.memory_space<vmem>>, vector<1x16xf32>,
        %get3A_1170 = vector.shape_cast %get3A_1169 : vector<1x16xf32> to vector<16xf32>
        %get3A_1171 = arith.index_cast %add3A_1166 : i32 to index
        %get3A_1172 = arith.constant 0 : index
        %get3A_1173 = tpu.vector_load %arg12[%get3A_1171, %get3A_1172] {strides = array<i32>} : memref<256x64xf32, #tpu.memory_space<vmem>>, vector<1x16xf32>,
        %get3A_1174 = vector.shape_cast %get3A_1173 : vector<1x16xf32> to vector<16xf32>
        %sub3A_1175 = arith.subf %get3A_1170, %get3A_1174 : vector<16xf32>
        %mul3A_1176 = arith.mulf %sub3A_1175, %sub3A_1175 : vector<16xf32>
        %get3A_1177 = arith.index_cast %add3A_1166 : i32 to index
        %get3A_1178 = arith.constant 16 : index
        %get3A_1179 = tpu.vector_load %arg10[%get3A_1177, %get3A_1178] {strides = array<i32>} : memref<256x64xf32, #tpu.memory_space<vmem>>, vector<1x16xf32>,
        %get3A_1180 = vector.shape_cast %get3A_1179 : vector<1x16xf32> to vector<16xf32>
        %get3A_1181 = arith.index_cast %add3A_1166 : i32 to index
        %get3A_1182 = arith.constant 16 : index
        %get3A_1183 = tpu.vector_load %arg12[%get3A_1181, %get3A_1182] {strides = array<i32>} : memref<256x64xf32, #tpu.memory_space<vmem>>, vector<1x16xf32>,
        %get3A_1184 = vector.shape_cast %get3A_1183 : vector<1x16xf32> to vector<16xf32>
        %sub3A_1185 = arith.subf %get3A_1180, %get3A_1184 : vector<16xf32>
        %mul3A_1186 = arith.mulf %sub3A_1185, %sub3A_1185 : vector<16xf32>
        %add3A_1187 = arith.addf %mul3A_1176, %mul3A_1186 : vector<16xf32>
        %get3A_1188 = arith.index_cast %add3A_1166 : i32 to index
        %get3A_1189 = arith.constant 32 : index
        %get3A_1190 = tpu.vector_load %arg10[%get3A_1188, %get3A_1189] {strides = array<i32>} : memref<256x64xf32, #tpu.memory_space<vmem>>, vector<1x16xf32>,
        %get3A_1191 = vector.shape_cast %get3A_1190 : vector<1x16xf32> to vector<16xf32>
        %get3A_1192 = arith.index_cast %add3A_1166 : i32 to index
        %get3A_1193 = arith.constant 32 : index
        %get3A_1194 = tpu.vector_load %arg12[%get3A_1192, %get3A_1193] {strides = array<i32>} : memref<256x64xf32, #tpu.memory_space<vmem>>, vector<1x16xf32>,
        %get3A_1195 = vector.shape_cast %get3A_1194 : vector<1x16xf32> to vector<16xf32>
        %sub3A_1196 = arith.subf %get3A_1191, %get3A_1195 : vector<16xf32>
        %mul3A_1197 = arith.mulf %sub3A_1196, %sub3A_1196 : vector<16xf32>
        %add3A_1198 = arith.addf %add3A_1187, %mul3A_1197 : vector<16xf32>
        %get3A_1199 = arith.index_cast %add3A_1166 : i32 to index
        %get3A_1200 = arith.constant 48 : index
        %get3A_1201 = tpu.vector_load %arg10[%get3A_1199, %get3A_1200] {strides = array<i32>} : memref<256x64xf32, #tpu.memory_space<vmem>>, vector<1x16xf32>,
        %get3A_1202 = vector.shape_cast %get3A_1201 : vector<1x16xf32> to vector<16xf32>
        %get3A_1203 = arith.index_cast %add3A_1166 : i32 to index
        %get3A_1204 = arith.constant 48 : index
        %get3A_1205 = tpu.vector_load %arg12[%get3A_1203, %get3A_1204] {strides = array<i32>} : memref<256x64xf32, #tpu.memory_space<vmem>>, vector<1x16xf32>,
        %get3A_1206 = vector.shape_cast %get3A_1205 : vector<1x16xf32> to vector<16xf32>
        %sub3A_1207 = arith.subf %get3A_1202, %get3A_1206 : vector<16xf32>
        %mul3A_1208 = arith.mulf %sub3A_1207, %sub3A_1207 : vector<16xf32>
        %add3A_1209 = arith.addf %add3A_1198, %mul3A_1208 : vector<16xf32>
        %xor3A_1210 = arith.constant 1 : i32
        %xor3A_1211 = vector.broadcast %xor3A_1210 : i32 to vector<16xi32>
        %xor3A_1212 = arith.xori %iota3A, %xor3A_1211 : vector<16xi32>
        %and3A_1213 = arith.constant 1 : i32
        %and3A_1214 = vector.broadcast %and3A_1213 : i32 to vector<16xi32>
        %and3A_1215 = arith.andi %iota3A, %and3A_1214 : vector<16xi32>
        %eq3A_1216 = arith.constant 0 : i32
        %eq3A_1217 = vector.broadcast %eq3A_1216 : i32 to vector<16xi32>
        %eq3A_1218 = arith.cmpi eq, %and3A_1215, %eq3A_1217 : vector<16xi32>
        %lt3A_1219 = arith.constant 0 : i32
        %lt3A_1220 = vector.broadcast %lt3A_1219 : i32 to vector<16xi32>
        %lt3A_1221 = arith.cmpi slt, %xor3A_1212, %lt3A_1220 : vector<16xi32>
        %add3A_1222 = arith.constant 16 : i32
        %add3A_1223 = vector.broadcast %add3A_1222 : i32 to vector<16xi32>
        %add3A_1224 = arith.addi %xor3A_1212, %add3A_1223 : vector<16xi32>
        %select_n3A_1225 = arith.select %lt3A_1221, %add3A_1224, %xor3A_1212 : vector<16xi1>, vector<16xi32>
        %broadcast_in_dim3A_1226 = vector.shape_cast %select_n3A_1225 : vector<16xi32> to vector<16x1xi32>
        %gather3A_1227 = vector.shape_cast %broadcast_in_dim3A_1226 : vector<16x1xi32> to vector<16xi32>
        %gather3A_1228 = tpu.dynamic_gather %add3A_1162[%gather3A_1227] in [0] : vector<16xf32>, vector<16xi32> -> vector<16xf32>
        %lt3A_1229 = arith.constant 0 : i32
        %lt3A_1230 = vector.broadcast %lt3A_1229 : i32 to vector<16xi32>
        %lt3A_1231 = arith.cmpi slt, %xor3A_1212, %lt3A_1230 : vector<16xi32>
        %add3A_1232 = arith.constant 16 : i32
        %add3A_1233 = vector.broadcast %add3A_1232 : i32 to vector<16xi32>
        %add3A_1234 = arith.addi %xor3A_1212, %add3A_1233 : vector<16xi32>
        %select_n3A_1235 = arith.select %lt3A_1231, %add3A_1234, %xor3A_1212 : vector<16xi1>, vector<16xi32>
        %broadcast_in_dim3A_1236 = vector.shape_cast %select_n3A_1235 : vector<16xi32> to vector<16x1xi32>
        %gather3A_1237 = vector.shape_cast %broadcast_in_dim3A_1236 : vector<16x1xi32> to vector<16xi32>
        %gather3A_1238 = tpu.dynamic_gather %add3A_1209[%gather3A_1237] in [0] : vector<16xf32>, vector<16xi32> -> vector<16xf32>
        %select_n3A_1239 = arith.select %eq3A_1218, %add3A_1162, %gather3A_1238 : vector<16xi1>, vector<16xf32>
        %select_n3A_1240 = arith.select %eq3A_1218, %gather3A_1228, %add3A_1209 : vector<16xi1>, vector<16xf32>
        %add3A_1241 = arith.addf %select_n3A_1239, %select_n3A_1240 : vector<16xf32>
        %xor3A_1242 = arith.constant 2 : i32
        %xor3A_1243 = vector.broadcast %xor3A_1242 : i32 to vector<16xi32>
        %xor3A_1244 = arith.xori %iota3A, %xor3A_1243 : vector<16xi32>
        %and3A_1245 = arith.constant 2 : i32
        %and3A_1246 = vector.broadcast %and3A_1245 : i32 to vector<16xi32>
        %and3A_1247 = arith.andi %iota3A, %and3A_1246 : vector<16xi32>
        %eq3A_1248 = arith.constant 0 : i32
        %eq3A_1249 = vector.broadcast %eq3A_1248 : i32 to vector<16xi32>
        %eq3A_1250 = arith.cmpi eq, %and3A_1247, %eq3A_1249 : vector<16xi32>
        %lt3A_1251 = arith.constant 0 : i32
        %lt3A_1252 = vector.broadcast %lt3A_1251 : i32 to vector<16xi32>
        %lt3A_1253 = arith.cmpi slt, %xor3A_1244, %lt3A_1252 : vector<16xi32>
        %add3A_1254 = arith.constant 16 : i32
        %add3A_1255 = vector.broadcast %add3A_1254 : i32 to vector<16xi32>
        %add3A_1256 = arith.addi %xor3A_1244, %add3A_1255 : vector<16xi32>
        %select_n3A_1257 = arith.select %lt3A_1253, %add3A_1256, %xor3A_1244 : vector<16xi1>, vector<16xi32>
        %broadcast_in_dim3A_1258 = vector.shape_cast %select_n3A_1257 : vector<16xi32> to vector<16x1xi32>
        %gather3A_1259 = vector.shape_cast %broadcast_in_dim3A_1258 : vector<16x1xi32> to vector<16xi32>
        %gather3A_1260 = tpu.dynamic_gather %add3A_1115[%gather3A_1259] in [0] : vector<16xf32>, vector<16xi32> -> vector<16xf32>
        %lt3A_1261 = arith.constant 0 : i32
        %lt3A_1262 = vector.broadcast %lt3A_1261 : i32 to vector<16xi32>
        %lt3A_1263 = arith.cmpi slt, %xor3A_1244, %lt3A_1262 : vector<16xi32>
        %add3A_1264 = arith.constant 16 : i32
        %add3A_1265 = vector.broadcast %add3A_1264 : i32 to vector<16xi32>
        %add3A_1266 = arith.addi %xor3A_1244, %add3A_1265 : vector<16xi32>
        %select_n3A_1267 = arith.select %lt3A_1263, %add3A_1266, %xor3A_1244 : vector<16xi1>, vector<16xi32>
        %broadcast_in_dim3A_1268 = vector.shape_cast %select_n3A_1267 : vector<16xi32> to vector<16x1xi32>
        %gather3A_1269 = vector.shape_cast %broadcast_in_dim3A_1268 : vector<16x1xi32> to vector<16xi32>
        %gather3A_1270 = tpu.dynamic_gather %add3A_1241[%gather3A_1269] in [0] : vector<16xf32>, vector<16xi32> -> vector<16xf32>
        %select_n3A_1271 = arith.select %eq3A_1250, %add3A_1115, %gather3A_1270 : vector<16xi1>, vector<16xf32>
        %select_n3A_1272 = arith.select %eq3A_1250, %gather3A_1260, %add3A_1241 : vector<16xi1>, vector<16xf32>
        %add3A_1273 = arith.addf %select_n3A_1271, %select_n3A_1272 : vector<16xf32>
        %xor3A_1274 = arith.constant 4 : i32
        %xor3A_1275 = vector.broadcast %xor3A_1274 : i32 to vector<16xi32>
        %xor3A_1276 = arith.xori %iota3A, %xor3A_1275 : vector<16xi32>
        %and3A_1277 = arith.constant 4 : i32
        %and3A_1278 = vector.broadcast %and3A_1277 : i32 to vector<16xi32>
        %and3A_1279 = arith.andi %iota3A, %and3A_1278 : vector<16xi32>
        %eq3A_1280 = arith.constant 0 : i32
        %eq3A_1281 = vector.broadcast %eq3A_1280 : i32 to vector<16xi32>
        %eq3A_1282 = arith.cmpi eq, %and3A_1279, %eq3A_1281 : vector<16xi32>
        %lt3A_1283 = arith.constant 0 : i32
        %lt3A_1284 = vector.broadcast %lt3A_1283 : i32 to vector<16xi32>
        %lt3A_1285 = arith.cmpi slt, %xor3A_1276, %lt3A_1284 : vector<16xi32>
        %add3A_1286 = arith.constant 16 : i32
        %add3A_1287 = vector.broadcast %add3A_1286 : i32 to vector<16xi32>
        %add3A_1288 = arith.addi %xor3A_1276, %add3A_1287 : vector<16xi32>
        %select_n3A_1289 = arith.select %lt3A_1285, %add3A_1288, %xor3A_1276 : vector<16xi1>, vector<16xi32>
        %broadcast_in_dim3A_1290 = vector.shape_cast %select_n3A_1289 : vector<16xi32> to vector<16x1xi32>
        %gather3A_1291 = vector.shape_cast %broadcast_in_dim3A_1290 : vector<16x1xi32> to vector<16xi32>
        %gather3A_1292 = tpu.dynamic_gather %add3A_989[%gather3A_1291] in [0] : vector<16xf32>, vector<16xi32> -> vector<16xf32>
        %lt3A_1293 = arith.constant 0 : i32
        %lt3A_1294 = vector.broadcast %lt3A_1293 : i32 to vector<16xi32>
        %lt3A_1295 = arith.cmpi slt, %xor3A_1276, %lt3A_1294 : vector<16xi32>
        %add3A_1296 = arith.constant 16 : i32
        %add3A_1297 = vector.broadcast %add3A_1296 : i32 to vector<16xi32>
        %add3A_1298 = arith.addi %xor3A_1276, %add3A_1297 : vector<16xi32>
        %select_n3A_1299 = arith.select %lt3A_1295, %add3A_1298, %xor3A_1276 : vector<16xi1>, vector<16xi32>
        %broadcast_in_dim3A_1300 = vector.shape_cast %select_n3A_1299 : vector<16xi32> to vector<16x1xi32>
        %gather3A_1301 = vector.shape_cast %broadcast_in_dim3A_1300 : vector<16x1xi32> to vector<16xi32>
        %gather3A_1302 = tpu.dynamic_gather %add3A_1273[%gather3A_1301] in [0] : vector<16xf32>, vector<16xi32> -> vector<16xf32>
        %select_n3A_1303 = arith.select %eq3A_1282, %add3A_989, %gather3A_1302 : vector<16xi1>, vector<16xf32>
        %select_n3A_1304 = arith.select %eq3A_1282, %gather3A_1292, %add3A_1273 : vector<16xi1>, vector<16xf32>
        %add3A_1305 = arith.addf %select_n3A_1303, %select_n3A_1304 : vector<16xf32>
        %xor3A_1306 = arith.constant 8 : i32
        %xor3A_1307 = vector.broadcast %xor3A_1306 : i32 to vector<16xi32>
        %xor3A_1308 = arith.xori %iota3A, %xor3A_1307 : vector<16xi32>
        %and3A_1309 = arith.constant 8 : i32
        %and3A_1310 = vector.broadcast %and3A_1309 : i32 to vector<16xi32>
        %and3A_1311 = arith.andi %iota3A, %and3A_1310 : vector<16xi32>
        %eq3A_1312 = arith.constant 0 : i32
        %eq3A_1313 = vector.broadcast %eq3A_1312 : i32 to vector<16xi32>
        %eq3A_1314 = arith.cmpi eq, %and3A_1311, %eq3A_1313 : vector<16xi32>
        %lt3A_1315 = arith.constant 0 : i32
        %lt3A_1316 = vector.broadcast %lt3A_1315 : i32 to vector<16xi32>
        %lt3A_1317 = arith.cmpi slt, %xor3A_1308, %lt3A_1316 : vector<16xi32>
        %add3A_1318 = arith.constant 16 : i32
        %add3A_1319 = vector.broadcast %add3A_1318 : i32 to vector<16xi32>
        %add3A_1320 = arith.addi %xor3A_1308, %add3A_1319 : vector<16xi32>
        %select_n3A_1321 = arith.select %lt3A_1317, %add3A_1320, %xor3A_1308 : vector<16xi1>, vector<16xi32>
        %broadcast_in_dim3A_1322 = vector.shape_cast %select_n3A_1321 : vector<16xi32> to vector<16x1xi32>
        %gather3A_1323 = vector.shape_cast %broadcast_in_dim3A_1322 : vector<16x1xi32> to vector<16xi32>
        %gather3A_1324 = tpu.dynamic_gather %add3A_705[%gather3A_1323] in [0] : vector<16xf32>, vector<16xi32> -> vector<16xf32>
        %lt3A_1325 = arith.constant 0 : i32
        %lt3A_1326 = vector.broadcast %lt3A_1325 : i32 to vector<16xi32>
        %lt3A_1327 = arith.cmpi slt, %xor3A_1308, %lt3A_1326 : vector<16xi32>
        %add3A_1328 = arith.constant 16 : i32
        %add3A_1329 = vector.broadcast %add3A_1328 : i32 to vector<16xi32>
        %add3A_1330 = arith.addi %xor3A_1308, %add3A_1329 : vector<16xi32>
        %select_n3A_1331 = arith.select %lt3A_1327, %add3A_1330, %xor3A_1308 : vector<16xi1>, vector<16xi32>
        %broadcast_in_dim3A_1332 = vector.shape_cast %select_n3A_1331 : vector<16xi32> to vector<16x1xi32>
        %gather3A_1333 = vector.shape_cast %broadcast_in_dim3A_1332 : vector<16x1xi32> to vector<16xi32>
        %gather3A_1334 = tpu.dynamic_gather %add3A_1305[%gather3A_1333] in [0] : vector<16xf32>, vector<16xi32> -> vector<16xf32>
        %select_n3A_1335 = arith.select %eq3A_1314, %add3A_705, %gather3A_1334 : vector<16xi1>, vector<16xf32>
        %select_n3A_1336 = arith.select %eq3A_1314, %gather3A_1324, %add3A_1305 : vector<16xi1>, vector<16xf32>
        %add3A_1337 = arith.addf %select_n3A_1335, %select_n3A_1336 : vector<16xf32>
        %mul3A_1338 = arith.constant 16 : i32
        %mul3A_1339 = arith.muli %scan3A_112, %mul3A_1338 : i32
        %swap3A_1340 = arith.index_cast %mul3A_1339 : i32 to index
        %swap3A_1341 = tpu.vector_load %arg14[%swap3A_1340] {strides = array<i32>} : memref<256xf32, #tpu.memory_space<vmem>>, vector<16xf32>,
        %swap3A_1342 = vector.shape_cast %swap3A_1341 : vector<16xf32> to vector<16xf32>
        %swap3A_1343 = vector.shape_cast %add3A_1337 : vector<16xf32> to vector<16xf32>
        tpu.vector_store %arg14[%swap3A_1340], %swap3A_1343 {strides = array<i32>} : memref<256xf32, #tpu.memory_space<vmem>>, vector<16xf32>,
      }
      %scan3A_70 = arith.constant 16 : i32
      %scan3A_71 = arith.constant 0 : i32
      %scan3A_72 = arith.constant 16 : i32
      %scan3A_73 = arith.addi %scan3A_71, %scan3A_72 : i32
      %scan3A_74 = arith.constant 1 : i32
      %scan3A_75:4 = scf.for %scan3A_112 = %scan3A_71 to %scan3A_73 step %scan3A_74 iter_args(%scan3A_113 = %scan3A_42, %scan3A_114 = %scan3A_43, %scan3A_115 = %scan3A_44, %scan3A_116 = %scan3A_45) -> (vector<16xf32>, vector<16xf32>, vector<16xf32>, vector<16xf32>)  : i32 {
        %mul3A_117 = arith.constant 16 : i32
        %mul3A_118 = arith.muli %scan3A_112, %mul3A_117 : i32
        %get3A = arith.index_cast %mul3A_118 : i32 to index
        %get3A_119 = tpu.vector_load %arg14[%get3A] {strides = array<i32>} : memref<256xf32, #tpu.memory_space<vmem>>, vector<16xf32>,
        %get3A_120 = vector.shape_cast %get3A_119 : vector<16xf32> to vector<16xf32>
        %add3A_121 = arith.constant 1.000000e+00 : f32
        %add3A_122 = vector.broadcast %add3A_121 : f32 to vector<16xf32>
        %add3A_123 = arith.addf %add3A_122, %get3A_120 : vector<16xf32>
        %div3A = arith.constant 1.000000e+00 : f32
        %div3A_124 = vector.broadcast %div3A : f32 to vector<16xf32>
        %div3A_125 = arith.divf %div3A_124, %add3A_123 : vector<16xf32>
        %mul3A_126 = arith.constant 256 : i32
        %mul3A_127 = arith.muli %add3A_49, %mul3A_126 : i32
        %mul3A_128 = arith.constant 16 : i32
        %mul3A_129 = arith.muli %scan3A_112, %mul3A_128 : i32
        %add3A_130 = arith.addi %mul3A_127, %mul3A_129 : i32
        %get3A_131 = arith.index_cast %add3A_130 : i32 to index
        %get3A_132 = tpu.vector_load %arg9[%get3A_131] {strides = array<i32>} : memref<8192xf32, #tpu.memory_space<vmem>>, vector<16xf32>,
        %get3A_133 = vector.shape_cast %get3A_132 : vector<16xf32> to vector<16xf32>
        %neg3A = arith.constant 0.000000e+00 : f32
        %neg3A_134 = vector.broadcast %neg3A : f32 to vector<16xf32>
        %neg3A_135 = arith.subf %neg3A_134, %get3A_120 : vector<16xf32>
        %mul3A_136 = arith.mulf %neg3A_135, %div3A_125 : vector<16xf32>
        %add3A_137 = arith.addf %scan3A_113, %mul3A_136 : vector<16xf32>
        %bitcast_convert_type3A = tpu.bitcast %div3A_125 : vector<16xf32> -> vector<16xi32>
        %shift_right_arithmetic3A = arith.constant 23 : i32
        %shift_right_arithmetic3A_138 = vector.broadcast %shift_right_arithmetic3A : i32 to vector<16xi32>
        %shift_right_arithmetic3A_139 = arith.shrsi %bitcast_convert_type3A, %shift_right_arithmetic3A_138 : vector<16xi32>
        %and3A = arith.constant 255 : i32
        %and3A_140 = vector.broadcast %and3A : i32 to vector<16xi32>
        %and3A_141 = arith.andi %shift_right_arithmetic3A_139, %and3A_140 : vector<16xi32>
        %sub3A = arith.constant 127 : i32
        %sub3A_142 = vector.broadcast %sub3A : i32 to vector<16xi32>
        %sub3A_143 = arith.subi %and3A_141, %sub3A_142 : vector<16xi32>
        %and3A_144 = arith.constant 8388607 : i32
        %and3A_145 = vector.broadcast %and3A_144 : i32 to vector<16xi32>
        %and3A_146 = arith.andi %bitcast_convert_type3A, %and3A_145 : vector<16xi32>
        %or3A = arith.constant 1065353216 : i32
        %or3A_147 = vector.broadcast %or3A : i32 to vector<16xi32>
        %or3A_148 = arith.ori %and3A_146, %or3A_147 : vector<16xi32>
        %bitcast_convert_type3A_149 = tpu.bitcast %or3A_148 : vector<16xi32> -> vector<16xf32>
        %gt3A = arith.constant 1.41421354 : f32
        %gt3A_150 = vector.broadcast %gt3A : f32 to vector<16xf32>
        %gt3A_151 = arith.cmpf ogt, %bitcast_convert_type3A_149, %gt3A_150 : vector<16xf32>
        %mul3A_152 = arith.constant 5.000000e-01 : f32
        %mul3A_153 = vector.broadcast %mul3A_152 : f32 to vector<16xf32>
        %mul3A_154 = arith.mulf %bitcast_convert_type3A_149, %mul3A_153 : vector<16xf32>
        %select_n3A = arith.select %gt3A_151, %mul3A_154, %bitcast_convert_type3A_149 : vector<16xi1>, vector<16xf32>
        %convert_element_type3A_155 = arith.sitofp %sub3A_143 : vector<16xi32> to vector<16xf32>
        %jit3A = arith.constant 1.000000e+00 : f32
        %jit3A_156 = arith.constant 0.000000e+00 : f32
        %broadcast_in_dim3A_157 = vector.broadcast %jit3A : f32 to vector<16xf32>
        %broadcast_in_dim3A_158 = vector.broadcast %jit3A_156 : f32 to vector<16xf32>
        %select_n3A_159 = arith.select %gt3A_151, %broadcast_in_dim3A_157, %broadcast_in_dim3A_158 : vector<16xi1>, vector<16xf32>
        %add3A_160 = arith.addf %convert_element_type3A_155, %select_n3A_159 : vector<16xf32>
        %sub3A_161 = arith.constant 1.000000e+00 : f32
        %sub3A_162 = vector.broadcast %sub3A_161 : f32 to vector<16xf32>
        %sub3A_163 = arith.subf %select_n3A, %sub3A_162 : vector<16xf32>
        %add3A_164 = arith.constant 1.000000e+00 : f32
        %add3A_165 = vector.broadcast %add3A_164 : f32 to vector<16xf32>
        %add3A_166 = arith.addf %select_n3A, %add3A_165 : vector<16xf32>
        %div3A_167 = arith.divf %sub3A_163, %add3A_166 : vector<16xf32>
        %mul3A_168 = arith.mulf %div3A_167, %div3A_167 : vector<16xf32>
        %mul3A_169 = arith.constant 0.111111112 : f32
        %mul3A_170 = vector.broadcast %mul3A_169 : f32 to vector<16xf32>
        %mul3A_171 = arith.mulf %mul3A_168, %mul3A_170 : vector<16xf32>
        %add3A_172 = arith.constant 0.142857149 : f32
        %add3A_173 = vector.broadcast %add3A_172 : f32 to vector<16xf32>
        %add3A_174 = arith.addf %add3A_173, %mul3A_171 : vector<16xf32>
        %mul3A_175 = arith.mulf %mul3A_168, %add3A_174 : vector<16xf32>
        %add3A_176 = arith.constant 2.000000e-01 : f32
        %add3A_177 = vector.broadcast %add3A_176 : f32 to vector<16xf32>
        %add3A_178 = arith.addf %add3A_177, %mul3A_175 : vector<16xf32>
        %mul3A_179 = arith.mulf %mul3A_168, %add3A_178 : vector<16xf32>
        %add3A_180 = arith.constant 0.333333343 : f32
        %add3A_181 = vector.broadcast %add3A_180 : f32 to vector<16xf32>
        %add3A_182 = arith.addf %add3A_181, %mul3A_179 : vector<16xf32>
        %mul3A_183 = arith.constant 0.693147182 : f32
        %mul3A_184 = vector.broadcast %mul3A_183 : f32 to vector<16xf32>
        %mul3A_185 = arith.mulf %add3A_160, %mul3A_184 : vector<16xf32>
        %mul3A_186 = arith.constant 2.000000e+00 : f32
        %mul3A_187 = vector.broadcast %mul3A_186 : f32 to vector<16xf32>
        %mul3A_188 = arith.mulf %mul3A_187, %div3A_167 : vector<16xf32>
        %mul3A_189 = arith.mulf %mul3A_168, %add3A_182 : vector<16xf32>
        %add3A_190 = arith.constant 1.000000e+00 : f32
        %add3A_191 = vector.broadcast %add3A_190 : f32 to vector<16xf32>
        %add3A_192 = arith.addf %add3A_191, %mul3A_189 : vector<16xf32>
        %mul3A_193 = arith.mulf %mul3A_188, %add3A_192 : vector<16xf32>
        %add3A_194 = arith.addf %mul3A_185, %mul3A_193 : vector<16xf32>
        %mul3A_195 = arith.mulf %get3A_133, %add3A_194 : vector<16xf32>
        %add3A_196 = arith.addf %scan3A_114, %mul3A_195 : vector<16xf32>
        %add3A_197 = arith.constant 9.99999996E-13 : f32
        %add3A_198 = vector.broadcast %add3A_197 : f32 to vector<16xf32>
        %add3A_199 = arith.addf %get3A_133, %add3A_198 : vector<16xf32>
        %bitcast_convert_type3A_200 = tpu.bitcast %add3A_199 : vector<16xf32> -> vector<16xi32>
        %shift_right_arithmetic3A_201 = arith.constant 23 : i32
        %shift_right_arithmetic3A_202 = vector.broadcast %shift_right_arithmetic3A_201 : i32 to vector<16xi32>
        %shift_right_arithmetic3A_203 = arith.shrsi %bitcast_convert_type3A_200, %shift_right_arithmetic3A_202 : vector<16xi32>
        %and3A_204 = arith.constant 255 : i32
        %and3A_205 = vector.broadcast %and3A_204 : i32 to vector<16xi32>
        %and3A_206 = arith.andi %shift_right_arithmetic3A_203, %and3A_205 : vector<16xi32>
        %sub3A_207 = arith.constant 127 : i32
        %sub3A_208 = vector.broadcast %sub3A_207 : i32 to vector<16xi32>
        %sub3A_209 = arith.subi %and3A_206, %sub3A_208 : vector<16xi32>
        %and3A_210 = arith.constant 8388607 : i32
        %and3A_211 = vector.broadcast %and3A_210 : i32 to vector<16xi32>
        %and3A_212 = arith.andi %bitcast_convert_type3A_200, %and3A_211 : vector<16xi32>
        %or3A_213 = arith.constant 1065353216 : i32
        %or3A_214 = vector.broadcast %or3A_213 : i32 to vector<16xi32>
        %or3A_215 = arith.ori %and3A_212, %or3A_214 : vector<16xi32>
        %bitcast_convert_type3A_216 = tpu.bitcast %or3A_215 : vector<16xi32> -> vector<16xf32>
        %gt3A_217 = arith.constant 1.41421354 : f32
        %gt3A_218 = vector.broadcast %gt3A_217 : f32 to vector<16xf32>
        %gt3A_219 = arith.cmpf ogt, %bitcast_convert_type3A_216, %gt3A_218 : vector<16xf32>
        %mul3A_220 = arith.constant 5.000000e-01 : f32
        %mul3A_221 = vector.broadcast %mul3A_220 : f32 to vector<16xf32>
        %mul3A_222 = arith.mulf %bitcast_convert_type3A_216, %mul3A_221 : vector<16xf32>
        %select_n3A_223 = arith.select %gt3A_219, %mul3A_222, %bitcast_convert_type3A_216 : vector<16xi1>, vector<16xf32>
        %convert_element_type3A_224 = arith.sitofp %sub3A_209 : vector<16xi32> to vector<16xf32>
        %jit3A_225 = arith.constant 1.000000e+00 : f32
        %jit3A_226 = arith.constant 0.000000e+00 : f32
        %broadcast_in_dim3A_227 = vector.broadcast %jit3A_225 : f32 to vector<16xf32>
        %broadcast_in_dim3A_228 = vector.broadcast %jit3A_226 : f32 to vector<16xf32>
        %select_n3A_229 = arith.select %gt3A_219, %broadcast_in_dim3A_227, %broadcast_in_dim3A_228 : vector<16xi1>, vector<16xf32>
        %add3A_230 = arith.addf %convert_element_type3A_224, %select_n3A_229 : vector<16xf32>
        %sub3A_231 = arith.constant 1.000000e+00 : f32
        %sub3A_232 = vector.broadcast %sub3A_231 : f32 to vector<16xf32>
        %sub3A_233 = arith.subf %select_n3A_223, %sub3A_232 : vector<16xf32>
        %add3A_234 = arith.constant 1.000000e+00 : f32
        %add3A_235 = vector.broadcast %add3A_234 : f32 to vector<16xf32>
        %add3A_236 = arith.addf %select_n3A_223, %add3A_235 : vector<16xf32>
        %div3A_237 = arith.divf %sub3A_233, %add3A_236 : vector<16xf32>
        %mul3A_238 = arith.mulf %div3A_237, %div3A_237 : vector<16xf32>
        %mul3A_239 = arith.constant 0.111111112 : f32
        %mul3A_240 = vector.broadcast %mul3A_239 : f32 to vector<16xf32>
        %mul3A_241 = arith.mulf %mul3A_238, %mul3A_240 : vector<16xf32>
        %add3A_242 = arith.constant 0.142857149 : f32
        %add3A_243 = vector.broadcast %add3A_242 : f32 to vector<16xf32>
        %add3A_244 = arith.addf %add3A_243, %mul3A_241 : vector<16xf32>
        %mul3A_245 = arith.mulf %mul3A_238, %add3A_244 : vector<16xf32>
        %add3A_246 = arith.constant 2.000000e-01 : f32
        %add3A_247 = vector.broadcast %add3A_246 : f32 to vector<16xf32>
        %add3A_248 = arith.addf %add3A_247, %mul3A_245 : vector<16xf32>
        %mul3A_249 = arith.mulf %mul3A_238, %add3A_248 : vector<16xf32>
        %add3A_250 = arith.constant 0.333333343 : f32
        %add3A_251 = vector.broadcast %add3A_250 : f32 to vector<16xf32>
        %add3A_252 = arith.addf %add3A_251, %mul3A_249 : vector<16xf32>
        %mul3A_253 = arith.constant 0.693147182 : f32
        %mul3A_254 = vector.broadcast %mul3A_253 : f32 to vector<16xf32>
        %mul3A_255 = arith.mulf %add3A_230, %mul3A_254 : vector<16xf32>
        %mul3A_256 = arith.constant 2.000000e+00 : f32
        %mul3A_257 = vector.broadcast %mul3A_256 : f32 to vector<16xf32>
        %mul3A_258 = arith.mulf %mul3A_257, %div3A_237 : vector<16xf32>
        %mul3A_259 = arith.mulf %mul3A_238, %add3A_252 : vector<16xf32>
        %add3A_260 = arith.constant 1.000000e+00 : f32
        %add3A_261 = vector.broadcast %add3A_260 : f32 to vector<16xf32>
        %add3A_262 = arith.addf %add3A_261, %mul3A_259 : vector<16xf32>
        %mul3A_263 = arith.mulf %mul3A_258, %add3A_262 : vector<16xf32>
        %add3A_264 = arith.addf %mul3A_255, %mul3A_263 : vector<16xf32>
        %mul3A_265 = arith.mulf %get3A_133, %add3A_264 : vector<16xf32>
        %add3A_266 = arith.addf %scan3A_115, %mul3A_265 : vector<16xf32>
        %add3A_267 = arith.addf %scan3A_116, %get3A_133 : vector<16xf32>
        scf.yield %add3A_137, %add3A_196, %add3A_266, %add3A_267 : vector<16xf32>, vector<16xf32>, vector<16xf32>, vector<16xf32>
      }
      %scan3A_76 = arith.constant 16 : i32
      %mul3A_77 = arith.constant 2 : i32
      %mul3A_78 = arith.muli %mul3A_77, %scan3A_41 : i32
      %add3A_79 = arith.constant 1 : i32
      %add3A_80 = arith.addi %mul3A_78, %add3A_79 : i32
      %mul3A_81 = arith.constant 256 : i32
      %mul3A_82 = arith.muli %add3A_80, %mul3A_81 : i32
      %mul3A_83 = arith.constant 256 : i32
      %mul3A_84 = arith.muli %add3A_80, %mul3A_83 : i32
      %dma_wait3A_85 = tpu.memref_slice %arg7[%mul3A_82] : memref<8192xi32, #tpu.memory_space<vmem>> -> memref<256xi32, #tpu.memory_space<vmem>>
      %dma_wait3A_86 = arith.constant 0 : i32
      %dma_wait3A_87 = arith.constant 0 : i32
      %dma_wait3A_88 = tpu.memref_slice %arg5[%dma_wait3A_86, %dma_wait3A_87] : memref<100000x64xf32, #tpu.memory_space<hbm>> -> memref<100000x64xf32, #tpu.memory_space<hbm>>
      tpu.wait_indirect_dma semaphore(%arg17 : memref<!tpu.dma_semaphore, #tpu.memory_space<semaphore_mem>>) src(%dma_wait3A_88 : memref<100000x64xf32, #tpu.memory_space<hbm>>) dst(%arg11 : memref<256x64xf32, #tpu.memory_space<vmem>>)
      %dma_wait3A_89 = tpu.memref_slice %arg8[%mul3A_84] : memref<8192xi32, #tpu.memory_space<vmem>> -> memref<256xi32, #tpu.memory_space<vmem>>
      %dma_wait3A_90 = arith.constant 0 : i32
      %dma_wait3A_91 = arith.constant 0 : i32
      %dma_wait3A_92 = tpu.memref_slice %arg5[%dma_wait3A_90, %dma_wait3A_91] : memref<100000x64xf32, #tpu.memory_space<hbm>> -> memref<100000x64xf32, #tpu.memory_space<hbm>>
      tpu.wait_indirect_dma semaphore(%arg19 : memref<!tpu.dma_semaphore, #tpu.memory_space<semaphore_mem>>) src(%dma_wait3A_92 : memref<100000x64xf32, #tpu.memory_space<hbm>>) dst(%arg13 : memref<256x64xf32, #tpu.memory_space<vmem>>)
      %add3A_93 = arith.constant 1 : i32
      %add3A_94 = arith.addi %add3A_80, %add3A_93 : i32
      %lt3A_95 = arith.constant 32 : i32
      %lt3A_96 = arith.cmpi slt, %add3A_94, %lt3A_95 : i32
      %convert_element_type3A_97 = arith.extui %lt3A_96 : i1 to i32
      %cond3A_98 = arith.constant 0 : i32
      %cond3A_99 = arith.cmpi ne, %convert_element_type3A_97, %cond3A_98 : i32
      scf.if %cond3A_99 {
        %add3A_112 = arith.constant 1 : i32
        %add3A_113 = arith.addi %add3A_80, %add3A_112 : i32
        %mul3A_114 = arith.constant 256 : i32
        %mul3A_115 = arith.muli %add3A_113, %mul3A_114 : i32
        %mul3A_116 = arith.constant 256 : i32
        %mul3A_117 = arith.muli %add3A_113, %mul3A_116 : i32
        %dma_start3A_118 = tpu.memref_slice %arg7[%mul3A_115] : memref<8192xi32, #tpu.memory_space<vmem>> -> memref<256xi32, #tpu.memory_space<vmem>>
        %dma_start3A_119 = arith.constant 0 : i32
        %dma_start3A_120 = arith.constant 0 : i32
        %dma_start3A_121 = tpu.memref_slice %arg5[%dma_start3A_119, %dma_start3A_120] : memref<100000x64xf32, #tpu.memory_space<hbm>> -> memref<100000x64xf32, #tpu.memory_space<hbm>>
        tpu.enqueue_indirect_dma source(%dma_start3A_121 : memref<100000x64xf32, #tpu.memory_space<hbm>>) target(%arg10 : memref<256x64xf32, #tpu.memory_space<vmem>>) offsets(%dma_start3A_118 : memref<256xi32, #tpu.memory_space<vmem>>) semaphore(%arg16 : memref<!tpu.dma_semaphore, #tpu.memory_space<semaphore_mem>>)
        %dma_start3A_122 = tpu.memref_slice %arg8[%mul3A_117] : memref<8192xi32, #tpu.memory_space<vmem>> -> memref<256xi32, #tpu.memory_space<vmem>>
        %dma_start3A_123 = arith.constant 0 : i32
        %dma_start3A_124 = arith.constant 0 : i32
        %dma_start3A_125 = tpu.memref_slice %arg5[%dma_start3A_123, %dma_start3A_124] : memref<100000x64xf32, #tpu.memory_space<hbm>> -> memref<100000x64xf32, #tpu.memory_space<hbm>>
        tpu.enqueue_indirect_dma source(%dma_start3A_125 : memref<100000x64xf32, #tpu.memory_space<hbm>>) target(%arg12 : memref<256x64xf32, #tpu.memory_space<vmem>>) offsets(%dma_start3A_122 : memref<256xi32, #tpu.memory_space<vmem>>) semaphore(%arg18 : memref<!tpu.dma_semaphore, #tpu.memory_space<semaphore_mem>>)
      } else {
      }
      %scan3A_100 = arith.constant 0 : i32
      %scan3A_101 = arith.constant 0 : i32
      %scan3A_102 = arith.constant 16 : i32
      %scan3A_103 = arith.addi %scan3A_101, %scan3A_102 : i32
      %scan3A_104 = arith.constant 1 : i32
      scf.for %scan3A_112 = %scan3A_101 to %scan3A_103 step %scan3A_104  : i32 {
        %mul3A_113 = arith.constant 16 : i32
        %mul3A_114 = arith.muli %scan3A_112, %mul3A_113 : i32
        %add3A_115 = arith.constant 0 : i32
        %add3A_116 = arith.addi %mul3A_114, %add3A_115 : i32
        %get3A = arith.index_cast %add3A_116 : i32 to index
        %get3A_117 = arith.constant 0 : index
        %get3A_118 = tpu.vector_load %arg11[%get3A, %get3A_117] {strides = array<i32>} : memref<256x64xf32, #tpu.memory_space<vmem>>, vector<1x16xf32>,
        %get3A_119 = vector.shape_cast %get3A_118 : vector<1x16xf32> to vector<16xf32>
        %get3A_120 = arith.index_cast %add3A_116 : i32 to index
        %get3A_121 = arith.constant 0 : index
        %get3A_122 = tpu.vector_load %arg13[%get3A_120, %get3A_121] {strides = array<i32>} : memref<256x64xf32, #tpu.memory_space<vmem>>, vector<1x16xf32>,
        %get3A_123 = vector.shape_cast %get3A_122 : vector<1x16xf32> to vector<16xf32>
        %sub3A = arith.subf %get3A_119, %get3A_123 : vector<16xf32>
        %mul3A_124 = arith.mulf %sub3A, %sub3A : vector<16xf32>
        %get3A_125 = arith.index_cast %add3A_116 : i32 to index
        %get3A_126 = arith.constant 16 : index
        %get3A_127 = tpu.vector_load %arg11[%get3A_125, %get3A_126] {strides = array<i32>} : memref<256x64xf32, #tpu.memory_space<vmem>>, vector<1x16xf32>,
        %get3A_128 = vector.shape_cast %get3A_127 : vector<1x16xf32> to vector<16xf32>
        %get3A_129 = arith.index_cast %add3A_116 : i32 to index
        %get3A_130 = arith.constant 16 : index
        %get3A_131 = tpu.vector_load %arg13[%get3A_129, %get3A_130] {strides = array<i32>} : memref<256x64xf32, #tpu.memory_space<vmem>>, vector<1x16xf32>,
        %get3A_132 = vector.shape_cast %get3A_131 : vector<1x16xf32> to vector<16xf32>
        %sub3A_133 = arith.subf %get3A_128, %get3A_132 : vector<16xf32>
        %mul3A_134 = arith.mulf %sub3A_133, %sub3A_133 : vector<16xf32>
        %add3A_135 = arith.addf %mul3A_124, %mul3A_134 : vector<16xf32>
        %get3A_136 = arith.index_cast %add3A_116 : i32 to index
        %get3A_137 = arith.constant 32 : index
        %get3A_138 = tpu.vector_load %arg11[%get3A_136, %get3A_137] {strides = array<i32>} : memref<256x64xf32, #tpu.memory_space<vmem>>, vector<1x16xf32>,
        %get3A_139 = vector.shape_cast %get3A_138 : vector<1x16xf32> to vector<16xf32>
        %get3A_140 = arith.index_cast %add3A_116 : i32 to index
        %get3A_141 = arith.constant 32 : index
        %get3A_142 = tpu.vector_load %arg13[%get3A_140, %get3A_141] {strides = array<i32>} : memref<256x64xf32, #tpu.memory_space<vmem>>, vector<1x16xf32>,
        %get3A_143 = vector.shape_cast %get3A_142 : vector<1x16xf32> to vector<16xf32>
        %sub3A_144 = arith.subf %get3A_139, %get3A_143 : vector<16xf32>
        %mul3A_145 = arith.mulf %sub3A_144, %sub3A_144 : vector<16xf32>
        %add3A_146 = arith.addf %add3A_135, %mul3A_145 : vector<16xf32>
        %get3A_147 = arith.index_cast %add3A_116 : i32 to index
        %get3A_148 = arith.constant 48 : index
        %get3A_149 = tpu.vector_load %arg11[%get3A_147, %get3A_148] {strides = array<i32>} : memref<256x64xf32, #tpu.memory_space<vmem>>, vector<1x16xf32>,
        %get3A_150 = vector.shape_cast %get3A_149 : vector<1x16xf32> to vector<16xf32>
        %get3A_151 = arith.index_cast %add3A_116 : i32 to index
        %get3A_152 = arith.constant 48 : index
        %get3A_153 = tpu.vector_load %arg13[%get3A_151, %get3A_152] {strides = array<i32>} : memref<256x64xf32, #tpu.memory_space<vmem>>, vector<1x16xf32>,
        %get3A_154 = vector.shape_cast %get3A_153 : vector<1x16xf32> to vector<16xf32>
        %sub3A_155 = arith.subf %get3A_150, %get3A_154 : vector<16xf32>
        %mul3A_156 = arith.mulf %sub3A_155, %sub3A_155 : vector<16xf32>
        %add3A_157 = arith.addf %add3A_146, %mul3A_156 : vector<16xf32>
        %mul3A_158 = arith.constant 16 : i32
        %mul3A_159 = arith.muli %scan3A_112, %mul3A_158 : i32
        %add3A_160 = arith.constant 1 : i32
        %add3A_161 = arith.addi %mul3A_159, %add3A_160 : i32
        %get3A_162 = arith.index_cast %add3A_161 : i32 to index
        %get3A_163 = arith.constant 0 : index
        %get3A_164 = tpu.vector_load %arg11[%get3A_162, %get3A_163] {strides = array<i32>} : memref<256x64xf32, #tpu.memory_space<vmem>>, vector<1x16xf32>,
        %get3A_165 = vector.shape_cast %get3A_164 : vector<1x16xf32> to vector<16xf32>
        %get3A_166 = arith.index_cast %add3A_161 : i32 to index
        %get3A_167 = arith.constant 0 : index
        %get3A_168 = tpu.vector_load %arg13[%get3A_166, %get3A_167] {strides = array<i32>} : memref<256x64xf32, #tpu.memory_space<vmem>>, vector<1x16xf32>,
        %get3A_169 = vector.shape_cast %get3A_168 : vector<1x16xf32> to vector<16xf32>
        %sub3A_170 = arith.subf %get3A_165, %get3A_169 : vector<16xf32>
        %mul3A_171 = arith.mulf %sub3A_170, %sub3A_170 : vector<16xf32>
        %get3A_172 = arith.index_cast %add3A_161 : i32 to index
        %get3A_173 = arith.constant 16 : index
        %get3A_174 = tpu.vector_load %arg11[%get3A_172, %get3A_173] {strides = array<i32>} : memref<256x64xf32, #tpu.memory_space<vmem>>, vector<1x16xf32>,
        %get3A_175 = vector.shape_cast %get3A_174 : vector<1x16xf32> to vector<16xf32>
        %get3A_176 = arith.index_cast %add3A_161 : i32 to index
        %get3A_177 = arith.constant 16 : index
        %get3A_178 = tpu.vector_load %arg13[%get3A_176, %get3A_177] {strides = array<i32>} : memref<256x64xf32, #tpu.memory_space<vmem>>, vector<1x16xf32>,
        %get3A_179 = vector.shape_cast %get3A_178 : vector<1x16xf32> to vector<16xf32>
        %sub3A_180 = arith.subf %get3A_175, %get3A_179 : vector<16xf32>
        %mul3A_181 = arith.mulf %sub3A_180, %sub3A_180 : vector<16xf32>
        %add3A_182 = arith.addf %mul3A_171, %mul3A_181 : vector<16xf32>
        %get3A_183 = arith.index_cast %add3A_161 : i32 to index
        %get3A_184 = arith.constant 32 : index
        %get3A_185 = tpu.vector_load %arg11[%get3A_183, %get3A_184] {strides = array<i32>} : memref<256x64xf32, #tpu.memory_space<vmem>>, vector<1x16xf32>,
        %get3A_186 = vector.shape_cast %get3A_185 : vector<1x16xf32> to vector<16xf32>
        %get3A_187 = arith.index_cast %add3A_161 : i32 to index
        %get3A_188 = arith.constant 32 : index
        %get3A_189 = tpu.vector_load %arg13[%get3A_187, %get3A_188] {strides = array<i32>} : memref<256x64xf32, #tpu.memory_space<vmem>>, vector<1x16xf32>,
        %get3A_190 = vector.shape_cast %get3A_189 : vector<1x16xf32> to vector<16xf32>
        %sub3A_191 = arith.subf %get3A_186, %get3A_190 : vector<16xf32>
        %mul3A_192 = arith.mulf %sub3A_191, %sub3A_191 : vector<16xf32>
        %add3A_193 = arith.addf %add3A_182, %mul3A_192 : vector<16xf32>
        %get3A_194 = arith.index_cast %add3A_161 : i32 to index
        %get3A_195 = arith.constant 48 : index
        %get3A_196 = tpu.vector_load %arg11[%get3A_194, %get3A_195] {strides = array<i32>} : memref<256x64xf32, #tpu.memory_space<vmem>>, vector<1x16xf32>,
        %get3A_197 = vector.shape_cast %get3A_196 : vector<1x16xf32> to vector<16xf32>
        %get3A_198 = arith.index_cast %add3A_161 : i32 to index
        %get3A_199 = arith.constant 48 : index
        %get3A_200 = tpu.vector_load %arg13[%get3A_198, %get3A_199] {strides = array<i32>} : memref<256x64xf32, #tpu.memory_space<vmem>>, vector<1x16xf32>,
        %get3A_201 = vector.shape_cast %get3A_200 : vector<1x16xf32> to vector<16xf32>
        %sub3A_202 = arith.subf %get3A_197, %get3A_201 : vector<16xf32>
        %mul3A_203 = arith.mulf %sub3A_202, %sub3A_202 : vector<16xf32>
        %add3A_204 = arith.addf %add3A_193, %mul3A_203 : vector<16xf32>
        %xor3A = arith.constant 1 : i32
        %xor3A_205 = vector.broadcast %xor3A : i32 to vector<16xi32>
        %xor3A_206 = arith.xori %iota3A, %xor3A_205 : vector<16xi32>
        %and3A = arith.constant 1 : i32
        %and3A_207 = vector.broadcast %and3A : i32 to vector<16xi32>
        %and3A_208 = arith.andi %iota3A, %and3A_207 : vector<16xi32>
        %eq3A = arith.constant 0 : i32
        %eq3A_209 = vector.broadcast %eq3A : i32 to vector<16xi32>
        %eq3A_210 = arith.cmpi eq, %and3A_208, %eq3A_209 : vector<16xi32>
        %lt3A_211 = arith.constant 0 : i32
        %lt3A_212 = vector.broadcast %lt3A_211 : i32 to vector<16xi32>
        %lt3A_213 = arith.cmpi slt, %xor3A_206, %lt3A_212 : vector<16xi32>
        %add3A_214 = arith.constant 16 : i32
        %add3A_215 = vector.broadcast %add3A_214 : i32 to vector<16xi32>
        %add3A_216 = arith.addi %xor3A_206, %add3A_215 : vector<16xi32>
        %select_n3A = arith.select %lt3A_213, %add3A_216, %xor3A_206 : vector<16xi1>, vector<16xi32>
        %broadcast_in_dim3A_217 = vector.shape_cast %select_n3A : vector<16xi32> to vector<16x1xi32>
        %gather3A = vector.shape_cast %broadcast_in_dim3A_217 : vector<16x1xi32> to vector<16xi32>
        %gather3A_218 = tpu.dynamic_gather %add3A_157[%gather3A] in [0] : vector<16xf32>, vector<16xi32> -> vector<16xf32>
        %lt3A_219 = arith.constant 0 : i32
        %lt3A_220 = vector.broadcast %lt3A_219 : i32 to vector<16xi32>
        %lt3A_221 = arith.cmpi slt, %xor3A_206, %lt3A_220 : vector<16xi32>
        %add3A_222 = arith.constant 16 : i32
        %add3A_223 = vector.broadcast %add3A_222 : i32 to vector<16xi32>
        %add3A_224 = arith.addi %xor3A_206, %add3A_223 : vector<16xi32>
        %select_n3A_225 = arith.select %lt3A_221, %add3A_224, %xor3A_206 : vector<16xi1>, vector<16xi32>
        %broadcast_in_dim3A_226 = vector.shape_cast %select_n3A_225 : vector<16xi32> to vector<16x1xi32>
        %gather3A_227 = vector.shape_cast %broadcast_in_dim3A_226 : vector<16x1xi32> to vector<16xi32>
        %gather3A_228 = tpu.dynamic_gather %add3A_204[%gather3A_227] in [0] : vector<16xf32>, vector<16xi32> -> vector<16xf32>
        %select_n3A_229 = arith.select %eq3A_210, %add3A_157, %gather3A_228 : vector<16xi1>, vector<16xf32>
        %select_n3A_230 = arith.select %eq3A_210, %gather3A_218, %add3A_204 : vector<16xi1>, vector<16xf32>
        %add3A_231 = arith.addf %select_n3A_229, %select_n3A_230 : vector<16xf32>
        %mul3A_232 = arith.constant 16 : i32
        %mul3A_233 = arith.muli %scan3A_112, %mul3A_232 : i32
        %add3A_234 = arith.constant 2 : i32
        %add3A_235 = arith.addi %mul3A_233, %add3A_234 : i32
        %get3A_236 = arith.index_cast %add3A_235 : i32 to index
        %get3A_237 = arith.constant 0 : index
        %get3A_238 = tpu.vector_load %arg11[%get3A_236, %get3A_237] {strides = array<i32>} : memref<256x64xf32, #tpu.memory_space<vmem>>, vector<1x16xf32>,
        %get3A_239 = vector.shape_cast %get3A_238 : vector<1x16xf32> to vector<16xf32>
        %get3A_240 = arith.index_cast %add3A_235 : i32 to index
        %get3A_241 = arith.constant 0 : index
        %get3A_242 = tpu.vector_load %arg13[%get3A_240, %get3A_241] {strides = array<i32>} : memref<256x64xf32, #tpu.memory_space<vmem>>, vector<1x16xf32>,
        %get3A_243 = vector.shape_cast %get3A_242 : vector<1x16xf32> to vector<16xf32>
        %sub3A_244 = arith.subf %get3A_239, %get3A_243 : vector<16xf32>
        %mul3A_245 = arith.mulf %sub3A_244, %sub3A_244 : vector<16xf32>
        %get3A_246 = arith.index_cast %add3A_235 : i32 to index
        %get3A_247 = arith.constant 16 : index
        %get3A_248 = tpu.vector_load %arg11[%get3A_246, %get3A_247] {strides = array<i32>} : memref<256x64xf32, #tpu.memory_space<vmem>>, vector<1x16xf32>,
        %get3A_249 = vector.shape_cast %get3A_248 : vector<1x16xf32> to vector<16xf32>
        %get3A_250 = arith.index_cast %add3A_235 : i32 to index
        %get3A_251 = arith.constant 16 : index
        %get3A_252 = tpu.vector_load %arg13[%get3A_250, %get3A_251] {strides = array<i32>} : memref<256x64xf32, #tpu.memory_space<vmem>>, vector<1x16xf32>,
        %get3A_253 = vector.shape_cast %get3A_252 : vector<1x16xf32> to vector<16xf32>
        %sub3A_254 = arith.subf %get3A_249, %get3A_253 : vector<16xf32>
        %mul3A_255 = arith.mulf %sub3A_254, %sub3A_254 : vector<16xf32>
        %add3A_256 = arith.addf %mul3A_245, %mul3A_255 : vector<16xf32>
        %get3A_257 = arith.index_cast %add3A_235 : i32 to index
        %get3A_258 = arith.constant 32 : index
        %get3A_259 = tpu.vector_load %arg11[%get3A_257, %get3A_258] {strides = array<i32>} : memref<256x64xf32, #tpu.memory_space<vmem>>, vector<1x16xf32>,
        %get3A_260 = vector.shape_cast %get3A_259 : vector<1x16xf32> to vector<16xf32>
        %get3A_261 = arith.index_cast %add3A_235 : i32 to index
        %get3A_262 = arith.constant 32 : index
        %get3A_263 = tpu.vector_load %arg13[%get3A_261, %get3A_262] {strides = array<i32>} : memref<256x64xf32, #tpu.memory_space<vmem>>, vector<1x16xf32>,
        %get3A_264 = vector.shape_cast %get3A_263 : vector<1x16xf32> to vector<16xf32>
        %sub3A_265 = arith.subf %get3A_260, %get3A_264 : vector<16xf32>
        %mul3A_266 = arith.mulf %sub3A_265, %sub3A_265 : vector<16xf32>
        %add3A_267 = arith.addf %add3A_256, %mul3A_266 : vector<16xf32>
        %get3A_268 = arith.index_cast %add3A_235 : i32 to index
        %get3A_269 = arith.constant 48 : index
        %get3A_270 = tpu.vector_load %arg11[%get3A_268, %get3A_269] {strides = array<i32>} : memref<256x64xf32, #tpu.memory_space<vmem>>, vector<1x16xf32>,
        %get3A_271 = vector.shape_cast %get3A_270 : vector<1x16xf32> to vector<16xf32>
        %get3A_272 = arith.index_cast %add3A_235 : i32 to index
        %get3A_273 = arith.constant 48 : index
        %get3A_274 = tpu.vector_load %arg13[%get3A_272, %get3A_273] {strides = array<i32>} : memref<256x64xf32, #tpu.memory_space<vmem>>, vector<1x16xf32>,
        %get3A_275 = vector.shape_cast %get3A_274 : vector<1x16xf32> to vector<16xf32>
        %sub3A_276 = arith.subf %get3A_271, %get3A_275 : vector<16xf32>
        %mul3A_277 = arith.mulf %sub3A_276, %sub3A_276 : vector<16xf32>
        %add3A_278 = arith.addf %add3A_267, %mul3A_277 : vector<16xf32>
        %mul3A_279 = arith.constant 16 : i32
        %mul3A_280 = arith.muli %scan3A_112, %mul3A_279 : i32
        %add3A_281 = arith.constant 3 : i32
        %add3A_282 = arith.addi %mul3A_280, %add3A_281 : i32
        %get3A_283 = arith.index_cast %add3A_282 : i32 to index
        %get3A_284 = arith.constant 0 : index
        %get3A_285 = tpu.vector_load %arg11[%get3A_283, %get3A_284] {strides = array<i32>} : memref<256x64xf32, #tpu.memory_space<vmem>>, vector<1x16xf32>,
        %get3A_286 = vector.shape_cast %get3A_285 : vector<1x16xf32> to vector<16xf32>
        %get3A_287 = arith.index_cast %add3A_282 : i32 to index
        %get3A_288 = arith.constant 0 : index
        %get3A_289 = tpu.vector_load %arg13[%get3A_287, %get3A_288] {strides = array<i32>} : memref<256x64xf32, #tpu.memory_space<vmem>>, vector<1x16xf32>,
        %get3A_290 = vector.shape_cast %get3A_289 : vector<1x16xf32> to vector<16xf32>
        %sub3A_291 = arith.subf %get3A_286, %get3A_290 : vector<16xf32>
        %mul3A_292 = arith.mulf %sub3A_291, %sub3A_291 : vector<16xf32>
        %get3A_293 = arith.index_cast %add3A_282 : i32 to index
        %get3A_294 = arith.constant 16 : index
        %get3A_295 = tpu.vector_load %arg11[%get3A_293, %get3A_294] {strides = array<i32>} : memref<256x64xf32, #tpu.memory_space<vmem>>, vector<1x16xf32>,
        %get3A_296 = vector.shape_cast %get3A_295 : vector<1x16xf32> to vector<16xf32>
        %get3A_297 = arith.index_cast %add3A_282 : i32 to index
        %get3A_298 = arith.constant 16 : index
        %get3A_299 = tpu.vector_load %arg13[%get3A_297, %get3A_298] {strides = array<i32>} : memref<256x64xf32, #tpu.memory_space<vmem>>, vector<1x16xf32>,
        %get3A_300 = vector.shape_cast %get3A_299 : vector<1x16xf32> to vector<16xf32>
        %sub3A_301 = arith.subf %get3A_296, %get3A_300 : vector<16xf32>
        %mul3A_302 = arith.mulf %sub3A_301, %sub3A_301 : vector<16xf32>
        %add3A_303 = arith.addf %mul3A_292, %mul3A_302 : vector<16xf32>
        %get3A_304 = arith.index_cast %add3A_282 : i32 to index
        %get3A_305 = arith.constant 32 : index
        %get3A_306 = tpu.vector_load %arg11[%get3A_304, %get3A_305] {strides = array<i32>} : memref<256x64xf32, #tpu.memory_space<vmem>>, vector<1x16xf32>,
        %get3A_307 = vector.shape_cast %get3A_306 : vector<1x16xf32> to vector<16xf32>
        %get3A_308 = arith.index_cast %add3A_282 : i32 to index
        %get3A_309 = arith.constant 32 : index
        %get3A_310 = tpu.vector_load %arg13[%get3A_308, %get3A_309] {strides = array<i32>} : memref<256x64xf32, #tpu.memory_space<vmem>>, vector<1x16xf32>,
        %get3A_311 = vector.shape_cast %get3A_310 : vector<1x16xf32> to vector<16xf32>
        %sub3A_312 = arith.subf %get3A_307, %get3A_311 : vector<16xf32>
        %mul3A_313 = arith.mulf %sub3A_312, %sub3A_312 : vector<16xf32>
        %add3A_314 = arith.addf %add3A_303, %mul3A_313 : vector<16xf32>
        %get3A_315 = arith.index_cast %add3A_282 : i32 to index
        %get3A_316 = arith.constant 48 : index
        %get3A_317 = tpu.vector_load %arg11[%get3A_315, %get3A_316] {strides = array<i32>} : memref<256x64xf32, #tpu.memory_space<vmem>>, vector<1x16xf32>,
        %get3A_318 = vector.shape_cast %get3A_317 : vector<1x16xf32> to vector<16xf32>
        %get3A_319 = arith.index_cast %add3A_282 : i32 to index
        %get3A_320 = arith.constant 48 : index
        %get3A_321 = tpu.vector_load %arg13[%get3A_319, %get3A_320] {strides = array<i32>} : memref<256x64xf32, #tpu.memory_space<vmem>>, vector<1x16xf32>,
        %get3A_322 = vector.shape_cast %get3A_321 : vector<1x16xf32> to vector<16xf32>
        %sub3A_323 = arith.subf %get3A_318, %get3A_322 : vector<16xf32>
        %mul3A_324 = arith.mulf %sub3A_323, %sub3A_323 : vector<16xf32>
        %add3A_325 = arith.addf %add3A_314, %mul3A_324 : vector<16xf32>
        %xor3A_326 = arith.constant 1 : i32
        %xor3A_327 = vector.broadcast %xor3A_326 : i32 to vector<16xi32>
        %xor3A_328 = arith.xori %iota3A, %xor3A_327 : vector<16xi32>
        %and3A_329 = arith.constant 1 : i32
        %and3A_330 = vector.broadcast %and3A_329 : i32 to vector<16xi32>
        %and3A_331 = arith.andi %iota3A, %and3A_330 : vector<16xi32>
        %eq3A_332 = arith.constant 0 : i32
        %eq3A_333 = vector.broadcast %eq3A_332 : i32 to vector<16xi32>
        %eq3A_334 = arith.cmpi eq, %and3A_331, %eq3A_333 : vector<16xi32>
        %lt3A_335 = arith.constant 0 : i32
        %lt3A_336 = vector.broadcast %lt3A_335 : i32 to vector<16xi32>
        %lt3A_337 = arith.cmpi slt, %xor3A_328, %lt3A_336 : vector<16xi32>
        %add3A_338 = arith.constant 16 : i32
        %add3A_339 = vector.broadcast %add3A_338 : i32 to vector<16xi32>
        %add3A_340 = arith.addi %xor3A_328, %add3A_339 : vector<16xi32>
        %select_n3A_341 = arith.select %lt3A_337, %add3A_340, %xor3A_328 : vector<16xi1>, vector<16xi32>
        %broadcast_in_dim3A_342 = vector.shape_cast %select_n3A_341 : vector<16xi32> to vector<16x1xi32>
        %gather3A_343 = vector.shape_cast %broadcast_in_dim3A_342 : vector<16x1xi32> to vector<16xi32>
        %gather3A_344 = tpu.dynamic_gather %add3A_278[%gather3A_343] in [0] : vector<16xf32>, vector<16xi32> -> vector<16xf32>
        %lt3A_345 = arith.constant 0 : i32
        %lt3A_346 = vector.broadcast %lt3A_345 : i32 to vector<16xi32>
        %lt3A_347 = arith.cmpi slt, %xor3A_328, %lt3A_346 : vector<16xi32>
        %add3A_348 = arith.constant 16 : i32
        %add3A_349 = vector.broadcast %add3A_348 : i32 to vector<16xi32>
        %add3A_350 = arith.addi %xor3A_328, %add3A_349 : vector<16xi32>
        %select_n3A_351 = arith.select %lt3A_347, %add3A_350, %xor3A_328 : vector<16xi1>, vector<16xi32>
        %broadcast_in_dim3A_352 = vector.shape_cast %select_n3A_351 : vector<16xi32> to vector<16x1xi32>
        %gather3A_353 = vector.shape_cast %broadcast_in_dim3A_352 : vector<16x1xi32> to vector<16xi32>
        %gather3A_354 = tpu.dynamic_gather %add3A_325[%gather3A_353] in [0] : vector<16xf32>, vector<16xi32> -> vector<16xf32>
        %select_n3A_355 = arith.select %eq3A_334, %add3A_278, %gather3A_354 : vector<16xi1>, vector<16xf32>
        %select_n3A_356 = arith.select %eq3A_334, %gather3A_344, %add3A_325 : vector<16xi1>, vector<16xf32>
        %add3A_357 = arith.addf %select_n3A_355, %select_n3A_356 : vector<16xf32>
        %xor3A_358 = arith.constant 2 : i32
        %xor3A_359 = vector.broadcast %xor3A_358 : i32 to vector<16xi32>
        %xor3A_360 = arith.xori %iota3A, %xor3A_359 : vector<16xi32>
        %and3A_361 = arith.constant 2 : i32
        %and3A_362 = vector.broadcast %and3A_361 : i32 to vector<16xi32>
        %and3A_363 = arith.andi %iota3A, %and3A_362 : vector<16xi32>
        %eq3A_364 = arith.constant 0 : i32
        %eq3A_365 = vector.broadcast %eq3A_364 : i32 to vector<16xi32>
        %eq3A_366 = arith.cmpi eq, %and3A_363, %eq3A_365 : vector<16xi32>
        %lt3A_367 = arith.constant 0 : i32
        %lt3A_368 = vector.broadcast %lt3A_367 : i32 to vector<16xi32>
        %lt3A_369 = arith.cmpi slt, %xor3A_360, %lt3A_368 : vector<16xi32>
        %add3A_370 = arith.constant 16 : i32
        %add3A_371 = vector.broadcast %add3A_370 : i32 to vector<16xi32>
        %add3A_372 = arith.addi %xor3A_360, %add3A_371 : vector<16xi32>
        %select_n3A_373 = arith.select %lt3A_369, %add3A_372, %xor3A_360 : vector<16xi1>, vector<16xi32>
        %broadcast_in_dim3A_374 = vector.shape_cast %select_n3A_373 : vector<16xi32> to vector<16x1xi32>
        %gather3A_375 = vector.shape_cast %broadcast_in_dim3A_374 : vector<16x1xi32> to vector<16xi32>
        %gather3A_376 = tpu.dynamic_gather %add3A_231[%gather3A_375] in [0] : vector<16xf32>, vector<16xi32> -> vector<16xf32>
        %lt3A_377 = arith.constant 0 : i32
        %lt3A_378 = vector.broadcast %lt3A_377 : i32 to vector<16xi32>
        %lt3A_379 = arith.cmpi slt, %xor3A_360, %lt3A_378 : vector<16xi32>
        %add3A_380 = arith.constant 16 : i32
        %add3A_381 = vector.broadcast %add3A_380 : i32 to vector<16xi32>
        %add3A_382 = arith.addi %xor3A_360, %add3A_381 : vector<16xi32>
        %select_n3A_383 = arith.select %lt3A_379, %add3A_382, %xor3A_360 : vector<16xi1>, vector<16xi32>
        %broadcast_in_dim3A_384 = vector.shape_cast %select_n3A_383 : vector<16xi32> to vector<16x1xi32>
        %gather3A_385 = vector.shape_cast %broadcast_in_dim3A_384 : vector<16x1xi32> to vector<16xi32>
        %gather3A_386 = tpu.dynamic_gather %add3A_357[%gather3A_385] in [0] : vector<16xf32>, vector<16xi32> -> vector<16xf32>
        %select_n3A_387 = arith.select %eq3A_366, %add3A_231, %gather3A_386 : vector<16xi1>, vector<16xf32>
        %select_n3A_388 = arith.select %eq3A_366, %gather3A_376, %add3A_357 : vector<16xi1>, vector<16xf32>
        %add3A_389 = arith.addf %select_n3A_387, %select_n3A_388 : vector<16xf32>
        %mul3A_390 = arith.constant 16 : i32
        %mul3A_391 = arith.muli %scan3A_112, %mul3A_390 : i32
        %add3A_392 = arith.constant 4 : i32
        %add3A_393 = arith.addi %mul3A_391, %add3A_392 : i32
        %get3A_394 = arith.index_cast %add3A_393 : i32 to index
        %get3A_395 = arith.constant 0 : index
        %get3A_396 = tpu.vector_load %arg11[%get3A_394, %get3A_395] {strides = array<i32>} : memref<256x64xf32, #tpu.memory_space<vmem>>, vector<1x16xf32>,
        %get3A_397 = vector.shape_cast %get3A_396 : vector<1x16xf32> to vector<16xf32>
        %get3A_398 = arith.index_cast %add3A_393 : i32 to index
        %get3A_399 = arith.constant 0 : index
        %get3A_400 = tpu.vector_load %arg13[%get3A_398, %get3A_399] {strides = array<i32>} : memref<256x64xf32, #tpu.memory_space<vmem>>, vector<1x16xf32>,
        %get3A_401 = vector.shape_cast %get3A_400 : vector<1x16xf32> to vector<16xf32>
        %sub3A_402 = arith.subf %get3A_397, %get3A_401 : vector<16xf32>
        %mul3A_403 = arith.mulf %sub3A_402, %sub3A_402 : vector<16xf32>
        %get3A_404 = arith.index_cast %add3A_393 : i32 to index
        %get3A_405 = arith.constant 16 : index
        %get3A_406 = tpu.vector_load %arg11[%get3A_404, %get3A_405] {strides = array<i32>} : memref<256x64xf32, #tpu.memory_space<vmem>>, vector<1x16xf32>,
        %get3A_407 = vector.shape_cast %get3A_406 : vector<1x16xf32> to vector<16xf32>
        %get3A_408 = arith.index_cast %add3A_393 : i32 to index
        %get3A_409 = arith.constant 16 : index
        %get3A_410 = tpu.vector_load %arg13[%get3A_408, %get3A_409] {strides = array<i32>} : memref<256x64xf32, #tpu.memory_space<vmem>>, vector<1x16xf32>,
        %get3A_411 = vector.shape_cast %get3A_410 : vector<1x16xf32> to vector<16xf32>
        %sub3A_412 = arith.subf %get3A_407, %get3A_411 : vector<16xf32>
        %mul3A_413 = arith.mulf %sub3A_412, %sub3A_412 : vector<16xf32>
        %add3A_414 = arith.addf %mul3A_403, %mul3A_413 : vector<16xf32>
        %get3A_415 = arith.index_cast %add3A_393 : i32 to index
        %get3A_416 = arith.constant 32 : index
        %get3A_417 = tpu.vector_load %arg11[%get3A_415, %get3A_416] {strides = array<i32>} : memref<256x64xf32, #tpu.memory_space<vmem>>, vector<1x16xf32>,
        %get3A_418 = vector.shape_cast %get3A_417 : vector<1x16xf32> to vector<16xf32>
        %get3A_419 = arith.index_cast %add3A_393 : i32 to index
        %get3A_420 = arith.constant 32 : index
        %get3A_421 = tpu.vector_load %arg13[%get3A_419, %get3A_420] {strides = array<i32>} : memref<256x64xf32, #tpu.memory_space<vmem>>, vector<1x16xf32>,
        %get3A_422 = vector.shape_cast %get3A_421 : vector<1x16xf32> to vector<16xf32>
        %sub3A_423 = arith.subf %get3A_418, %get3A_422 : vector<16xf32>
        %mul3A_424 = arith.mulf %sub3A_423, %sub3A_423 : vector<16xf32>
        %add3A_425 = arith.addf %add3A_414, %mul3A_424 : vector<16xf32>
        %get3A_426 = arith.index_cast %add3A_393 : i32 to index
        %get3A_427 = arith.constant 48 : index
        %get3A_428 = tpu.vector_load %arg11[%get3A_426, %get3A_427] {strides = array<i32>} : memref<256x64xf32, #tpu.memory_space<vmem>>, vector<1x16xf32>,
        %get3A_429 = vector.shape_cast %get3A_428 : vector<1x16xf32> to vector<16xf32>
        %get3A_430 = arith.index_cast %add3A_393 : i32 to index
        %get3A_431 = arith.constant 48 : index
        %get3A_432 = tpu.vector_load %arg13[%get3A_430, %get3A_431] {strides = array<i32>} : memref<256x64xf32, #tpu.memory_space<vmem>>, vector<1x16xf32>,
        %get3A_433 = vector.shape_cast %get3A_432 : vector<1x16xf32> to vector<16xf32>
        %sub3A_434 = arith.subf %get3A_429, %get3A_433 : vector<16xf32>
        %mul3A_435 = arith.mulf %sub3A_434, %sub3A_434 : vector<16xf32>
        %add3A_436 = arith.addf %add3A_425, %mul3A_435 : vector<16xf32>
        %mul3A_437 = arith.constant 16 : i32
        %mul3A_438 = arith.muli %scan3A_112, %mul3A_437 : i32
        %add3A_439 = arith.constant 5 : i32
        %add3A_440 = arith.addi %mul3A_438, %add3A_439 : i32
        %get3A_441 = arith.index_cast %add3A_440 : i32 to index
        %get3A_442 = arith.constant 0 : index
        %get3A_443 = tpu.vector_load %arg11[%get3A_441, %get3A_442] {strides = array<i32>} : memref<256x64xf32, #tpu.memory_space<vmem>>, vector<1x16xf32>,
        %get3A_444 = vector.shape_cast %get3A_443 : vector<1x16xf32> to vector<16xf32>
        %get3A_445 = arith.index_cast %add3A_440 : i32 to index
        %get3A_446 = arith.constant 0 : index
        %get3A_447 = tpu.vector_load %arg13[%get3A_445, %get3A_446] {strides = array<i32>} : memref<256x64xf32, #tpu.memory_space<vmem>>, vector<1x16xf32>,
        %get3A_448 = vector.shape_cast %get3A_447 : vector<1x16xf32> to vector<16xf32>
        %sub3A_449 = arith.subf %get3A_444, %get3A_448 : vector<16xf32>
        %mul3A_450 = arith.mulf %sub3A_449, %sub3A_449 : vector<16xf32>
        %get3A_451 = arith.index_cast %add3A_440 : i32 to index
        %get3A_452 = arith.constant 16 : index
        %get3A_453 = tpu.vector_load %arg11[%get3A_451, %get3A_452] {strides = array<i32>} : memref<256x64xf32, #tpu.memory_space<vmem>>, vector<1x16xf32>,
        %get3A_454 = vector.shape_cast %get3A_453 : vector<1x16xf32> to vector<16xf32>
        %get3A_455 = arith.index_cast %add3A_440 : i32 to index
        %get3A_456 = arith.constant 16 : index
        %get3A_457 = tpu.vector_load %arg13[%get3A_455, %get3A_456] {strides = array<i32>} : memref<256x64xf32, #tpu.memory_space<vmem>>, vector<1x16xf32>,
        %get3A_458 = vector.shape_cast %get3A_457 : vector<1x16xf32> to vector<16xf32>
        %sub3A_459 = arith.subf %get3A_454, %get3A_458 : vector<16xf32>
        %mul3A_460 = arith.mulf %sub3A_459, %sub3A_459 : vector<16xf32>
        %add3A_461 = arith.addf %mul3A_450, %mul3A_460 : vector<16xf32>
        %get3A_462 = arith.index_cast %add3A_440 : i32 to index
        %get3A_463 = arith.constant 32 : index
        %get3A_464 = tpu.vector_load %arg11[%get3A_462, %get3A_463] {strides = array<i32>} : memref<256x64xf32, #tpu.memory_space<vmem>>, vector<1x16xf32>,
        %get3A_465 = vector.shape_cast %get3A_464 : vector<1x16xf32> to vector<16xf32>
        %get3A_466 = arith.index_cast %add3A_440 : i32 to index
        %get3A_467 = arith.constant 32 : index
        %get3A_468 = tpu.vector_load %arg13[%get3A_466, %get3A_467] {strides = array<i32>} : memref<256x64xf32, #tpu.memory_space<vmem>>, vector<1x16xf32>,
        %get3A_469 = vector.shape_cast %get3A_468 : vector<1x16xf32> to vector<16xf32>
        %sub3A_470 = arith.subf %get3A_465, %get3A_469 : vector<16xf32>
        %mul3A_471 = arith.mulf %sub3A_470, %sub3A_470 : vector<16xf32>
        %add3A_472 = arith.addf %add3A_461, %mul3A_471 : vector<16xf32>
        %get3A_473 = arith.index_cast %add3A_440 : i32 to index
        %get3A_474 = arith.constant 48 : index
        %get3A_475 = tpu.vector_load %arg11[%get3A_473, %get3A_474] {strides = array<i32>} : memref<256x64xf32, #tpu.memory_space<vmem>>, vector<1x16xf32>,
        %get3A_476 = vector.shape_cast %get3A_475 : vector<1x16xf32> to vector<16xf32>
        %get3A_477 = arith.index_cast %add3A_440 : i32 to index
        %get3A_478 = arith.constant 48 : index
        %get3A_479 = tpu.vector_load %arg13[%get3A_477, %get3A_478] {strides = array<i32>} : memref<256x64xf32, #tpu.memory_space<vmem>>, vector<1x16xf32>,
        %get3A_480 = vector.shape_cast %get3A_479 : vector<1x16xf32> to vector<16xf32>
        %sub3A_481 = arith.subf %get3A_476, %get3A_480 : vector<16xf32>
        %mul3A_482 = arith.mulf %sub3A_481, %sub3A_481 : vector<16xf32>
        %add3A_483 = arith.addf %add3A_472, %mul3A_482 : vector<16xf32>
        %xor3A_484 = arith.constant 1 : i32
        %xor3A_485 = vector.broadcast %xor3A_484 : i32 to vector<16xi32>
        %xor3A_486 = arith.xori %iota3A, %xor3A_485 : vector<16xi32>
        %and3A_487 = arith.constant 1 : i32
        %and3A_488 = vector.broadcast %and3A_487 : i32 to vector<16xi32>
        %and3A_489 = arith.andi %iota3A, %and3A_488 : vector<16xi32>
        %eq3A_490 = arith.constant 0 : i32
        %eq3A_491 = vector.broadcast %eq3A_490 : i32 to vector<16xi32>
        %eq3A_492 = arith.cmpi eq, %and3A_489, %eq3A_491 : vector<16xi32>
        %lt3A_493 = arith.constant 0 : i32
        %lt3A_494 = vector.broadcast %lt3A_493 : i32 to vector<16xi32>
        %lt3A_495 = arith.cmpi slt, %xor3A_486, %lt3A_494 : vector<16xi32>
        %add3A_496 = arith.constant 16 : i32
        %add3A_497 = vector.broadcast %add3A_496 : i32 to vector<16xi32>
        %add3A_498 = arith.addi %xor3A_486, %add3A_497 : vector<16xi32>
        %select_n3A_499 = arith.select %lt3A_495, %add3A_498, %xor3A_486 : vector<16xi1>, vector<16xi32>
        %broadcast_in_dim3A_500 = vector.shape_cast %select_n3A_499 : vector<16xi32> to vector<16x1xi32>
        %gather3A_501 = vector.shape_cast %broadcast_in_dim3A_500 : vector<16x1xi32> to vector<16xi32>
        %gather3A_502 = tpu.dynamic_gather %add3A_436[%gather3A_501] in [0] : vector<16xf32>, vector<16xi32> -> vector<16xf32>
        %lt3A_503 = arith.constant 0 : i32
        %lt3A_504 = vector.broadcast %lt3A_503 : i32 to vector<16xi32>
        %lt3A_505 = arith.cmpi slt, %xor3A_486, %lt3A_504 : vector<16xi32>
        %add3A_506 = arith.constant 16 : i32
        %add3A_507 = vector.broadcast %add3A_506 : i32 to vector<16xi32>
        %add3A_508 = arith.addi %xor3A_486, %add3A_507 : vector<16xi32>
        %select_n3A_509 = arith.select %lt3A_505, %add3A_508, %xor3A_486 : vector<16xi1>, vector<16xi32>
        %broadcast_in_dim3A_510 = vector.shape_cast %select_n3A_509 : vector<16xi32> to vector<16x1xi32>
        %gather3A_511 = vector.shape_cast %broadcast_in_dim3A_510 : vector<16x1xi32> to vector<16xi32>
        %gather3A_512 = tpu.dynamic_gather %add3A_483[%gather3A_511] in [0] : vector<16xf32>, vector<16xi32> -> vector<16xf32>
        %select_n3A_513 = arith.select %eq3A_492, %add3A_436, %gather3A_512 : vector<16xi1>, vector<16xf32>
        %select_n3A_514 = arith.select %eq3A_492, %gather3A_502, %add3A_483 : vector<16xi1>, vector<16xf32>
        %add3A_515 = arith.addf %select_n3A_513, %select_n3A_514 : vector<16xf32>
        %mul3A_516 = arith.constant 16 : i32
        %mul3A_517 = arith.muli %scan3A_112, %mul3A_516 : i32
        %add3A_518 = arith.constant 6 : i32
        %add3A_519 = arith.addi %mul3A_517, %add3A_518 : i32
        %get3A_520 = arith.index_cast %add3A_519 : i32 to index
        %get3A_521 = arith.constant 0 : index
        %get3A_522 = tpu.vector_load %arg11[%get3A_520, %get3A_521] {strides = array<i32>} : memref<256x64xf32, #tpu.memory_space<vmem>>, vector<1x16xf32>,
        %get3A_523 = vector.shape_cast %get3A_522 : vector<1x16xf32> to vector<16xf32>
        %get3A_524 = arith.index_cast %add3A_519 : i32 to index
        %get3A_525 = arith.constant 0 : index
        %get3A_526 = tpu.vector_load %arg13[%get3A_524, %get3A_525] {strides = array<i32>} : memref<256x64xf32, #tpu.memory_space<vmem>>, vector<1x16xf32>,
        %get3A_527 = vector.shape_cast %get3A_526 : vector<1x16xf32> to vector<16xf32>
        %sub3A_528 = arith.subf %get3A_523, %get3A_527 : vector<16xf32>
        %mul3A_529 = arith.mulf %sub3A_528, %sub3A_528 : vector<16xf32>
        %get3A_530 = arith.index_cast %add3A_519 : i32 to index
        %get3A_531 = arith.constant 16 : index
        %get3A_532 = tpu.vector_load %arg11[%get3A_530, %get3A_531] {strides = array<i32>} : memref<256x64xf32, #tpu.memory_space<vmem>>, vector<1x16xf32>,
        %get3A_533 = vector.shape_cast %get3A_532 : vector<1x16xf32> to vector<16xf32>
        %get3A_534 = arith.index_cast %add3A_519 : i32 to index
        %get3A_535 = arith.constant 16 : index
        %get3A_536 = tpu.vector_load %arg13[%get3A_534, %get3A_535] {strides = array<i32>} : memref<256x64xf32, #tpu.memory_space<vmem>>, vector<1x16xf32>,
        %get3A_537 = vector.shape_cast %get3A_536 : vector<1x16xf32> to vector<16xf32>
        %sub3A_538 = arith.subf %get3A_533, %get3A_537 : vector<16xf32>
        %mul3A_539 = arith.mulf %sub3A_538, %sub3A_538 : vector<16xf32>
        %add3A_540 = arith.addf %mul3A_529, %mul3A_539 : vector<16xf32>
        %get3A_541 = arith.index_cast %add3A_519 : i32 to index
        %get3A_542 = arith.constant 32 : index
        %get3A_543 = tpu.vector_load %arg11[%get3A_541, %get3A_542] {strides = array<i32>} : memref<256x64xf32, #tpu.memory_space<vmem>>, vector<1x16xf32>,
        %get3A_544 = vector.shape_cast %get3A_543 : vector<1x16xf32> to vector<16xf32>
        %get3A_545 = arith.index_cast %add3A_519 : i32 to index
        %get3A_546 = arith.constant 32 : index
        %get3A_547 = tpu.vector_load %arg13[%get3A_545, %get3A_546] {strides = array<i32>} : memref<256x64xf32, #tpu.memory_space<vmem>>, vector<1x16xf32>,
        %get3A_548 = vector.shape_cast %get3A_547 : vector<1x16xf32> to vector<16xf32>
        %sub3A_549 = arith.subf %get3A_544, %get3A_548 : vector<16xf32>
        %mul3A_550 = arith.mulf %sub3A_549, %sub3A_549 : vector<16xf32>
        %add3A_551 = arith.addf %add3A_540, %mul3A_550 : vector<16xf32>
        %get3A_552 = arith.index_cast %add3A_519 : i32 to index
        %get3A_553 = arith.constant 48 : index
        %get3A_554 = tpu.vector_load %arg11[%get3A_552, %get3A_553] {strides = array<i32>} : memref<256x64xf32, #tpu.memory_space<vmem>>, vector<1x16xf32>,
        %get3A_555 = vector.shape_cast %get3A_554 : vector<1x16xf32> to vector<16xf32>
        %get3A_556 = arith.index_cast %add3A_519 : i32 to index
        %get3A_557 = arith.constant 48 : index
        %get3A_558 = tpu.vector_load %arg13[%get3A_556, %get3A_557] {strides = array<i32>} : memref<256x64xf32, #tpu.memory_space<vmem>>, vector<1x16xf32>,
        %get3A_559 = vector.shape_cast %get3A_558 : vector<1x16xf32> to vector<16xf32>
        %sub3A_560 = arith.subf %get3A_555, %get3A_559 : vector<16xf32>
        %mul3A_561 = arith.mulf %sub3A_560, %sub3A_560 : vector<16xf32>
        %add3A_562 = arith.addf %add3A_551, %mul3A_561 : vector<16xf32>
        %mul3A_563 = arith.constant 16 : i32
        %mul3A_564 = arith.muli %scan3A_112, %mul3A_563 : i32
        %add3A_565 = arith.constant 7 : i32
        %add3A_566 = arith.addi %mul3A_564, %add3A_565 : i32
        %get3A_567 = arith.index_cast %add3A_566 : i32 to index
        %get3A_568 = arith.constant 0 : index
        %get3A_569 = tpu.vector_load %arg11[%get3A_567, %get3A_568] {strides = array<i32>} : memref<256x64xf32, #tpu.memory_space<vmem>>, vector<1x16xf32>,
        %get3A_570 = vector.shape_cast %get3A_569 : vector<1x16xf32> to vector<16xf32>
        %get3A_571 = arith.index_cast %add3A_566 : i32 to index
        %get3A_572 = arith.constant 0 : index
        %get3A_573 = tpu.vector_load %arg13[%get3A_571, %get3A_572] {strides = array<i32>} : memref<256x64xf32, #tpu.memory_space<vmem>>, vector<1x16xf32>,
        %get3A_574 = vector.shape_cast %get3A_573 : vector<1x16xf32> to vector<16xf32>
        %sub3A_575 = arith.subf %get3A_570, %get3A_574 : vector<16xf32>
        %mul3A_576 = arith.mulf %sub3A_575, %sub3A_575 : vector<16xf32>
        %get3A_577 = arith.index_cast %add3A_566 : i32 to index
        %get3A_578 = arith.constant 16 : index
        %get3A_579 = tpu.vector_load %arg11[%get3A_577, %get3A_578] {strides = array<i32>} : memref<256x64xf32, #tpu.memory_space<vmem>>, vector<1x16xf32>,
        %get3A_580 = vector.shape_cast %get3A_579 : vector<1x16xf32> to vector<16xf32>
        %get3A_581 = arith.index_cast %add3A_566 : i32 to index
        %get3A_582 = arith.constant 16 : index
        %get3A_583 = tpu.vector_load %arg13[%get3A_581, %get3A_582] {strides = array<i32>} : memref<256x64xf32, #tpu.memory_space<vmem>>, vector<1x16xf32>,
        %get3A_584 = vector.shape_cast %get3A_583 : vector<1x16xf32> to vector<16xf32>
        %sub3A_585 = arith.subf %get3A_580, %get3A_584 : vector<16xf32>
        %mul3A_586 = arith.mulf %sub3A_585, %sub3A_585 : vector<16xf32>
        %add3A_587 = arith.addf %mul3A_576, %mul3A_586 : vector<16xf32>
        %get3A_588 = arith.index_cast %add3A_566 : i32 to index
        %get3A_589 = arith.constant 32 : index
        %get3A_590 = tpu.vector_load %arg11[%get3A_588, %get3A_589] {strides = array<i32>} : memref<256x64xf32, #tpu.memory_space<vmem>>, vector<1x16xf32>,
        %get3A_591 = vector.shape_cast %get3A_590 : vector<1x16xf32> to vector<16xf32>
        %get3A_592 = arith.index_cast %add3A_566 : i32 to index
        %get3A_593 = arith.constant 32 : index
        %get3A_594 = tpu.vector_load %arg13[%get3A_592, %get3A_593] {strides = array<i32>} : memref<256x64xf32, #tpu.memory_space<vmem>>, vector<1x16xf32>,
        %get3A_595 = vector.shape_cast %get3A_594 : vector<1x16xf32> to vector<16xf32>
        %sub3A_596 = arith.subf %get3A_591, %get3A_595 : vector<16xf32>
        %mul3A_597 = arith.mulf %sub3A_596, %sub3A_596 : vector<16xf32>
        %add3A_598 = arith.addf %add3A_587, %mul3A_597 : vector<16xf32>
        %get3A_599 = arith.index_cast %add3A_566 : i32 to index
        %get3A_600 = arith.constant 48 : index
        %get3A_601 = tpu.vector_load %arg11[%get3A_599, %get3A_600] {strides = array<i32>} : memref<256x64xf32, #tpu.memory_space<vmem>>, vector<1x16xf32>,
        %get3A_602 = vector.shape_cast %get3A_601 : vector<1x16xf32> to vector<16xf32>
        %get3A_603 = arith.index_cast %add3A_566 : i32 to index
        %get3A_604 = arith.constant 48 : index
        %get3A_605 = tpu.vector_load %arg13[%get3A_603, %get3A_604] {strides = array<i32>} : memref<256x64xf32, #tpu.memory_space<vmem>>, vector<1x16xf32>,
        %get3A_606 = vector.shape_cast %get3A_605 : vector<1x16xf32> to vector<16xf32>
        %sub3A_607 = arith.subf %get3A_602, %get3A_606 : vector<16xf32>
        %mul3A_608 = arith.mulf %sub3A_607, %sub3A_607 : vector<16xf32>
        %add3A_609 = arith.addf %add3A_598, %mul3A_608 : vector<16xf32>
        %xor3A_610 = arith.constant 1 : i32
        %xor3A_611 = vector.broadcast %xor3A_610 : i32 to vector<16xi32>
        %xor3A_612 = arith.xori %iota3A, %xor3A_611 : vector<16xi32>
        %and3A_613 = arith.constant 1 : i32
        %and3A_614 = vector.broadcast %and3A_613 : i32 to vector<16xi32>
        %and3A_615 = arith.andi %iota3A, %and3A_614 : vector<16xi32>
        %eq3A_616 = arith.constant 0 : i32
        %eq3A_617 = vector.broadcast %eq3A_616 : i32 to vector<16xi32>
        %eq3A_618 = arith.cmpi eq, %and3A_615, %eq3A_617 : vector<16xi32>
        %lt3A_619 = arith.constant 0 : i32
        %lt3A_620 = vector.broadcast %lt3A_619 : i32 to vector<16xi32>
        %lt3A_621 = arith.cmpi slt, %xor3A_612, %lt3A_620 : vector<16xi32>
        %add3A_622 = arith.constant 16 : i32
        %add3A_623 = vector.broadcast %add3A_622 : i32 to vector<16xi32>
        %add3A_624 = arith.addi %xor3A_612, %add3A_623 : vector<16xi32>
        %select_n3A_625 = arith.select %lt3A_621, %add3A_624, %xor3A_612 : vector<16xi1>, vector<16xi32>
        %broadcast_in_dim3A_626 = vector.shape_cast %select_n3A_625 : vector<16xi32> to vector<16x1xi32>
        %gather3A_627 = vector.shape_cast %broadcast_in_dim3A_626 : vector<16x1xi32> to vector<16xi32>
        %gather3A_628 = tpu.dynamic_gather %add3A_562[%gather3A_627] in [0] : vector<16xf32>, vector<16xi32> -> vector<16xf32>
        %lt3A_629 = arith.constant 0 : i32
        %lt3A_630 = vector.broadcast %lt3A_629 : i32 to vector<16xi32>
        %lt3A_631 = arith.cmpi slt, %xor3A_612, %lt3A_630 : vector<16xi32>
        %add3A_632 = arith.constant 16 : i32
        %add3A_633 = vector.broadcast %add3A_632 : i32 to vector<16xi32>
        %add3A_634 = arith.addi %xor3A_612, %add3A_633 : vector<16xi32>
        %select_n3A_635 = arith.select %lt3A_631, %add3A_634, %xor3A_612 : vector<16xi1>, vector<16xi32>
        %broadcast_in_dim3A_636 = vector.shape_cast %select_n3A_635 : vector<16xi32> to vector<16x1xi32>
        %gather3A_637 = vector.shape_cast %broadcast_in_dim3A_636 : vector<16x1xi32> to vector<16xi32>
        %gather3A_638 = tpu.dynamic_gather %add3A_609[%gather3A_637] in [0] : vector<16xf32>, vector<16xi32> -> vector<16xf32>
        %select_n3A_639 = arith.select %eq3A_618, %add3A_562, %gather3A_638 : vector<16xi1>, vector<16xf32>
        %select_n3A_640 = arith.select %eq3A_618, %gather3A_628, %add3A_609 : vector<16xi1>, vector<16xf32>
        %add3A_641 = arith.addf %select_n3A_639, %select_n3A_640 : vector<16xf32>
        %xor3A_642 = arith.constant 2 : i32
        %xor3A_643 = vector.broadcast %xor3A_642 : i32 to vector<16xi32>
        %xor3A_644 = arith.xori %iota3A, %xor3A_643 : vector<16xi32>
        %and3A_645 = arith.constant 2 : i32
        %and3A_646 = vector.broadcast %and3A_645 : i32 to vector<16xi32>
        %and3A_647 = arith.andi %iota3A, %and3A_646 : vector<16xi32>
        %eq3A_648 = arith.constant 0 : i32
        %eq3A_649 = vector.broadcast %eq3A_648 : i32 to vector<16xi32>
        %eq3A_650 = arith.cmpi eq, %and3A_647, %eq3A_649 : vector<16xi32>
        %lt3A_651 = arith.constant 0 : i32
        %lt3A_652 = vector.broadcast %lt3A_651 : i32 to vector<16xi32>
        %lt3A_653 = arith.cmpi slt, %xor3A_644, %lt3A_652 : vector<16xi32>
        %add3A_654 = arith.constant 16 : i32
        %add3A_655 = vector.broadcast %add3A_654 : i32 to vector<16xi32>
        %add3A_656 = arith.addi %xor3A_644, %add3A_655 : vector<16xi32>
        %select_n3A_657 = arith.select %lt3A_653, %add3A_656, %xor3A_644 : vector<16xi1>, vector<16xi32>
        %broadcast_in_dim3A_658 = vector.shape_cast %select_n3A_657 : vector<16xi32> to vector<16x1xi32>
        %gather3A_659 = vector.shape_cast %broadcast_in_dim3A_658 : vector<16x1xi32> to vector<16xi32>
        %gather3A_660 = tpu.dynamic_gather %add3A_515[%gather3A_659] in [0] : vector<16xf32>, vector<16xi32> -> vector<16xf32>
        %lt3A_661 = arith.constant 0 : i32
        %lt3A_662 = vector.broadcast %lt3A_661 : i32 to vector<16xi32>
        %lt3A_663 = arith.cmpi slt, %xor3A_644, %lt3A_662 : vector<16xi32>
        %add3A_664 = arith.constant 16 : i32
        %add3A_665 = vector.broadcast %add3A_664 : i32 to vector<16xi32>
        %add3A_666 = arith.addi %xor3A_644, %add3A_665 : vector<16xi32>
        %select_n3A_667 = arith.select %lt3A_663, %add3A_666, %xor3A_644 : vector<16xi1>, vector<16xi32>
        %broadcast_in_dim3A_668 = vector.shape_cast %select_n3A_667 : vector<16xi32> to vector<16x1xi32>
        %gather3A_669 = vector.shape_cast %broadcast_in_dim3A_668 : vector<16x1xi32> to vector<16xi32>
        %gather3A_670 = tpu.dynamic_gather %add3A_641[%gather3A_669] in [0] : vector<16xf32>, vector<16xi32> -> vector<16xf32>
        %select_n3A_671 = arith.select %eq3A_650, %add3A_515, %gather3A_670 : vector<16xi1>, vector<16xf32>
        %select_n3A_672 = arith.select %eq3A_650, %gather3A_660, %add3A_641 : vector<16xi1>, vector<16xf32>
        %add3A_673 = arith.addf %select_n3A_671, %select_n3A_672 : vector<16xf32>
        %xor3A_674 = arith.constant 4 : i32
        %xor3A_675 = vector.broadcast %xor3A_674 : i32 to vector<16xi32>
        %xor3A_676 = arith.xori %iota3A, %xor3A_675 : vector<16xi32>
        %and3A_677 = arith.constant 4 : i32
        %and3A_678 = vector.broadcast %and3A_677 : i32 to vector<16xi32>
        %and3A_679 = arith.andi %iota3A, %and3A_678 : vector<16xi32>
        %eq3A_680 = arith.constant 0 : i32
        %eq3A_681 = vector.broadcast %eq3A_680 : i32 to vector<16xi32>
        %eq3A_682 = arith.cmpi eq, %and3A_679, %eq3A_681 : vector<16xi32>
        %lt3A_683 = arith.constant 0 : i32
        %lt3A_684 = vector.broadcast %lt3A_683 : i32 to vector<16xi32>
        %lt3A_685 = arith.cmpi slt, %xor3A_676, %lt3A_684 : vector<16xi32>
        %add3A_686 = arith.constant 16 : i32
        %add3A_687 = vector.broadcast %add3A_686 : i32 to vector<16xi32>
        %add3A_688 = arith.addi %xor3A_676, %add3A_687 : vector<16xi32>
        %select_n3A_689 = arith.select %lt3A_685, %add3A_688, %xor3A_676 : vector<16xi1>, vector<16xi32>
        %broadcast_in_dim3A_690 = vector.shape_cast %select_n3A_689 : vector<16xi32> to vector<16x1xi32>
        %gather3A_691 = vector.shape_cast %broadcast_in_dim3A_690 : vector<16x1xi32> to vector<16xi32>
        %gather3A_692 = tpu.dynamic_gather %add3A_389[%gather3A_691] in [0] : vector<16xf32>, vector<16xi32> -> vector<16xf32>
        %lt3A_693 = arith.constant 0 : i32
        %lt3A_694 = vector.broadcast %lt3A_693 : i32 to vector<16xi32>
        %lt3A_695 = arith.cmpi slt, %xor3A_676, %lt3A_694 : vector<16xi32>
        %add3A_696 = arith.constant 16 : i32
        %add3A_697 = vector.broadcast %add3A_696 : i32 to vector<16xi32>
        %add3A_698 = arith.addi %xor3A_676, %add3A_697 : vector<16xi32>
        %select_n3A_699 = arith.select %lt3A_695, %add3A_698, %xor3A_676 : vector<16xi1>, vector<16xi32>
        %broadcast_in_dim3A_700 = vector.shape_cast %select_n3A_699 : vector<16xi32> to vector<16x1xi32>
        %gather3A_701 = vector.shape_cast %broadcast_in_dim3A_700 : vector<16x1xi32> to vector<16xi32>
        %gather3A_702 = tpu.dynamic_gather %add3A_673[%gather3A_701] in [0] : vector<16xf32>, vector<16xi32> -> vector<16xf32>
        %select_n3A_703 = arith.select %eq3A_682, %add3A_389, %gather3A_702 : vector<16xi1>, vector<16xf32>
        %select_n3A_704 = arith.select %eq3A_682, %gather3A_692, %add3A_673 : vector<16xi1>, vector<16xf32>
        %add3A_705 = arith.addf %select_n3A_703, %select_n3A_704 : vector<16xf32>
        %mul3A_706 = arith.constant 16 : i32
        %mul3A_707 = arith.muli %scan3A_112, %mul3A_706 : i32
        %add3A_708 = arith.constant 8 : i32
        %add3A_709 = arith.addi %mul3A_707, %add3A_708 : i32
        %get3A_710 = arith.index_cast %add3A_709 : i32 to index
        %get3A_711 = arith.constant 0 : index
        %get3A_712 = tpu.vector_load %arg11[%get3A_710, %get3A_711] {strides = array<i32>} : memref<256x64xf32, #tpu.memory_space<vmem>>, vector<1x16xf32>,
        %get3A_713 = vector.shape_cast %get3A_712 : vector<1x16xf32> to vector<16xf32>
        %get3A_714 = arith.index_cast %add3A_709 : i32 to index
        %get3A_715 = arith.constant 0 : index
        %get3A_716 = tpu.vector_load %arg13[%get3A_714, %get3A_715] {strides = array<i32>} : memref<256x64xf32, #tpu.memory_space<vmem>>, vector<1x16xf32>,
        %get3A_717 = vector.shape_cast %get3A_716 : vector<1x16xf32> to vector<16xf32>
        %sub3A_718 = arith.subf %get3A_713, %get3A_717 : vector<16xf32>
        %mul3A_719 = arith.mulf %sub3A_718, %sub3A_718 : vector<16xf32>
        %get3A_720 = arith.index_cast %add3A_709 : i32 to index
        %get3A_721 = arith.constant 16 : index
        %get3A_722 = tpu.vector_load %arg11[%get3A_720, %get3A_721] {strides = array<i32>} : memref<256x64xf32, #tpu.memory_space<vmem>>, vector<1x16xf32>,
        %get3A_723 = vector.shape_cast %get3A_722 : vector<1x16xf32> to vector<16xf32>
        %get3A_724 = arith.index_cast %add3A_709 : i32 to index
        %get3A_725 = arith.constant 16 : index
        %get3A_726 = tpu.vector_load %arg13[%get3A_724, %get3A_725] {strides = array<i32>} : memref<256x64xf32, #tpu.memory_space<vmem>>, vector<1x16xf32>,
        %get3A_727 = vector.shape_cast %get3A_726 : vector<1x16xf32> to vector<16xf32>
        %sub3A_728 = arith.subf %get3A_723, %get3A_727 : vector<16xf32>
        %mul3A_729 = arith.mulf %sub3A_728, %sub3A_728 : vector<16xf32>
        %add3A_730 = arith.addf %mul3A_719, %mul3A_729 : vector<16xf32>
        %get3A_731 = arith.index_cast %add3A_709 : i32 to index
        %get3A_732 = arith.constant 32 : index
        %get3A_733 = tpu.vector_load %arg11[%get3A_731, %get3A_732] {strides = array<i32>} : memref<256x64xf32, #tpu.memory_space<vmem>>, vector<1x16xf32>,
        %get3A_734 = vector.shape_cast %get3A_733 : vector<1x16xf32> to vector<16xf32>
        %get3A_735 = arith.index_cast %add3A_709 : i32 to index
        %get3A_736 = arith.constant 32 : index
        %get3A_737 = tpu.vector_load %arg13[%get3A_735, %get3A_736] {strides = array<i32>} : memref<256x64xf32, #tpu.memory_space<vmem>>, vector<1x16xf32>,
        %get3A_738 = vector.shape_cast %get3A_737 : vector<1x16xf32> to vector<16xf32>
        %sub3A_739 = arith.subf %get3A_734, %get3A_738 : vector<16xf32>
        %mul3A_740 = arith.mulf %sub3A_739, %sub3A_739 : vector<16xf32>
        %add3A_741 = arith.addf %add3A_730, %mul3A_740 : vector<16xf32>
        %get3A_742 = arith.index_cast %add3A_709 : i32 to index
        %get3A_743 = arith.constant 48 : index
        %get3A_744 = tpu.vector_load %arg11[%get3A_742, %get3A_743] {strides = array<i32>} : memref<256x64xf32, #tpu.memory_space<vmem>>, vector<1x16xf32>,
        %get3A_745 = vector.shape_cast %get3A_744 : vector<1x16xf32> to vector<16xf32>
        %get3A_746 = arith.index_cast %add3A_709 : i32 to index
        %get3A_747 = arith.constant 48 : index
        %get3A_748 = tpu.vector_load %arg13[%get3A_746, %get3A_747] {strides = array<i32>} : memref<256x64xf32, #tpu.memory_space<vmem>>, vector<1x16xf32>,
        %get3A_749 = vector.shape_cast %get3A_748 : vector<1x16xf32> to vector<16xf32>
        %sub3A_750 = arith.subf %get3A_745, %get3A_749 : vector<16xf32>
        %mul3A_751 = arith.mulf %sub3A_750, %sub3A_750 : vector<16xf32>
        %add3A_752 = arith.addf %add3A_741, %mul3A_751 : vector<16xf32>
        %mul3A_753 = arith.constant 16 : i32
        %mul3A_754 = arith.muli %scan3A_112, %mul3A_753 : i32
        %add3A_755 = arith.constant 9 : i32
        %add3A_756 = arith.addi %mul3A_754, %add3A_755 : i32
        %get3A_757 = arith.index_cast %add3A_756 : i32 to index
        %get3A_758 = arith.constant 0 : index
        %get3A_759 = tpu.vector_load %arg11[%get3A_757, %get3A_758] {strides = array<i32>} : memref<256x64xf32, #tpu.memory_space<vmem>>, vector<1x16xf32>,
        %get3A_760 = vector.shape_cast %get3A_759 : vector<1x16xf32> to vector<16xf32>
        %get3A_761 = arith.index_cast %add3A_756 : i32 to index
        %get3A_762 = arith.constant 0 : index
        %get3A_763 = tpu.vector_load %arg13[%get3A_761, %get3A_762] {strides = array<i32>} : memref<256x64xf32, #tpu.memory_space<vmem>>, vector<1x16xf32>,
        %get3A_764 = vector.shape_cast %get3A_763 : vector<1x16xf32> to vector<16xf32>
        %sub3A_765 = arith.subf %get3A_760, %get3A_764 : vector<16xf32>
        %mul3A_766 = arith.mulf %sub3A_765, %sub3A_765 : vector<16xf32>
        %get3A_767 = arith.index_cast %add3A_756 : i32 to index
        %get3A_768 = arith.constant 16 : index
        %get3A_769 = tpu.vector_load %arg11[%get3A_767, %get3A_768] {strides = array<i32>} : memref<256x64xf32, #tpu.memory_space<vmem>>, vector<1x16xf32>,
        %get3A_770 = vector.shape_cast %get3A_769 : vector<1x16xf32> to vector<16xf32>
        %get3A_771 = arith.index_cast %add3A_756 : i32 to index
        %get3A_772 = arith.constant 16 : index
        %get3A_773 = tpu.vector_load %arg13[%get3A_771, %get3A_772] {strides = array<i32>} : memref<256x64xf32, #tpu.memory_space<vmem>>, vector<1x16xf32>,
        %get3A_774 = vector.shape_cast %get3A_773 : vector<1x16xf32> to vector<16xf32>
        %sub3A_775 = arith.subf %get3A_770, %get3A_774 : vector<16xf32>
        %mul3A_776 = arith.mulf %sub3A_775, %sub3A_775 : vector<16xf32>
        %add3A_777 = arith.addf %mul3A_766, %mul3A_776 : vector<16xf32>
        %get3A_778 = arith.index_cast %add3A_756 : i32 to index
        %get3A_779 = arith.constant 32 : index
        %get3A_780 = tpu.vector_load %arg11[%get3A_778, %get3A_779] {strides = array<i32>} : memref<256x64xf32, #tpu.memory_space<vmem>>, vector<1x16xf32>,
        %get3A_781 = vector.shape_cast %get3A_780 : vector<1x16xf32> to vector<16xf32>
        %get3A_782 = arith.index_cast %add3A_756 : i32 to index
        %get3A_783 = arith.constant 32 : index
        %get3A_784 = tpu.vector_load %arg13[%get3A_782, %get3A_783] {strides = array<i32>} : memref<256x64xf32, #tpu.memory_space<vmem>>, vector<1x16xf32>,
        %get3A_785 = vector.shape_cast %get3A_784 : vector<1x16xf32> to vector<16xf32>
        %sub3A_786 = arith.subf %get3A_781, %get3A_785 : vector<16xf32>
        %mul3A_787 = arith.mulf %sub3A_786, %sub3A_786 : vector<16xf32>
        %add3A_788 = arith.addf %add3A_777, %mul3A_787 : vector<16xf32>
        %get3A_789 = arith.index_cast %add3A_756 : i32 to index
        %get3A_790 = arith.constant 48 : index
        %get3A_791 = tpu.vector_load %arg11[%get3A_789, %get3A_790] {strides = array<i32>} : memref<256x64xf32, #tpu.memory_space<vmem>>, vector<1x16xf32>,
        %get3A_792 = vector.shape_cast %get3A_791 : vector<1x16xf32> to vector<16xf32>
        %get3A_793 = arith.index_cast %add3A_756 : i32 to index
        %get3A_794 = arith.constant 48 : index
        %get3A_795 = tpu.vector_load %arg13[%get3A_793, %get3A_794] {strides = array<i32>} : memref<256x64xf32, #tpu.memory_space<vmem>>, vector<1x16xf32>,
        %get3A_796 = vector.shape_cast %get3A_795 : vector<1x16xf32> to vector<16xf32>
        %sub3A_797 = arith.subf %get3A_792, %get3A_796 : vector<16xf32>
        %mul3A_798 = arith.mulf %sub3A_797, %sub3A_797 : vector<16xf32>
        %add3A_799 = arith.addf %add3A_788, %mul3A_798 : vector<16xf32>
        %xor3A_800 = arith.constant 1 : i32
        %xor3A_801 = vector.broadcast %xor3A_800 : i32 to vector<16xi32>
        %xor3A_802 = arith.xori %iota3A, %xor3A_801 : vector<16xi32>
        %and3A_803 = arith.constant 1 : i32
        %and3A_804 = vector.broadcast %and3A_803 : i32 to vector<16xi32>
        %and3A_805 = arith.andi %iota3A, %and3A_804 : vector<16xi32>
        %eq3A_806 = arith.constant 0 : i32
        %eq3A_807 = vector.broadcast %eq3A_806 : i32 to vector<16xi32>
        %eq3A_808 = arith.cmpi eq, %and3A_805, %eq3A_807 : vector<16xi32>
        %lt3A_809 = arith.constant 0 : i32
        %lt3A_810 = vector.broadcast %lt3A_809 : i32 to vector<16xi32>
        %lt3A_811 = arith.cmpi slt, %xor3A_802, %lt3A_810 : vector<16xi32>
        %add3A_812 = arith.constant 16 : i32
        %add3A_813 = vector.broadcast %add3A_812 : i32 to vector<16xi32>
        %add3A_814 = arith.addi %xor3A_802, %add3A_813 : vector<16xi32>
        %select_n3A_815 = arith.select %lt3A_811, %add3A_814, %xor3A_802 : vector<16xi1>, vector<16xi32>
        %broadcast_in_dim3A_816 = vector.shape_cast %select_n3A_815 : vector<16xi32> to vector<16x1xi32>
        %gather3A_817 = vector.shape_cast %broadcast_in_dim3A_816 : vector<16x1xi32> to vector<16xi32>
        %gather3A_818 = tpu.dynamic_gather %add3A_752[%gather3A_817] in [0] : vector<16xf32>, vector<16xi32> -> vector<16xf32>
        %lt3A_819 = arith.constant 0 : i32
        %lt3A_820 = vector.broadcast %lt3A_819 : i32 to vector<16xi32>
        %lt3A_821 = arith.cmpi slt, %xor3A_802, %lt3A_820 : vector<16xi32>
        %add3A_822 = arith.constant 16 : i32
        %add3A_823 = vector.broadcast %add3A_822 : i32 to vector<16xi32>
        %add3A_824 = arith.addi %xor3A_802, %add3A_823 : vector<16xi32>
        %select_n3A_825 = arith.select %lt3A_821, %add3A_824, %xor3A_802 : vector<16xi1>, vector<16xi32>
        %broadcast_in_dim3A_826 = vector.shape_cast %select_n3A_825 : vector<16xi32> to vector<16x1xi32>
        %gather3A_827 = vector.shape_cast %broadcast_in_dim3A_826 : vector<16x1xi32> to vector<16xi32>
        %gather3A_828 = tpu.dynamic_gather %add3A_799[%gather3A_827] in [0] : vector<16xf32>, vector<16xi32> -> vector<16xf32>
        %select_n3A_829 = arith.select %eq3A_808, %add3A_752, %gather3A_828 : vector<16xi1>, vector<16xf32>
        %select_n3A_830 = arith.select %eq3A_808, %gather3A_818, %add3A_799 : vector<16xi1>, vector<16xf32>
        %add3A_831 = arith.addf %select_n3A_829, %select_n3A_830 : vector<16xf32>
        %mul3A_832 = arith.constant 16 : i32
        %mul3A_833 = arith.muli %scan3A_112, %mul3A_832 : i32
        %add3A_834 = arith.constant 10 : i32
        %add3A_835 = arith.addi %mul3A_833, %add3A_834 : i32
        %get3A_836 = arith.index_cast %add3A_835 : i32 to index
        %get3A_837 = arith.constant 0 : index
        %get3A_838 = tpu.vector_load %arg11[%get3A_836, %get3A_837] {strides = array<i32>} : memref<256x64xf32, #tpu.memory_space<vmem>>, vector<1x16xf32>,
        %get3A_839 = vector.shape_cast %get3A_838 : vector<1x16xf32> to vector<16xf32>
        %get3A_840 = arith.index_cast %add3A_835 : i32 to index
        %get3A_841 = arith.constant 0 : index
        %get3A_842 = tpu.vector_load %arg13[%get3A_840, %get3A_841] {strides = array<i32>} : memref<256x64xf32, #tpu.memory_space<vmem>>, vector<1x16xf32>,
        %get3A_843 = vector.shape_cast %get3A_842 : vector<1x16xf32> to vector<16xf32>
        %sub3A_844 = arith.subf %get3A_839, %get3A_843 : vector<16xf32>
        %mul3A_845 = arith.mulf %sub3A_844, %sub3A_844 : vector<16xf32>
        %get3A_846 = arith.index_cast %add3A_835 : i32 to index
        %get3A_847 = arith.constant 16 : index
        %get3A_848 = tpu.vector_load %arg11[%get3A_846, %get3A_847] {strides = array<i32>} : memref<256x64xf32, #tpu.memory_space<vmem>>, vector<1x16xf32>,
        %get3A_849 = vector.shape_cast %get3A_848 : vector<1x16xf32> to vector<16xf32>
        %get3A_850 = arith.index_cast %add3A_835 : i32 to index
        %get3A_851 = arith.constant 16 : index
        %get3A_852 = tpu.vector_load %arg13[%get3A_850, %get3A_851] {strides = array<i32>} : memref<256x64xf32, #tpu.memory_space<vmem>>, vector<1x16xf32>,
        %get3A_853 = vector.shape_cast %get3A_852 : vector<1x16xf32> to vector<16xf32>
        %sub3A_854 = arith.subf %get3A_849, %get3A_853 : vector<16xf32>
        %mul3A_855 = arith.mulf %sub3A_854, %sub3A_854 : vector<16xf32>
        %add3A_856 = arith.addf %mul3A_845, %mul3A_855 : vector<16xf32>
        %get3A_857 = arith.index_cast %add3A_835 : i32 to index
        %get3A_858 = arith.constant 32 : index
        %get3A_859 = tpu.vector_load %arg11[%get3A_857, %get3A_858] {strides = array<i32>} : memref<256x64xf32, #tpu.memory_space<vmem>>, vector<1x16xf32>,
        %get3A_860 = vector.shape_cast %get3A_859 : vector<1x16xf32> to vector<16xf32>
        %get3A_861 = arith.index_cast %add3A_835 : i32 to index
        %get3A_862 = arith.constant 32 : index
        %get3A_863 = tpu.vector_load %arg13[%get3A_861, %get3A_862] {strides = array<i32>} : memref<256x64xf32, #tpu.memory_space<vmem>>, vector<1x16xf32>,
        %get3A_864 = vector.shape_cast %get3A_863 : vector<1x16xf32> to vector<16xf32>
        %sub3A_865 = arith.subf %get3A_860, %get3A_864 : vector<16xf32>
        %mul3A_866 = arith.mulf %sub3A_865, %sub3A_865 : vector<16xf32>
        %add3A_867 = arith.addf %add3A_856, %mul3A_866 : vector<16xf32>
        %get3A_868 = arith.index_cast %add3A_835 : i32 to index
        %get3A_869 = arith.constant 48 : index
        %get3A_870 = tpu.vector_load %arg11[%get3A_868, %get3A_869] {strides = array<i32>} : memref<256x64xf32, #tpu.memory_space<vmem>>, vector<1x16xf32>,
        %get3A_871 = vector.shape_cast %get3A_870 : vector<1x16xf32> to vector<16xf32>
        %get3A_872 = arith.index_cast %add3A_835 : i32 to index
        %get3A_873 = arith.constant 48 : index
        %get3A_874 = tpu.vector_load %arg13[%get3A_872, %get3A_873] {strides = array<i32>} : memref<256x64xf32, #tpu.memory_space<vmem>>, vector<1x16xf32>,
        %get3A_875 = vector.shape_cast %get3A_874 : vector<1x16xf32> to vector<16xf32>
        %sub3A_876 = arith.subf %get3A_871, %get3A_875 : vector<16xf32>
        %mul3A_877 = arith.mulf %sub3A_876, %sub3A_876 : vector<16xf32>
        %add3A_878 = arith.addf %add3A_867, %mul3A_877 : vector<16xf32>
        %mul3A_879 = arith.constant 16 : i32
        %mul3A_880 = arith.muli %scan3A_112, %mul3A_879 : i32
        %add3A_881 = arith.constant 11 : i32
        %add3A_882 = arith.addi %mul3A_880, %add3A_881 : i32
        %get3A_883 = arith.index_cast %add3A_882 : i32 to index
        %get3A_884 = arith.constant 0 : index
        %get3A_885 = tpu.vector_load %arg11[%get3A_883, %get3A_884] {strides = array<i32>} : memref<256x64xf32, #tpu.memory_space<vmem>>, vector<1x16xf32>,
        %get3A_886 = vector.shape_cast %get3A_885 : vector<1x16xf32> to vector<16xf32>
        %get3A_887 = arith.index_cast %add3A_882 : i32 to index
        %get3A_888 = arith.constant 0 : index
        %get3A_889 = tpu.vector_load %arg13[%get3A_887, %get3A_888] {strides = array<i32>} : memref<256x64xf32, #tpu.memory_space<vmem>>, vector<1x16xf32>,
        %get3A_890 = vector.shape_cast %get3A_889 : vector<1x16xf32> to vector<16xf32>
        %sub3A_891 = arith.subf %get3A_886, %get3A_890 : vector<16xf32>
        %mul3A_892 = arith.mulf %sub3A_891, %sub3A_891 : vector<16xf32>
        %get3A_893 = arith.index_cast %add3A_882 : i32 to index
        %get3A_894 = arith.constant 16 : index
        %get3A_895 = tpu.vector_load %arg11[%get3A_893, %get3A_894] {strides = array<i32>} : memref<256x64xf32, #tpu.memory_space<vmem>>, vector<1x16xf32>,
        %get3A_896 = vector.shape_cast %get3A_895 : vector<1x16xf32> to vector<16xf32>
        %get3A_897 = arith.index_cast %add3A_882 : i32 to index
        %get3A_898 = arith.constant 16 : index
        %get3A_899 = tpu.vector_load %arg13[%get3A_897, %get3A_898] {strides = array<i32>} : memref<256x64xf32, #tpu.memory_space<vmem>>, vector<1x16xf32>,
        %get3A_900 = vector.shape_cast %get3A_899 : vector<1x16xf32> to vector<16xf32>
        %sub3A_901 = arith.subf %get3A_896, %get3A_900 : vector<16xf32>
        %mul3A_902 = arith.mulf %sub3A_901, %sub3A_901 : vector<16xf32>
        %add3A_903 = arith.addf %mul3A_892, %mul3A_902 : vector<16xf32>
        %get3A_904 = arith.index_cast %add3A_882 : i32 to index
        %get3A_905 = arith.constant 32 : index
        %get3A_906 = tpu.vector_load %arg11[%get3A_904, %get3A_905] {strides = array<i32>} : memref<256x64xf32, #tpu.memory_space<vmem>>, vector<1x16xf32>,
        %get3A_907 = vector.shape_cast %get3A_906 : vector<1x16xf32> to vector<16xf32>
        %get3A_908 = arith.index_cast %add3A_882 : i32 to index
        %get3A_909 = arith.constant 32 : index
        %get3A_910 = tpu.vector_load %arg13[%get3A_908, %get3A_909] {strides = array<i32>} : memref<256x64xf32, #tpu.memory_space<vmem>>, vector<1x16xf32>,
        %get3A_911 = vector.shape_cast %get3A_910 : vector<1x16xf32> to vector<16xf32>
        %sub3A_912 = arith.subf %get3A_907, %get3A_911 : vector<16xf32>
        %mul3A_913 = arith.mulf %sub3A_912, %sub3A_912 : vector<16xf32>
        %add3A_914 = arith.addf %add3A_903, %mul3A_913 : vector<16xf32>
        %get3A_915 = arith.index_cast %add3A_882 : i32 to index
        %get3A_916 = arith.constant 48 : index
        %get3A_917 = tpu.vector_load %arg11[%get3A_915, %get3A_916] {strides = array<i32>} : memref<256x64xf32, #tpu.memory_space<vmem>>, vector<1x16xf32>,
        %get3A_918 = vector.shape_cast %get3A_917 : vector<1x16xf32> to vector<16xf32>
        %get3A_919 = arith.index_cast %add3A_882 : i32 to index
        %get3A_920 = arith.constant 48 : index
        %get3A_921 = tpu.vector_load %arg13[%get3A_919, %get3A_920] {strides = array<i32>} : memref<256x64xf32, #tpu.memory_space<vmem>>, vector<1x16xf32>,
        %get3A_922 = vector.shape_cast %get3A_921 : vector<1x16xf32> to vector<16xf32>
        %sub3A_923 = arith.subf %get3A_918, %get3A_922 : vector<16xf32>
        %mul3A_924 = arith.mulf %sub3A_923, %sub3A_923 : vector<16xf32>
        %add3A_925 = arith.addf %add3A_914, %mul3A_924 : vector<16xf32>
        %xor3A_926 = arith.constant 1 : i32
        %xor3A_927 = vector.broadcast %xor3A_926 : i32 to vector<16xi32>
        %xor3A_928 = arith.xori %iota3A, %xor3A_927 : vector<16xi32>
        %and3A_929 = arith.constant 1 : i32
        %and3A_930 = vector.broadcast %and3A_929 : i32 to vector<16xi32>
        %and3A_931 = arith.andi %iota3A, %and3A_930 : vector<16xi32>
        %eq3A_932 = arith.constant 0 : i32
        %eq3A_933 = vector.broadcast %eq3A_932 : i32 to vector<16xi32>
        %eq3A_934 = arith.cmpi eq, %and3A_931, %eq3A_933 : vector<16xi32>
        %lt3A_935 = arith.constant 0 : i32
        %lt3A_936 = vector.broadcast %lt3A_935 : i32 to vector<16xi32>
        %lt3A_937 = arith.cmpi slt, %xor3A_928, %lt3A_936 : vector<16xi32>
        %add3A_938 = arith.constant 16 : i32
        %add3A_939 = vector.broadcast %add3A_938 : i32 to vector<16xi32>
        %add3A_940 = arith.addi %xor3A_928, %add3A_939 : vector<16xi32>
        %select_n3A_941 = arith.select %lt3A_937, %add3A_940, %xor3A_928 : vector<16xi1>, vector<16xi32>
        %broadcast_in_dim3A_942 = vector.shape_cast %select_n3A_941 : vector<16xi32> to vector<16x1xi32>
        %gather3A_943 = vector.shape_cast %broadcast_in_dim3A_942 : vector<16x1xi32> to vector<16xi32>
        %gather3A_944 = tpu.dynamic_gather %add3A_878[%gather3A_943] in [0] : vector<16xf32>, vector<16xi32> -> vector<16xf32>
        %lt3A_945 = arith.constant 0 : i32
        %lt3A_946 = vector.broadcast %lt3A_945 : i32 to vector<16xi32>
        %lt3A_947 = arith.cmpi slt, %xor3A_928, %lt3A_946 : vector<16xi32>
        %add3A_948 = arith.constant 16 : i32
        %add3A_949 = vector.broadcast %add3A_948 : i32 to vector<16xi32>
        %add3A_950 = arith.addi %xor3A_928, %add3A_949 : vector<16xi32>
        %select_n3A_951 = arith.select %lt3A_947, %add3A_950, %xor3A_928 : vector<16xi1>, vector<16xi32>
        %broadcast_in_dim3A_952 = vector.shape_cast %select_n3A_951 : vector<16xi32> to vector<16x1xi32>
        %gather3A_953 = vector.shape_cast %broadcast_in_dim3A_952 : vector<16x1xi32> to vector<16xi32>
        %gather3A_954 = tpu.dynamic_gather %add3A_925[%gather3A_953] in [0] : vector<16xf32>, vector<16xi32> -> vector<16xf32>
        %select_n3A_955 = arith.select %eq3A_934, %add3A_878, %gather3A_954 : vector<16xi1>, vector<16xf32>
        %select_n3A_956 = arith.select %eq3A_934, %gather3A_944, %add3A_925 : vector<16xi1>, vector<16xf32>
        %add3A_957 = arith.addf %select_n3A_955, %select_n3A_956 : vector<16xf32>
        %xor3A_958 = arith.constant 2 : i32
        %xor3A_959 = vector.broadcast %xor3A_958 : i32 to vector<16xi32>
        %xor3A_960 = arith.xori %iota3A, %xor3A_959 : vector<16xi32>
        %and3A_961 = arith.constant 2 : i32
        %and3A_962 = vector.broadcast %and3A_961 : i32 to vector<16xi32>
        %and3A_963 = arith.andi %iota3A, %and3A_962 : vector<16xi32>
        %eq3A_964 = arith.constant 0 : i32
        %eq3A_965 = vector.broadcast %eq3A_964 : i32 to vector<16xi32>
        %eq3A_966 = arith.cmpi eq, %and3A_963, %eq3A_965 : vector<16xi32>
        %lt3A_967 = arith.constant 0 : i32
        %lt3A_968 = vector.broadcast %lt3A_967 : i32 to vector<16xi32>
        %lt3A_969 = arith.cmpi slt, %xor3A_960, %lt3A_968 : vector<16xi32>
        %add3A_970 = arith.constant 16 : i32
        %add3A_971 = vector.broadcast %add3A_970 : i32 to vector<16xi32>
        %add3A_972 = arith.addi %xor3A_960, %add3A_971 : vector<16xi32>
        %select_n3A_973 = arith.select %lt3A_969, %add3A_972, %xor3A_960 : vector<16xi1>, vector<16xi32>
        %broadcast_in_dim3A_974 = vector.shape_cast %select_n3A_973 : vector<16xi32> to vector<16x1xi32>
        %gather3A_975 = vector.shape_cast %broadcast_in_dim3A_974 : vector<16x1xi32> to vector<16xi32>
        %gather3A_976 = tpu.dynamic_gather %add3A_831[%gather3A_975] in [0] : vector<16xf32>, vector<16xi32> -> vector<16xf32>
        %lt3A_977 = arith.constant 0 : i32
        %lt3A_978 = vector.broadcast %lt3A_977 : i32 to vector<16xi32>
        %lt3A_979 = arith.cmpi slt, %xor3A_960, %lt3A_978 : vector<16xi32>
        %add3A_980 = arith.constant 16 : i32
        %add3A_981 = vector.broadcast %add3A_980 : i32 to vector<16xi32>
        %add3A_982 = arith.addi %xor3A_960, %add3A_981 : vector<16xi32>
        %select_n3A_983 = arith.select %lt3A_979, %add3A_982, %xor3A_960 : vector<16xi1>, vector<16xi32>
        %broadcast_in_dim3A_984 = vector.shape_cast %select_n3A_983 : vector<16xi32> to vector<16x1xi32>
        %gather3A_985 = vector.shape_cast %broadcast_in_dim3A_984 : vector<16x1xi32> to vector<16xi32>
        %gather3A_986 = tpu.dynamic_gather %add3A_957[%gather3A_985] in [0] : vector<16xf32>, vector<16xi32> -> vector<16xf32>
        %select_n3A_987 = arith.select %eq3A_966, %add3A_831, %gather3A_986 : vector<16xi1>, vector<16xf32>
        %select_n3A_988 = arith.select %eq3A_966, %gather3A_976, %add3A_957 : vector<16xi1>, vector<16xf32>
        %add3A_989 = arith.addf %select_n3A_987, %select_n3A_988 : vector<16xf32>
        %mul3A_990 = arith.constant 16 : i32
        %mul3A_991 = arith.muli %scan3A_112, %mul3A_990 : i32
        %add3A_992 = arith.constant 12 : i32
        %add3A_993 = arith.addi %mul3A_991, %add3A_992 : i32
        %get3A_994 = arith.index_cast %add3A_993 : i32 to index
        %get3A_995 = arith.constant 0 : index
        %get3A_996 = tpu.vector_load %arg11[%get3A_994, %get3A_995] {strides = array<i32>} : memref<256x64xf32, #tpu.memory_space<vmem>>, vector<1x16xf32>,
        %get3A_997 = vector.shape_cast %get3A_996 : vector<1x16xf32> to vector<16xf32>
        %get3A_998 = arith.index_cast %add3A_993 : i32 to index
        %get3A_999 = arith.constant 0 : index
        %get3A_1000 = tpu.vector_load %arg13[%get3A_998, %get3A_999] {strides = array<i32>} : memref<256x64xf32, #tpu.memory_space<vmem>>, vector<1x16xf32>,
        %get3A_1001 = vector.shape_cast %get3A_1000 : vector<1x16xf32> to vector<16xf32>
        %sub3A_1002 = arith.subf %get3A_997, %get3A_1001 : vector<16xf32>
        %mul3A_1003 = arith.mulf %sub3A_1002, %sub3A_1002 : vector<16xf32>
        %get3A_1004 = arith.index_cast %add3A_993 : i32 to index
        %get3A_1005 = arith.constant 16 : index
        %get3A_1006 = tpu.vector_load %arg11[%get3A_1004, %get3A_1005] {strides = array<i32>} : memref<256x64xf32, #tpu.memory_space<vmem>>, vector<1x16xf32>,
        %get3A_1007 = vector.shape_cast %get3A_1006 : vector<1x16xf32> to vector<16xf32>
        %get3A_1008 = arith.index_cast %add3A_993 : i32 to index
        %get3A_1009 = arith.constant 16 : index
        %get3A_1010 = tpu.vector_load %arg13[%get3A_1008, %get3A_1009] {strides = array<i32>} : memref<256x64xf32, #tpu.memory_space<vmem>>, vector<1x16xf32>,
        %get3A_1011 = vector.shape_cast %get3A_1010 : vector<1x16xf32> to vector<16xf32>
        %sub3A_1012 = arith.subf %get3A_1007, %get3A_1011 : vector<16xf32>
        %mul3A_1013 = arith.mulf %sub3A_1012, %sub3A_1012 : vector<16xf32>
        %add3A_1014 = arith.addf %mul3A_1003, %mul3A_1013 : vector<16xf32>
        %get3A_1015 = arith.index_cast %add3A_993 : i32 to index
        %get3A_1016 = arith.constant 32 : index
        %get3A_1017 = tpu.vector_load %arg11[%get3A_1015, %get3A_1016] {strides = array<i32>} : memref<256x64xf32, #tpu.memory_space<vmem>>, vector<1x16xf32>,
        %get3A_1018 = vector.shape_cast %get3A_1017 : vector<1x16xf32> to vector<16xf32>
        %get3A_1019 = arith.index_cast %add3A_993 : i32 to index
        %get3A_1020 = arith.constant 32 : index
        %get3A_1021 = tpu.vector_load %arg13[%get3A_1019, %get3A_1020] {strides = array<i32>} : memref<256x64xf32, #tpu.memory_space<vmem>>, vector<1x16xf32>,
        %get3A_1022 = vector.shape_cast %get3A_1021 : vector<1x16xf32> to vector<16xf32>
        %sub3A_1023 = arith.subf %get3A_1018, %get3A_1022 : vector<16xf32>
        %mul3A_1024 = arith.mulf %sub3A_1023, %sub3A_1023 : vector<16xf32>
        %add3A_1025 = arith.addf %add3A_1014, %mul3A_1024 : vector<16xf32>
        %get3A_1026 = arith.index_cast %add3A_993 : i32 to index
        %get3A_1027 = arith.constant 48 : index
        %get3A_1028 = tpu.vector_load %arg11[%get3A_1026, %get3A_1027] {strides = array<i32>} : memref<256x64xf32, #tpu.memory_space<vmem>>, vector<1x16xf32>,
        %get3A_1029 = vector.shape_cast %get3A_1028 : vector<1x16xf32> to vector<16xf32>
        %get3A_1030 = arith.index_cast %add3A_993 : i32 to index
        %get3A_1031 = arith.constant 48 : index
        %get3A_1032 = tpu.vector_load %arg13[%get3A_1030, %get3A_1031] {strides = array<i32>} : memref<256x64xf32, #tpu.memory_space<vmem>>, vector<1x16xf32>,
        %get3A_1033 = vector.shape_cast %get3A_1032 : vector<1x16xf32> to vector<16xf32>
        %sub3A_1034 = arith.subf %get3A_1029, %get3A_1033 : vector<16xf32>
        %mul3A_1035 = arith.mulf %sub3A_1034, %sub3A_1034 : vector<16xf32>
        %add3A_1036 = arith.addf %add3A_1025, %mul3A_1035 : vector<16xf32>
        %mul3A_1037 = arith.constant 16 : i32
        %mul3A_1038 = arith.muli %scan3A_112, %mul3A_1037 : i32
        %add3A_1039 = arith.constant 13 : i32
        %add3A_1040 = arith.addi %mul3A_1038, %add3A_1039 : i32
        %get3A_1041 = arith.index_cast %add3A_1040 : i32 to index
        %get3A_1042 = arith.constant 0 : index
        %get3A_1043 = tpu.vector_load %arg11[%get3A_1041, %get3A_1042] {strides = array<i32>} : memref<256x64xf32, #tpu.memory_space<vmem>>, vector<1x16xf32>,
        %get3A_1044 = vector.shape_cast %get3A_1043 : vector<1x16xf32> to vector<16xf32>
        %get3A_1045 = arith.index_cast %add3A_1040 : i32 to index
        %get3A_1046 = arith.constant 0 : index
        %get3A_1047 = tpu.vector_load %arg13[%get3A_1045, %get3A_1046] {strides = array<i32>} : memref<256x64xf32, #tpu.memory_space<vmem>>, vector<1x16xf32>,
        %get3A_1048 = vector.shape_cast %get3A_1047 : vector<1x16xf32> to vector<16xf32>
        %sub3A_1049 = arith.subf %get3A_1044, %get3A_1048 : vector<16xf32>
        %mul3A_1050 = arith.mulf %sub3A_1049, %sub3A_1049 : vector<16xf32>
        %get3A_1051 = arith.index_cast %add3A_1040 : i32 to index
        %get3A_1052 = arith.constant 16 : index
        %get3A_1053 = tpu.vector_load %arg11[%get3A_1051, %get3A_1052] {strides = array<i32>} : memref<256x64xf32, #tpu.memory_space<vmem>>, vector<1x16xf32>,
        %get3A_1054 = vector.shape_cast %get3A_1053 : vector<1x16xf32> to vector<16xf32>
        %get3A_1055 = arith.index_cast %add3A_1040 : i32 to index
        %get3A_1056 = arith.constant 16 : index
        %get3A_1057 = tpu.vector_load %arg13[%get3A_1055, %get3A_1056] {strides = array<i32>} : memref<256x64xf32, #tpu.memory_space<vmem>>, vector<1x16xf32>,
        %get3A_1058 = vector.shape_cast %get3A_1057 : vector<1x16xf32> to vector<16xf32>
        %sub3A_1059 = arith.subf %get3A_1054, %get3A_1058 : vector<16xf32>
        %mul3A_1060 = arith.mulf %sub3A_1059, %sub3A_1059 : vector<16xf32>
        %add3A_1061 = arith.addf %mul3A_1050, %mul3A_1060 : vector<16xf32>
        %get3A_1062 = arith.index_cast %add3A_1040 : i32 to index
        %get3A_1063 = arith.constant 32 : index
        %get3A_1064 = tpu.vector_load %arg11[%get3A_1062, %get3A_1063] {strides = array<i32>} : memref<256x64xf32, #tpu.memory_space<vmem>>, vector<1x16xf32>,
        %get3A_1065 = vector.shape_cast %get3A_1064 : vector<1x16xf32> to vector<16xf32>
        %get3A_1066 = arith.index_cast %add3A_1040 : i32 to index
        %get3A_1067 = arith.constant 32 : index
        %get3A_1068 = tpu.vector_load %arg13[%get3A_1066, %get3A_1067] {strides = array<i32>} : memref<256x64xf32, #tpu.memory_space<vmem>>, vector<1x16xf32>,
        %get3A_1069 = vector.shape_cast %get3A_1068 : vector<1x16xf32> to vector<16xf32>
        %sub3A_1070 = arith.subf %get3A_1065, %get3A_1069 : vector<16xf32>
        %mul3A_1071 = arith.mulf %sub3A_1070, %sub3A_1070 : vector<16xf32>
        %add3A_1072 = arith.addf %add3A_1061, %mul3A_1071 : vector<16xf32>
        %get3A_1073 = arith.index_cast %add3A_1040 : i32 to index
        %get3A_1074 = arith.constant 48 : index
        %get3A_1075 = tpu.vector_load %arg11[%get3A_1073, %get3A_1074] {strides = array<i32>} : memref<256x64xf32, #tpu.memory_space<vmem>>, vector<1x16xf32>,
        %get3A_1076 = vector.shape_cast %get3A_1075 : vector<1x16xf32> to vector<16xf32>
        %get3A_1077 = arith.index_cast %add3A_1040 : i32 to index
        %get3A_1078 = arith.constant 48 : index
        %get3A_1079 = tpu.vector_load %arg13[%get3A_1077, %get3A_1078] {strides = array<i32>} : memref<256x64xf32, #tpu.memory_space<vmem>>, vector<1x16xf32>,
        %get3A_1080 = vector.shape_cast %get3A_1079 : vector<1x16xf32> to vector<16xf32>
        %sub3A_1081 = arith.subf %get3A_1076, %get3A_1080 : vector<16xf32>
        %mul3A_1082 = arith.mulf %sub3A_1081, %sub3A_1081 : vector<16xf32>
        %add3A_1083 = arith.addf %add3A_1072, %mul3A_1082 : vector<16xf32>
        %xor3A_1084 = arith.constant 1 : i32
        %xor3A_1085 = vector.broadcast %xor3A_1084 : i32 to vector<16xi32>
        %xor3A_1086 = arith.xori %iota3A, %xor3A_1085 : vector<16xi32>
        %and3A_1087 = arith.constant 1 : i32
        %and3A_1088 = vector.broadcast %and3A_1087 : i32 to vector<16xi32>
        %and3A_1089 = arith.andi %iota3A, %and3A_1088 : vector<16xi32>
        %eq3A_1090 = arith.constant 0 : i32
        %eq3A_1091 = vector.broadcast %eq3A_1090 : i32 to vector<16xi32>
        %eq3A_1092 = arith.cmpi eq, %and3A_1089, %eq3A_1091 : vector<16xi32>
        %lt3A_1093 = arith.constant 0 : i32
        %lt3A_1094 = vector.broadcast %lt3A_1093 : i32 to vector<16xi32>
        %lt3A_1095 = arith.cmpi slt, %xor3A_1086, %lt3A_1094 : vector<16xi32>
        %add3A_1096 = arith.constant 16 : i32
        %add3A_1097 = vector.broadcast %add3A_1096 : i32 to vector<16xi32>
        %add3A_1098 = arith.addi %xor3A_1086, %add3A_1097 : vector<16xi32>
        %select_n3A_1099 = arith.select %lt3A_1095, %add3A_1098, %xor3A_1086 : vector<16xi1>, vector<16xi32>
        %broadcast_in_dim3A_1100 = vector.shape_cast %select_n3A_1099 : vector<16xi32> to vector<16x1xi32>
        %gather3A_1101 = vector.shape_cast %broadcast_in_dim3A_1100 : vector<16x1xi32> to vector<16xi32>
        %gather3A_1102 = tpu.dynamic_gather %add3A_1036[%gather3A_1101] in [0] : vector<16xf32>, vector<16xi32> -> vector<16xf32>
        %lt3A_1103 = arith.constant 0 : i32
        %lt3A_1104 = vector.broadcast %lt3A_1103 : i32 to vector<16xi32>
        %lt3A_1105 = arith.cmpi slt, %xor3A_1086, %lt3A_1104 : vector<16xi32>
        %add3A_1106 = arith.constant 16 : i32
        %add3A_1107 = vector.broadcast %add3A_1106 : i32 to vector<16xi32>
        %add3A_1108 = arith.addi %xor3A_1086, %add3A_1107 : vector<16xi32>
        %select_n3A_1109 = arith.select %lt3A_1105, %add3A_1108, %xor3A_1086 : vector<16xi1>, vector<16xi32>
        %broadcast_in_dim3A_1110 = vector.shape_cast %select_n3A_1109 : vector<16xi32> to vector<16x1xi32>
        %gather3A_1111 = vector.shape_cast %broadcast_in_dim3A_1110 : vector<16x1xi32> to vector<16xi32>
        %gather3A_1112 = tpu.dynamic_gather %add3A_1083[%gather3A_1111] in [0] : vector<16xf32>, vector<16xi32> -> vector<16xf32>
        %select_n3A_1113 = arith.select %eq3A_1092, %add3A_1036, %gather3A_1112 : vector<16xi1>, vector<16xf32>
        %select_n3A_1114 = arith.select %eq3A_1092, %gather3A_1102, %add3A_1083 : vector<16xi1>, vector<16xf32>
        %add3A_1115 = arith.addf %select_n3A_1113, %select_n3A_1114 : vector<16xf32>
        %mul3A_1116 = arith.constant 16 : i32
        %mul3A_1117 = arith.muli %scan3A_112, %mul3A_1116 : i32
        %add3A_1118 = arith.constant 14 : i32
        %add3A_1119 = arith.addi %mul3A_1117, %add3A_1118 : i32
        %get3A_1120 = arith.index_cast %add3A_1119 : i32 to index
        %get3A_1121 = arith.constant 0 : index
        %get3A_1122 = tpu.vector_load %arg11[%get3A_1120, %get3A_1121] {strides = array<i32>} : memref<256x64xf32, #tpu.memory_space<vmem>>, vector<1x16xf32>,
        %get3A_1123 = vector.shape_cast %get3A_1122 : vector<1x16xf32> to vector<16xf32>
        %get3A_1124 = arith.index_cast %add3A_1119 : i32 to index
        %get3A_1125 = arith.constant 0 : index
        %get3A_1126 = tpu.vector_load %arg13[%get3A_1124, %get3A_1125] {strides = array<i32>} : memref<256x64xf32, #tpu.memory_space<vmem>>, vector<1x16xf32>,
        %get3A_1127 = vector.shape_cast %get3A_1126 : vector<1x16xf32> to vector<16xf32>
        %sub3A_1128 = arith.subf %get3A_1123, %get3A_1127 : vector<16xf32>
        %mul3A_1129 = arith.mulf %sub3A_1128, %sub3A_1128 : vector<16xf32>
        %get3A_1130 = arith.index_cast %add3A_1119 : i32 to index
        %get3A_1131 = arith.constant 16 : index
        %get3A_1132 = tpu.vector_load %arg11[%get3A_1130, %get3A_1131] {strides = array<i32>} : memref<256x64xf32, #tpu.memory_space<vmem>>, vector<1x16xf32>,
        %get3A_1133 = vector.shape_cast %get3A_1132 : vector<1x16xf32> to vector<16xf32>
        %get3A_1134 = arith.index_cast %add3A_1119 : i32 to index
        %get3A_1135 = arith.constant 16 : index
        %get3A_1136 = tpu.vector_load %arg13[%get3A_1134, %get3A_1135] {strides = array<i32>} : memref<256x64xf32, #tpu.memory_space<vmem>>, vector<1x16xf32>,
        %get3A_1137 = vector.shape_cast %get3A_1136 : vector<1x16xf32> to vector<16xf32>
        %sub3A_1138 = arith.subf %get3A_1133, %get3A_1137 : vector<16xf32>
        %mul3A_1139 = arith.mulf %sub3A_1138, %sub3A_1138 : vector<16xf32>
        %add3A_1140 = arith.addf %mul3A_1129, %mul3A_1139 : vector<16xf32>
        %get3A_1141 = arith.index_cast %add3A_1119 : i32 to index
        %get3A_1142 = arith.constant 32 : index
        %get3A_1143 = tpu.vector_load %arg11[%get3A_1141, %get3A_1142] {strides = array<i32>} : memref<256x64xf32, #tpu.memory_space<vmem>>, vector<1x16xf32>,
        %get3A_1144 = vector.shape_cast %get3A_1143 : vector<1x16xf32> to vector<16xf32>
        %get3A_1145 = arith.index_cast %add3A_1119 : i32 to index
        %get3A_1146 = arith.constant 32 : index
        %get3A_1147 = tpu.vector_load %arg13[%get3A_1145, %get3A_1146] {strides = array<i32>} : memref<256x64xf32, #tpu.memory_space<vmem>>, vector<1x16xf32>,
        %get3A_1148 = vector.shape_cast %get3A_1147 : vector<1x16xf32> to vector<16xf32>
        %sub3A_1149 = arith.subf %get3A_1144, %get3A_1148 : vector<16xf32>
        %mul3A_1150 = arith.mulf %sub3A_1149, %sub3A_1149 : vector<16xf32>
        %add3A_1151 = arith.addf %add3A_1140, %mul3A_1150 : vector<16xf32>
        %get3A_1152 = arith.index_cast %add3A_1119 : i32 to index
        %get3A_1153 = arith.constant 48 : index
        %get3A_1154 = tpu.vector_load %arg11[%get3A_1152, %get3A_1153] {strides = array<i32>} : memref<256x64xf32, #tpu.memory_space<vmem>>, vector<1x16xf32>,
        %get3A_1155 = vector.shape_cast %get3A_1154 : vector<1x16xf32> to vector<16xf32>
        %get3A_1156 = arith.index_cast %add3A_1119 : i32 to index
        %get3A_1157 = arith.constant 48 : index
        %get3A_1158 = tpu.vector_load %arg13[%get3A_1156, %get3A_1157] {strides = array<i32>} : memref<256x64xf32, #tpu.memory_space<vmem>>, vector<1x16xf32>,
        %get3A_1159 = vector.shape_cast %get3A_1158 : vector<1x16xf32> to vector<16xf32>
        %sub3A_1160 = arith.subf %get3A_1155, %get3A_1159 : vector<16xf32>
        %mul3A_1161 = arith.mulf %sub3A_1160, %sub3A_1160 : vector<16xf32>
        %add3A_1162 = arith.addf %add3A_1151, %mul3A_1161 : vector<16xf32>
        %mul3A_1163 = arith.constant 16 : i32
        %mul3A_1164 = arith.muli %scan3A_112, %mul3A_1163 : i32
        %add3A_1165 = arith.constant 15 : i32
        %add3A_1166 = arith.addi %mul3A_1164, %add3A_1165 : i32
        %get3A_1167 = arith.index_cast %add3A_1166 : i32 to index
        %get3A_1168 = arith.constant 0 : index
        %get3A_1169 = tpu.vector_load %arg11[%get3A_1167, %get3A_1168] {strides = array<i32>} : memref<256x64xf32, #tpu.memory_space<vmem>>, vector<1x16xf32>,
        %get3A_1170 = vector.shape_cast %get3A_1169 : vector<1x16xf32> to vector<16xf32>
        %get3A_1171 = arith.index_cast %add3A_1166 : i32 to index
        %get3A_1172 = arith.constant 0 : index
        %get3A_1173 = tpu.vector_load %arg13[%get3A_1171, %get3A_1172] {strides = array<i32>} : memref<256x64xf32, #tpu.memory_space<vmem>>, vector<1x16xf32>,
        %get3A_1174 = vector.shape_cast %get3A_1173 : vector<1x16xf32> to vector<16xf32>
        %sub3A_1175 = arith.subf %get3A_1170, %get3A_1174 : vector<16xf32>
        %mul3A_1176 = arith.mulf %sub3A_1175, %sub3A_1175 : vector<16xf32>
        %get3A_1177 = arith.index_cast %add3A_1166 : i32 to index
        %get3A_1178 = arith.constant 16 : index
        %get3A_1179 = tpu.vector_load %arg11[%get3A_1177, %get3A_1178] {strides = array<i32>} : memref<256x64xf32, #tpu.memory_space<vmem>>, vector<1x16xf32>,
        %get3A_1180 = vector.shape_cast %get3A_1179 : vector<1x16xf32> to vector<16xf32>
        %get3A_1181 = arith.index_cast %add3A_1166 : i32 to index
        %get3A_1182 = arith.constant 16 : index
        %get3A_1183 = tpu.vector_load %arg13[%get3A_1181, %get3A_1182] {strides = array<i32>} : memref<256x64xf32, #tpu.memory_space<vmem>>, vector<1x16xf32>,
        %get3A_1184 = vector.shape_cast %get3A_1183 : vector<1x16xf32> to vector<16xf32>
        %sub3A_1185 = arith.subf %get3A_1180, %get3A_1184 : vector<16xf32>
        %mul3A_1186 = arith.mulf %sub3A_1185, %sub3A_1185 : vector<16xf32>
        %add3A_1187 = arith.addf %mul3A_1176, %mul3A_1186 : vector<16xf32>
        %get3A_1188 = arith.index_cast %add3A_1166 : i32 to index
        %get3A_1189 = arith.constant 32 : index
        %get3A_1190 = tpu.vector_load %arg11[%get3A_1188, %get3A_1189] {strides = array<i32>} : memref<256x64xf32, #tpu.memory_space<vmem>>, vector<1x16xf32>,
        %get3A_1191 = vector.shape_cast %get3A_1190 : vector<1x16xf32> to vector<16xf32>
        %get3A_1192 = arith.index_cast %add3A_1166 : i32 to index
        %get3A_1193 = arith.constant 32 : index
        %get3A_1194 = tpu.vector_load %arg13[%get3A_1192, %get3A_1193] {strides = array<i32>} : memref<256x64xf32, #tpu.memory_space<vmem>>, vector<1x16xf32>,
        %get3A_1195 = vector.shape_cast %get3A_1194 : vector<1x16xf32> to vector<16xf32>
        %sub3A_1196 = arith.subf %get3A_1191, %get3A_1195 : vector<16xf32>
        %mul3A_1197 = arith.mulf %sub3A_1196, %sub3A_1196 : vector<16xf32>
        %add3A_1198 = arith.addf %add3A_1187, %mul3A_1197 : vector<16xf32>
        %get3A_1199 = arith.index_cast %add3A_1166 : i32 to index
        %get3A_1200 = arith.constant 48 : index
        %get3A_1201 = tpu.vector_load %arg11[%get3A_1199, %get3A_1200] {strides = array<i32>} : memref<256x64xf32, #tpu.memory_space<vmem>>, vector<1x16xf32>,
        %get3A_1202 = vector.shape_cast %get3A_1201 : vector<1x16xf32> to vector<16xf32>
        %get3A_1203 = arith.index_cast %add3A_1166 : i32 to index
        %get3A_1204 = arith.constant 48 : index
        %get3A_1205 = tpu.vector_load %arg13[%get3A_1203, %get3A_1204] {strides = array<i32>} : memref<256x64xf32, #tpu.memory_space<vmem>>, vector<1x16xf32>,
        %get3A_1206 = vector.shape_cast %get3A_1205 : vector<1x16xf32> to vector<16xf32>
        %sub3A_1207 = arith.subf %get3A_1202, %get3A_1206 : vector<16xf32>
        %mul3A_1208 = arith.mulf %sub3A_1207, %sub3A_1207 : vector<16xf32>
        %add3A_1209 = arith.addf %add3A_1198, %mul3A_1208 : vector<16xf32>
        %xor3A_1210 = arith.constant 1 : i32
        %xor3A_1211 = vector.broadcast %xor3A_1210 : i32 to vector<16xi32>
        %xor3A_1212 = arith.xori %iota3A, %xor3A_1211 : vector<16xi32>
        %and3A_1213 = arith.constant 1 : i32
        %and3A_1214 = vector.broadcast %and3A_1213 : i32 to vector<16xi32>
        %and3A_1215 = arith.andi %iota3A, %and3A_1214 : vector<16xi32>
        %eq3A_1216 = arith.constant 0 : i32
        %eq3A_1217 = vector.broadcast %eq3A_1216 : i32 to vector<16xi32>
        %eq3A_1218 = arith.cmpi eq, %and3A_1215, %eq3A_1217 : vector<16xi32>
        %lt3A_1219 = arith.constant 0 : i32
        %lt3A_1220 = vector.broadcast %lt3A_1219 : i32 to vector<16xi32>
        %lt3A_1221 = arith.cmpi slt, %xor3A_1212, %lt3A_1220 : vector<16xi32>
        %add3A_1222 = arith.constant 16 : i32
        %add3A_1223 = vector.broadcast %add3A_1222 : i32 to vector<16xi32>
        %add3A_1224 = arith.addi %xor3A_1212, %add3A_1223 : vector<16xi32>
        %select_n3A_1225 = arith.select %lt3A_1221, %add3A_1224, %xor3A_1212 : vector<16xi1>, vector<16xi32>
        %broadcast_in_dim3A_1226 = vector.shape_cast %select_n3A_1225 : vector<16xi32> to vector<16x1xi32>
        %gather3A_1227 = vector.shape_cast %broadcast_in_dim3A_1226 : vector<16x1xi32> to vector<16xi32>
        %gather3A_1228 = tpu.dynamic_gather %add3A_1162[%gather3A_1227] in [0] : vector<16xf32>, vector<16xi32> -> vector<16xf32>
        %lt3A_1229 = arith.constant 0 : i32
        %lt3A_1230 = vector.broadcast %lt3A_1229 : i32 to vector<16xi32>
        %lt3A_1231 = arith.cmpi slt, %xor3A_1212, %lt3A_1230 : vector<16xi32>
        %add3A_1232 = arith.constant 16 : i32
        %add3A_1233 = vector.broadcast %add3A_1232 : i32 to vector<16xi32>
        %add3A_1234 = arith.addi %xor3A_1212, %add3A_1233 : vector<16xi32>
        %select_n3A_1235 = arith.select %lt3A_1231, %add3A_1234, %xor3A_1212 : vector<16xi1>, vector<16xi32>
        %broadcast_in_dim3A_1236 = vector.shape_cast %select_n3A_1235 : vector<16xi32> to vector<16x1xi32>
        %gather3A_1237 = vector.shape_cast %broadcast_in_dim3A_1236 : vector<16x1xi32> to vector<16xi32>
        %gather3A_1238 = tpu.dynamic_gather %add3A_1209[%gather3A_1237] in [0] : vector<16xf32>, vector<16xi32> -> vector<16xf32>
        %select_n3A_1239 = arith.select %eq3A_1218, %add3A_1162, %gather3A_1238 : vector<16xi1>, vector<16xf32>
        %select_n3A_1240 = arith.select %eq3A_1218, %gather3A_1228, %add3A_1209 : vector<16xi1>, vector<16xf32>
        %add3A_1241 = arith.addf %select_n3A_1239, %select_n3A_1240 : vector<16xf32>
        %xor3A_1242 = arith.constant 2 : i32
        %xor3A_1243 = vector.broadcast %xor3A_1242 : i32 to vector<16xi32>
        %xor3A_1244 = arith.xori %iota3A, %xor3A_1243 : vector<16xi32>
        %and3A_1245 = arith.constant 2 : i32
        %and3A_1246 = vector.broadcast %and3A_1245 : i32 to vector<16xi32>
        %and3A_1247 = arith.andi %iota3A, %and3A_1246 : vector<16xi32>
        %eq3A_1248 = arith.constant 0 : i32
        %eq3A_1249 = vector.broadcast %eq3A_1248 : i32 to vector<16xi32>
        %eq3A_1250 = arith.cmpi eq, %and3A_1247, %eq3A_1249 : vector<16xi32>
        %lt3A_1251 = arith.constant 0 : i32
        %lt3A_1252 = vector.broadcast %lt3A_1251 : i32 to vector<16xi32>
        %lt3A_1253 = arith.cmpi slt, %xor3A_1244, %lt3A_1252 : vector<16xi32>
        %add3A_1254 = arith.constant 16 : i32
        %add3A_1255 = vector.broadcast %add3A_1254 : i32 to vector<16xi32>
        %add3A_1256 = arith.addi %xor3A_1244, %add3A_1255 : vector<16xi32>
        %select_n3A_1257 = arith.select %lt3A_1253, %add3A_1256, %xor3A_1244 : vector<16xi1>, vector<16xi32>
        %broadcast_in_dim3A_1258 = vector.shape_cast %select_n3A_1257 : vector<16xi32> to vector<16x1xi32>
        %gather3A_1259 = vector.shape_cast %broadcast_in_dim3A_1258 : vector<16x1xi32> to vector<16xi32>
        %gather3A_1260 = tpu.dynamic_gather %add3A_1115[%gather3A_1259] in [0] : vector<16xf32>, vector<16xi32> -> vector<16xf32>
        %lt3A_1261 = arith.constant 0 : i32
        %lt3A_1262 = vector.broadcast %lt3A_1261 : i32 to vector<16xi32>
        %lt3A_1263 = arith.cmpi slt, %xor3A_1244, %lt3A_1262 : vector<16xi32>
        %add3A_1264 = arith.constant 16 : i32
        %add3A_1265 = vector.broadcast %add3A_1264 : i32 to vector<16xi32>
        %add3A_1266 = arith.addi %xor3A_1244, %add3A_1265 : vector<16xi32>
        %select_n3A_1267 = arith.select %lt3A_1263, %add3A_1266, %xor3A_1244 : vector<16xi1>, vector<16xi32>
        %broadcast_in_dim3A_1268 = vector.shape_cast %select_n3A_1267 : vector<16xi32> to vector<16x1xi32>
        %gather3A_1269 = vector.shape_cast %broadcast_in_dim3A_1268 : vector<16x1xi32> to vector<16xi32>
        %gather3A_1270 = tpu.dynamic_gather %add3A_1241[%gather3A_1269] in [0] : vector<16xf32>, vector<16xi32> -> vector<16xf32>
        %select_n3A_1271 = arith.select %eq3A_1250, %add3A_1115, %gather3A_1270 : vector<16xi1>, vector<16xf32>
        %select_n3A_1272 = arith.select %eq3A_1250, %gather3A_1260, %add3A_1241 : vector<16xi1>, vector<16xf32>
        %add3A_1273 = arith.addf %select_n3A_1271, %select_n3A_1272 : vector<16xf32>
        %xor3A_1274 = arith.constant 4 : i32
        %xor3A_1275 = vector.broadcast %xor3A_1274 : i32 to vector<16xi32>
        %xor3A_1276 = arith.xori %iota3A, %xor3A_1275 : vector<16xi32>
        %and3A_1277 = arith.constant 4 : i32
        %and3A_1278 = vector.broadcast %and3A_1277 : i32 to vector<16xi32>
        %and3A_1279 = arith.andi %iota3A, %and3A_1278 : vector<16xi32>
        %eq3A_1280 = arith.constant 0 : i32
        %eq3A_1281 = vector.broadcast %eq3A_1280 : i32 to vector<16xi32>
        %eq3A_1282 = arith.cmpi eq, %and3A_1279, %eq3A_1281 : vector<16xi32>
        %lt3A_1283 = arith.constant 0 : i32
        %lt3A_1284 = vector.broadcast %lt3A_1283 : i32 to vector<16xi32>
        %lt3A_1285 = arith.cmpi slt, %xor3A_1276, %lt3A_1284 : vector<16xi32>
        %add3A_1286 = arith.constant 16 : i32
        %add3A_1287 = vector.broadcast %add3A_1286 : i32 to vector<16xi32>
        %add3A_1288 = arith.addi %xor3A_1276, %add3A_1287 : vector<16xi32>
        %select_n3A_1289 = arith.select %lt3A_1285, %add3A_1288, %xor3A_1276 : vector<16xi1>, vector<16xi32>
        %broadcast_in_dim3A_1290 = vector.shape_cast %select_n3A_1289 : vector<16xi32> to vector<16x1xi32>
        %gather3A_1291 = vector.shape_cast %broadcast_in_dim3A_1290 : vector<16x1xi32> to vector<16xi32>
        %gather3A_1292 = tpu.dynamic_gather %add3A_989[%gather3A_1291] in [0] : vector<16xf32>, vector<16xi32> -> vector<16xf32>
        %lt3A_1293 = arith.constant 0 : i32
        %lt3A_1294 = vector.broadcast %lt3A_1293 : i32 to vector<16xi32>
        %lt3A_1295 = arith.cmpi slt, %xor3A_1276, %lt3A_1294 : vector<16xi32>
        %add3A_1296 = arith.constant 16 : i32
        %add3A_1297 = vector.broadcast %add3A_1296 : i32 to vector<16xi32>
        %add3A_1298 = arith.addi %xor3A_1276, %add3A_1297 : vector<16xi32>
        %select_n3A_1299 = arith.select %lt3A_1295, %add3A_1298, %xor3A_1276 : vector<16xi1>, vector<16xi32>
        %broadcast_in_dim3A_1300 = vector.shape_cast %select_n3A_1299 : vector<16xi32> to vector<16x1xi32>
        %gather3A_1301 = vector.shape_cast %broadcast_in_dim3A_1300 : vector<16x1xi32> to vector<16xi32>
        %gather3A_1302 = tpu.dynamic_gather %add3A_1273[%gather3A_1301] in [0] : vector<16xf32>, vector<16xi32> -> vector<16xf32>
        %select_n3A_1303 = arith.select %eq3A_1282, %add3A_989, %gather3A_1302 : vector<16xi1>, vector<16xf32>
        %select_n3A_1304 = arith.select %eq3A_1282, %gather3A_1292, %add3A_1273 : vector<16xi1>, vector<16xf32>
        %add3A_1305 = arith.addf %select_n3A_1303, %select_n3A_1304 : vector<16xf32>
        %xor3A_1306 = arith.constant 8 : i32
        %xor3A_1307 = vector.broadcast %xor3A_1306 : i32 to vector<16xi32>
        %xor3A_1308 = arith.xori %iota3A, %xor3A_1307 : vector<16xi32>
        %and3A_1309 = arith.constant 8 : i32
        %and3A_1310 = vector.broadcast %and3A_1309 : i32 to vector<16xi32>
        %and3A_1311 = arith.andi %iota3A, %and3A_1310 : vector<16xi32>
        %eq3A_1312 = arith.constant 0 : i32
        %eq3A_1313 = vector.broadcast %eq3A_1312 : i32 to vector<16xi32>
        %eq3A_1314 = arith.cmpi eq, %and3A_1311, %eq3A_1313 : vector<16xi32>
        %lt3A_1315 = arith.constant 0 : i32
        %lt3A_1316 = vector.broadcast %lt3A_1315 : i32 to vector<16xi32>
        %lt3A_1317 = arith.cmpi slt, %xor3A_1308, %lt3A_1316 : vector<16xi32>
        %add3A_1318 = arith.constant 16 : i32
        %add3A_1319 = vector.broadcast %add3A_1318 : i32 to vector<16xi32>
        %add3A_1320 = arith.addi %xor3A_1308, %add3A_1319 : vector<16xi32>
        %select_n3A_1321 = arith.select %lt3A_1317, %add3A_1320, %xor3A_1308 : vector<16xi1>, vector<16xi32>
        %broadcast_in_dim3A_1322 = vector.shape_cast %select_n3A_1321 : vector<16xi32> to vector<16x1xi32>
        %gather3A_1323 = vector.shape_cast %broadcast_in_dim3A_1322 : vector<16x1xi32> to vector<16xi32>
        %gather3A_1324 = tpu.dynamic_gather %add3A_705[%gather3A_1323] in [0] : vector<16xf32>, vector<16xi32> -> vector<16xf32>
        %lt3A_1325 = arith.constant 0 : i32
        %lt3A_1326 = vector.broadcast %lt3A_1325 : i32 to vector<16xi32>
        %lt3A_1327 = arith.cmpi slt, %xor3A_1308, %lt3A_1326 : vector<16xi32>
        %add3A_1328 = arith.constant 16 : i32
        %add3A_1329 = vector.broadcast %add3A_1328 : i32 to vector<16xi32>
        %add3A_1330 = arith.addi %xor3A_1308, %add3A_1329 : vector<16xi32>
        %select_n3A_1331 = arith.select %lt3A_1327, %add3A_1330, %xor3A_1308 : vector<16xi1>, vector<16xi32>
        %broadcast_in_dim3A_1332 = vector.shape_cast %select_n3A_1331 : vector<16xi32> to vector<16x1xi32>
        %gather3A_1333 = vector.shape_cast %broadcast_in_dim3A_1332 : vector<16x1xi32> to vector<16xi32>
        %gather3A_1334 = tpu.dynamic_gather %add3A_1305[%gather3A_1333] in [0] : vector<16xf32>, vector<16xi32> -> vector<16xf32>
        %select_n3A_1335 = arith.select %eq3A_1314, %add3A_705, %gather3A_1334 : vector<16xi1>, vector<16xf32>
        %select_n3A_1336 = arith.select %eq3A_1314, %gather3A_1324, %add3A_1305 : vector<16xi1>, vector<16xf32>
        %add3A_1337 = arith.addf %select_n3A_1335, %select_n3A_1336 : vector<16xf32>
        %mul3A_1338 = arith.constant 16 : i32
        %mul3A_1339 = arith.muli %scan3A_112, %mul3A_1338 : i32
        %swap3A_1340 = arith.index_cast %mul3A_1339 : i32 to index
        %swap3A_1341 = tpu.vector_load %arg14[%swap3A_1340] {strides = array<i32>} : memref<256xf32, #tpu.memory_space<vmem>>, vector<16xf32>,
        %swap3A_1342 = vector.shape_cast %swap3A_1341 : vector<16xf32> to vector<16xf32>
        %swap3A_1343 = vector.shape_cast %add3A_1337 : vector<16xf32> to vector<16xf32>
        tpu.vector_store %arg14[%swap3A_1340], %swap3A_1343 {strides = array<i32>} : memref<256xf32, #tpu.memory_space<vmem>>, vector<16xf32>,
      }
      %scan3A_105 = arith.constant 16 : i32
      %scan3A_106 = arith.constant 0 : i32
      %scan3A_107 = arith.constant 16 : i32
      %scan3A_108 = arith.addi %scan3A_106, %scan3A_107 : i32
      %scan3A_109 = arith.constant 1 : i32
      %scan3A_110:4 = scf.for %scan3A_112 = %scan3A_106 to %scan3A_108 step %scan3A_109 iter_args(%scan3A_113 = %scan3A_75#0, %scan3A_114 = %scan3A_75#1, %scan3A_115 = %scan3A_75#2, %scan3A_116 = %scan3A_75#3) -> (vector<16xf32>, vector<16xf32>, vector<16xf32>, vector<16xf32>)  : i32 {
        %mul3A_117 = arith.constant 16 : i32
        %mul3A_118 = arith.muli %scan3A_112, %mul3A_117 : i32
        %get3A = arith.index_cast %mul3A_118 : i32 to index
        %get3A_119 = tpu.vector_load %arg14[%get3A] {strides = array<i32>} : memref<256xf32, #tpu.memory_space<vmem>>, vector<16xf32>,
        %get3A_120 = vector.shape_cast %get3A_119 : vector<16xf32> to vector<16xf32>
        %add3A_121 = arith.constant 1.000000e+00 : f32
        %add3A_122 = vector.broadcast %add3A_121 : f32 to vector<16xf32>
        %add3A_123 = arith.addf %add3A_122, %get3A_120 : vector<16xf32>
        %div3A = arith.constant 1.000000e+00 : f32
        %div3A_124 = vector.broadcast %div3A : f32 to vector<16xf32>
        %div3A_125 = arith.divf %div3A_124, %add3A_123 : vector<16xf32>
        %mul3A_126 = arith.constant 256 : i32
        %mul3A_127 = arith.muli %add3A_80, %mul3A_126 : i32
        %mul3A_128 = arith.constant 16 : i32
        %mul3A_129 = arith.muli %scan3A_112, %mul3A_128 : i32
        %add3A_130 = arith.addi %mul3A_127, %mul3A_129 : i32
        %get3A_131 = arith.index_cast %add3A_130 : i32 to index
        %get3A_132 = tpu.vector_load %arg9[%get3A_131] {strides = array<i32>} : memref<8192xf32, #tpu.memory_space<vmem>>, vector<16xf32>,
        %get3A_133 = vector.shape_cast %get3A_132 : vector<16xf32> to vector<16xf32>
        %neg3A = arith.constant 0.000000e+00 : f32
        %neg3A_134 = vector.broadcast %neg3A : f32 to vector<16xf32>
        %neg3A_135 = arith.subf %neg3A_134, %get3A_120 : vector<16xf32>
        %mul3A_136 = arith.mulf %neg3A_135, %div3A_125 : vector<16xf32>
        %add3A_137 = arith.addf %scan3A_113, %mul3A_136 : vector<16xf32>
        %bitcast_convert_type3A = tpu.bitcast %div3A_125 : vector<16xf32> -> vector<16xi32>
        %shift_right_arithmetic3A = arith.constant 23 : i32
        %shift_right_arithmetic3A_138 = vector.broadcast %shift_right_arithmetic3A : i32 to vector<16xi32>
        %shift_right_arithmetic3A_139 = arith.shrsi %bitcast_convert_type3A, %shift_right_arithmetic3A_138 : vector<16xi32>
        %and3A = arith.constant 255 : i32
        %and3A_140 = vector.broadcast %and3A : i32 to vector<16xi32>
        %and3A_141 = arith.andi %shift_right_arithmetic3A_139, %and3A_140 : vector<16xi32>
        %sub3A = arith.constant 127 : i32
        %sub3A_142 = vector.broadcast %sub3A : i32 to vector<16xi32>
        %sub3A_143 = arith.subi %and3A_141, %sub3A_142 : vector<16xi32>
        %and3A_144 = arith.constant 8388607 : i32
        %and3A_145 = vector.broadcast %and3A_144 : i32 to vector<16xi32>
        %and3A_146 = arith.andi %bitcast_convert_type3A, %and3A_145 : vector<16xi32>
        %or3A = arith.constant 1065353216 : i32
        %or3A_147 = vector.broadcast %or3A : i32 to vector<16xi32>
        %or3A_148 = arith.ori %and3A_146, %or3A_147 : vector<16xi32>
        %bitcast_convert_type3A_149 = tpu.bitcast %or3A_148 : vector<16xi32> -> vector<16xf32>
        %gt3A = arith.constant 1.41421354 : f32
        %gt3A_150 = vector.broadcast %gt3A : f32 to vector<16xf32>
        %gt3A_151 = arith.cmpf ogt, %bitcast_convert_type3A_149, %gt3A_150 : vector<16xf32>
        %mul3A_152 = arith.constant 5.000000e-01 : f32
        %mul3A_153 = vector.broadcast %mul3A_152 : f32 to vector<16xf32>
        %mul3A_154 = arith.mulf %bitcast_convert_type3A_149, %mul3A_153 : vector<16xf32>
        %select_n3A = arith.select %gt3A_151, %mul3A_154, %bitcast_convert_type3A_149 : vector<16xi1>, vector<16xf32>
        %convert_element_type3A_155 = arith.sitofp %sub3A_143 : vector<16xi32> to vector<16xf32>
        %jit3A = arith.constant 1.000000e+00 : f32
        %jit3A_156 = arith.constant 0.000000e+00 : f32
        %broadcast_in_dim3A_157 = vector.broadcast %jit3A : f32 to vector<16xf32>
        %broadcast_in_dim3A_158 = vector.broadcast %jit3A_156 : f32 to vector<16xf32>
        %select_n3A_159 = arith.select %gt3A_151, %broadcast_in_dim3A_157, %broadcast_in_dim3A_158 : vector<16xi1>, vector<16xf32>
        %add3A_160 = arith.addf %convert_element_type3A_155, %select_n3A_159 : vector<16xf32>
        %sub3A_161 = arith.constant 1.000000e+00 : f32
        %sub3A_162 = vector.broadcast %sub3A_161 : f32 to vector<16xf32>
        %sub3A_163 = arith.subf %select_n3A, %sub3A_162 : vector<16xf32>
        %add3A_164 = arith.constant 1.000000e+00 : f32
        %add3A_165 = vector.broadcast %add3A_164 : f32 to vector<16xf32>
        %add3A_166 = arith.addf %select_n3A, %add3A_165 : vector<16xf32>
        %div3A_167 = arith.divf %sub3A_163, %add3A_166 : vector<16xf32>
        %mul3A_168 = arith.mulf %div3A_167, %div3A_167 : vector<16xf32>
        %mul3A_169 = arith.constant 0.111111112 : f32
        %mul3A_170 = vector.broadcast %mul3A_169 : f32 to vector<16xf32>
        %mul3A_171 = arith.mulf %mul3A_168, %mul3A_170 : vector<16xf32>
        %add3A_172 = arith.constant 0.142857149 : f32
        %add3A_173 = vector.broadcast %add3A_172 : f32 to vector<16xf32>
        %add3A_174 = arith.addf %add3A_173, %mul3A_171 : vector<16xf32>
        %mul3A_175 = arith.mulf %mul3A_168, %add3A_174 : vector<16xf32>
        %add3A_176 = arith.constant 2.000000e-01 : f32
        %add3A_177 = vector.broadcast %add3A_176 : f32 to vector<16xf32>
        %add3A_178 = arith.addf %add3A_177, %mul3A_175 : vector<16xf32>
        %mul3A_179 = arith.mulf %mul3A_168, %add3A_178 : vector<16xf32>
        %add3A_180 = arith.constant 0.333333343 : f32
        %add3A_181 = vector.broadcast %add3A_180 : f32 to vector<16xf32>
        %add3A_182 = arith.addf %add3A_181, %mul3A_179 : vector<16xf32>
        %mul3A_183 = arith.constant 0.693147182 : f32
        %mul3A_184 = vector.broadcast %mul3A_183 : f32 to vector<16xf32>
        %mul3A_185 = arith.mulf %add3A_160, %mul3A_184 : vector<16xf32>
        %mul3A_186 = arith.constant 2.000000e+00 : f32
        %mul3A_187 = vector.broadcast %mul3A_186 : f32 to vector<16xf32>
        %mul3A_188 = arith.mulf %mul3A_187, %div3A_167 : vector<16xf32>
        %mul3A_189 = arith.mulf %mul3A_168, %add3A_182 : vector<16xf32>
        %add3A_190 = arith.constant 1.000000e+00 : f32
        %add3A_191 = vector.broadcast %add3A_190 : f32 to vector<16xf32>
        %add3A_192 = arith.addf %add3A_191, %mul3A_189 : vector<16xf32>
        %mul3A_193 = arith.mulf %mul3A_188, %add3A_192 : vector<16xf32>
        %add3A_194 = arith.addf %mul3A_185, %mul3A_193 : vector<16xf32>
        %mul3A_195 = arith.mulf %get3A_133, %add3A_194 : vector<16xf32>
        %add3A_196 = arith.addf %scan3A_114, %mul3A_195 : vector<16xf32>
        %add3A_197 = arith.constant 9.99999996E-13 : f32
        %add3A_198 = vector.broadcast %add3A_197 : f32 to vector<16xf32>
        %add3A_199 = arith.addf %get3A_133, %add3A_198 : vector<16xf32>
        %bitcast_convert_type3A_200 = tpu.bitcast %add3A_199 : vector<16xf32> -> vector<16xi32>
        %shift_right_arithmetic3A_201 = arith.constant 23 : i32
        %shift_right_arithmetic3A_202 = vector.broadcast %shift_right_arithmetic3A_201 : i32 to vector<16xi32>
        %shift_right_arithmetic3A_203 = arith.shrsi %bitcast_convert_type3A_200, %shift_right_arithmetic3A_202 : vector<16xi32>
        %and3A_204 = arith.constant 255 : i32
        %and3A_205 = vector.broadcast %and3A_204 : i32 to vector<16xi32>
        %and3A_206 = arith.andi %shift_right_arithmetic3A_203, %and3A_205 : vector<16xi32>
        %sub3A_207 = arith.constant 127 : i32
        %sub3A_208 = vector.broadcast %sub3A_207 : i32 to vector<16xi32>
        %sub3A_209 = arith.subi %and3A_206, %sub3A_208 : vector<16xi32>
        %and3A_210 = arith.constant 8388607 : i32
        %and3A_211 = vector.broadcast %and3A_210 : i32 to vector<16xi32>
        %and3A_212 = arith.andi %bitcast_convert_type3A_200, %and3A_211 : vector<16xi32>
        %or3A_213 = arith.constant 1065353216 : i32
        %or3A_214 = vector.broadcast %or3A_213 : i32 to vector<16xi32>
        %or3A_215 = arith.ori %and3A_212, %or3A_214 : vector<16xi32>
        %bitcast_convert_type3A_216 = tpu.bitcast %or3A_215 : vector<16xi32> -> vector<16xf32>
        %gt3A_217 = arith.constant 1.41421354 : f32
        %gt3A_218 = vector.broadcast %gt3A_217 : f32 to vector<16xf32>
        %gt3A_219 = arith.cmpf ogt, %bitcast_convert_type3A_216, %gt3A_218 : vector<16xf32>
        %mul3A_220 = arith.constant 5.000000e-01 : f32
        %mul3A_221 = vector.broadcast %mul3A_220 : f32 to vector<16xf32>
        %mul3A_222 = arith.mulf %bitcast_convert_type3A_216, %mul3A_221 : vector<16xf32>
        %select_n3A_223 = arith.select %gt3A_219, %mul3A_222, %bitcast_convert_type3A_216 : vector<16xi1>, vector<16xf32>
        %convert_element_type3A_224 = arith.sitofp %sub3A_209 : vector<16xi32> to vector<16xf32>
        %jit3A_225 = arith.constant 1.000000e+00 : f32
        %jit3A_226 = arith.constant 0.000000e+00 : f32
        %broadcast_in_dim3A_227 = vector.broadcast %jit3A_225 : f32 to vector<16xf32>
        %broadcast_in_dim3A_228 = vector.broadcast %jit3A_226 : f32 to vector<16xf32>
        %select_n3A_229 = arith.select %gt3A_219, %broadcast_in_dim3A_227, %broadcast_in_dim3A_228 : vector<16xi1>, vector<16xf32>
        %add3A_230 = arith.addf %convert_element_type3A_224, %select_n3A_229 : vector<16xf32>
        %sub3A_231 = arith.constant 1.000000e+00 : f32
        %sub3A_232 = vector.broadcast %sub3A_231 : f32 to vector<16xf32>
        %sub3A_233 = arith.subf %select_n3A_223, %sub3A_232 : vector<16xf32>
        %add3A_234 = arith.constant 1.000000e+00 : f32
        %add3A_235 = vector.broadcast %add3A_234 : f32 to vector<16xf32>
        %add3A_236 = arith.addf %select_n3A_223, %add3A_235 : vector<16xf32>
        %div3A_237 = arith.divf %sub3A_233, %add3A_236 : vector<16xf32>
        %mul3A_238 = arith.mulf %div3A_237, %div3A_237 : vector<16xf32>
        %mul3A_239 = arith.constant 0.111111112 : f32
        %mul3A_240 = vector.broadcast %mul3A_239 : f32 to vector<16xf32>
        %mul3A_241 = arith.mulf %mul3A_238, %mul3A_240 : vector<16xf32>
        %add3A_242 = arith.constant 0.142857149 : f32
        %add3A_243 = vector.broadcast %add3A_242 : f32 to vector<16xf32>
        %add3A_244 = arith.addf %add3A_243, %mul3A_241 : vector<16xf32>
        %mul3A_245 = arith.mulf %mul3A_238, %add3A_244 : vector<16xf32>
        %add3A_246 = arith.constant 2.000000e-01 : f32
        %add3A_247 = vector.broadcast %add3A_246 : f32 to vector<16xf32>
        %add3A_248 = arith.addf %add3A_247, %mul3A_245 : vector<16xf32>
        %mul3A_249 = arith.mulf %mul3A_238, %add3A_248 : vector<16xf32>
        %add3A_250 = arith.constant 0.333333343 : f32
        %add3A_251 = vector.broadcast %add3A_250 : f32 to vector<16xf32>
        %add3A_252 = arith.addf %add3A_251, %mul3A_249 : vector<16xf32>
        %mul3A_253 = arith.constant 0.693147182 : f32
        %mul3A_254 = vector.broadcast %mul3A_253 : f32 to vector<16xf32>
        %mul3A_255 = arith.mulf %add3A_230, %mul3A_254 : vector<16xf32>
        %mul3A_256 = arith.constant 2.000000e+00 : f32
        %mul3A_257 = vector.broadcast %mul3A_256 : f32 to vector<16xf32>
        %mul3A_258 = arith.mulf %mul3A_257, %div3A_237 : vector<16xf32>
        %mul3A_259 = arith.mulf %mul3A_238, %add3A_252 : vector<16xf32>
        %add3A_260 = arith.constant 1.000000e+00 : f32
        %add3A_261 = vector.broadcast %add3A_260 : f32 to vector<16xf32>
        %add3A_262 = arith.addf %add3A_261, %mul3A_259 : vector<16xf32>
        %mul3A_263 = arith.mulf %mul3A_258, %add3A_262 : vector<16xf32>
        %add3A_264 = arith.addf %mul3A_255, %mul3A_263 : vector<16xf32>
        %mul3A_265 = arith.mulf %get3A_133, %add3A_264 : vector<16xf32>
        %add3A_266 = arith.addf %scan3A_115, %mul3A_265 : vector<16xf32>
        %add3A_267 = arith.addf %scan3A_116, %get3A_133 : vector<16xf32>
        scf.yield %add3A_137, %add3A_196, %add3A_266, %add3A_267 : vector<16xf32>, vector<16xf32>, vector<16xf32>, vector<16xf32>
      }
      %scan3A_111 = arith.constant 16 : i32
      scf.yield %scan3A_110#0, %scan3A_110#1, %scan3A_110#2, %scan3A_110#3 : vector<16xf32>, vector<16xf32>, vector<16xf32>, vector<16xf32>
    }
    %scan3A_17 = arith.constant 16 : i32
    %swap3A = arith.constant 0 : i32
    %swap3A_18 = arith.index_cast %swap3A : i32 to index
    %swap3A_19 = arith.constant 0 : index
    %swap3A_20 = tpu.vector_load %arg15[%swap3A_18, %swap3A_19] {strides = array<i32>} : memref<4x16xf32, #tpu.memory_space<vmem>>, vector<1x16xf32>,
    %swap3A_21 = vector.shape_cast %swap3A_20 : vector<1x16xf32> to vector<16xf32>
    %swap3A_22 = vector.shape_cast %scan3A_16#0 : vector<16xf32> to vector<1x16xf32>
    tpu.vector_store %arg15[%swap3A_18, %swap3A_19], %swap3A_22 {strides = array<i32>} : memref<4x16xf32, #tpu.memory_space<vmem>>, vector<1x16xf32>,
    %swap3A_23 = arith.constant 1 : i32
    %swap3A_24 = arith.index_cast %swap3A_23 : i32 to index
    %swap3A_25 = arith.constant 0 : index
    %swap3A_26 = tpu.vector_load %arg15[%swap3A_24, %swap3A_25] {strides = array<i32>} : memref<4x16xf32, #tpu.memory_space<vmem>>, vector<1x16xf32>,
    %swap3A_27 = vector.shape_cast %swap3A_26 : vector<1x16xf32> to vector<16xf32>
    %swap3A_28 = vector.shape_cast %scan3A_16#1 : vector<16xf32> to vector<1x16xf32>
    tpu.vector_store %arg15[%swap3A_24, %swap3A_25], %swap3A_28 {strides = array<i32>} : memref<4x16xf32, #tpu.memory_space<vmem>>, vector<1x16xf32>,
    %swap3A_29 = arith.constant 2 : i32
    %swap3A_30 = arith.index_cast %swap3A_29 : i32 to index
    %swap3A_31 = arith.constant 0 : index
    %swap3A_32 = tpu.vector_load %arg15[%swap3A_30, %swap3A_31] {strides = array<i32>} : memref<4x16xf32, #tpu.memory_space<vmem>>, vector<1x16xf32>,
    %swap3A_33 = vector.shape_cast %swap3A_32 : vector<1x16xf32> to vector<16xf32>
    %swap3A_34 = vector.shape_cast %scan3A_16#2 : vector<16xf32> to vector<1x16xf32>
    tpu.vector_store %arg15[%swap3A_30, %swap3A_31], %swap3A_34 {strides = array<i32>} : memref<4x16xf32, #tpu.memory_space<vmem>>, vector<1x16xf32>,
    %swap3A_35 = arith.constant 3 : i32
    %swap3A_36 = arith.index_cast %swap3A_35 : i32 to index
    %swap3A_37 = arith.constant 0 : index
    %swap3A_38 = tpu.vector_load %arg15[%swap3A_36, %swap3A_37] {strides = array<i32>} : memref<4x16xf32, #tpu.memory_space<vmem>>, vector<1x16xf32>,
    %swap3A_39 = vector.shape_cast %swap3A_38 : vector<1x16xf32> to vector<16xf32>
    %swap3A_40 = vector.shape_cast %scan3A_16#3 : vector<16xf32> to vector<1x16xf32>
    tpu.vector_store %arg15[%swap3A_36, %swap3A_37], %swap3A_40 {strides = array<i32>} : memref<4x16xf32, #tpu.memory_space<vmem>>, vector<1x16xf32>,
    "tpu.region"() ({
      %run_scoped3A = tpu.sem_alloc : memref<!tpu.dma_semaphore, #tpu.memory_space<semaphore_mem>>
      %dma_start3A_41 = arith.constant 0 : i32
      %dma_start3A_42 = arith.constant 0 : i32
      %dma_start3A_43 = tpu.memref_slice %arg6[%add3A, %dma_start3A_41, %dma_start3A_42] : memref<32x4x16xf32, #tpu.memory_space<hbm>> -> memref<1x4x16xf32, #tpu.memory_space<hbm>>
      %dma_start3A_44 = tpu.memref_squeeze %dma_start3A_43 : memref<1x4x16xf32, #tpu.memory_space<hbm>> -> memref<4x16xf32, #tpu.memory_space<hbm>>
      %dma_start3A_45 = arith.constant 0 : i32
      %dma_start3A_46 = arith.constant 0 : i32
      %dma_start3A_47 = tpu.memref_slice %arg6[%add3A, %dma_start3A_45, %dma_start3A_46] : memref<32x4x16xf32, #tpu.memory_space<hbm>> -> memref<1x4x16xf32, #tpu.memory_space<hbm>>
      %dma_start3A_48 = tpu.memref_squeeze %dma_start3A_47 : memref<1x4x16xf32, #tpu.memory_space<hbm>> -> memref<4x16xf32, #tpu.memory_space<hbm>>
      tpu.enqueue_dma source(%arg15 : memref<4x16xf32, #tpu.memory_space<vmem>>) target(%dma_start3A_48 : memref<4x16xf32, #tpu.memory_space<hbm>>) target_semaphore(%run_scoped3A : memref<!tpu.dma_semaphore, #tpu.memory_space<semaphore_mem>>)
      %dma_wait3A = arith.constant 0 : i32
      %dma_wait3A_49 = arith.constant 0 : i32
      %dma_wait3A_50 = tpu.memref_slice %arg6[%add3A, %dma_wait3A, %dma_wait3A_49] : memref<32x4x16xf32, #tpu.memory_space<hbm>> -> memref<1x4x16xf32, #tpu.memory_space<hbm>>
      %dma_wait3A_51 = tpu.memref_squeeze %dma_wait3A_50 : memref<1x4x16xf32, #tpu.memory_space<hbm>> -> memref<4x16xf32, #tpu.memory_space<hbm>>
      %dma_wait3A_52 = arith.constant 0 : i32
      %dma_wait3A_53 = arith.constant 0 : i32
      %dma_wait3A_54 = tpu.memref_slice %arg6[%add3A, %dma_wait3A_52, %dma_wait3A_53] : memref<32x4x16xf32, #tpu.memory_space<hbm>> -> memref<1x4x16xf32, #tpu.memory_space<hbm>>
      %dma_wait3A_55 = tpu.memref_squeeze %dma_wait3A_54 : memref<1x4x16xf32, #tpu.memory_space<hbm>> -> memref<4x16xf32, #tpu.memory_space<hbm>>
      tpu.wait_dma2 semaphore(%run_scoped3A : memref<!tpu.dma_semaphore, #tpu.memory_space<semaphore_mem>>) src(%arg15 : memref<4x16xf32, #tpu.memory_space<vmem>>) dst(%dma_wait3A_55 : memref<4x16xf32, #tpu.memory_space<hbm>>)
      tpu.yield
    }) : () -> ()
    return
  }
}

</mosaic_0001>

<sc_bundles>
// kernel: kernel.3.cloned.1.call-start
scs
__scs_entry_jumppad:
0x0: {  	(pc) =	sbr.rel $0x88, $3  }
0x1: {  	(tag) =	ssettag $0x0;
	lr =	simm.s32 $0x1  }
0x2: {  	[smem:$0x3F9D] =	sst lr;
	_ =	strace $0xD0000000  }
0x3: {  	_ = 	snop  }
0x4: {  	_ = 	snop  }
0x5: {  	_ = 	snop  }
0x6: {  	_ = 	snop  }
0x7: {  	_ = 	snop  }
__scs_overlays_trampoline_lowered:
0x8: {  	[smem:$0x3FAC] =	sst s0  }
0x9: {  	[smem:$0x3FAD] =	sst s1  }
0xa: {  	[smem:$0x3FAE] =	sst s2  }
0xb: {  	[smem:$0x3FAF] =	sst s3  }
0xc: {  	[smem:$0x3FB0] =	sst s4  }
0xd: {  	[smem:$0x3FB1] =	sst s5  }
0xe: {  	[smem:$0x3FB2] =	sst s6  }
0xf: {  	[smem:$0x3FB3] =	sst s7  }
0x10: {  	[smem:$0x3FB4] =	sst s8  }
0x11: {  	[smem:$0x3FB5] =	sst s9;
	s0 =	simm.s32 @!p0 $0x0  }
0x12: {  	s1 =	sld [smem:$0x3F9B];
	s0 =	simm.s32 @p0 $0x1  }
0x13: {  	[smem:$0x3FB6] =	sst s0;
	s0 =	simm.s32 @!p1 $0x0  }
0x14: {  	s2 =	sld [smem:$0x3F9A];
	s0 =	simm.s32 @p1 $0x1  }
0x15: {  	[smem:$0x3FB7] =	sst s0;
	s0 =	simm.s32 @!p2 $0x0  }
0x16: {  	s3 =	sld [smem:$0x3FDB];
	s0 =	simm.s32 @p2 $0x1  }
0x17: {  	s4 =	simm.s32 $0x1BF5;
	[smem:$0x3FB9] =	sst s0  }
0x18: {  	s0 =	sld [smem:$0x3F9C];
	_ =	swait.ge [sflag:s4], $0x0  }
0x19: {  	s7 =	sld [smem:$0x3F9D]  }
0x1a: {  	s8 =	sadd.s32 $0xFFFFE003, lr  }
0x1b: {  	s9 =	sadd.s32 $0xFFFFFEF7, lr;
	s5 =	simm.s32 $0xFFFFFFFF;
	p2 =	slt.u32 s8, $0xFFFFF086  }
0x1c: {  	p1 =	slt.u32 s9, $0xF7A;
	s5 =	simm.s32 @!p2 $0x0  }
0x1d: {  	s5 =	simm.s32 @p1 $0x1;
	p0 =	seq.s32 s7, s2  }
0x1e: {  	s7 =	smul.u32 @!p0 $0xF7A, s2;
	p2 =	seq.s32 @!p0 s5, $0x0  }
0x1f: {  	s9 =	smul.u32 $0xF7A, s1;
	s8 =	simm.s32 @!p0 $0x1BF5;
	p2 =	por !p2, p0  }
0x20: {  	[sflag:s8] =	ssyncset.s32 @!p0 $0xFFFFF086;
	s6 =	sadd.s32 @!p0 s3, s7;
	s7 =	simm.s32 @!p0 $0x108  }
0x21: {  	s3 =	sadd.s32 s3, s9;
	s6 =	sadd.s32 @!p0 $0x88, s6;
	s7 =	simm.s32 @p2 $0x1082  }
0x22: {  	[simem:s7], [sflag:s8] =	dma.local @!p0 [hbm:s6], $0xF7A  }
0x23: {  	s9 =	sor.u32 $0xD0000000, s2;
	s6 =	simm.s32 $0x108;
	_ =	swait.ge @!p0 [sflag:s8], $0x0  }
0x24: {  	s3 =	sadd.s32 $0x88, s3;
	s6 =	simm.s32 @!p1 $0x1082;
	[sflag:s4] =	ssyncset.s32 $0xFFFFF086  }
0x25: {  	[simem:s6], [sflag:s4] =	dma.local [hbm:s3], $0xF7A  }
0x26: {  	[smem:$0x3F9D] =	sst s1;
	(tag) =	ssettag s2;
	_ =	strace s9  }
0x27: {  	s1 =	sld [smem:$0x3FAD]  }
0x28: {  	s2 =	sld [smem:$0x3FAE]  }
0x29: {  	s4 =	sld [smem:$0x3FB0]  }
0x2a: {  	p0 =	seq.s32 s5, $0x0;
	s5 =	sld [smem:$0x3FB1]  }
0x2b: {  	s6 =	sld [smem:$0x3FB2]  }
0x2c: {  	s7 =	sld [smem:$0x3FB3]  }
0x2d: {  	s3 =	simm.s32 $0x108;
	s8 =	sld [smem:$0x3FB4]  }
0x2e: {  	s3 =	simm.s32 @!p0 $0x1082;
	s9 =	sld [smem:$0x3FB5]  }
0x2f: {  	lr =	sadd.s32 s0, s3;
	s0 =	sld [smem:$0x3FAC]  }
0x30: {  	s3 =	sld [smem:$0x3FAF]  }
0x31: {  	[smem:$0x3FB8] =	sst s10  }
0x32: {  	s10 =	sld [smem:$0x3FB6];
	_ =	sdelay $0x3  }
0x33: {  	p0 =	seq.s32 s10, $0x1;
	s10 =	sld [smem:$0x3FB8];
	_ =	sdelay $0x3  }
0x34: {  	[smem:$0x3FB8] =	sst s10  }
0x35: {  	s10 =	sld [smem:$0x3FB7];
	_ =	sdelay $0x3  }
0x36: {  	p1 =	seq.s32 s10, $0x1;
	s10 =	sld [smem:$0x3FB8];
	_ =	sdelay $0x3  }
0x37: {  	[smem:$0x3FB8] =	sst s10  }
0x38: {  	s10 =	sld [smem:$0x3FB9]  }
0x39: {  	_ = 	snop;
	(pc) =	sbr.ind lr, $3  }
0x3a: {  	_ = 	snop  }
0x3b: {  	_ = 	snop  }
0x3c: {  	p2 =	seq.s32 s10, $0x1;
	s10 =	sld [smem:$0x3FB8]  }
0x3d: {  	_ =	shalt  }
0x3e: {  	_ =	shalt  }
0x3f: {  	_ =	shalt  }
0x40: {  	_ =	shalt  }
0x41: {  	_ =	shalt  }
0x42: {  	_ =	shalt  }
0x43: {  	_ =	shalt  }
0x44: {  	_ =	shalt  }
0x45: {  	_ =	shalt  }
0x46: {  	_ =	shalt  }
0x47: {  	_ =	shalt  }
0x48: {  	_ =	shalt  }
0x49: {  	_ =	shalt  }
0x4a: {  	_ =	shalt  }
0x4b: {  	_ =	shalt  }
0x4c: {  	_ =	shalt  }
0x4d: {  	_ =	shalt  }
0x4e: {  	_ =	shalt  }
0x4f: {  	_ =	shalt  }
0x50: {  	_ =	shalt  }
0x51: {  	_ =	shalt  }
0x52: {  	_ =	shalt  }
0x53: {  	_ =	shalt  }
0x54: {  	_ =	shalt  }
0x55: {  	_ =	shalt  }
0x56: {  	_ =	shalt  }
0x57: {  	_ =	shalt  }
0x58: {  	_ =	shalt  }
0x59: {  	_ =	shalt  }
0x5a: {  	_ =	shalt  }
0x5b: {  	_ =	shalt  }
0x5c: {  	_ =	shalt  }
0x5d: {  	_ =	shalt  }
0x5e: {  	_ =	shalt  }
0x5f: {  	_ =	shalt  }
0x60: {  	_ =	shalt  }
0x61: {  	_ =	shalt  }
0x62: {  	_ =	shalt  }
0x63: {  	_ =	shalt  }
0x64: {  	_ =	shalt  }
0x65: {  	_ =	shalt  }
0x66: {  	_ =	shalt  }
0x67: {  	_ =	shalt  }
0x68: {  	_ =	shalt  }
0x69: {  	_ =	shalt  }
0x6a: {  	_ =	shalt  }
0x6b: {  	_ =	shalt  }
0x6c: {  	_ =	shalt  }
0x6d: {  	_ =	shalt  }
0x6e: {  	_ =	shalt  }
0x6f: {  	_ =	shalt  }
0x70: {  	_ =	shalt  }
0x71: {  	_ =	shalt  }
0x72: {  	_ =	shalt  }
0x73: {  	_ =	shalt  }
0x74: {  	_ =	shalt  }
0x75: {  	_ =	shalt  }
0x76: {  	_ =	shalt  }
0x77: {  	_ =	shalt  }
0x78: {  	_ =	shalt  }
0x79: {  	_ =	shalt  }
0x7a: {  	_ =	shalt  }
0x7b: {  	_ =	shalt  }
0x7c: {  	_ =	shalt  }
0x7d: {  	_ =	shalt  }
0x7e: {  	_ =	shalt  }
0x7f: {  	_ =	shalt  }
0x80: {  	_ =	shalt  }
0x81: {  	_ =	shalt  }
0x82: {  	_ =	shalt  }
0x83: {  	_ =	shalt  }
0x84: {  	_ =	shalt  }
0x85: {  	_ =	shalt  }
0x86: {  	_ =	shalt  }
0x87: {  	_ =	shalt  }
.Lfunc_end0:
.L_simem_size_0:
called_computation_lowered:
.L_overlay_start_0:
0x88: {  	s2 =	sld [smem:$0x3FD9]  }
0x89: {  	s3 =	sld [smem:$0x3FFE];
	_ =	sdelay $0x1  }
0x8a: {  	s1 =	srdreg.scid  }
0x8b: {  	s0 =	sand.u32 $0x1, s1  }
0x8c: {  	s17 =	sshll.u32 s0, $0xA;
	s2 =	sadd.s32 s3, s2  }
0x8d: {  	s2 =	sadd.s32 s2, s17  }
0x8e: {  	[smem:$0x3FC4] =	sst s2  }
0x8f: {  	_ = 	snop  }
0x90: {  	s2 =	sld [smem:$0x3FC9]  }
0x91: {  	s18 =	sld [smem:$0x3FC8]  }
0x92: {  	s4 =	sld [smem:$0x3FC7];
	(tm) =	ssettm $0x1  }
0x93: {  	s5 =	sld [smem:$0x3FFB];
	_ =	sdelay $0x3  }
0x94: {  	_ =	strace s5  }
0x95: {  	s5 =	sld [smem:$0x3FFC];
	_ =	sdelay $0x3  }
0x96: {  	_ =	strace s5  }
0x97: {  	s5 =	sld [smem:$0x3FFD];
	_ =	sdelay $0x3  }
0x98: {  	_ =	strace s5  }
0x99: {  	_ =	strace $0x8FFFFFFF  }
0x9a: {  	s19 =	sld [smem:$0x3FDB];
	_ =	sdelay $0x1  }
0x9b: {  	s6 =	simm.s32 $_scs_section_size  }
0x9c: {  	s7 =	simm.s32 $_size__tile_overlayer_lowered;
	s8 =	simm.s32 $_tile_overlayer_lowered  }
0x9d: {  	s22 =	simm.s32 $0x1BFF;
	s21 =	sshll.u32 s8, $0x1;
	s5 =	sadd.s32 s6, s19  }
0x9e: {  	s9 =	simm.s32 $0x0;
	s20 =	sshll.u32 s7, $0x1;
	s7 =	sadd.s32 s21, s5  }
0x9f: {  	[timem:s9], [sflag:s22] =	dma.local [hbm:s7], s20  }
0xa0: {  	_ =	swait.ge [sflag:s22], s20  }
0xa1: {  	s6 =	ssub.s32 $0x0, s20;
	[sflag:s22] =	ssyncset.done $0x0  }
0xa2: {  	[sflag:s22] =	ssyncadd.s32 s6;
	_ =	sdelay $0x1  }
0xa3: {  	s23 =	simm.s32 $0x1B8B  }
0xa4: {  	_ =	swait.ge [sflag:s23], $0x1  }
0xa5: {  	[sflag:s23] =	ssyncset.done $0x0  }
0xa6: {  	s25 =	simm.s32 $0x1B8E;
	s24 =	sld [smem:$0x3FFE];
	[sflag:s23] =	ssyncadd.s32 $0xFFFFFFFF  }
0xa7: {  	s26 =	simm.s32 $execute0_lowered;
	[smem:$0x3FD2] =	sst s25  }
0xa8: {  	s7 =	sshll.u32 s26, $0x1;
	_ =	strace $0x80000046;
	[dreg:$0x1] =	wrdreg $0xFFFFFFFF  }
0xa9: {  	s28 =	simm.s32 $_size_execute0_lowered;
	s5 =	sadd.s32 s5, s7;
	[dreg:$0x0] =	wrdreg $0x0  }
0xaa: {  	s7 =	sshll.u32 s28, $0x1;
	[dreg:$0x2] =	wrdreg s5  }
0xab: {  	[dreg:$0x3] =	wrdreg s7  }
0xac: {  	[dreg:$0x4] =	wrdreg $0xC0  }
0xad: {  	_ =	task [dreg:s9], $0x5FFFF  }
0xae: {  	[dreg:$0x1] =	wrdreg $0xFFFFFFFF  }
0xaf: {  	[dreg:$0x0] =	wrdreg $0x60  }
0xb0: {  	[dreg:$0x2] =	wrdreg s2  }
0xb1: {  	[dreg:$0x3] =	wrdreg s18  }
0xb2: {  	[dreg:$0x4] =	wrdreg s4  }
0xb3: {  	[dreg:$0x5] =	wrdreg s24  }
0xb4: {  	[dreg:$0x6] =	wrdreg $0x9  }
0xb5: {  	_ =	task.clear_ibuf [dreg:s9], $0x7FFFF;
	_ =	strace $0x90000046  }
0xb6: {  	s29 =	simm.s32 $0x9;
	_ =	strace $0x80000048  }
0xb7: {  	_ =	swait.ge [sflag:s29], $0x1  }
0xb8: {  	[sflag:s29] =	ssyncadd.s32 $0xFFFFFFFF  }
0xb9: {  	_ =	strace $0x90000048  }
0xba: {  	_ =	sfence  }
0xbb: {  	s30 =	sld [smem:$0x0];
	_ =	sdelay $0x2  }
0xbc: {  	s31 =	sshll.u32 s1, $0xD;
	s1 =	sshrl.u32 s1, $0x2  }
0xbd: {  	s3 =	sand.u32 $0x4000, s31;
	s1 =	sadd.s32 s1, s30  }
0xbe: {  	s0 =	sor.u32 s3, s0;
	s1 =	sshll.u32 s1, $0x11  }
0xbf: {  	s0 =	sor.u32 s1, s0  }
0xc0: {  	s0 =	sadd.s32 $0x8F2B, s0  }
0xc1: {  	[sflag:s0] =	ssyncadd.remote.s32 $0x1  }
0xc2: {  	_ =	sfence.sel $0xFFFF  }
0xc3: {  	[dreg:$0x0] =	wrdreg $0xFFFFFFFF;
	(pc) =	sbr.abs _section_cstart, $3  }
0xc4: {  	[dreg:$0x1] =	wrdreg $0xFFFFFFFF  }
0xc5: {  	_ =	task.clear_ibuf [dreg:s9], $0x2FFFF;
	_ =	strace $0x9FFFFFFF  }
0xc6: {  	(tm) =	ssettm $0x7FFFFFFF  }
0xc7: {  	_ =	shalt  }
tec
execute0_lowered:
.L_overlay_start_1:
0x0: {  	(tag) =	ssettag $0x1  }
0x1: {  	v0 =	vimm.s32 $0xEFCDAB89;
	v1 =	vimm.s32 $0x67452301  }
0x2: {  	vm0 =	vcmask $0xB08;
	v0 =	vunpack.c.l.s4.s8 v0;
	v1 =	vunpack.c.l.s4.s8 v1  }
0x3: {  	vm1 =	vcmask $0x300;
	v2 =	vimm.s32 $0x54761032;
	v3 =	vimm.s32 $0xBA98FEDC  }
0x4: {  	v4 =	vimm.s32 $0x32107654;
	v0 =	vunpack.c.0.s8.s32 v0;
	v1 =	vunpack.c.0.s8.s32 v1  }
0x5: {  	s6 =	rddreg [dreg:$0x0];
	vm2 =	vcmask $0x700;
	vm0 =	vmor vm1, vm0;
	vm1 =	vcmask $0x1310  }
0x6: {  	s4 =	rddreg [dreg:$0x1];
	v2 =	vunpack.c.l.s4.s8 v2;
	v0 =	vcombine.low v1, v0;
	v1 =	vimm.s32 $0xDCFE98BA  }
0x7: {  	s5 =	rddreg [dreg:$0x2];
	vm0 =	vmor vm0, vm1;
	vm1 =	vcmask $0x1B18;
	v1 =	vunpack.c.l.s4.s8 v1  }
0x8: {  	s7 =	rddreg [dreg:$0x3];
	v3 =	vunpack.c.l.s4.s8 v3;
	v4 =	vunpack.c.l.s4.s8 v4;
	vm0 =	vmor vm0, vm1  }
0x9: {  	s0 =	rddreg [dreg:$0x4];
	vm1 =	vcmask $0x2320;
	v2 =	vunpack.c.0.s8.s32 v2;
	v1 =	vunpack.c.0.s8.s32 v1  }
0xa: {  	s3 =	srdreg.scid;
	s1 =	stileid.u32;
	vm3 =	vcmask $0xF00;
	vm0 =	vmor vm0, vm1;
	vm1 =	vcmask $0x2B28  }
0xb: {  	s2 =	simm.s32 $0x0;
	s12 =	simm.s32 $0x6000;
	s13 =	simm.s32 $0xE000;
	v1 =	vcombine.low v2, v1;
	v2 =	vunpack.c.0.s8.s32 v3;
	v3 =	vunpack.c.0.s8.s32 v4  }
0xc: {  	s14 =	simm.s32 $0x1;
	s15 =	simm.s32 $0x3;
	s16 =	simm.s32 $0xA000;
	vm0 =	vmor vm0, vm1;
	vm1 =	vcmask $0x3330;
	v4 =	vimm.s32 $0xFEDCBA98  }
0xd: {  	s17 =	simm.s32 $0x12000;
	s18 =	simm.s32 $0x2;
	s19 =	simm.s32 $0x4;
	v4 =	vunpack.c.l.s4.s8 v4;
	v2 =	vcombine.low v3, v2;
	v3 =	vimm.s32 $0x76543210  }
0xe: {  	s20 =	simm.s32 $0x16100;
	s21 =	simm.s32 $0x0;
	s3 =	sand.u32 $0x1, s3;
	vm0 =	vmor vm0, vm1;
	vm1 =	vcmask $0x3B38;
	v3 =	vunpack.c.l.s4.s8 v3  }
0xf: {  	s8 =	sshll.u32 s1, $0x1;
	[smem:$0x7FF] =	sst s2;
	s9 =	ssub.s32 $0x2, s3;
	vm0 =	vmor vm0, vm1;
	vm1 =	vcmask $0x1710;
	v4 =	vunpack.c.0.s8.s32 v4  }
0x10: {  	s8 =	sor.u32 s3, s8;
	_ =	strace $0x80000047;
	s3 =	sadd.s32 $0x186A00, s7;
	vm1 =	vmor vm2, vm1;
	vm2 =	vcmask $0x2720;
	v3 =	vunpack.c.0.s8.s32 v3  }
0x11: {  	s10 =	sshrl.u32 s9, $0x1;
	s11 =	sshll.u32 s8, $0xA;
	s8 =	sshll.u32 s8, $0x3;
	vm1 =	vmor vm1, vm2;
	v33 =	vand.u32 $0xF, v1;
	v4 =	vand.u32 $0xF, v4  }
0x12: {  	s9 =	ssub.s32 s9, s10;
	s4 =	sadd.s32 s4, s11;
	s5 =	sadd.s32 s5, s11;
	vm2 =	vcmask $0x3730;
	[tilespmem:$0x1FFD0] =	vst v33;
	v32 =	vand.u32 $0xF, v2;
	v34 =	vcombine.low v4, v3  }
0x13: {  	s6 =	sadd.s32 s6, s11;
	s7 =	sadd.s32 s7, s8;
	s10 =	simm.s32 $0x2000;
	v0 =	vand.u32 $0xF, v0;
	vm1 =	vmor vm1, vm2;
	vm2 =	vcmask $0x2F20;
	[tilespmem:$0x1FFE0] =	vst v32  }
0x14: {  	s11 =	simm.s32 $0x100;
	s8 =	smax.u32 s9, $0x1;
	s9 =	simm.s32 $0x5;
	vm2 =	vmor vm3, vm2;
	vm3 =	vmmov $0xff;
	v4 =	vimm.f32 $0.0e+00;
	[tilespmem:$0x1FFF0] =	vst v34  }
.LBB2_1:
0x15: {  	[tilespmem:s2], [sflag:$0x5] =	stream.linear.gather [hbm4b:s4+s2], $0x2000, $0x38;
	[tilespmem:$0x16140] =	vst v63  }
0x16: {  	_ =	swait.ge [sflag:s9], $0x2000  }
0x17: {  	[sflag:s9] =	ssyncset.done $0x0  }
0x18: {  	[sflag:s9] =	ssyncadd.s32 $0xFFFFE000  }
0x19: {  	[tilespmem:s10], [sflag:$0x5] =	stream.linear.gather [hbm4b:s5+s2], $0x2000, $0x38;
	[tilespmem:$0x16140] =	vst v63  }
0x1a: {  	_ =	swait.ge [sflag:s9], $0x2000  }
0x1b: {  	[sflag:s9] =	ssyncset.done $0x0  }
0x1c: {  	s22 =	simm.s32 $0x4000;
	[sflag:s9] =	ssyncadd.s32 $0xFFFFE000  }
0x1d: {  	[tilespmem:s22], [sflag:$0x5] =	stream.linear.gather [hbm4b:s6+s2], $0x2000, $0x38;
	[tilespmem:$0x16140] =	vst v63  }
0x1e: {  	_ =	swait.ge [sflag:s9], $0x2000  }
0x1f: {  	[sflag:s9] =	ssyncset.done $0x0  }
0x20: {  	[sflag:s9] =	ssyncadd.s32 $0xFFFFE000  }
0x21: {  	[tilespmem:s12], [sflag:$0x1] =	stream.indirect.gather [hbm4b:s3+s11], $0x40, s2, s11, $0xb8;
	[tilespmem:$0x16140] =	vst v63  }
0x22: {  	v7 =	vimm.f32 $0.0e+00;
	s23 =	simm.s32 $0x4100;
	s24 =	simm.s32 $0x0  }
0x23: {  	v5 =	vimm.f32 $0.0e+00;
	v2 =	vimm.f32 $0.0e+00;
	v8 =	vimm.f32 $0.0e+00;
	[tilespmem:s13], [sflag:$0x3] =	stream.indirect.gather [hbm4b:s3+s11], $0x40, s10, s11, $0xb8;
	[tilespmem:$0x16140] =	vst v63  }
.LBB2_2:
0x24: {  	[tilespmem:$0x1FFA0] =	vst v8  }
0x25: {  	[tilespmem:$0x1FFB0] =	vst v7  }
0x26: {  	[tilespmem:$0x1FFC0] =	vst v2  }
0x27: {  	_ =	swait.ge [sflag:s14], $0x4000  }
0x28: {  	[sflag:s14] =	ssyncset.done $0x0  }
0x29: {  	[sflag:s14] =	ssyncadd.s32 $0xFFFFC000  }
0x2a: {  	_ =	swait.ge [sflag:s15], $0x4000  }
0x2b: {  	s25 =	sshll.u32 s24, $0x9;
	[sflag:s15] =	ssyncset.done $0x0  }
0x2c: {  	s26 =	sor.u32 $0x100, s25;
	[sflag:s15] =	ssyncadd.s32 $0xFFFFC000  }
0x2d: {  	[tilespmem:s16], [sflag:$0x2] =	stream.indirect.gather [hbm4b:s3+s11], $0x40, s26, s11, $0xb8;
	[tilespmem:$0x16140] =	vst v63  }
0x2e: {  	s25 =	sadd.s32 $0x2100, s25  }
0x2f: {  	[tilespmem:s17], [sflag:$0x4] =	stream.indirect.gather [hbm4b:s3+s11], $0x40, s25, s11, $0xb8;
	[tilespmem:$0x16140] =	vst v63  }
0x30: {  	s26 =	simm.s32 $0x16000;
	s25 =	simm.s32 $0x0  }
.LBB2_3:
0x31: {  	s28 =	sshra.s32 s25, $0x2  }
0x32: {  	v9 =	vld [tilespmem:s28+$0x6000]  }
0x33: {  	v10 =	vld [tilespmem:s28+$0xE000]  }
0x34: {  	v11 =	vld [tilespmem:s28+$0x6010]  }
0x35: {  	v12 =	vld [tilespmem:s28+$0xE010]  }
0x36: {  	v13 =	vld [tilespmem:s28+$0x6020]  }
0x37: {  	v14 =	vld [tilespmem:s28+$0xE020]  }
0x38: {  	v15 =	vld [tilespmem:s28+$0x6030]  }
0x39: {  	v16 =	vld [tilespmem:s28+$0xE030]  }
0x3a: {  	v17 =	vld [tilespmem:s28+$0x6040]  }
0x3b: {  	v18 =	vld [tilespmem:s28+$0xE040]  }
0x3c: {  	v19 =	vld [tilespmem:s28+$0x6050]  }
0x3d: {  	v20 =	vld [tilespmem:s28+$0xE050]  }
0x3e: {  	v21 =	vld [tilespmem:s28+$0x6060]  }
0x3f: {  	v22 =	vld [tilespmem:s28+$0xE060]  }
0x40: {  	v23 =	vld [tilespmem:s28+$0x6070]  }
0x41: {  	v24 =	vld [tilespmem:s28+$0xE070]  }
0x42: {  	v25 =	vld [tilespmem:s28+$0x6080]  }
0x43: {  	v26 =	vld [tilespmem:s28+$0xE080]  }
0x44: {  	v27 =	vld [tilespmem:s28+$0x6090]  }
0x45: {  	v28 =	vld [tilespmem:s28+$0xE090]  }
0x46: {  	v29 =	vld [tilespmem:s28+$0x60A0]  }
0x47: {  	v30 =	vld [tilespmem:s28+$0xE0A0]  }
0x48: {  	v31 =	vld [tilespmem:s28+$0x60B0]  }
0x49: {  	v32 =	vld [tilespmem:s28+$0xE0B0]  }
0x4a: {  	v33 =	vld [tilespmem:s28+$0x60C0]  }
0x4b: {  	v34 =	vld [tilespmem:s28+$0xE0C0]  }
0x4c: {  	v35 =	vld [tilespmem:s28+$0x60D0]  }
0x4d: {  	v36 =	vld [tilespmem:s28+$0xE0D0]  }
0x4e: {  	v37 =	vld [tilespmem:s28+$0x60E0]  }
0x4f: {  	v38 =	vld [tilespmem:s28+$0xE0E0]  }
0x50: {  	v39 =	vld [tilespmem:s28+$0x60F0]  }
0x51: {  	v40 =	vld [tilespmem:s28+$0xE0F0]  }
0x52: {  	v41 =	vld [tilespmem:s28+$0x6100]  }
0x53: {  	v42 =	vld [tilespmem:s28+$0xE100]  }
0x54: {  	v43 =	vld [tilespmem:s28+$0x6110]  }
0x55: {  	v44 =	vld [tilespmem:s28+$0xE110]  }
0x56: {  	v45 =	vld [tilespmem:s28+$0x6120]  }
0x57: {  	v46 =	vld [tilespmem:s28+$0xE120]  }
0x58: {  	v47 =	vld [tilespmem:s28+$0x6130]  }
0x59: {  	v48 =	vld [tilespmem:s28+$0xE130]  }
0x5a: {  	v49 =	vld [tilespmem:s28+$0x6140]  }
0x5b: {  	v50 =	vld [tilespmem:s28+$0xE140]  }
0x5c: {  	v51 =	vld [tilespmem:s28+$0x6150]  }
0x5d: {  	v52 =	vld [tilespmem:s28+$0xE150]  }
0x5e: {  	v53 =	vld [tilespmem:s28+$0x6160]  }
0x5f: {  	v54 =	vld [tilespmem:s28+$0xE160]  }
0x60: {  	v55 =	vld [tilespmem:s28+$0x6170]  }
0x61: {  	v56 =	vld [tilespmem:s28+$0xE170]  }
0x62: {  	v57 =	vld [tilespmem:s28+$0x6180]  }
0x63: {  	v58 =	vld [tilespmem:s28+$0xE180]  }
0x64: {  	v59 =	vld [tilespmem:s28+$0x6190]  }
0x65: {  	v60 =	vld [tilespmem:s28+$0xE190]  }
0x66: {  	v61 =	vld [tilespmem:s28+$0x61A0]  }
0x67: {  	v62 =	vld [tilespmem:s28+$0xE1A0]  }
0x68: {  	v63 =	vld [tilespmem:s28+$0x61B0]  }
0x69: {  	v6 =	vld [tilespmem:s28+$0xE1B0]  }
0x6a: {  	v7 =	vld [tilespmem:s28+$0x61C0]  }
0x6b: {  	v8 =	vld [tilespmem:s28+$0xE1C0]  }
0x6c: {  	v3 =	vld [tilespmem:s28+$0x61D0]  }
0x6d: {  	v2 =	vld [tilespmem:s28+$0xE1D0]  }
0x6e: {  	v1 =	vld [tilespmem:s28+$0x61F0]  }
0x6f: {  	v9 =	vsub.f32 v9, v10;
	v10 =	vsub.f32 v11, v12;
	v11 =	vld [tilespmem:s28+$0x61E0]  }
0x70: {  	v12 =	vld [tilespmem:s28+$0xE1E0]  }
0x71: {  	v17 =	vsub.f32 v17, v18;
	v18 =	vsub.f32 v19, v20;
	v19 =	vld [tilespmem:s28+$0xE1F0]  }
0x72: {  	v20 =	vld [tilespmem:s28+$0x6200]  }
0x73: {  	v13 =	vsub.f32 v13, v14;
	v14 =	vsub.f32 v15, v16;
	v15 =	vld [tilespmem:s28+$0x6210]  }
0x74: {  	v31 =	vsub.f32 v31, v32;
	v32 =	vld [tilespmem:s28+$0x6260]  }
0x75: {  	v34 =	vsub.f32 v33, v34;
	v33 =	vld [tilespmem:s28+$0xE260]  }
0x76: {  	v30 =	vsub.f32 v29, v30;
	v29 =	vld [tilespmem:s28+$0xE270]  }
0x77: {  	v40 =	vsub.f32 v39, v40;
	v41 =	vsub.f32 v41, v42;
	v39 =	vld [tilespmem:s28+$0xE290]  }
0x78: {  	v42 =	vsub.f32 v43, v44;
	v46 =	vsub.f32 v45, v46;
	v45 =	vld [tilespmem:s28+$0x62D0]  }
0x79: {  	v2 =	vsub.f32 v3, v2;
	v3 =	vld [tilespmem:s28+$0xE2D0]  }
0x7a: {  	v57 =	vsub.f32 v57, v58;
	v9 =	vmul.f32 v9, v9;
	v44 =	vmul.f32 v42, v42;
	v42 =	vld [tilespmem:s28+$0x62A0]  }
0x7b: {  	v58 =	vsub.f32 v59, v60;
	v10 =	vmul.f32 v10, v10;
	v43 =	vmul.f32 v40, v40;
	v40 =	vld [tilespmem:s28+$0x62F0]  }
0x7c: {  	v35 =	vsub.f32 v35, v36;
	v59 =	vmul.f32 v57, v57;
	v57 =	vld [tilespmem:s28+$0x6360]  }
0x7d: {  	v37 =	vsub.f32 v37, v38;
	v60 =	vmul.f32 v58, v58;
	v58 =	vld [tilespmem:s28+$0xE360];
	v9 =	vadd.f32 v10, v9  }
0x7e: {  	v10 =	vmul.f32 v17, v17;
	v17 =	vmul.f32 v18, v18;
	v18 =	vsub.f32 v21, v22;
	v21 =	vld [tilespmem:s28+$0xE200]  }
0x7f: {  	v50 =	vsub.f32 v49, v50;
	v22 =	vsub.f32 v25, v26;
	v26 =	vld [tilespmem:s28+$0x6230]  }
0x80: {  	v51 =	vsub.f32 v51, v52;
	v49 =	vsub.f32 v47, v48;
	v25 =	vmul.f32 v34, v34;
	v34 =	vld [tilespmem:s28+$0x6280]  }
0x81: {  	v56 =	vsub.f32 v55, v56;
	v11 =	vsub.f32 v11, v12;
	v12 =	vld [tilespmem:s28+$0xE2E0]  }
0x82: {  	v7 =	vsub.f32 v7, v8;
	v1 =	vsub.f32 v1, v19;
	v19 =	vld [tilespmem:s28+$0x6300]  }
0x83: {  	v62 =	vsub.f32 v61, v62;
	v47 =	vsub.f32 v32, v33;
	v33 =	vld [tilespmem:$0x1FFD0]  }
0x84: {  	v13 =	vmul.f32 v13, v13;
	v14 =	vmul.f32 v14, v14;
	v3 =	vsub.f32 v45, v3;
	v45 =	vld [tilespmem:s28+$0xE390]  }
0x85: {  	v6 =	vsub.f32 v63, v6;
	v38 =	vmul.f32 v37, v37;
	v16 =	vmul.f32 v18, v18;
	v18 =	vld [tilespmem:s28+$0xE210]  }
0x86: {  	v31 =	vmul.f32 v31, v31;
	v10 =	vadd.f32 v17, v10;
	v17 =	vsub.f32 v23, v24;
	v24 =	vld [tilespmem:s28+$0x6220]  }
0x87: {  	v7 =	vmul.f32 v7, v7;
	v2 =	vmul.f32 v2, v2;
	v9 =	vadd.f32 v13, v9;
	v13 =	vld [tilespmem:s28+$0xE230]  }
0x88: {  	v37 =	vmul.f32 v50, v50;
	v23 =	vsub.f32 v27, v28;
	v27 =	vmul.f32 v35, v35;
	v35 =	vld [tilespmem:s28+$0x6270]  }
0x89: {  	v50 =	vsub.f32 v53, v54;
	v2 =	vadd.f32 v2, v7;
	v7 =	vmul.f32 v11, v11;
	v11 =	vld [tilespmem:s28+$0xE2F0]  }
0x8a: {  	v6 =	vmul.f32 v6, v6;
	v8 =	vadd.f32 v60, v59;
	v28 =	vmul.f32 v17, v17;
	v17 =	vld [tilespmem:s28+$0xE220]  }
0x8b: {  	v22 =	vmul.f32 v22, v22;
	v23 =	vmul.f32 v23, v23;
	v25 =	vadd.f32 v27, v25;
	v27 =	vld [tilespmem:s28+$0xE280]  }
0x8c: {  	v54 =	vmul.f32 v50, v50;
	v10 =	vadd.f32 v16, v10;
	v2 =	vadd.f32 v7, v2;
	v7 =	vld [tilespmem:s28+$0xE300]  }
0x8d: {  	v1 =	vmul.f32 v1, v1;
	v9 =	vadd.f32 v14, v9;
	v16 =	vadd.f32 v23, v22;
	v23 =	vld [tilespmem:s28+$0x6240]  }
0x8e: {  	v3 =	vmul.f32 v3, v3;
	v20 =	vsub.f32 v20, v21;
	v10 =	vadd.f32 v28, v10;
	v28 =	vld [tilespmem:s28+$0xE240]  }
0x8f: {  	v22 =	vmul.f32 v30, v30;
	v30 =	vld [tilespmem:s28+$0xE250];
	v25 =	vadd.f32 v38, v25;
	v38 =	vmul.f32 v51, v51  }
0x90: {  	v51 =	vmul.f32 v49, v49;
	v49 =	vmul.f32 v47, v47;
	v15 =	vsub.f32 v15, v18;
	v18 =	vld [tilespmem:s28+$0x6310]  }
0x91: {  	v1 =	vadd.f32 v1, v2;
	v2 =	vmul.f32 v20, v20;
	v20 =	vld [tilespmem:s28+$0x6320];
	v13 =	vsub.f32 v26, v13  }
0x92: {  	v26 =	vld [tilespmem:s28+$0x6340];
	v50 =	vsub.f32 v35, v29;
	v36 =	vperm.xlane v10, v0;
	v16 =	vadd.f32 v22, v16  }
0x93: {  	v22 =	vld [tilespmem:s28+$0x6250];
	v25 =	vadd.f32 v43, v25;
	v53 =	vadd.f32 v38, v37;
	v43 =	vmul.f32 v62, v62  }
0x94: {  	v37 =	vld [tilespmem:s28+$0xE2B0];
	v11 =	vsub.f32 v40, v11;
	v15 =	vmul.f32 v15, v15;
	v13 =	vmul.f32 v13, v13  }
0x95: {  	v38 =	vld [tilespmem:s28+$0xE2C0];
	v55 =	vmul.f32 v50, v50;
	v59 =	vsub.f32 v34, v27;
	v14 =	vsel vm0, v9, v36  }
0x96: {  	v62 =	vld [tilespmem:s28+$0x6370];
	v9 =	vperm.xlane v9, v0;
	v16 =	vadd.f32 v31, v16;
	v8 =	vadd.f32 v43, v8  }
0x97: {  	v31 =	vld [tilespmem:s28+$0x6290];
	v52 =	vperm.xlane v25, v0;
	v43 =	vsub.f32 v24, v17;
	v7 =	vsub.f32 v19, v7  }
0x98: {  	v17 =	vld [tilespmem:s28+$0x6330];
	v11 =	vmul.f32 v11, v11;
	v23 =	vsub.f32 v23, v28;
	v2 =	vadd.f32 v15, v2  }
0x99: {  	v28 =	vld [tilespmem:s28+$0xE320];
	v9 =	vsel vm0, v9, v10;
	v10 =	vmul.f32 v41, v41;
	v36 =	vperm.xlane v16, v0  }
0x9a: {  	v16 =	vsel vm0, v16, v52;
	v41 =	vld [tilespmem:s28+$0x62B0];
	v6 =	vadd.f32 v6, v8;
	v15 =	vmul.f32 v43, v43  }
0x9b: {  	v8 =	vld [tilespmem:s28+$0xE310];
	v7 =	vmul.f32 v7, v7;
	v9 =	vadd.f32 v9, v14;
	v14 =	vmul.f32 v46, v46  }
0x9c: {  	v46 =	vld [tilespmem:s28+$0x62E0];
	v22 =	vsub.f32 v22, v30;
	v23 =	vmul.f32 v23, v23;
	v10 =	vadd.f32 v44, v10  }
0x9d: {  	v44 =	vld [tilespmem:s28+$0xE2A0];
	v52 =	vsel vm0, v36, v25;
	v25 =	vadd.f32 v54, v53;
	v36 =	vmul.f32 v56, v56  }
0x9e: {  	v48 =	vperm.xlane v6, v0;
	v2 =	vadd.f32 v15, v2;
	v53 =	vld [tilespmem:s28+$0x6350];
	v61 =	vsub.f32 v31, v39  }
0x9f: {  	v56 =	vld [tilespmem:s28+$0xE350];
	v22 =	vmul.f32 v22, v22;
	v14 =	vadd.f32 v14, v10;
	v10 =	vadd.f32 v52, v16  }
0xa0: {  	v39 =	vld [tilespmem:s28+$0x6380];
	v25 =	vadd.f32 v36, v25;
	v52 =	vperm.xlane v1, v0;
	v2 =	vadd.f32 v13, v2  }
0xa1: {  	v16 =	vld [tilespmem:s28+$0x62C0];
	v1 =	vsel vm0, v48, v1;
	v20 =	vsub.f32 v20, v28;
	v13 =	vsub.f32 v57, v58  }
0xa2: {  	v48 =	vld [tilespmem:s28+$0xE3A0];
	v22 =	vadd.f32 v22, v23;
	v27 =	vmul.f32 v61, v61;
	v47 =	vsub.f32 v41, v37  }
0xa3: {  	v58 =	vld [tilespmem:s28+$0x63E0];
	v8 =	vsub.f32 v18, v8;
	v61 =	vperm.xlane v9, v33;
	v14 =	vadd.f32 v51, v14  }
0xa4: {  	v36 =	vperm.xlane v25, v0;
	v51 =	vld [tilespmem:s28+$0xE340];
	v6 =	vsel vm0, v6, v52;
	v60 =	vperm.xlane v2, v0  }
0xa5: {  	v12 =	vsub.f32 v46, v12;
	v46 =	vld [tilespmem:s28+$0x63A0];
	v13 =	vmul.f32 v13, v13;
	v54 =	vadd.f32 v49, v22  }
0xa6: {  	v52 =	vld [tilespmem:s28+$0x63C0];
	v1 =	vadd.f32 v1, v6;
	v22 =	vmul.f32 v59, v59;
	v24 =	vmul.f32 v47, v47  }
0xa7: {  	v15 =	vsub.f32 v53, v56;
	v8 =	vmul.f32 v8, v8;
	v53 =	vld [tilespmem:s28+$0xE3C0];
	v59 =	vperm.xlane v10, v33  }
0xa8: {  	v56 =	vld [tilespmem:s28+$0xE3D0];
	v63 =	vperm.xlane v14, v0;
	v14 =	vsel vm0, v14, v36;
	v6 =	vadd.f32 v55, v54  }
0xa9: {  	v36 =	vld [tilespmem:s28+$0xE370];
	v12 =	vmul.f32 v12, v12;
	v16 =	vsub.f32 v16, v38;
	v38 =	vsub.f32 v42, v44  }
0xaa: {  	v42 =	vld [tilespmem:s28+$0xE380];
	v22 =	vadd.f32 v27, v22;
	v7 =	vadd.f32 v8, v7;
	v21 =	vsel vm0, v63, v25  }
0xab: {  	v44 =	vld [tilespmem:s28+$0x6390];
	v55 =	vmul.f32 v20, v20;
	v14 =	vadd.f32 v21, v14;
	v63 =	vperm.xlane v6, v0  }
0xac: {  	v54 =	vld [tilespmem:s28+$0x63D0];
	v16 =	vmul.f32 v16, v16;
	v43 =	vmul.f32 v38, v38;
	v50 =	vsub.f32 v26, v51  }
0xad: {  	v25 =	vld [tilespmem:s28+$0xE330];
	v6 =	vsel vm0, v60, v6;
	v7 =	vadd.f32 v55, v7;
	v40 =	vsub.f32 v52, v53  }
0xae: {  	v49 =	vld [tilespmem:s28+$0x63B0];
	v2 =	vsel vm0, v2, v63;
	v3 =	vadd.f32 v3, v16;
	v62 =	vsub.f32 v62, v36  }
0xaf: {  	v15 =	vmul.f32 v15, v15;
	v60 =	vld [tilespmem:s28+$0xE3E0];
	v2 =	vadd.f32 v6, v2;
	v6 =	vadd.f32 v43, v22  }
0xb0: {  	v51 =	vld [tilespmem:s28+$0xE3B0];
	v18 =	vmul.f32 v50, v50;
	v37 =	vsub.f32 v39, v42;
	v16 =	vsub.f32 v44, v45  }
0xb1: {  	v10 =	vsel vm1, v61, v10;
	v36 =	vld [tilespmem:s28+$0x63F0];
	v20 =	vsub.f32 v54, v56;
	v3 =	vadd.f32 v12, v3  }
0xb2: {  	v8 =	vsel vm1, v9, v59;
	v39 =	vld [tilespmem:s28+$0xE3F0];
	v57 =	vadd.f32 v15, v18;
	v17 =	vsub.f32 v17, v25  }
0xb3: {  	v12 =	vsub.f32 v46, v48;
	v45 =	vmul.f32 v62, v62;
	v9 =	vmul.f32 v37, v37  }
0xb4: {  	v16 =	vmul.f32 v16, v16;
	v15 =	vsub.f32 v58, v60;
	v41 =	vmul.f32 v20, v20  }
0xb5: {  	v3 =	vadd.f32 v11, v3;
	v11 =	vadd.f32 v13, v57;
	v13 =	vmul.f32 v40, v40  }
0xb6: {  	v42 =	vsub.f32 v49, v51;
	v12 =	vmul.f32 v12, v12;
	v9 =	vadd.f32 v16, v9  }
0xb7: {  	v15 =	vmul.f32 v15, v15;
	v13 =	vadd.f32 v41, v13;
	v43 =	vsub.f32 v36, v39  }
0xb8: {  	v6 =	vadd.f32 v24, v6;
	v44 =	vmul.f32 v17, v17;
	v46 =	vmul.f32 v42, v42  }
0xb9: {  	v9 =	vadd.f32 v12, v9;
	v13 =	vadd.f32 v15, v13;
	v47 =	vmul.f32 v43, v43  }
0xba: {  	v49 =	vperm.xlane v6, v0;
	v7 =	vadd.f32 v44, v7;
	v11 =	vadd.f32 v45, v11  }
0xbb: {  	v48 =	vperm.xlane v3, v0;
	v9 =	vadd.f32 v46, v9;
	v13 =	vadd.f32 v47, v13  }
0xbc: {  	v3 =	vsel vm0, v49, v3;
	v50 =	vperm.xlane v7, v0;
	v51 =	vperm.xlane v11, v0  }
0xbd: {  	v6 =	vsel vm0, v6, v48;
	v52 =	vperm.xlane v9, v0;
	v53 =	vperm.xlane v13, v0  }
0xbe: {  	v56 =	vperm.xlane v14, v33;
	v3 =	vadd.f32 v3, v6;
	v6 =	vsel vm0, v7, v51  }
0xbf: {  	v7 =	vsel vm0, v50, v11;
	v55 =	vsel vm0, v52, v13;
	v9 =	vsel vm0, v9, v53  }
0xc0: {  	v54 =	vperm.xlane v1, v33;
	v6 =	vadd.f32 v7, v6;
	v7 =	vadd.f32 v55, v9  }
0xc1: {  	v63 =	vld [tilespmem:$0x1FFE0];
	v58 =	vperm.xlane v2, v33;
	v1 =	vsel vm1, v56, v1;
	v59 =	vperm.xlane v3, v33  }
0xc2: {  	v57 =	vsel vm1, v14, v54;
	v60 =	vperm.xlane v6, v33;
	v61 =	vperm.xlane v7, v33  }
0xc3: {  	v1 =	vadd.f32 v1, v57;
	v3 =	vsel vm1, v58, v3;
	v2 =	vsel vm1, v2, v59  }
0xc4: {  	v2 =	vadd.f32 v3, v2;
	v7 =	vsel vm1, v60, v7;
	v6 =	vsel vm1, v6, v61  }
0xc5: {  	v8 =	vadd.f32 v10, v8;
	v3 =	vadd.f32 v7, v6  }
0xc6: {  	v62 =	vperm.xlane v2, v63;
	v7 =	vperm.xlane v1, v63  }
0xc7: {  	v38 =	vld [tilespmem:$0x1FFF0];
	v6 =	vperm.xlane v8, v63;
	v63 =	vperm.xlane v3, v63  }
0xc8: {  	v7 =	vsel vm2, v8, v7  }
0xc9: {  	v1 =	vsel vm2, v6, v1;
	v3 =	vsel vm2, v62, v3;
	v2 =	vsel vm2, v2, v63  }
0xca: {  	v1 =	vadd.f32 v1, v7;
	v2 =	vadd.f32 v3, v2;
	_ =	sdelay $0x1  }
0xcb: {  	p0 =	sne.s32 s25, $0xF000;
	v3 =	vperm.xlane v1, v38;
	v6 =	vperm.xlane v2, v38  }
.Ltmp0:
0xcc: {  	_ = 	snop;
	(pc) =	sbr.rel @p0 .LBB2_3-.Ltmp0, $3  }
0xcd: {  	v2 =	vsel vm3, v3, v2;
	v1 =	vsel vm3, v1, v6  }
0xce: {  	v1 =	vadd.f32 v2, v1;
	_ =	sdelay $0x1  }
0xcf: {  	s25 =	sadd.s32 $0x1000, s25;
	[tilespmem:s26+$0x0] =	vst v1;
	s26 =	sadd.s32 $0x10, s26  }
0xd0: {  	s25 =	simm.s32 $0x0  }
0xd1: {  	v1 =	vld [tilespmem:s25+$0x16000];
	_ =	sdelay $0x4  }
0xd2: {  	v2 =	vadd.f32 $1.000000000e+00, v1;
	_ =	sdelay $0x1  }
0xd3: {  	(erf) = vrcp.f32 v2;
	_ =	sdelay $0x8  }
0xd4: {  	v2 =	vpop (erf)  }
0xd5: {  	s26 =	simm.s32 $0x10;
	v3 =	vand.u32 $0x7FFFFF, v2  }
0xd6: {  	v6 =	vld [tilespmem:s26+$0x16000];
	v3 =	vor.u32 $0x3F800000, v3  }
0xd7: {  	v7 =	vmul.f32 $5.000000000e-01, v3  }
0xd8: {  	vm5 =	vgt.f32 v3, $1.414213540e+00  }
0xd9: {  	v3 =	vsel vm5, v7, v3  }
0xda: {  	v7 =	vadd.f32 $1.000000000e+00, v3  }
0xdb: {  	v8 =	vadd.f32 $1.000000000e+00, v6  }
0xdc: {  	(erf) = vrcp.f32 v7  }
0xdd: {  	(erf) = vrcp.f32 v8;
	_ =	sdelay $0x7  }
0xde: {  	v7 =	vpop (erf)  }
0xdf: {  	v3 =	vadd.f32 $-1.000000000e+00, v3;
	v8 =	vpop (erf)  }
0xe0: {  	v9 =	vand.u32 $0x7FFFFF, v8  }
0xe1: {  	v3 =	vmul.f32 v7, v3;
	v9 =	vor.u32 $0x3F800000, v9  }
0xe2: {  	v7 =	vmul.f32 $5.000000000e-01, v9  }
0xe3: {  	v10 =	vmul.f32 v3, v3;
	vm4 =	vgt.f32 v9, $1.414213540e+00  }
0xe4: {  	v7 =	vsel vm4, v7, v9  }
0xe5: {  	v12 =	vmul.f32 $1.111111120e-01, v10;
	v9 =	vadd.f32 $1.000000000e+00, v7;
	_ =	sdelay $0x1  }
0xe6: {  	(erf) = vrcp.f32 v9;
	v9 =	vadd.f32 $1.428571490e-01, v12  }
0xe7: {  	s30 =	simm.s32 $0x20  }
0xe8: {  	v11 =	vld [tilespmem:s30+$0x16000];
	v9 =	vmul.f32 v9, v10;
	_ =	sdelay $0x1  }
0xe9: {  	v9 =	vadd.f32 $2.000000030e-01, v9;
	_ =	sdelay $0x1  }
0xea: {  	v13 =	vmul.f32 v9, v10  }
0xeb: {  	v12 =	vadd.f32 $1.000000000e+00, v11  }
0xec: {  	v1 =	vsub.f32 $0.0e+00, v1  }
0xed: {  	v7 =	vadd.f32 $-1.000000000e+00, v7;
	(erf) = vrcp.f32 v12;
	v12 =	vshrl.u32 v2, $0x17  }
0xee: {  	v1 =	vmul.f32 v2, v1;
	v2 =	vand.u32 $0xFF, v12;
	v12 =	vadd.f32 $3.333333430e-01, v13;
	v13 =	vpop (erf)  }
0xef: {  	v7 =	vmul.f32 v13, v7;
	v13 =	vld [tilespmem:$0x1FFA0];
	_ =	sdelay $0x1  }
0xf0: {  	s31 =	sadd.s32 $0x0, s22  }
0xf1: {  	v2 =	vadd.s32 $0xFFFFFF81, v2;
	v9 =	vld [tilespmem:s31+$0x0]  }
0xf2: {  	vm5 =	vmmov vm5;
	v2 =	vcvt.s32.f32 v2  }
0xf3: {  	v1 =	vadd.f32 v1, v13;
	v13 =	vsel vm5, $0x3F800000, v4  }
0xf4: {  	v6 =	vsub.f32 $0.0e+00, v6;
	v2 =	vadd.f32 v2, v13;
	v13 =	vmul.f32 v7, v7  }
0xf5: {  	v10 =	vmul.f32 v12, v10  }
0xf6: {  	v6 =	vmul.f32 v8, v6;
	v12 =	vadd.f32 $9.999999960e-13, v9;
	v16 =	vpop (erf);
	v15 =	vmul.f32 $1.111111120e-01, v13  }
0xf7: {  	v3 =	vadd.f32 v3, v3;
	v10 =	vadd.f32 $1.000000000e+00, v10;
	v17 =	vand.u32 $0x7FFFFF, v16  }
0xf8: {  	v14 =	vand.u32 $0x7FFFFF, v12;
	v17 =	vor.u32 $0x3F800000, v17;
	v15 =	vadd.f32 $1.428571490e-01, v15  }
0xf9: {  	v14 =	vor.u32 $0x3F800000, v14;
	v3 =	vmul.f32 v10, v3;
	v10 =	vmul.f32 $5.000000000e-01, v17  }
0xfa: {  	v18 =	vmul.f32 $5.000000000e-01, v14;
	v15 =	vmul.f32 v15, v13  }
0xfb: {  	vm6 =	vgt.f32 v14, $1.414213540e+00;
	vm5 =	vgt.f32 v17, $1.414213540e+00;
	v2 =	vmul.f32 $6.931471820e-01, v2  }
0xfc: {  	v14 =	vsel vm6, v18, v14;
	v10 =	vsel vm5, v10, v17;
	v15 =	vadd.f32 $2.000000030e-01, v15  }
0xfd: {  	v1 =	vadd.f32 v6, v1;
	v2 =	vadd.f32 v3, v2;
	v3 =	vshrl.u32 v12, $0x17  }
0xfe: {  	v6 =	vadd.f32 $1.000000000e+00, v14;
	v3 =	vand.u32 $0xFF, v3;
	v12 =	vmul.f32 v15, v13  }
0xff: {  	s25 =	simm.s32 $0x30;
	v17 =	vadd.f32 $1.000000000e+00, v10;
	v3 =	vadd.s32 $0xFFFFFF81, v3  }
0x100: {  	(erf) = vrcp.f32 v6;
	v6 =	vld [tilespmem:s25+$0x16000];
	v3 =	vcvt.s32.f32 v3;
	v12 =	vadd.f32 $3.333333430e-01, v12  }
0x101: {  	v8 =	vshrl.u32 v8, $0x17;
	(erf) = vrcp.f32 v17;
	v15 =	vsel vm6, $0x3F800000, v4  }
0x102: {  	v3 =	vadd.f32 v3, v15;
	v15 =	vadd.f32 v7, v7;
	v7 =	vld [tilespmem:$0x1FFB0];
	v12 =	vmul.f32 v12, v13  }
0x103: {  	v8 =	vand.u32 $0xFF, v8  }
0x104: {  	v8 =	vadd.s32 $0xFFFFFF81, v8;
	v12 =	vadd.f32 $1.000000000e+00, v12  }
0x105: {  	v8 =	vcvt.s32.f32 v8;
	v13 =	vadd.f32 $1.000000000e+00, v6  }
0x106: {  	s26 =	sadd.s32 $0x10, s22;
	vm4 =	vmmov vm4;
	v11 =	vsub.f32 $0.0e+00, v11;
	v12 =	vmul.f32 v12, v15;
	v15 =	vld [tilespmem:$0x1FFC0]  }
0x107: {  	v17 =	vsel vm4, $0x3F800000, v4;
	(erf) = vrcp.f32 v13;
	v13 =	vadd.f32 v9, v7;
	v7 =	vld [tilespmem:s26+$0x0]  }
0x108: {  	v11 =	vmul.f32 v16, v11;
	v8 =	vadd.f32 v8, v17  }
0x109: {  	v14 =	vadd.f32 $-1.000000000e+00, v14;
	v10 =	vadd.f32 $-1.000000000e+00, v10;
	v2 =	vmul.f32 v2, v9  }
0x10a: {  	v1 =	vadd.f32 v11, v1;
	vm4 =	vmmov vm5;
	v8 =	vmul.f32 $6.931471820e-01, v8;
	v17 =	vpop (erf)  }
0x10b: {  	v3 =	vmul.f32 $6.931471820e-01, v3;
	v14 =	vmul.f32 v17, v14;
	v2 =	vadd.f32 v2, v15;
	v15 =	vpop (erf)  }
0x10c: {  	v8 =	vadd.f32 v12, v8;
	v11 =	vadd.f32 $9.999999960e-13, v7;
	v10 =	vmul.f32 v15, v10  }
0x10d: {  	v6 =	vsub.f32 $0.0e+00, v6;
	v17 =	vadd.f32 v14, v14;
	v12 =	vmul.f32 v14, v14  }
0x10e: {  	v8 =	vmul.f32 v8, v7;
	v19 =	vshrl.u32 v11, $0x17;
	v15 =	vmul.f32 v10, v10  }
0x10f: {  	v18 =	vadd.f32 v7, v13;
	v13 =	vmul.f32 $1.111111120e-01, v12;
	v19 =	vand.u32 $0xFF, v19  }
0x110: {  	v2 =	vadd.f32 v8, v2;
	v8 =	vand.u32 $0x7FFFFF, v11;
	v14 =	vmul.f32 $1.111111120e-01, v15  }
0x111: {  	v13 =	vadd.f32 $1.428571490e-01, v13;
	v11 =	vpop (erf);
	v19 =	vadd.s32 $0xFFFFFF81, v19;
	v8 =	vor.u32 $0x3F800000, v8  }
0x112: {  	v21 =	vand.u32 $0x7FFFFF, v11;
	v20 =	vmul.f32 $5.000000000e-01, v8;
	v14 =	vadd.f32 $1.428571490e-01, v14  }
0x113: {  	v13 =	vmul.f32 v13, v12;
	vm6 =	vgt.f32 v8, $1.414213540e+00;
	v21 =	vor.u32 $0x3F800000, v21  }
0x114: {  	v8 =	vsel vm6, v20, v8;
	v20 =	vmul.f32 $5.000000000e-01, v21;
	v14 =	vmul.f32 v14, v15  }
0x115: {  	vm5 =	vgt.f32 v21, $1.414213540e+00;
	v13 =	vadd.f32 $2.000000030e-01, v13;
	v22 =	vadd.f32 $1.000000000e+00, v8  }
0x116: {  	s26 =	simm.s32 $0x40;
	v10 =	vadd.f32 v10, v10;
	v20 =	vsel vm5, v20, v21;
	v14 =	vadd.f32 $2.000000030e-01, v14  }
0x117: {  	v23 =	vld [tilespmem:s26+$0x16000];
	v13 =	vmul.f32 v13, v12;
	(erf) = vrcp.f32 v22;
	v21 =	vadd.f32 $1.000000000e+00, v20  }
0x118: {  	v22 =	vadd.f32 $-1.000000000e+00, v8;
	v8 =	vshrl.u32 v16, $0x17;
	v14 =	vmul.f32 v14, v15  }
0x119: {  	v16 =	vcvt.s32.f32 v19;
	v13 =	vadd.f32 $3.333333430e-01, v13;
	(erf) = vrcp.f32 v21  }
0x11a: {  	v19 =	vsel vm6, $0x3F800000, v4;
	v8 =	vand.u32 $0xFF, v8;
	v14 =	vadd.f32 $3.333333430e-01, v14  }
0x11b: {  	v8 =	vadd.s32 $0xFFFFFF81, v8;
	v16 =	vadd.f32 v16, v19;
	v13 =	vmul.f32 v13, v12  }
0x11c: {  	v8 =	vcvt.s32.f32 v8;
	v14 =	vmul.f32 v14, v15;
	v15 =	vadd.f32 $1.000000000e+00, v23  }
0x11d: {  	v6 =	vmul.f32 v11, v6;
	v19 =	vsel vm4, $0x3F800000, v4;
	v13 =	vadd.f32 $1.000000000e+00, v13  }
0x11e: {  	s28 =	sadd.s32 $0x20, s22;
	v12 =	vmul.f32 $6.931471820e-01, v16;
	v19 =	vadd.f32 v8, v19;
	v16 =	vadd.f32 $1.000000000e+00, v14  }
0x11f: {  	v8 =	vld [tilespmem:s28+$0x0];
	v21 =	vmul.f32 v13, v17;
	(erf) = vrcp.f32 v15  }
0x120: {  	v19 =	vmul.f32 $6.931471820e-01, v19;
	v15 =	vpop (erf);
	v10 =	vmul.f32 v16, v10  }
0x121: {  	v13 =	vadd.f32 v6, v1;
	v16 =	vadd.f32 $-1.000000000e+00, v20;
	v15 =	vmul.f32 v15, v22  }
0x122: {  	vm4 =	vmmov vm5;
	v14 =	vsub.f32 $0.0e+00, v23;
	v1 =	vpop (erf);
	v6 =	vadd.f32 v10, v19  }
0x123: {  	v17 =	vmul.f32 v1, v16;
	v19 =	vadd.f32 v21, v3;
	v20 =	vmul.f32 v15, v15  }
0x124: {  	v16 =	vadd.f32 v15, v15;
	v15 =	vadd.f32 $9.999999960e-13, v8;
	v1 =	vmul.f32 v6, v8  }
0x125: {  	v10 =	vadd.f32 v8, v18;
	v21 =	vmul.f32 v17, v17;
	v3 =	vmul.f32 $1.111111120e-01, v20  }
0x126: {  	v6 =	vadd.f32 v1, v2;
	v1 =	vshrl.u32 v15, $0x17;
	v2 =	vand.u32 $0x7FFFFF, v15  }
0x127: {  	v15 =	vmul.f32 $1.111111120e-01, v21;
	v2 =	vor.u32 $0x3F800000, v2;
	v3 =	vadd.f32 $1.428571490e-01, v3  }
0x128: {  	v18 =	vpop (erf);
	v1 =	vand.u32 $0xFF, v1;
	vm6 =	vgt.f32 v2, $1.414213540e+00;
	v22 =	vmul.f32 $5.000000000e-01, v2  }
0x129: {  	v23 =	vand.u32 $0x7FFFFF, v18;
	v15 =	vadd.f32 $1.428571490e-01, v15;
	v1 =	vadd.s32 $0xFFFFFF81, v1  }
0x12a: {  	v3 =	vmul.f32 v3, v20;
	v23 =	vor.u32 $0x3F800000, v23;
	v2 =	vsel vm6, v22, v2  }
0x12b: {  	v24 =	vmul.f32 $5.000000000e-01, v23;
	v15 =	vmul.f32 v15, v21;
	v26 =	vadd.f32 $1.000000000e+00, v2  }
0x12c: {  	vm5 =	vgt.f32 v23, $1.414213540e+00;
	v22 =	vadd.f32 $-1.000000000e+00, v2;
	v2 =	vadd.f32 $2.000000030e-01, v3  }
0x12d: {  	v23 =	vsel vm5, v24, v23;
	v25 =	vadd.f32 $2.000000030e-01, v15;
	(erf) = vrcp.f32 v26  }
0x12e: {  	s29 =	simm.s32 $0x50;
	s28 =	simm.s32 $0x180;
	v24 =	vcvt.s32.f32 v1;
	v27 =	vadd.f32 $1.000000000e+00, v23;
	v26 =	vmul.f32 v2, v20  }
.LBB2_5:
0x12f: {  	p0 =	sne.s32 s28, $0x3C0;
	v1 =	vld [tilespmem:s29+$0x16000];
	v2 =	vshrl.u32 v11, $0x17;
	v3 =	vmul.f32 v25, v21;
	v15 =	vsel vm6, $0x3F800000, v4;
	v11 =	vmovc v18  }
0x130: {  	(erf) = vrcp.f32 v27;
	v2 =	vand.u32 $0xFF, v2;
	v18 =	vadd.f32 $3.333333430e-01, v26  }
0x131: {  	v15 =	vadd.f32 v24, v15;
	v2 =	vadd.s32 $0xFFFFFF81, v2;
	v3 =	vadd.f32 $3.333333430e-01, v3  }
0x132: {  	v2 =	vcvt.s32.f32 v2;
	v18 =	vmul.f32 v18, v20  }
0x133: {  	v20 =	vsel vm4, $0x3F800000, v4;
	v15 =	vmul.f32 $6.931471820e-01, v15;
	v3 =	vmul.f32 v3, v21  }
0x134: {  	v19 =	vmul.f32 v19, v9;
	v9 =	vmovc v7;
	v7 =	vmovc v8;
	v21 =	vadd.f32 $1.000000000e+00, v1;
	v2 =	vadd.f32 v2, v20  }
0x135: {  	s30 =	sadd.s32 s25, s22;
	v17 =	vadd.f32 v17, v17;
	s25 =	smov.u32 s26;
	s26 =	smov.u32 s29;
	v20 =	vmul.f32 v11, v14;
	v3 =	vadd.f32 $1.000000000e+00, v3  }
0x136: {  	v14 =	vsub.f32 $0.0e+00, v1;
	v18 =	vadd.f32 $1.000000000e+00, v18;
	(erf) = vrcp.f32 v21;
	v8 =	vld [tilespmem:s30+$0x0];
	v1 =	vpop (erf)  }
0x137: {  	v5 =	vadd.f32 v19, v5;
	v2 =	vmul.f32 $6.931471820e-01, v2;
	v3 =	vmul.f32 v3, v17  }
0x138: {  	v18 =	vmul.f32 v18, v16;
	v17 =	vadd.f32 $-1.000000000e+00, v23;
	v1 =	vmul.f32 v1, v22  }
0x139: {  	vm4 =	vmmov vm5;
	v13 =	vadd.f32 v20, v13;
	v16 =	vpop (erf);
	v2 =	vadd.f32 v3, v2  }
0x13a: {  	v20 =	vmul.f32 v1, v1;
	v17 =	vmul.f32 v16, v17;
	v16 =	vadd.f32 v1, v1  }
0x13b: {  	v19 =	vadd.f32 v18, v12;
	v12 =	vmovc v15;
	v1 =	vmul.f32 v2, v8;
	v2 =	vadd.f32 $9.999999960e-13, v8  }
0x13c: {  	v10 =	vadd.f32 v8, v10;
	v3 =	vmul.f32 $1.111111120e-01, v20;
	v21 =	vmul.f32 v17, v17  }
0x13d: {  	v6 =	vadd.f32 v1, v6;
	v1 =	vshrl.u32 v2, $0x17;
	v2 =	vand.u32 $0x7FFFFF, v2  }
0x13e: {  	v3 =	vadd.f32 $1.428571490e-01, v3;
	v15 =	vmul.f32 $1.111111120e-01, v21;
	v2 =	vor.u32 $0x3F800000, v2  }
0x13f: {  	v1 =	vand.u32 $0xFF, v1;
	v18 =	vpop (erf);
	vm6 =	vgt.f32 v2, $1.414213540e+00;
	v22 =	vmul.f32 $5.000000000e-01, v2  }
0x140: {  	v3 =	vmul.f32 v3, v20;
	v23 =	vand.u32 $0x7FFFFF, v18;
	v15 =	vadd.f32 $1.428571490e-01, v15  }
.Ltmp1:
0x141: {  	v1 =	vadd.s32 $0xFFFFFF81, v1;
	v23 =	vor.u32 $0x3F800000, v23;
	v2 =	vsel vm6, v22, v2;
	(pc) =	sbr.rel @p0 .LBB2_5-.Ltmp1, $4  }
0x142: {  	v24 =	vmul.f32 $5.000000000e-01, v23;
	v15 =	vmul.f32 v15, v21;
	v26 =	vadd.f32 $1.000000000e+00, v2  }
0x143: {  	vm5 =	vgt.f32 v23, $1.414213540e+00;
	v22 =	vadd.f32 $-1.000000000e+00, v2;
	v2 =	vadd.f32 $2.000000030e-01, v3  }
0x144: {  	v23 =	vsel vm5, v24, v23;
	v25 =	vadd.f32 $2.000000030e-01, v15;
	(erf) = vrcp.f32 v26  }
0x145: {  	s29 =	sshra.s32 s28, $0x2;
	s28 =	sadd.s32 $0x40, s28;
	v24 =	vcvt.s32.f32 v1;
	v26 =	vmul.f32 v2, v20;
	v27 =	vadd.f32 $1.000000000e+00, v23  }
0x146: {  	v1 =	vshrl.u32 v11, $0x17  }
0x147: {  	v2 =	vmul.f32 v25, v21;
	v3 =	vsel vm6, $0x3F800000, v4;
	v39 =	vsel vm4, $0x3F800000, v4  }
0x148: {  	v19 =	vmul.f32 v19, v9;
	v17 =	vadd.f32 v17, v17;
	v14 =	vmul.f32 v18, v14  }
0x149: {  	v15 =	vld [tilespmem:s29+$0x16000];
	v41 =	vadd.f32 $-1.000000000e+00, v23;
	vm4 =	vmmov vm5;
	v58 =	vshrl.u32 v18, $0x17  }
0x14a: {  	(erf) = vrcp.f32 v27;
	v1 =	vand.u32 $0xFF, v1;
	v37 =	vadd.f32 $3.333333430e-01, v26  }
0x14b: {  	v3 =	vadd.f32 v24, v3;
	v18 =	vand.u32 $0xFF, v58;
	v62 =	vsel vm4, $0x3F800000, v4  }
0x14c: {  	v1 =	vadd.s32 $0xFFFFFF81, v1;
	v2 =	vadd.f32 $3.333333430e-01, v2;
	v43 =	vadd.f32 v19, v5  }
0x14d: {  	s25 =	sadd.s32 s25, s22;
	v5 =	vadd.f32 v14, v13;
	v1 =	vcvt.s32.f32 v1;
	v11 =	vmul.f32 v37, v20  }
0x14e: {  	v9 =	vld [tilespmem:s25+$0x0];
	v18 =	vadd.s32 $0xFFFFFF81, v18;
	v2 =	vmul.f32 v2, v21;
	v38 =	vadd.f32 $1.000000000e+00, v15  }
0x14f: {  	v18 =	vcvt.s32.f32 v18;
	v1 =	vadd.f32 v1, v39;
	v11 =	vadd.f32 $1.000000000e+00, v11  }
0x150: {  	v3 =	vmul.f32 $6.931471820e-01, v3;
	v2 =	vadd.f32 $1.000000000e+00, v2;
	(erf) = vrcp.f32 v38  }
0x151: {  	v18 =	vadd.f32 v18, v62;
	v40 =	vpop (erf);
	v1 =	vmul.f32 $6.931471820e-01, v1;
	v11 =	vmul.f32 v11, v16  }
0x152: {  	v15 =	vsub.f32 $0.0e+00, v15;
	v20 =	vmul.f32 v40, v22;
	v2 =	vmul.f32 v2, v17  }
0x153: {  	v10 =	vadd.f32 v9, v10;
	v18 =	vmul.f32 $6.931471820e-01, v18;
	v46 =	vadd.f32 v11, v12  }
0x154: {  	s30 =	sadd.s32 s26, s22;
	v42 =	vpop (erf);
	v45 =	vmul.f32 v20, v20;
	v14 =	vadd.f32 v2, v1;
	v1 =	vadd.f32 $9.999999960e-13, v9  }
0x155: {  	v11 =	vld [tilespmem:s30+$0x0];
	v20 =	vadd.f32 v20, v20;
	v44 =	vmul.f32 v42, v41;
	v7 =	vmul.f32 v46, v7  }
0x156: {  	v47 =	vmul.f32 $1.111111120e-01, v45;
	v48 =	vshrl.u32 v1, $0x17;
	v1 =	vand.u32 $0x7FFFFF, v1  }
0x157: {  	v14 =	vmul.f32 v14, v9;
	v2 =	vmul.f32 v44, v44;
	v1 =	vor.u32 $0x3F800000, v1  }
0x158: {  	v13 =	vand.u32 $0xFF, v48;
	v19 =	vadd.f32 v44, v44;
	v7 =	vadd.f32 v7, v43  }
0x159: {  	s31 =	sadd.s32 s29, s22;
	v50 =	vadd.f32 $1.428571490e-01, v47;
	vm5 =	vgt.f32 v1, $1.414213540e+00;
	v51 =	vmul.f32 $5.000000000e-01, v1  }
0x15a: {  	v53 =	vadd.s32 $0xFFFFFF81, v13;
	v28 =	vadd.f32 $9.999999960e-13, v11;
	v13 =	vld [tilespmem:s31+$0x0];
	v6 =	vadd.f32 v14, v6;
	v12 =	vpop (erf)  }
0x15b: {  	v49 =	vmul.f32 $1.111111120e-01, v2;
	v1 =	vsel vm5, v51, v1;
	v52 =	vand.u32 $0x7FFFFF, v12  }
0x15c: {  	v26 =	vcvt.s32.f32 v53;
	v55 =	vadd.f32 $1.000000000e+00, v1;
	v25 =	vor.u32 $0x3F800000, v52  }
0x15d: {  	v30 =	vsel vm5, $0x3F800000, v4;
	v23 =	vmul.f32 v50, v45;
	v54 =	vmul.f32 $5.000000000e-01, v25  }
0x15e: {  	v56 =	vand.u32 $0x7FFFFF, v28;
	vm15 =	vgt.f32 v25, $1.414213540e+00;
	(erf) = vrcp.f32 v55  }
0x15f: {  	v31 =	vadd.f32 $9.999999960e-13, v13;
	v24 =	vsel vm15, v54, v25;
	v25 =	vor.u32 $0x3F800000, v56  }
0x160: {  	v44 =	vshrl.u32 v28, $0x17;
	v22 =	vadd.f32 $1.428571490e-01, v49;
	v29 =	vmul.f32 $5.000000000e-01, v25  }
0x161: {  	v1 =	vadd.f32 $-1.000000000e+00, v1;
	v60 =	vand.u32 $0x7FFFFF, v31;
	vm5 =	vgt.f32 v25, $1.414213540e+00  }
0x162: {  	v26 =	vadd.f32 v26, v30;
	v25 =	vsel vm5, v29, v25;
	v29 =	vor.u32 $0x3F800000, v60  }
0x163: {  	v23 =	vadd.f32 $2.000000030e-01, v23;
	v57 =	vadd.f32 $1.000000000e+00, v24;
	v61 =	vmul.f32 $5.000000000e-01, v29  }
0x164: {  	v22 =	vmul.f32 v22, v2;
	v59 =	vadd.f32 $1.000000000e+00, v25;
	vm4 =	vgt.f32 v29, $1.414213540e+00  }
0x165: {  	v23 =	vmul.f32 v23, v45;
	(erf) = vrcp.f32 v57;
	v27 =	vsel vm4, v61, v29  }
0x166: {  	v22 =	vadd.f32 $2.000000030e-01, v22;
	(erf) = vrcp.f32 v59;
	v32 =	vadd.f32 $1.000000000e+00, v27  }
0x167: {  	v50 =	vshrl.u32 v12, $0x17;
	v62 =	vmul.f32 v12, v15;
	v23 =	vadd.f32 $3.333333430e-01, v23  }
0x168: {  	vm6 =	vmmov vm15;
	v22 =	vmul.f32 v22, v2;
	v63 =	vpop (erf);
	(erf) = vrcp.f32 v32  }
0x169: {  	v5 =	vadd.f32 v62, v5;
	v52 =	vsel vm6, $0x3F800000, v4;
	v16 =	vmul.f32 v23, v45  }
0x16a: {  	v56 =	vshrl.u32 v31, $0x17;
	v33 =	vadd.f32 $-1.000000000e+00, v24;
	v22 =	vadd.f32 $3.333333430e-01, v22  }
0x16b: {  	v48 =	vsel vm5, $0x3F800000, v4;
	v57 =	vmul.f32 $6.931471820e-01, v26;
	v16 =	vadd.f32 $1.000000000e+00, v16  }
0x16c: {  	v37 =	vadd.f32 $-1.000000000e+00, v25;
	v2 =	vmul.f32 v22, v2;
	v22 =	vand.u32 $0xFF, v44  }
0x16d: {  	v16 =	vmul.f32 v16, v20;
	v22 =	vadd.s32 $0xFFFFFF81, v22;
	v1 =	vmul.f32 v63, v1  }
0x16e: {  	v45 =	vadd.f32 $-1.000000000e+00, v27;
	v27 =	vand.u32 $0xFF, v50;
	v22 =	vcvt.s32.f32 v22;
	v35 =	vpop (erf)  }
0x16f: {  	v27 =	vadd.s32 $0xFFFFFF81, v27;
	v34 =	vmul.f32 v1, v1;
	v21 =	vmul.f32 v35, v33;
	v39 =	vpop (erf)  }
0x170: {  	v58 =	vsel vm4, $0x3F800000, v4;
	v27 =	vcvt.s32.f32 v27;
	v20 =	vmul.f32 v39, v37  }
0x171: {  	v2 =	vadd.f32 $1.000000000e+00, v2;
	v36 =	vmul.f32 $1.111111120e-01, v34;
	v40 =	vmul.f32 v21, v21;
	v47 =	vpop (erf)  }
0x172: {  	v63 =	vadd.f32 v11, v10;
	v43 =	vmul.f32 v20, v20;
	v24 =	vmul.f32 v47, v45  }
0x173: {  	v2 =	vmul.f32 v2, v19;
	v38 =	vadd.f32 $1.428571490e-01, v36;
	v42 =	vmul.f32 $1.111111120e-01, v40  }
0x174: {  	v3 =	vadd.f32 v16, v3;
	v46 =	vmul.f32 $1.111111120e-01, v43;
	v49 =	vmul.f32 v24, v24  }
0x175: {  	v22 =	vadd.f32 v22, v48;
	v1 =	vadd.f32 v1, v1;
	v41 =	vmul.f32 v38, v34  }
0x176: {  	v16 =	vadd.f32 $1.428571490e-01, v42;
	v25 =	vadd.f32 $1.428571490e-01, v46;
	v51 =	vmul.f32 $1.111111120e-01, v49  }
0x177: {  	v19 =	vand.u32 $0xFF, v56;
	v2 =	vadd.f32 v2, v18;
	v18 =	vadd.f32 $2.000000030e-01, v41  }
0x178: {  	v16 =	vmul.f32 v16, v40;
	v25 =	vmul.f32 v25, v43;
	v23 =	vadd.f32 $1.428571490e-01, v51  }
0x179: {  	v53 =	vadd.f32 v27, v52;
	v3 =	vmul.f32 v3, v8;
	v18 =	vmul.f32 v18, v34  }
0x17a: {  	v16 =	vadd.f32 $2.000000030e-01, v16;
	v25 =	vadd.f32 $2.000000030e-01, v25;
	v23 =	vmul.f32 v23, v49  }
0x17b: {  	v19 =	vadd.s32 $0xFFFFFF81, v19;
	v22 =	vmul.f32 $6.931471820e-01, v22;
	v18 =	vadd.f32 $3.333333430e-01, v18  }
0x17c: {  	v16 =	vmul.f32 v16, v40;
	v25 =	vmul.f32 v25, v43;
	v54 =	vadd.f32 $2.000000030e-01, v23  }
0x17d: {  	v19 =	vcvt.s32.f32 v19;
	v3 =	vadd.f32 v3, v7;
	v18 =	vmul.f32 v18, v34  }
0x17e: {  	v16 =	vadd.f32 $3.333333430e-01, v16;
	v25 =	vadd.f32 $3.333333430e-01, v25;
	v8 =	vmul.f32 v54, v49  }
0x17f: {  	v17 =	vmul.f32 $6.931471820e-01, v53;
	v19 =	vadd.f32 v19, v58;
	v18 =	vadd.f32 $1.000000000e+00, v18  }
0x180: {  	v16 =	vmul.f32 v16, v40;
	v55 =	vmul.f32 v25, v43;
	v8 =	vadd.f32 $3.333333430e-01, v8  }
0x181: {  	v21 =	vadd.f32 v21, v21;
	v20 =	vadd.f32 v20, v20;
	v1 =	vmul.f32 v18, v1  }
0x182: {  	v16 =	vadd.f32 $1.000000000e+00, v16;
	v18 =	vadd.f32 $1.000000000e+00, v55;
	v8 =	vmul.f32 v8, v49  }
0x183: {  	v2 =	vmul.f32 v2, v11;
	_ =	swait.ge [sflag:s18], $0x4000;
	v59 =	vadd.f32 v24, v24;
	v1 =	vadd.f32 v1, v57  }
0x184: {  	[sflag:s18] =	ssyncset.done $0x0;
	v16 =	vmul.f32 v16, v21;
	v18 =	vmul.f32 v18, v20;
	v8 =	vadd.f32 $1.000000000e+00, v8  }
0x185: {  	v7 =	vmul.f32 $6.931471820e-01, v19;
	v2 =	vadd.f32 v2, v6;
	[sflag:s18] =	ssyncadd.s32 $0xFFFFC000;
	v1 =	vmul.f32 v1, v9  }
0x186: {  	p0 =	sne.s32 s24, $0xF;
	_ =	swait.ge [sflag:s19], $0x4000;
	v61 =	vadd.f32 v16, v17;
	v60 =	vadd.f32 v18, v22;
	v8 =	vmul.f32 v8, v59  }
0x187: {  	s25 =	sshll.u32 @p0 s24, $0x9;
	s28 =	simm.s32 @p0 $0x100;
	[sflag:s19] =	ssyncset.done $0x0;
	[tilespmem:$0x1FF70] =	vst v5;
	v5 =	vadd.f32 v13, v63;
	v1 =	vadd.f32 v1, v3  }
0x188: {  	s29 =	simm.s32 @p0 $0x6000;
	s26 =	sadd.s32 @p0 $0x200, s25;
	[sflag:s19] =	ssyncadd.s32 $0xFFFFC000;
	v6 =	vmul.f32 v61, v13;
	v3 =	vmul.f32 v60, v11;
	v7 =	vadd.f32 v8, v7  }
0x189: {  	[tilespmem:s29], [sflag:$0x1] =	stream.indirect.gather @p0 [hbm4b:s3+s28], $0x40, s26, s28, $0xb8;
	[tilespmem:$0x16140] =	vst v63  }
0x18a: {  	s25 =	sadd.s32 @p0 $0x2200, s25;
	s26 =	simm.s32 @p0 $0xE000;
	[tilespmem:$0x1FF80] =	vst v5;
	v2 =	vadd.f32 v6, v2;
	v1 =	vadd.f32 v3, v1;
	v3 =	vmul.f32 v7, v13  }
0x18b: {  	[tilespmem:s26], [sflag:$0x3] =	stream.indirect.gather @p0 [hbm4b:s3+s28], $0x40, s25, s28, $0xb8;
	[tilespmem:$0x16140] =	vst v63  }
0x18c: {  	s25 =	simm.s32 $0x0;
	s26 =	simm.s32 $0x16000;
	[tilespmem:$0x1FF90] =	vst v2;
	v5 =	vadd.f32 v3, v1  }
.LBB2_7:
0x18d: {  	s28 =	sshra.s32 s25, $0x2  }
0x18e: {  	v1 =	vld [tilespmem:s28+$0xA000]  }
0x18f: {  	v2 =	vld [tilespmem:s28+$0x12000]  }
0x190: {  	v3 =	vld [tilespmem:s28+$0xA010]  }
0x191: {  	v9 =	vld [tilespmem:s28+$0x12010]  }
0x192: {  	v10 =	vld [tilespmem:s28+$0xA020]  }
0x193: {  	v11 =	vld [tilespmem:s28+$0x12020]  }
0x194: {  	v12 =	vld [tilespmem:s28+$0xA030]  }
0x195: {  	v13 =	vld [tilespmem:s28+$0x12030]  }
0x196: {  	v14 =	vld [tilespmem:s28+$0xA040]  }
0x197: {  	v15 =	vld [tilespmem:s28+$0x12040]  }
0x198: {  	v16 =	vld [tilespmem:s28+$0xA050]  }
0x199: {  	v17 =	vld [tilespmem:s28+$0x12050]  }
0x19a: {  	v18 =	vld [tilespmem:s28+$0xA060]  }
0x19b: {  	v19 =	vld [tilespmem:s28+$0x12060]  }
0x19c: {  	v20 =	vld [tilespmem:s28+$0xA070]  }
0x19d: {  	v21 =	vld [tilespmem:s28+$0x12070]  }
0x19e: {  	v22 =	vld [tilespmem:s28+$0xA080]  }
0x19f: {  	v23 =	vld [tilespmem:s28+$0x12080]  }
0x1a0: {  	v24 =	vld [tilespmem:s28+$0xA090]  }
0x1a1: {  	v25 =	vld [tilespmem:s28+$0x12090]  }
0x1a2: {  	v26 =	vld [tilespmem:s28+$0xA0A0]  }
0x1a3: {  	v27 =	vld [tilespmem:s28+$0x120A0]  }
0x1a4: {  	v28 =	vld [tilespmem:s28+$0xA0B0]  }
0x1a5: {  	v29 =	vld [tilespmem:s28+$0x120B0]  }
0x1a6: {  	v30 =	vld [tilespmem:s28+$0xA0C0]  }
0x1a7: {  	v31 =	vld [tilespmem:s28+$0x120C0]  }
0x1a8: {  	v32 =	vld [tilespmem:s28+$0xA0D0]  }
0x1a9: {  	v33 =	vld [tilespmem:s28+$0x120D0]  }
0x1aa: {  	v34 =	vld [tilespmem:s28+$0xA0E0]  }
0x1ab: {  	v35 =	vld [tilespmem:s28+$0x120E0]  }
0x1ac: {  	v36 =	vld [tilespmem:s28+$0xA0F0]  }
0x1ad: {  	v37 =	vld [tilespmem:s28+$0x120F0]  }
0x1ae: {  	v38 =	vld [tilespmem:s28+$0xA100]  }
0x1af: {  	v39 =	vld [tilespmem:s28+$0x12100]  }
0x1b0: {  	v40 =	vld [tilespmem:s28+$0xA110]  }
0x1b1: {  	v41 =	vld [tilespmem:s28+$0x12110]  }
0x1b2: {  	v42 =	vld [tilespmem:s28+$0xA120]  }
0x1b3: {  	v43 =	vld [tilespmem:s28+$0x12120]  }
0x1b4: {  	v44 =	vld [tilespmem:s28+$0xA130]  }
0x1b5: {  	v45 =	vld [tilespmem:s28+$0x12130]  }
0x1b6: {  	v46 =	vld [tilespmem:s28+$0xA140]  }
0x1b7: {  	v47 =	vld [tilespmem:s28+$0x12140]  }
0x1b8: {  	v48 =	vld [tilespmem:s28+$0xA150]  }
0x1b9: {  	v49 =	vld [tilespmem:s28+$0x12150]  }
0x1ba: {  	v50 =	vld [tilespmem:s28+$0xA160]  }
0x1bb: {  	v51 =	vld [tilespmem:s28+$0x12160]  }
0x1bc: {  	v52 =	vld [tilespmem:s28+$0xA170]  }
0x1bd: {  	v53 =	vld [tilespmem:s28+$0x12170]  }
0x1be: {  	v54 =	vld [tilespmem:s28+$0xA180]  }
0x1bf: {  	v55 =	vld [tilespmem:s28+$0x12180]  }
0x1c0: {  	v56 =	vld [tilespmem:s28+$0xA190]  }
0x1c1: {  	v57 =	vld [tilespmem:s28+$0x12190]  }
0x1c2: {  	v58 =	vld [tilespmem:s28+$0xA1A0]  }
0x1c3: {  	v59 =	vld [tilespmem:s28+$0x121A0]  }
0x1c4: {  	v6 =	vld [tilespmem:s28+$0xA1B0]  }
0x1c5: {  	v61 =	vld [tilespmem:s28+$0x121B0]  }
0x1c6: {  	v62 =	vld [tilespmem:s28+$0xA1C0]  }
0x1c7: {  	v63 =	vld [tilespmem:s28+$0x121C0]  }
0x1c8: {  	v7 =	vld [tilespmem:s28+$0x121D0]  }
0x1c9: {  	v8 =	vld [tilespmem:s28+$0x121E0]  }
0x1ca: {  	v60 =	vld [tilespmem:s28+$0xA1F0]  }
0x1cb: {  	[tilespmem:$0x1FF60] =	vst v6;
	v6 =	vld [tilespmem:s28+$0xA1D0]  }
0x1cc: {  	v1 =	vsub.f32 v1, v2;
	v2 =	vsub.f32 v3, v9;
	v3 =	vld [tilespmem:s28+$0xA1E0]  }
0x1cd: {  	v9 =	vsub.f32 v14, v15;
	v15 =	vld [tilespmem:s28+$0x121F0]  }
0x1ce: {  	v14 =	vsub.f32 v16, v17;
	v17 =	vld [tilespmem:s28+$0x12200]  }
0x1cf: {  	v10 =	vsub.f32 v10, v11;
	v11 =	vsub.f32 v12, v13;
	v12 =	vld [tilespmem:s28+$0xA210]  }
0x1d0: {  	v16 =	vsub.f32 v18, v19;
	v18 =	vsub.f32 v22, v23;
	v22 =	vld [tilespmem:s28+$0xA230]  }
0x1d1: {  	v27 =	vsub.f32 v26, v27;
	v26 =	vld [tilespmem:s28+$0x12250]  }
0x1d2: {  	v31 =	vsub.f32 v30, v31;
	v30 =	vld [tilespmem:s28+$0xA280]  }
0x1d3: {  	v47 =	vsub.f32 v46, v47;
	v46 =	vsub.f32 v44, v45;
	v44 =	vld [tilespmem:s28+$0xA2E0]  }
0x1d4: {  	v24 =	vsub.f32 v24, v25;
	v32 =	vsub.f32 v32, v33;
	v45 =	vld [tilespmem:s28+$0xA2F0]  }
0x1d5: {  	v62 =	vsub.f32 v62, v63;
	v63 =	vsub.f32 v58, v59;
	v58 =	vld [tilespmem:s28+$0x12350]  }
0x1d6: {  	v37 =	vsub.f32 v36, v37;
	v1 =	vmul.f32 v1, v1;
	v13 =	vmul.f32 v16, v16;
	v16 =	vld [tilespmem:s28+$0x12210]  }
0x1d7: {  	v38 =	vsub.f32 v38, v39;
	v2 =	vmul.f32 v2, v2;
	v19 =	vmul.f32 v24, v24;
	v24 =	vld [tilespmem:s28+$0x12240]  }
0x1d8: {  	v48 =	vsub.f32 v48, v49;
	v9 =	vmul.f32 v9, v9;
	v23 =	vmul.f32 v32, v32;
	v32 =	vld [tilespmem:s28+$0xA270]  }
0x1d9: {  	v39 =	vsub.f32 v40, v41;
	v14 =	vmul.f32 v14, v14;
	v40 =	vmul.f32 v37, v37;
	v37 =	vld [tilespmem:s28+$0xA2B0]  }
0x1da: {  	v35 =	vsub.f32 v34, v35;
	v34 =	vmul.f32 v48, v48;
	v48 =	vmul.f32 v46, v46;
	v46 =	vld [tilespmem:$0x1FF60]  }
0x1db: {  	v1 =	vadd.f32 v2, v1;
	v2 =	vld [tilespmem:s28+$0xA200]  }
0x1dc: {  	v9 =	vadd.f32 v14, v9;
	v14 =	vsub.f32 v20, v21;
	v20 =	vld [tilespmem:s28+$0xA220]  }
0x1dd: {  	v6 =	vsub.f32 v6, v7;
	v7 =	vld [tilespmem:s28+$0x122D0]  }
0x1de: {  	v3 =	vsub.f32 v3, v8;
	v8 =	vld [tilespmem:s28+$0x122E0]  }
0x1df: {  	v10 =	vmul.f32 v10, v10;
	v15 =	vsub.f32 v60, v15;
	v60 =	vld [tilespmem:s28+$0xA360]  }
0x1e0: {  	v55 =	vsub.f32 v54, v55;
	v18 =	vmul.f32 v18, v18;
	v25 =	vmul.f32 v14, v14;
	v14 =	vld [tilespmem:s28+$0x12220]  }
0x1e1: {  	v57 =	vsub.f32 v56, v57;
	v9 =	vadd.f32 v13, v9;
	v13 =	vld [tilespmem:s28+$0x12230]  }
0x1e2: {  	v1 =	vadd.f32 v10, v1;
	v10 =	vmul.f32 v11, v11;
	v11 =	vadd.f32 v19, v18;
	v19 =	vld [tilespmem:s28+$0xA240]  }
0x1e3: {  	v21 =	vmul.f32 v31, v31;
	v18 =	vmul.f32 v27, v27;
	v27 =	vsub.f32 v28, v29;
	v28 =	vld [tilespmem:s28+$0xA260]  }
0x1e4: {  	v41 =	vmul.f32 v39, v39;
	v36 =	vmul.f32 v55, v55;
	v29 =	vld [tilespmem:s28+$0x12260]  }
0x1e5: {  	v39 =	vmul.f32 v57, v57;
	v21 =	vadd.f32 v23, v21;
	v23 =	vmul.f32 v35, v35;
	v35 =	vld [tilespmem:s28+$0x12290]  }
0x1e6: {  	v12 =	vsub.f32 v12, v16;
	v16 =	vld [tilespmem:s28+$0xA310]  }
0x1e7: {  	v36 =	vadd.f32 v39, v36;
	v39 =	vsub.f32 v46, v61;
	v61 =	vld [tilespmem:s28+$0x12360]  }
0x1e8: {  	v43 =	vsub.f32 v42, v43;
	v53 =	vsub.f32 v52, v53;
	v42 =	vmul.f32 v62, v62;
	v46 =	vld [tilespmem:s28+$0x12380]  }
0x1e9: {  	v6 =	vmul.f32 v6, v6;
	v3 =	vmul.f32 v3, v3;
	v11 =	vadd.f32 v18, v11;
	v18 =	vld [tilespmem:s28+$0xA250]  }
0x1ea: {  	v15 =	vmul.f32 v15, v15;
	v9 =	vadd.f32 v25, v9;
	v1 =	vadd.f32 v10, v1;
	v25 =	vld [tilespmem:s28+$0x12270]  }
0x1eb: {  	v27 =	vmul.f32 v27, v27;
	v21 =	vadd.f32 v23, v21;
	v23 =	vld [tilespmem:s28+$0x12280];
	v6 =	vadd.f32 v6, v42  }
0x1ec: {  	v42 =	vld [tilespmem:s28+$0x122F0];
	v39 =	vmul.f32 v39, v39;
	v2 =	vsub.f32 v2, v17;
	v12 =	vmul.f32 v12, v12  }
0x1ed: {  	v33 =	vperm.xlane v9, v0;
	v11 =	vadd.f32 v27, v11;
	v21 =	vadd.f32 v40, v21;
	v27 =	vld [tilespmem:s28+$0xA290]  }
0x1ee: {  	v40 =	vld [tilespmem:s28+$0x122A0];
	v8 =	vsub.f32 v44, v8;
	v3 =	vadd.f32 v3, v6;
	v2 =	vmul.f32 v2, v2  }
0x1ef: {  	v6 =	vld [tilespmem:s28+$0x12300];
	v19 =	vsub.f32 v19, v24;
	v10 =	vsel vm0, v1, v33;
	v1 =	vperm.xlane v1, v0  }
0x1f0: {  	v24 =	vld [tilespmem:s28+$0x12320];
	v13 =	vsub.f32 v22, v13;
	v31 =	vperm.xlane v11, v0;
	v49 =	vperm.xlane v21, v0  }
0x1f1: {  	v22 =	vld [tilespmem:s28+$0xA340];
	v33 =	vmul.f32 v47, v47;
	v47 =	vsub.f32 v50, v51;
	v3 =	vadd.f32 v15, v3  }
0x1f2: {  	v8 =	vmul.f32 v8, v8;
	v15 =	vld [tilespmem:s28+$0xA320];
	v18 =	vsub.f32 v18, v26;
	v2 =	vadd.f32 v12, v2  }
0x1f3: {  	v19 =	vmul.f32 v19, v19;
	v55 =	vmul.f32 v13, v13;
	v13 =	vld [tilespmem:s28+$0xA350];
	v62 =	vsub.f32 v30, v23  }
0x1f4: {  	v1 =	vsel vm0, v1, v9;
	v11 =	vsel vm0, v11, v49;
	v50 =	vadd.f32 v34, v33;
	v33 =	vld [tilespmem:s28+$0x122B0]  }
0x1f5: {  	v49 =	vsel vm0, v31, v21;
	v51 =	vmul.f32 v47, v47;
	v34 =	vld [tilespmem:s28+$0x122C0];
	v31 =	vmul.f32 v53, v53  }
0x1f6: {  	v53 =	vsub.f32 v32, v25;
	v25 =	vld [tilespmem:s28+$0x12340];
	v9 =	vadd.f32 v1, v10;
	v1 =	vmul.f32 v38, v38  }
0x1f7: {  	v10 =	vmul.f32 v43, v43;
	v38 =	vld [tilespmem:s28+$0xA2A0];
	v43 =	vmul.f32 v63, v63;
	v35 =	vsub.f32 v27, v35  }
0x1f8: {  	v18 =	vmul.f32 v18, v18;
	v27 =	vld [tilespmem:s28+$0xA370];
	v21 =	vadd.f32 v51, v50;
	v50 =	vsub.f32 v28, v29  }
0x1f9: {  	v54 =	vperm.xlane v3, v0;
	v29 =	vld [tilespmem:s28+$0x12370];
	v1 =	vadd.f32 v41, v1;
	v36 =	vadd.f32 v43, v36  }
0x1fa: {  	v57 =	vmul.f32 v53, v53;
	v53 =	vld [tilespmem:s28+$0x123A0];
	v18 =	vadd.f32 v18, v19;
	v21 =	vadd.f32 v31, v21  }
0x1fb: {  	v41 =	vld [tilespmem:s28+$0xA2D0];
	v26 =	vmul.f32 v35, v35;
	v13 =	vsub.f32 v13, v58;
	v15 =	vsub.f32 v15, v24  }
0x1fc: {  	v43 =	vld [tilespmem:s28+$0xA380];
	v52 =	vmul.f32 v50, v50;
	v1 =	vadd.f32 v10, v1;
	v10 =	vadd.f32 v49, v11  }
0x1fd: {  	v31 =	vld [tilespmem:s28+$0xA300];
	v36 =	vadd.f32 v39, v36;
	v49 =	vsub.f32 v20, v14;
	v20 =	vmul.f32 v62, v62  }
0x1fe: {  	v58 =	vld [tilespmem:s28+$0x123C0];
	v22 =	vsub.f32 v22, v25;
	v56 =	vadd.f32 v52, v18;
	v13 =	vmul.f32 v13, v13  }
0x1ff: {  	v11 =	vld [tilespmem:s28+$0xA2C0];
	v15 =	vmul.f32 v15, v15;
	v1 =	vadd.f32 v48, v1;
	v48 =	vperm.xlane v21, v0  }
0x200: {  	v39 =	vld [tilespmem:s28+$0x12310];
	v52 =	vsub.f32 v37, v33;
	v51 =	vperm.xlane v36, v0;
	v12 =	vmul.f32 v49, v49  }
0x201: {  	v14 =	vld [tilespmem:s28+$0xA330];
	v59 =	vsel vm0, v36, v54;
	v20 =	vadd.f32 v26, v20;
	v54 =	vsub.f32 v45, v42  }
0x202: {  	v33 =	vld [tilespmem:$0x1FFD0];
	v22 =	vmul.f32 v22, v22;
	v37 =	vsub.f32 v27, v29;
	v7 =	vsub.f32 v41, v7  }
0x203: {  	v49 =	vld [tilespmem:s28+$0x12390];
	v41 =	vsub.f32 v38, v40;
	v23 =	vmul.f32 v52, v52;
	v47 =	vperm.xlane v1, v0  }
0x204: {  	v42 =	vld [tilespmem:s28+$0x123F0];
	v1 =	vsel vm0, v1, v48;
	v2 =	vadd.f32 v12, v2;
	v6 =	vsub.f32 v31, v6  }
0x205: {  	v38 =	vld [tilespmem:s28+$0xA3F0];
	v3 =	vsel vm0, v51, v3;
	v12 =	vsub.f32 v60, v61;
	v13 =	vadd.f32 v13, v22  }
0x206: {  	v48 =	vld [tilespmem:s28+$0xA390];
	v26 =	vmul.f32 v54, v54;
	v3 =	vadd.f32 v3, v59;
	v11 =	vsub.f32 v11, v34  }
0x207: {  	v51 =	vld [tilespmem:s28+$0xA3A0];
	v7 =	vmul.f32 v7, v7;
	v16 =	vsub.f32 v16, v39;
	v39 =	vsub.f32 v43, v46  }
0x208: {  	v60 =	vld [tilespmem:s28+$0x123D0];
	v17 =	vsel vm0, v47, v21;
	v47 =	vmul.f32 v41, v41;
	v6 =	vmul.f32 v6, v6  }
0x209: {  	v59 =	vld [tilespmem:s28+$0xA3D0];
	v2 =	vadd.f32 v55, v2;
	v12 =	vmul.f32 v12, v12;
	v62 =	vperm.xlane v10, v33  }
0x20a: {  	v61 =	vld [tilespmem:s28+$0xA3E0];
	v1 =	vadd.f32 v17, v1;
	v17 =	vadd.f32 v57, v56;
	v11 =	vmul.f32 v11, v11  }
0x20b: {  	v21 =	vld [tilespmem:s28+$0x12330];
	v16 =	vmul.f32 v16, v16;
	v50 =	vadd.f32 v47, v20;
	v12 =	vadd.f32 v12, v13  }
0x20c: {  	v57 =	vld [tilespmem:s28+$0xA3C0];
	v63 =	vperm.xlane v2, v0;
	v46 =	vsub.f32 v38, v42;
	v7 =	vadd.f32 v7, v11  }
0x20d: {  	v55 =	vld [tilespmem:s28+$0xA3B0];
	v36 =	vperm.xlane v17, v0;
	v6 =	vadd.f32 v16, v6;
	v11 =	vsub.f32 v48, v49  }
0x20e: {  	v48 =	vmul.f32 v37, v37;
	v17 =	vsel vm0, v63, v17;
	v63 =	vld [tilespmem:s28+$0x123E0];
	v16 =	vsub.f32 v59, v60  }
0x20f: {  	v56 =	vld [tilespmem:s28+$0x123B0];
	v2 =	vsel vm0, v2, v36;
	v7 =	vadd.f32 v8, v7;
	v6 =	vadd.f32 v15, v6  }
0x210: {  	v14 =	vsub.f32 v14, v21;
	v36 =	vperm.xlane v9, v33;
	v8 =	vsub.f32 v51, v53  }
0x211: {  	v15 =	vmul.f32 v39, v39;
	v12 =	vadd.f32 v48, v12;
	v43 =	vsub.f32 v57, v58  }
0x212: {  	v11 =	vmul.f32 v11, v11;
	v2 =	vadd.f32 v17, v2;
	v17 =	vadd.f32 v23, v50  }
0x213: {  	v16 =	vmul.f32 v16, v16;
	v13 =	vmul.f32 v43, v43;
	v44 =	vsub.f32 v61, v63  }
0x214: {  	v9 =	vsel vm1, v9, v62;
	v45 =	vsub.f32 v55, v56;
	v11 =	vadd.f32 v11, v15  }
0x215: {  	v8 =	vmul.f32 v8, v8;
	v13 =	vadd.f32 v16, v13;
	v18 =	vmul.f32 v44, v44  }
0x216: {  	v7 =	vadd.f32 v26, v7;
	v47 =	vmul.f32 v14, v14;
	v15 =	vmul.f32 v45, v45  }
0x217: {  	v8 =	vadd.f32 v8, v11;
	v16 =	vmul.f32 v46, v46;
	v13 =	vadd.f32 v18, v13  }
0x218: {  	v56 =	vperm.xlane v3, v33;
	v50 =	vperm.xlane v17, v0;
	v6 =	vadd.f32 v47, v6  }
0x219: {  	v49 =	vperm.xlane v7, v0;
	v8 =	vadd.f32 v15, v8;
	v13 =	vadd.f32 v16, v13  }
0x21a: {  	v52 =	vperm.xlane v12, v0;
	v7 =	vsel vm0, v50, v7;
	v51 =	vperm.xlane v6, v0  }
0x21b: {  	v11 =	vsel vm0, v17, v49;
	v53 =	vperm.xlane v8, v0;
	v54 =	vperm.xlane v13, v0  }
0x21c: {  	v57 =	vperm.xlane v1, v33;
	v6 =	vsel vm0, v6, v52;
	v7 =	vadd.f32 v7, v11  }
0x21d: {  	v55 =	vsel vm0, v51, v12;
	v13 =	vsel vm0, v53, v13;
	v8 =	vsel vm0, v8, v54  }
0x21e: {  	v10 =	vsel vm1, v36, v10;
	v6 =	vadd.f32 v55, v6;
	v8 =	vadd.f32 v13, v8  }
0x21f: {  	v41 =	vld [tilespmem:$0x1FFE0];
	v1 =	vsel vm1, v1, v56;
	v58 =	vperm.xlane v2, v33;
	v59 =	vperm.xlane v7, v33  }
0x220: {  	v3 =	vsel vm1, v57, v3;
	v60 =	vperm.xlane v6, v33;
	v61 =	vperm.xlane v8, v33  }
0x221: {  	v1 =	vadd.f32 v3, v1;
	v3 =	vsel vm1, v58, v7;
	v2 =	vsel vm1, v2, v59  }
0x222: {  	v2 =	vadd.f32 v3, v2;
	v7 =	vsel vm1, v60, v8;
	v6 =	vsel vm1, v6, v61  }
0x223: {  	v9 =	vadd.f32 v10, v9;
	v3 =	vadd.f32 v7, v6  }
0x224: {  	v62 =	vperm.xlane v2, v41;
	v7 =	vperm.xlane v1, v41  }
0x225: {  	v40 =	vld [tilespmem:$0x1FFF0];
	v6 =	vperm.xlane v9, v41;
	v63 =	vperm.xlane v3, v41  }
0x226: {  	v7 =	vsel vm2, v9, v7  }
0x227: {  	v1 =	vsel vm2, v6, v1;
	v3 =	vsel vm2, v62, v3;
	v2 =	vsel vm2, v2, v63  }
0x228: {  	v1 =	vadd.f32 v1, v7;
	v2 =	vadd.f32 v3, v2;
	_ =	sdelay $0x1  }
0x229: {  	p0 =	sne.s32 s25, $0xF000;
	v3 =	vperm.xlane v1, v40;
	v6 =	vperm.xlane v2, v40  }
.Ltmp2:
0x22a: {  	_ = 	snop;
	(pc) =	sbr.rel @p0 .LBB2_7-.Ltmp2, $3  }
0x22b: {  	v2 =	vsel vm3, v3, v2;
	v1 =	vsel vm3, v1, v6  }
0x22c: {  	v1 =	vadd.f32 v2, v1;
	_ =	sdelay $0x1  }
0x22d: {  	s25 =	sadd.s32 $0x1000, s25;
	[tilespmem:s26+$0x0] =	vst v1;
	s26 =	sadd.s32 $0x10, s26  }
0x22e: {  	s25 =	simm.s32 $0x0  }
0x22f: {  	v1 =	vld [tilespmem:s25+$0x16000];
	_ =	sdelay $0x4  }
0x230: {  	v2 =	vadd.f32 $1.000000000e+00, v1;
	_ =	sdelay $0x1  }
0x231: {  	(erf) = vrcp.f32 v2;
	_ =	sdelay $0x8  }
0x232: {  	v2 =	vpop (erf)  }
0x233: {  	s26 =	simm.s32 $0x10;
	v3 =	vand.u32 $0x7FFFFF, v2  }
0x234: {  	v6 =	vld [tilespmem:s26+$0x16000];
	v3 =	vor.u32 $0x3F800000, v3  }
0x235: {  	v7 =	vmul.f32 $5.000000000e-01, v3  }
0x236: {  	vm5 =	vgt.f32 v3, $1.414213540e+00  }
0x237: {  	v3 =	vsel vm5, v7, v3  }
0x238: {  	v7 =	vadd.f32 $1.000000000e+00, v3  }
0x239: {  	v8 =	vadd.f32 $1.000000000e+00, v6  }
0x23a: {  	(erf) = vrcp.f32 v7  }
0x23b: {  	(erf) = vrcp.f32 v8;
	_ =	sdelay $0x7  }
0x23c: {  	v7 =	vpop (erf)  }
0x23d: {  	v3 =	vadd.f32 $-1.000000000e+00, v3;
	v8 =	vpop (erf)  }
0x23e: {  	v9 =	vand.u32 $0x7FFFFF, v8  }
0x23f: {  	v3 =	vmul.f32 v7, v3;
	v9 =	vor.u32 $0x3F800000, v9  }
0x240: {  	v7 =	vmul.f32 $5.000000000e-01, v9  }
0x241: {  	v10 =	vmul.f32 v3, v3;
	vm4 =	vgt.f32 v9, $1.414213540e+00  }
0x242: {  	v7 =	vsel vm4, v7, v9  }
0x243: {  	v12 =	vmul.f32 $1.111111120e-01, v10;
	v9 =	vadd.f32 $1.000000000e+00, v7;
	_ =	sdelay $0x1  }
0x244: {  	(erf) = vrcp.f32 v9;
	v9 =	vadd.f32 $1.428571490e-01, v12  }
0x245: {  	s30 =	simm.s32 $0x20  }
0x246: {  	v11 =	vld [tilespmem:s30+$0x16000];
	v9 =	vmul.f32 v9, v10;
	_ =	sdelay $0x1  }
0x247: {  	v9 =	vadd.f32 $2.000000030e-01, v9;
	_ =	sdelay $0x1  }
0x248: {  	v13 =	vmul.f32 v9, v10  }
0x249: {  	v12 =	vadd.f32 $1.000000000e+00, v11  }
0x24a: {  	v1 =	vsub.f32 $0.0e+00, v1  }
0x24b: {  	v7 =	vadd.f32 $-1.000000000e+00, v7;
	(erf) = vrcp.f32 v12;
	v12 =	vshrl.u32 v2, $0x17  }
0x24c: {  	v1 =	vmul.f32 v2, v1;
	v2 =	vand.u32 $0xFF, v12;
	v12 =	vadd.f32 $3.333333430e-01, v13;
	v13 =	vpop (erf)  }
0x24d: {  	v7 =	vmul.f32 v13, v7;
	v13 =	vld [tilespmem:$0x1FF70];
	_ =	sdelay $0x1  }
0x24e: {  	s31 =	sadd.s32 $0x0, s23  }
0x24f: {  	v2 =	vadd.s32 $0xFFFFFF81, v2;
	v9 =	vld [tilespmem:s31+$0x0]  }
0x250: {  	vm5 =	vmmov vm5;
	v2 =	vcvt.s32.f32 v2  }
0x251: {  	v1 =	vadd.f32 v1, v13;
	v13 =	vsel vm5, $0x3F800000, v4  }
0x252: {  	v6 =	vsub.f32 $0.0e+00, v6;
	v2 =	vadd.f32 v2, v13;
	v13 =	vmul.f32 v7, v7  }
0x253: {  	v10 =	vmul.f32 v12, v10  }
0x254: {  	v6 =	vmul.f32 v8, v6;
	v12 =	vadd.f32 $9.999999960e-13, v9;
	v16 =	vpop (erf);
	v15 =	vmul.f32 $1.111111120e-01, v13  }
0x255: {  	v3 =	vadd.f32 v3, v3;
	v10 =	vadd.f32 $1.000000000e+00, v10;
	v17 =	vand.u32 $0x7FFFFF, v16  }
0x256: {  	v14 =	vand.u32 $0x7FFFFF, v12;
	v17 =	vor.u32 $0x3F800000, v17;
	v15 =	vadd.f32 $1.428571490e-01, v15  }
0x257: {  	v14 =	vor.u32 $0x3F800000, v14;
	v3 =	vmul.f32 v10, v3;
	v10 =	vmul.f32 $5.000000000e-01, v17  }
0x258: {  	v18 =	vmul.f32 $5.000000000e-01, v14;
	v15 =	vmul.f32 v15, v13  }
0x259: {  	vm6 =	vgt.f32 v14, $1.414213540e+00;
	vm5 =	vgt.f32 v17, $1.414213540e+00;
	v2 =	vmul.f32 $6.931471820e-01, v2  }
0x25a: {  	v14 =	vsel vm6, v18, v14;
	v10 =	vsel vm5, v10, v17;
	v15 =	vadd.f32 $2.000000030e-01, v15  }
0x25b: {  	v1 =	vadd.f32 v6, v1;
	v2 =	vadd.f32 v3, v2;
	v3 =	vshrl.u32 v12, $0x17  }
0x25c: {  	v6 =	vadd.f32 $1.000000000e+00, v14;
	v3 =	vand.u32 $0xFF, v3;
	v12 =	vmul.f32 v15, v13  }
0x25d: {  	s25 =	simm.s32 $0x30;
	v17 =	vadd.f32 $1.000000000e+00, v10;
	v3 =	vadd.s32 $0xFFFFFF81, v3  }
0x25e: {  	(erf) = vrcp.f32 v6;
	v6 =	vld [tilespmem:s25+$0x16000];
	v3 =	vcvt.s32.f32 v3;
	v12 =	vadd.f32 $3.333333430e-01, v12  }
0x25f: {  	v8 =	vshrl.u32 v8, $0x17;
	(erf) = vrcp.f32 v17;
	v15 =	vsel vm6, $0x3F800000, v4  }
0x260: {  	v3 =	vadd.f32 v3, v15;
	v15 =	vadd.f32 v7, v7;
	v7 =	vld [tilespmem:$0x1FF80];
	v12 =	vmul.f32 v12, v13  }
0x261: {  	v8 =	vand.u32 $0xFF, v8  }
0x262: {  	v8 =	vadd.s32 $0xFFFFFF81, v8;
	v12 =	vadd.f32 $1.000000000e+00, v12  }
0x263: {  	v8 =	vcvt.s32.f32 v8;
	v13 =	vadd.f32 $1.000000000e+00, v6  }
0x264: {  	s26 =	sadd.s32 $0x10, s23;
	vm4 =	vmmov vm4;
	v11 =	vsub.f32 $0.0e+00, v11;
	v12 =	vmul.f32 v12, v15;
	v15 =	vld [tilespmem:$0x1FF90]  }
0x265: {  	v17 =	vsel vm4, $0x3F800000, v4;
	(erf) = vrcp.f32 v13;
	v13 =	vadd.f32 v9, v7;
	v7 =	vld [tilespmem:s26+$0x0]  }
0x266: {  	v11 =	vmul.f32 v16, v11;
	v8 =	vadd.f32 v8, v17  }
0x267: {  	v14 =	vadd.f32 $-1.000000000e+00, v14;
	v10 =	vadd.f32 $-1.000000000e+00, v10;
	v2 =	vmul.f32 v2, v9  }
0x268: {  	v1 =	vadd.f32 v11, v1;
	vm4 =	vmmov vm5;
	v8 =	vmul.f32 $6.931471820e-01, v8;
	v17 =	vpop (erf)  }
0x269: {  	v3 =	vmul.f32 $6.931471820e-01, v3;
	v14 =	vmul.f32 v17, v14;
	v2 =	vadd.f32 v2, v15;
	v15 =	vpop (erf)  }
0x26a: {  	v8 =	vadd.f32 v12, v8;
	v11 =	vadd.f32 $9.999999960e-13, v7;
	v10 =	vmul.f32 v15, v10  }
0x26b: {  	v6 =	vsub.f32 $0.0e+00, v6;
	v17 =	vadd.f32 v14, v14;
	v12 =	vmul.f32 v14, v14  }
0x26c: {  	v8 =	vmul.f32 v8, v7;
	v19 =	vshrl.u32 v11, $0x17;
	v15 =	vmul.f32 v10, v10  }
0x26d: {  	v18 =	vadd.f32 v7, v13;
	v13 =	vmul.f32 $1.111111120e-01, v12;
	v19 =	vand.u32 $0xFF, v19  }
0x26e: {  	v2 =	vadd.f32 v8, v2;
	v8 =	vand.u32 $0x7FFFFF, v11;
	v14 =	vmul.f32 $1.111111120e-01, v15  }
0x26f: {  	v13 =	vadd.f32 $1.428571490e-01, v13;
	v11 =	vpop (erf);
	v19 =	vadd.s32 $0xFFFFFF81, v19;
	v8 =	vor.u32 $0x3F800000, v8  }
0x270: {  	v21 =	vand.u32 $0x7FFFFF, v11;
	v20 =	vmul.f32 $5.000000000e-01, v8;
	v14 =	vadd.f32 $1.428571490e-01, v14  }
0x271: {  	v13 =	vmul.f32 v13, v12;
	vm6 =	vgt.f32 v8, $1.414213540e+00;
	v21 =	vor.u32 $0x3F800000, v21  }
0x272: {  	v8 =	vsel vm6, v20, v8;
	v20 =	vmul.f32 $5.000000000e-01, v21;
	v14 =	vmul.f32 v14, v15  }
0x273: {  	vm5 =	vgt.f32 v21, $1.414213540e+00;
	v13 =	vadd.f32 $2.000000030e-01, v13;
	v22 =	vadd.f32 $1.000000000e+00, v8  }
0x274: {  	s26 =	simm.s32 $0x40;
	v10 =	vadd.f32 v10, v10;
	v20 =	vsel vm5, v20, v21;
	v14 =	vadd.f32 $2.000000030e-01, v14  }
0x275: {  	v23 =	vld [tilespmem:s26+$0x16000];
	v13 =	vmul.f32 v13, v12;
	(erf) = vrcp.f32 v22;
	v21 =	vadd.f32 $1.000000000e+00, v20  }
0x276: {  	v22 =	vadd.f32 $-1.000000000e+00, v8;
	v8 =	vshrl.u32 v16, $0x17;
	v14 =	vmul.f32 v14, v15  }
0x277: {  	v16 =	vcvt.s32.f32 v19;
	v13 =	vadd.f32 $3.333333430e-01, v13;
	(erf) = vrcp.f32 v21  }
0x278: {  	v19 =	vsel vm6, $0x3F800000, v4;
	v8 =	vand.u32 $0xFF, v8;
	v14 =	vadd.f32 $3.333333430e-01, v14  }
0x279: {  	v8 =	vadd.s32 $0xFFFFFF81, v8;
	v16 =	vadd.f32 v16, v19;
	v13 =	vmul.f32 v13, v12  }
0x27a: {  	v8 =	vcvt.s32.f32 v8;
	v14 =	vmul.f32 v14, v15;
	v15 =	vadd.f32 $1.000000000e+00, v23  }
0x27b: {  	v6 =	vmul.f32 v11, v6;
	v19 =	vsel vm4, $0x3F800000, v4;
	v13 =	vadd.f32 $1.000000000e+00, v13  }
0x27c: {  	s28 =	sadd.s32 $0x20, s23;
	v12 =	vmul.f32 $6.931471820e-01, v16;
	v19 =	vadd.f32 v8, v19;
	v16 =	vadd.f32 $1.000000000e+00, v14  }
0x27d: {  	v8 =	vld [tilespmem:s28+$0x0];
	v21 =	vmul.f32 v13, v17;
	(erf) = vrcp.f32 v15  }
0x27e: {  	v19 =	vmul.f32 $6.931471820e-01, v19;
	v15 =	vpop (erf);
	v10 =	vmul.f32 v16, v10  }
0x27f: {  	v13 =	vadd.f32 v6, v1;
	v16 =	vadd.f32 $-1.000000000e+00, v20;
	v15 =	vmul.f32 v15, v22  }
0x280: {  	vm4 =	vmmov vm5;
	v14 =	vsub.f32 $0.0e+00, v23;
	v1 =	vpop (erf);
	v6 =	vadd.f32 v10, v19  }
0x281: {  	v17 =	vmul.f32 v1, v16;
	v19 =	vadd.f32 v21, v3;
	v20 =	vmul.f32 v15, v15  }
0x282: {  	v16 =	vadd.f32 v15, v15;
	v15 =	vadd.f32 $9.999999960e-13, v8;
	v1 =	vmul.f32 v6, v8  }
0x283: {  	v10 =	vadd.f32 v8, v18;
	v21 =	vmul.f32 v17, v17;
	v3 =	vmul.f32 $1.111111120e-01, v20  }
0x284: {  	v6 =	vadd.f32 v1, v2;
	v1 =	vshrl.u32 v15, $0x17;
	v2 =	vand.u32 $0x7FFFFF, v15  }
0x285: {  	v15 =	vmul.f32 $1.111111120e-01, v21;
	v2 =	vor.u32 $0x3F800000, v2;
	v3 =	vadd.f32 $1.428571490e-01, v3  }
0x286: {  	v18 =	vpop (erf);
	v1 =	vand.u32 $0xFF, v1;
	vm6 =	vgt.f32 v2, $1.414213540e+00;
	v22 =	vmul.f32 $5.000000000e-01, v2  }
0x287: {  	v23 =	vand.u32 $0x7FFFFF, v18;
	v15 =	vadd.f32 $1.428571490e-01, v15;
	v1 =	vadd.s32 $0xFFFFFF81, v1  }
0x288: {  	v3 =	vmul.f32 v3, v20;
	v23 =	vor.u32 $0x3F800000, v23;
	v2 =	vsel vm6, v22, v2  }
0x289: {  	v24 =	vmul.f32 $5.000000000e-01, v23;
	v15 =	vmul.f32 v15, v21;
	v26 =	vadd.f32 $1.000000000e+00, v2  }
0x28a: {  	vm5 =	vgt.f32 v23, $1.414213540e+00;
	v22 =	vadd.f32 $-1.000000000e+00, v2;
	v2 =	vadd.f32 $2.000000030e-01, v3  }
0x28b: {  	v23 =	vsel vm5, v24, v23;
	v25 =	vadd.f32 $2.000000030e-01, v15;
	(erf) = vrcp.f32 v26  }
0x28c: {  	s29 =	simm.s32 $0x50;
	s28 =	simm.s32 $0x180;
	v24 =	vcvt.s32.f32 v1;
	v27 =	vadd.f32 $1.000000000e+00, v23;
	v26 =	vmul.f32 v2, v20  }
.LBB2_9:
0x28d: {  	p0 =	sne.s32 s28, $0x3C0;
	v1 =	vld [tilespmem:s29+$0x16000];
	v2 =	vshrl.u32 v11, $0x17;
	v3 =	vmul.f32 v25, v21;
	v15 =	vsel vm6, $0x3F800000, v4;
	v11 =	vmovc v18  }
0x28e: {  	(erf) = vrcp.f32 v27;
	v2 =	vand.u32 $0xFF, v2;
	v18 =	vadd.f32 $3.333333430e-01, v26  }
0x28f: {  	v15 =	vadd.f32 v24, v15;
	v2 =	vadd.s32 $0xFFFFFF81, v2;
	v3 =	vadd.f32 $3.333333430e-01, v3  }
0x290: {  	v2 =	vcvt.s32.f32 v2;
	v18 =	vmul.f32 v18, v20  }
0x291: {  	v20 =	vsel vm4, $0x3F800000, v4;
	v15 =	vmul.f32 $6.931471820e-01, v15;
	v3 =	vmul.f32 v3, v21  }
0x292: {  	v19 =	vmul.f32 v19, v9;
	v9 =	vmovc v7;
	v7 =	vmovc v8;
	v21 =	vadd.f32 $1.000000000e+00, v1;
	v2 =	vadd.f32 v2, v20  }
0x293: {  	s30 =	sadd.s32 s25, s23;
	v17 =	vadd.f32 v17, v17;
	s25 =	smov.u32 s26;
	s26 =	smov.u32 s29;
	v20 =	vmul.f32 v11, v14;
	v3 =	vadd.f32 $1.000000000e+00, v3  }
0x294: {  	v14 =	vsub.f32 $0.0e+00, v1;
	v18 =	vadd.f32 $1.000000000e+00, v18;
	(erf) = vrcp.f32 v21;
	v8 =	vld [tilespmem:s30+$0x0];
	v1 =	vpop (erf)  }
0x295: {  	v5 =	vadd.f32 v19, v5;
	v2 =	vmul.f32 $6.931471820e-01, v2;
	v3 =	vmul.f32 v3, v17  }
0x296: {  	v18 =	vmul.f32 v18, v16;
	v17 =	vadd.f32 $-1.000000000e+00, v23;
	v1 =	vmul.f32 v1, v22  }
0x297: {  	vm4 =	vmmov vm5;
	v13 =	vadd.f32 v20, v13;
	v16 =	vpop (erf);
	v2 =	vadd.f32 v3, v2  }
0x298: {  	v20 =	vmul.f32 v1, v1;
	v17 =	vmul.f32 v16, v17;
	v16 =	vadd.f32 v1, v1  }
0x299: {  	v19 =	vadd.f32 v18, v12;
	v12 =	vmovc v15;
	v1 =	vmul.f32 v2, v8;
	v2 =	vadd.f32 $9.999999960e-13, v8  }
0x29a: {  	v10 =	vadd.f32 v8, v10;
	v3 =	vmul.f32 $1.111111120e-01, v20;
	v21 =	vmul.f32 v17, v17  }
0x29b: {  	v6 =	vadd.f32 v1, v6;
	v1 =	vshrl.u32 v2, $0x17;
	v2 =	vand.u32 $0x7FFFFF, v2  }
0x29c: {  	v3 =	vadd.f32 $1.428571490e-01, v3;
	v15 =	vmul.f32 $1.111111120e-01, v21;
	v2 =	vor.u32 $0x3F800000, v2  }
0x29d: {  	v1 =	vand.u32 $0xFF, v1;
	v18 =	vpop (erf);
	vm6 =	vgt.f32 v2, $1.414213540e+00;
	v22 =	vmul.f32 $5.000000000e-01, v2  }
0x29e: {  	v3 =	vmul.f32 v3, v20;
	v23 =	vand.u32 $0x7FFFFF, v18;
	v15 =	vadd.f32 $1.428571490e-01, v15  }
.Ltmp3:
0x29f: {  	v1 =	vadd.s32 $0xFFFFFF81, v1;
	v23 =	vor.u32 $0x3F800000, v23;
	v2 =	vsel vm6, v22, v2;
	(pc) =	sbr.rel @p0 .LBB2_9-.Ltmp3, $4  }
0x2a0: {  	v24 =	vmul.f32 $5.000000000e-01, v23;
	v15 =	vmul.f32 v15, v21;
	v26 =	vadd.f32 $1.000000000e+00, v2  }
0x2a1: {  	vm5 =	vgt.f32 v23, $1.414213540e+00;
	v22 =	vadd.f32 $-1.000000000e+00, v2;
	v2 =	vadd.f32 $2.000000030e-01, v3  }
0x2a2: {  	v23 =	vsel vm5, v24, v23;
	v25 =	vadd.f32 $2.000000030e-01, v15;
	(erf) = vrcp.f32 v26  }
0x2a3: {  	s29 =	sshra.s32 s28, $0x2;
	s28 =	sadd.s32 $0x40, s28;
	v24 =	vcvt.s32.f32 v1;
	v26 =	vmul.f32 v2, v20;
	v27 =	vadd.f32 $1.000000000e+00, v23  }
0x2a4: {  	v1 =	vshrl.u32 v11, $0x17;
	v2 =	vmul.f32 v25, v21;
	v3 =	vsel vm6, $0x3F800000, v4  }
0x2a5: {  	v15 =	vld [tilespmem:s29+$0x16000];
	v43 =	vsel vm4, $0x3F800000, v4;
	v19 =	vmul.f32 v19, v9;
	v17 =	vadd.f32 v17, v17  }
0x2a6: {  	v14 =	vmul.f32 v18, v14;
	v45 =	vadd.f32 $-1.000000000e+00, v23;
	vm4 =	vmmov vm5  }
0x2a7: {  	v62 =	vshrl.u32 v18, $0x17;
	(erf) = vrcp.f32 v27;
	v11 =	vadd.f32 $3.333333430e-01, v26  }
0x2a8: {  	v1 =	vand.u32 $0xFF, v1;
	v3 =	vadd.f32 v24, v3;
	v2 =	vadd.f32 $3.333333430e-01, v2  }
0x2a9: {  	v18 =	vand.u32 $0xFF, v62;
	v34 =	vsel vm4, $0x3F800000, v4;
	v1 =	vadd.s32 $0xFFFFFF81, v1  }
0x2aa: {  	s25 =	sadd.s32 s25, s23;
	v1 =	vcvt.s32.f32 v1;
	v2 =	vmul.f32 v2, v21;
	v42 =	vadd.f32 $1.000000000e+00, v15  }
0x2ab: {  	v9 =	vld [tilespmem:s25+$0x0];
	v47 =	vadd.f32 v19, v5;
	v18 =	vadd.s32 $0xFFFFFF81, v18;
	v11 =	vmul.f32 v11, v20  }
0x2ac: {  	v1 =	vadd.f32 v1, v43;
	v2 =	vadd.f32 $1.000000000e+00, v2;
	(erf) = vrcp.f32 v42  }
0x2ad: {  	v18 =	vcvt.s32.f32 v18;
	v3 =	vmul.f32 $6.931471820e-01, v3;
	v11 =	vadd.f32 $1.000000000e+00, v11  }
0x2ae: {  	v5 =	vadd.f32 v14, v13;
	v1 =	vmul.f32 $6.931471820e-01, v1;
	v2 =	vmul.f32 v2, v17  }
0x2af: {  	v18 =	vadd.f32 v18, v34;
	v15 =	vsub.f32 $0.0e+00, v15;
	v44 =	vpop (erf);
	v11 =	vmul.f32 v11, v16  }
0x2b0: {  	v20 =	vmul.f32 v44, v22;
	v14 =	vadd.f32 v2, v1;
	v1 =	vadd.f32 $9.999999960e-13, v9  }
0x2b1: {  	s30 =	sadd.s32 s26, s23;
	v10 =	vadd.f32 v9, v10;
	v18 =	vmul.f32 $6.931471820e-01, v18;
	v50 =	vadd.f32 v11, v12  }
0x2b2: {  	v11 =	vld [tilespmem:s30+$0x0];
	v46 =	vpop (erf);
	v49 =	vmul.f32 v20, v20;
	v52 =	vshrl.u32 v1, $0x17;
	v1 =	vand.u32 $0x7FFFFF, v1  }
0x2b3: {  	v20 =	vadd.f32 v20, v20;
	v48 =	vmul.f32 v46, v45;
	v1 =	vor.u32 $0x3F800000, v1  }
0x2b4: {  	s31 =	sadd.s32 s29, s23;
	v7 =	vmul.f32 v50, v7;
	v13 =	vand.u32 $0xFF, v52;
	v55 =	vmul.f32 $5.000000000e-01, v1  }
0x2b5: {  	v51 =	vmul.f32 $1.111111120e-01, v49;
	vm5 =	vgt.f32 v1, $1.414213540e+00;
	v57 =	vadd.s32 $0xFFFFFF81, v13;
	v13 =	vld [tilespmem:s31+$0x0];
	v12 =	vpop (erf)  }
0x2b6: {  	v14 =	vmul.f32 v14, v9;
	v1 =	vsel vm5, v55, v1;
	v56 =	vand.u32 $0x7FFFFF, v12  }
0x2b7: {  	v28 =	vadd.f32 $9.999999960e-13, v11;
	v59 =	vadd.f32 $1.000000000e+00, v1;
	v25 =	vor.u32 $0x3F800000, v56  }
0x2b8: {  	v2 =	vmul.f32 v48, v48;
	v19 =	vadd.f32 v48, v48;
	v58 =	vmul.f32 $5.000000000e-01, v25  }
0x2b9: {  	v60 =	vand.u32 $0x7FFFFF, v28;
	vm15 =	vgt.f32 v25, $1.414213540e+00;
	(erf) = vrcp.f32 v59  }
0x2ba: {  	v31 =	vadd.f32 $9.999999960e-13, v13;
	v24 =	vsel vm15, v58, v25;
	v25 =	vor.u32 $0x3F800000, v60  }
0x2bb: {  	v7 =	vadd.f32 v7, v47;
	v54 =	vadd.f32 $1.428571490e-01, v51;
	v29 =	vmul.f32 $5.000000000e-01, v25  }
0x2bc: {  	v30 =	vsel vm5, $0x3F800000, v4;
	v32 =	vand.u32 $0x7FFFFF, v31;
	vm5 =	vgt.f32 v25, $1.414213540e+00  }
0x2bd: {  	v53 =	vmul.f32 $1.111111120e-01, v2;
	v25 =	vsel vm5, v29, v25;
	v29 =	vor.u32 $0x3F800000, v32  }
0x2be: {  	v23 =	vmul.f32 v54, v49;
	v61 =	vadd.f32 $1.000000000e+00, v24;
	v33 =	vmul.f32 $5.000000000e-01, v29  }
0x2bf: {  	v22 =	vadd.f32 $1.428571490e-01, v53;
	v63 =	vadd.f32 $1.000000000e+00, v25;
	vm4 =	vgt.f32 v29, $1.414213540e+00  }
0x2c0: {  	v23 =	vadd.f32 $2.000000030e-01, v23;
	(erf) = vrcp.f32 v61;
	v27 =	vsel vm4, v33, v29  }
0x2c1: {  	v22 =	vmul.f32 v22, v2;
	(erf) = vrcp.f32 v63;
	v36 =	vadd.f32 $1.000000000e+00, v27  }
0x2c2: {  	v26 =	vcvt.s32.f32 v57;
	v48 =	vshrl.u32 v28, $0x17;
	v23 =	vmul.f32 v23, v49  }
0x2c3: {  	v1 =	vadd.f32 $-1.000000000e+00, v1;
	v22 =	vadd.f32 $2.000000030e-01, v22;
	v35 =	vpop (erf);
	(erf) = vrcp.f32 v36  }
0x2c4: {  	v26 =	vadd.f32 v26, v30;
	vm6 =	vmmov vm15;
	v23 =	vadd.f32 $3.333333430e-01, v23  }
0x2c5: {  	v54 =	vshrl.u32 v12, $0x17;
	v56 =	vsel vm6, $0x3F800000, v4;
	v22 =	vmul.f32 v22, v2  }
0x2c6: {  	v59 =	vshrl.u32 v31, $0x17;
	v60 =	vmul.f32 $6.931471820e-01, v26;
	v16 =	vmul.f32 v23, v49  }
0x2c7: {  	v37 =	vadd.f32 $-1.000000000e+00, v24;
	v52 =	vsel vm5, $0x3F800000, v4;
	v22 =	vadd.f32 $3.333333430e-01, v22  }
0x2c8: {  	v41 =	vadd.f32 $-1.000000000e+00, v25;
	v16 =	vadd.f32 $1.000000000e+00, v16;
	v1 =	vmul.f32 v35, v1  }
0x2c9: {  	v61 =	vsel vm4, $0x3F800000, v4;
	v2 =	vmul.f32 v22, v2;
	v22 =	vand.u32 $0xFF, v48;
	v39 =	vpop (erf)  }
0x2ca: {  	v16 =	vmul.f32 v16, v20;
	v22 =	vadd.s32 $0xFFFFFF81, v22;
	v38 =	vmul.f32 v1, v1;
	v43 =	vpop (erf)  }
0x2cb: {  	v49 =	vadd.f32 $-1.000000000e+00, v27;
	v22 =	vcvt.s32.f32 v22;
	v20 =	vmul.f32 v43, v41  }
0x2cc: {  	v27 =	vand.u32 $0xFF, v54;
	v40 =	vmul.f32 $1.111111120e-01, v38;
	v21 =	vmul.f32 v39, v37;
	v51 =	vpop (erf)  }
0x2cd: {  	v2 =	vadd.f32 $1.000000000e+00, v2;
	v47 =	vmul.f32 v20, v20;
	v24 =	vmul.f32 v51, v49  }
0x2ce: {  	v27 =	vadd.s32 $0xFFFFFF81, v27;
	v3 =	vadd.f32 v16, v3;
	v44 =	vmul.f32 v21, v21  }
0x2cf: {  	v42 =	vadd.f32 $1.428571490e-01, v40;
	v50 =	vmul.f32 $1.111111120e-01, v47;
	v53 =	vmul.f32 v24, v24  }
0x2d0: {  	v2 =	vmul.f32 v2, v19;
	v22 =	vadd.f32 v22, v52;
	v46 =	vmul.f32 $1.111111120e-01, v44  }
0x2d1: {  	v45 =	vmul.f32 v42, v38;
	v25 =	vadd.f32 $1.428571490e-01, v50;
	v55 =	vmul.f32 $1.111111120e-01, v53  }
0x2d2: {  	v27 =	vcvt.s32.f32 v27;
	v2 =	vadd.f32 v2, v18;
	v16 =	vadd.f32 $1.428571490e-01, v46  }
0x2d3: {  	v18 =	vadd.f32 $2.000000030e-01, v45;
	v25 =	vmul.f32 v25, v47;
	v23 =	vadd.f32 $1.428571490e-01, v55  }
0x2d4: {  	v1 =	vadd.f32 v1, v1;
	v19 =	vand.u32 $0xFF, v59;
	v16 =	vmul.f32 v16, v44  }
0x2d5: {  	v18 =	vmul.f32 v18, v38;
	v25 =	vadd.f32 $2.000000030e-01, v25;
	v23 =	vmul.f32 v23, v53  }
0x2d6: {  	v3 =	vmul.f32 v3, v8;
	v19 =	vadd.s32 $0xFFFFFF81, v19;
	v16 =	vadd.f32 $2.000000030e-01, v16  }
0x2d7: {  	v18 =	vadd.f32 $3.333333430e-01, v18;
	v25 =	vmul.f32 v25, v47;
	v8 =	vadd.f32 $2.000000030e-01, v23  }
0x2d8: {  	v57 =	vadd.f32 v27, v56;
	v19 =	vcvt.s32.f32 v19;
	v16 =	vmul.f32 v16, v44  }
0x2d9: {  	v18 =	vmul.f32 v18, v38;
	v25 =	vadd.f32 $3.333333430e-01, v25;
	v8 =	vmul.f32 v8, v53  }
0x2da: {  	v22 =	vmul.f32 $6.931471820e-01, v22;
	v19 =	vadd.f32 v19, v61;
	v16 =	vadd.f32 $3.333333430e-01, v16  }
0x2db: {  	v18 =	vadd.f32 $1.000000000e+00, v18;
	v58 =	vmul.f32 v25, v47;
	v8 =	vadd.f32 $3.333333430e-01, v8  }
0x2dc: {  	v21 =	vadd.f32 v21, v21;
	v20 =	vadd.f32 v20, v20;
	v16 =	vmul.f32 v16, v44  }
0x2dd: {  	v1 =	vmul.f32 v18, v1;
	v18 =	vadd.f32 $1.000000000e+00, v58;
	v8 =	vmul.f32 v8, v53  }
0x2de: {  	v17 =	vmul.f32 $6.931471820e-01, v57;
	v62 =	vadd.f32 v24, v24;
	v16 =	vadd.f32 $1.000000000e+00, v16  }
0x2df: {  	v1 =	vadd.f32 v1, v60;
	v18 =	vmul.f32 v18, v20;
	v8 =	vadd.f32 $1.000000000e+00, v8  }
0x2e0: {  	v3 =	vadd.f32 v3, v7;
	v7 =	vmul.f32 $6.931471820e-01, v19;
	v16 =	vmul.f32 v16, v21  }
0x2e1: {  	s24 =	sadd.s32 $0x1, s24;
	v1 =	vmul.f32 v1, v9;
	v9 =	vadd.f32 v18, v22;
	v8 =	vmul.f32 v8, v62  }
0x2e2: {  	p0 =	sne.s32 s24, $0x10;
	v6 =	vadd.f32 v14, v6;
	v2 =	vmul.f32 v2, v11;
	v63 =	vadd.f32 v16, v17  }
.Ltmp4:
0x2e3: {  	v1 =	vadd.f32 v1, v3;
	v3 =	vmul.f32 v9, v11;
	v7 =	vadd.f32 v8, v7;
	(pc) =	sbr.rel @p0 .LBB2_2-.Ltmp4, $4  }
0x2e4: {  	v2 =	vadd.f32 v2, v6;
	v6 =	vmul.f32 v63, v13;
	v8 =	vmul.f32 v12, v15  }
0x2e5: {  	v9 =	vadd.f32 v11, v10;
	v1 =	vadd.f32 v3, v1;
	v3 =	vmul.f32 v7, v13  }
0x2e6: {  	v2 =	vadd.f32 v6, v2;
	v8 =	vadd.f32 v8, v5  }
0x2e7: {  	s22 =	sadd.s32 $0x200, s22;
	s23 =	sadd.s32 $0x200, s23;
	v7 =	vadd.f32 v13, v9;
	v5 =	vadd.f32 v3, v1  }
0x2e8: {  	[tilespmem:$0x16100] =	vst v8  }
0x2e9: {  	[tilespmem:$0x16110] =	vst v2;
	s21 =	sadd.s32 $0x1, s21  }
0x2ea: {  	[tilespmem:$0x16120] =	vst v5;
	p0 =	sne.s32 s21, s8  }
.Ltmp5:
0x2eb: {  	[tilespmem:$0x16130] =	vst v7;
	(pc) =	sbr.rel @p0 .LBB2_1-.Ltmp5, $4  }
0x2ec: {  	[hbm4b:s7+s2] =	stream.linear.scatter [tilespmem:s20], [sflag:$0x5], $0x40, $0x38;
	[tilespmem:$0x16140] =	vst v63  }
0x2ed: {  	_ =	swait.ge [sflag:s9], $0x40  }
0x2ee: {  	[sflag:s9] =	ssyncset.done $0x0  }
0x2ef: {  	[sflag:s9] =	ssyncadd.s32 $0xFFFFFFC0  }
0x2f0: {  	_ =	sfence.sel $0x180000  }
0x2f1: {  	[bflag:$0x0] =	sbarrier.arrive $0xFFFF  }
0x2f2: {  	p0 =	sne.s32 s1, $0x0;
	_ =	strace $0x90000047  }
0x2f3: {  	s0 =	sadd.s32 @!p0 $0x100000, s0;
	[bflag:$0x2] =	sbarrier.arrive $0xFFFF  }
0x2f4: {  	[sflag:s0] =	ssyncadd.tile.s32 @!p0 $0x1;
	_ =	shalt  }
.Lfunc_end2:
_tile_overlayer_lowered:
.L_overlay_start_2:
0x2f5: {  	(tag) =	ssettag $0x2  }
0x2f6: {  	s0 =	rddreg [dreg:$0x0];
	s2 =	stileid.u32  }
0x2f7: {  	s1 =	rddreg [dreg:$0x1];
	p0 =	sne.s32 s2, $0x0  }
0x2f8: {  	s3 =	rddreg [dreg:$0x2];
	[bflag:$0x3] =	sbarrier.arrive $0xFFFF;
	s2 =	simm.s32 @!p0 $0x1C05  }
0x2f9: {  	[timem:s3], [sflag:s2] =	dma.local @!p0 [hbm:s0], s1  }
0x2fa: {  	s0 =	simm.s32 @!p0 $0x5  }
0x2fb: {  	_ =	swait.ge @!p0 [sflag:s0], s1  }
0x2fc: {  	s1 =	ssub.s32 @!p0 $0x0, s1;
	[sflag:s0] =	ssyncset.done @!p0 $0x0  }
0x2fd: {  	[sflag:s0] =	ssyncadd.s32 @!p0 s1  }
0x2fe: {  	[bflag:$0x3] =	sbarrier.arrive $0xFFFF  }
0x2ff: {  	_ =	shalt  }

</sc_bundles>
